<compile_context>
chip_gen: v7x
topology: tpu7x:2x2x1
jax: 0.10.2.dev20260603
libtpu: 0.0.44.dev20260713+nightly
codegen_flags: <defaults>
</compile_context>

<pallas_src>
import dataclasses
import functools

import jax
import jax.numpy as jnp
from jax import lax
from jax.experimental import pallas as pl
from jax.experimental.pallas import tpu as pltpu
from jax.experimental.pallas import tpu_sc as plsc

_ALPHA = 0.2
_L = 16
_EB = 80
_NC = 2
_NS = 16


def kernel(x, edge_index, W, a):
    N, D = x.shape
    F = W.shape[1]
    E = edge_index.shape[1]
    edge_index = edge_index.astype(jnp.int32)
    aT = jnp.transpose(a.reshape(2, F))

    RB = 1000
    assert N % RB == 0

    def prep_body(x_ref, w_ref, at_ref, h_ref, sp_ref):
        h = jnp.dot(x_ref[...], w_ref[...], preferred_element_type=jnp.float32)
        s = jnp.dot(h, at_ref[...], preferred_element_type=jnp.float32)
        u = jax.lax.bitcast_convert_type(s, jnp.uint32) + jnp.uint32(0x8000)
        sp = (u[:, 0:1] & jnp.uint32(0xFFFF0000)) | (u[:, 1:2] >> 16)
        sp_ref[...] = jax.lax.bitcast_convert_type(sp, jnp.int32)
        h_ref[...] = h

    h, spack = pl.pallas_call(
        prep_body,
        grid=(N // RB,),
        in_specs=[
            pl.BlockSpec((RB, D), lambda i: (i, 0)),
            pl.BlockSpec((D, F), lambda i: (0, 0)),
            pl.BlockSpec((F, 2), lambda i: (0, 0)),
        ],
        out_specs=[
            pl.BlockSpec((RB, F), lambda i: (i, 0)),
            pl.BlockSpec((RB, 1), lambda i: (i, 0)),
        ],
        out_shape=[
            jax.ShapeDtypeStruct((N, F), jnp.float32),
            jax.ShapeDtypeStruct((N, 1), jnp.int32),
        ],
    )(x, W, aT)
    spk = spack.reshape(N)

    src = edge_index[0]
    dst = edge_index[1]

    NBLK = E // _EB
    assert NBLK * _EB == E
    BPC = NBLK // _NC
    BPS = BPC // _NS
    assert BPS * _NS == BPC
    NPAD = ((N + _NS * 8 - 1) // (_NS * 8)) * (_NS * 8)
    RSROWS = ((N + F - 1) // F + 7) // 8 * 8
    NTOT = ((NPAD + RSROWS + _NS * 8 - 1) // (_NS * 8)) * (_NS * 8)
    RPS = NTOT // _NS

    mesh = plsc.VectorSubcoreMesh(
        core_axis_name="c", subcore_axis_name="s",
        num_cores=_NC, num_subcores=_NS)
    sc_params = pltpu.CompilerParams()
    if "needs_layout_passes" in pltpu.CompilerParams.__dataclass_fields__:
        sc_params = dataclasses.replace(sc_params, needs_layout_passes=False)

    @functools.partial(
        pl.kernel,
        compiler_params=sc_params,
        out_type=jax.ShapeDtypeStruct((_NC * NTOT, F), jnp.float32),
        mesh=mesh,
        scratch_types=[
            pltpu.VMEM_SHARED((NTOT, F), jnp.float32),
            pltpu.VMEM((N,), jnp.int32),
            pltpu.VMEM((RSROWS, F), jnp.float32),
            pltpu.VMEM((4, _EB), jnp.int32),
            pltpu.VMEM((4, _EB), jnp.int32),
            pltpu.VMEM((_EB,), jnp.float32),
            pltpu.VMEM((RSROWS,), jnp.int32),
            pltpu.VMEM((_EB, F), jnp.float32),
            pltpu.VMEM((_EB, F), jnp.float32),
            pltpu.SemaphoreType.DMA,
            pltpu.SemaphoreType.DMA,
            pltpu.SemaphoreType.DMA,
            pltpu.SemaphoreType.DMA,
            pltpu.SemaphoreType.DMA,
            pltpu.SemaphoreType.DMA,
            pltpu.SemaphoreType.DMA,
            pltpu.SemaphoreType.DMA,
        ],
    )
    def edge_kernel(h_hbm, sp_hbm, src_hbm, dst_hbm, out_hbm,
                    acc, spv, rsl, sidx, didx, wv, rsiv, rows0, rows1,
                    psem0, psem1, psem2, psem3, gsem0, gsem1, ssem0, ssem1):
        cid = lax.axis_index("c")
        sid = lax.axis_index("s")
        row0 = sid * RPS
        blk0 = (cid * _NS + sid) * BPS
        psems = (psem0, psem1, psem2, psem3)

        def fire_idx(k, slot):
            b = (blk0 + k) * _EB
            pltpu.async_copy(src_hbm.at[pl.ds(b, _EB)], sidx.at[slot],
                             psems[slot])
            pltpu.async_copy(dst_hbm.at[pl.ds(b, _EB)], didx.at[slot],
                             psems[slot])

        def wait_idx(slot):
            pltpu.make_async_copy(
                src_hbm.at[pl.ds(0, _EB)], sidx.at[slot], psems[slot]).wait()
            pltpu.make_async_copy(
                src_hbm.at[pl.ds(0, _EB)], didx.at[slot], psems[slot]).wait()

        def fire_gather(slot, rbuf, gsem):
            pltpu.async_copy(h_hbm.at[didx.at[slot]], rbuf, gsem)

        def wait_gather(rbuf, gsem):
            pltpu.make_async_copy(h_hbm.at[pl.ds(0, _EB)], rbuf, gsem).wait()

        fire_idx(0, 0)
        fire_idx(1, 1)
        fire_idx(2, 2)

        zero16 = jnp.zeros((_L,), jnp.float32)
        iota16 = lax.iota(jnp.int32, _L)

        @pl.loop(0, RSROWS)
        def _(r):
            for c in range(F // _L):
                rsl[r, pl.ds(c * _L, _L)] = zero16

        for g in range(RSROWS // _L):
            rsiv[pl.ds(g * _L, _L)] = iota16 + (NPAD + g * _L)

        @pl.loop(0, RPS, step=RSROWS)
        def _(r):
            pltpu.sync_copy(rsl, acc.at[pl.ds(row0 + r, RSROWS)])

        pltpu.sync_copy(sp_hbm, spv)

        wait_idx(0)
        fire_gather(0, rows0, gsem0)
        plsc.subcore_barrier()

        rows_slots = (rows0, rows1)
        gsems = (gsem0, gsem1)
        ssems = (ssem0, ssem1)

        def wait_scatter(slot):
            pltpu.make_async_copy(
                rows_slots[slot], acc.at[pl.ds(0, _EB)], ssems[slot]).wait()

        lane_masks = tuple(iota16 == l for l in range(_L))

        def compute_block(sv, dv, rbuf):
            @plsc.parallel_loop(0, _EB, _L, unroll=5)
            def _(g):
                src16 = sv[pl.ds(g, _L)]
                g1 = plsc.load_gather(spv, [src16])
                g2 = plsc.load_gather(spv, [dv[pl.ds(g, _L)]])
                s1r = plsc.bitcast(g1 & jnp.int32(-65536), jnp.float32)
                s2r = plsc.bitcast(lax.shift_left(g2, 16), jnp.float32)
                t = s1r + s2r
                w16 = jnp.exp(-jnp.maximum(t, _ALPHA * t))
                wv[pl.ds(g, _L)] = w16
                hi16 = lax.shift_right_logical(src16, 7)
                lo16 = src16 & (F - 1)
                for l in range(_L):
                    plsc.addupdate_scatter(rsl, [hi16, lo16], w16,
                                           mask=lane_masks[l])

            @plsc.parallel_loop(0, _EB, 1, unroll=8)
            def _(i):
                isp = jnp.full((_L,), i, jnp.int32)
                wspl = plsc.load_gather(wv, [isp])
                for j in range(F // _L):
                    sl = pl.ds(j * _L, _L)
                    rbuf[i, sl] = rbuf[i, sl] * wspl

        @pl.loop(0, BPS + 1, step=4)
        def _(k0):
            for s in range(4):
                k = k0 + s
                ri = (s + 1) & 1
                ii = (s + 1) & 3

                @pl.when(k + 1 < BPS)
                def _(k=k, ri=ri, ii=ii):
                    @pl.when(k >= 1)
                    def _():
                        wait_scatter(ri)

                    wait_idx(ii)
                    fire_gather(ii, rows_slots[ri], gsems[ri])

                    @pl.when(k + 3 < BPS)
                    def _(k=k, s=s):
                        fire_idx(k + 3, (s + 3) & 3)

                @pl.when(k < BPS)
                def _(k=k, s=s):
                    wait_gather(rows_slots[s & 1], gsems[s & 1])
                    compute_block(sidx.at[s & 3], didx.at[s & 3],
                                  rows_slots[s & 1])
                    pltpu.async_copy(rows_slots[s & 1], acc.at[sidx.at[s & 3]],
                                     ssems[s & 1], add=True)

        wait_scatter(1)
        wait_scatter(0)
        pltpu.sync_copy(rsl, acc.at[rsiv], add=True)
        plsc.subcore_barrier()
        pltpu.sync_copy(acc.at[pl.ds(row0, RPS)],
                        out_hbm.at[pl.ds(cid * NTOT + row0, RPS)])

    parts = edge_kernel(h, spk, src, dst)
    parts = parts.reshape(_NC, NTOT, F)

    rs_cols = jnp.transpose(
        parts[:, NPAD:NPAD + RSROWS, :].reshape(_NC, RSROWS * F)[:, :N])

    def fin_body(p_ref, rs_ref, o_ref):
        p = p_ref[0, :, :] + p_ref[1, :, :]
        rs = rs_ref[:, 0:1] + rs_ref[:, 1:2]
        z = p / (rs + 1e-16)
        o_ref[...] = jnp.where(z > 0, z, jnp.exp(z) - 1.0)

    out = pl.pallas_call(
        fin_body,
        grid=(N // RB,),
        in_specs=[
            pl.BlockSpec((_NC, RB, F), lambda i: (0, i, 0)),
            pl.BlockSpec((RB, 2), lambda i: (i, 0)),
        ],
        out_specs=pl.BlockSpec((RB, F), lambda i: (i, 0)),
        out_shape=jax.ShapeDtypeStruct((N, F), jnp.float32),
    )(parts, rs_cols)
    return out

# --- scband reference (transcript-rebuilt; emitter-appended) ---
"""Pipeline reference for scband-disen-tag-45535243272580 (READ-ONLY COPY).

The authoritative reference and input builder live on the scoring server;
editing this copy changes nothing except your own understanding.
"""

import jax, jax.numpy as jnp
import numpy as np

N_NODES = 10000
N_EDGES = 320000
D_IN = 128
D_OUT = 128
ALPHA = 0.2


def setup_inputs(seed: int = 0) -> dict:
    key = jax.random.key(seed)
    k1, k2, k3, k4 = jax.random.split(key, 4)
    x = jax.random.normal(k1, (N_NODES, D_IN), dtype=jnp.float32)
    edge_index = jax.random.randint(k2, (2, N_EDGES), 0, N_NODES, dtype=jnp.int64)
    # learned params (xavier-normal-ish scaling)
    W = jax.random.normal(k3, (D_IN, D_OUT), dtype=jnp.float32) * (1.414 * (2.0 / (D_IN + D_OUT)) ** 0.5)
    a = jax.random.normal(k4, (1, 2 * D_OUT), dtype=jnp.float32) * (1.414 * (2.0 / (1 + 2 * D_OUT)) ** 0.5)
    return {"x": x, "edge_index": edge_index, "W": W, "a": a}


def reference(x, edge_index, W, a):
    # Faithful JAX translation of GraphAttentionLayer.forward (sparse GAT head,
    # the core kernel executed per attention head inside DisenTag), eval mode
    # (dropout=0), concat=True.
    N = x.shape[0]
    src = edge_index[0]
    dst = edge_index[1]
    h = x @ W  # [N, F]
    # edge_h = cat(h[src], h[dst]).T ; edge_e = exp(-leakyrelu(a @ edge_h))
    edge_h = jnp.concatenate([jnp.take(h, src, axis=0), jnp.take(h, dst, axis=0)], axis=1)  # [E, 2F]
    logits = edge_h @ a[0]  # [E]
    leaky = jnp.where(logits > 0, logits, ALPHA * logits)
    edge_e = jnp.exp(-leaky)  # [E]
    # special_spmm(edge, edge_e, [N,N], ones) -> row sums (scatter-add by src)
    e_rowsum = jax.ops.segment_sum(edge_e, src, num_segments=N)  # [N]
    # special_spmm(edge, edge_e, [N,N], h) -> weighted neighbor aggregation
    h_prime = jax.ops.segment_sum(edge_e[:, None] * jnp.take(h, dst, axis=0), src, num_segments=N)  # [N, F]
    h_prime = h_prime / (e_rowsum[:, None] + 1e-16)
    return jax.nn.elu(h_prime)

if __name__ == "__main__":
    import jax
    _d = setup_inputs()
    print(jax.jit(kernel)(*tuple(_d.values())))

</pallas_src>

<mosaic_0001>
#map = affine_map<(d0, d1) -> (0, 0)>
#map1 = affine_map<(d0, d1) -> (0)>
module attributes {stable_mosaic.version = 14 : i64} {
  func.func @edge_kernel(%arg0: i32, %arg1: i32, %arg2: memref<10000x128xf32, #tpu.memory_space<hbm>>, %arg3: memref<10000xi32, #tpu.memory_space<hbm>>, %arg4: memref<320000xi32, #tpu.memory_space<hbm>>, %arg5: memref<320000xi32, #tpu.memory_space<hbm>>, %arg6: memref<20480x128xf32, #tpu.memory_space<hbm>>, %arg7: memref<10240x128xf32, #tpu.memory_space<vmem_shared>>, %arg8: memref<10000xi32, #tpu.memory_space<vmem>>, %arg9: memref<80x128xf32, #tpu.memory_space<vmem>>, %arg10: memref<4x80xi32, #tpu.memory_space<vmem>>, %arg11: memref<4x80xi32, #tpu.memory_space<vmem>>, %arg12: memref<80xf32, #tpu.memory_space<vmem>>, %arg13: memref<80xi32, #tpu.memory_space<vmem>>, %arg14: memref<80x128xf32, #tpu.memory_space<vmem>>, %arg15: memref<80x128xf32, #tpu.memory_space<vmem>>, %arg16: memref<!tpu.dma_semaphore, #tpu.memory_space<semaphore_mem>>, %arg17: memref<!tpu.dma_semaphore, #tpu.memory_space<semaphore_mem>>, %arg18: memref<!tpu.dma_semaphore, #tpu.memory_space<semaphore_mem>>, %arg19: memref<!tpu.dma_semaphore, #tpu.memory_space<semaphore_mem>>, %arg20: memref<!tpu.dma_semaphore, #tpu.memory_space<semaphore_mem>>, %arg21: memref<!tpu.dma_semaphore, #tpu.memory_space<semaphore_mem>>, %arg22: memref<!tpu.dma_semaphore, #tpu.memory_space<semaphore_mem>>, %arg23: memref<!tpu.dma_semaphore, #tpu.memory_space<semaphore_mem>>) attributes {dimension_semantics = [#tpu.dimension_semantics<core_parallel>, #tpu.dimension_semantics<subcore_parallel>], iteration_bounds = array<i64: 2, 16>, scalar_prefetch = 0 : i64, scratch_operands = 17 : i64, tpu.core_type = #tpu.core_type<sc_vector_subcore>, window_params = [{transform_indices = #map}, {transform_indices = #map1}, {transform_indices = #map1}, {transform_indices = #map1}, {transform_indices = #map}]} {
    %mul3A = arith.constant 640 : i32
    %mul3A_0 = arith.muli %arg1, %mul3A : i32
    %mul3A_1 = arith.constant 16 : i32
    %mul3A_2 = arith.muli %arg0, %mul3A_1 : i32
    %add3A = arith.addi %mul3A_2, %arg1 : i32
    %mul3A_3 = arith.constant 125 : i32
    %mul3A_4 = arith.muli %add3A, %mul3A_3 : i32
    %add3A_5 = arith.constant 0 : i32
    %add3A_6 = arith.addi %mul3A_4, %add3A_5 : i32
    %mul3A_7 = arith.constant 80 : i32
    %mul3A_8 = arith.muli %add3A_6, %mul3A_7 : i32
    %dma_start3A = arith.constant 0 : i32
    %dma_start3A_9 = arith.constant 0 : i32
    %dma_start3A_10 = tpu.memref_slice %arg10[%dma_start3A, %dma_start3A_9] : memref<4x80xi32, #tpu.memory_space<vmem>> -> memref<1x80xi32, #tpu.memory_space<vmem>>
    %dma_start3A_11 = tpu.memref_squeeze %dma_start3A_10 : memref<1x80xi32, #tpu.memory_space<vmem>> -> memref<80xi32, #tpu.memory_space<vmem>>
    %dma_start3A_12 = tpu.memref_slice %arg4[%mul3A_8] : memref<320000xi32, #tpu.memory_space<hbm>> -> memref<80xi32, #tpu.memory_space<hbm>>
    %dma_start3A_13 = arith.constant 0 : i32
    %dma_start3A_14 = tpu.memref_slice %arg10[%dma_start3A, %dma_start3A_13] : memref<4x80xi32, #tpu.memory_space<vmem>> -> memref<1x80xi32, #tpu.memory_space<vmem>>
    %dma_start3A_15 = tpu.memref_squeeze %dma_start3A_14 : memref<1x80xi32, #tpu.memory_space<vmem>> -> memref<80xi32, #tpu.memory_space<vmem>>
    %dma_start3A_16 = tpu.memref_slice %arg4[%mul3A_8] : memref<320000xi32, #tpu.memory_space<hbm>> -> memref<80xi32, #tpu.memory_space<hbm>>
    tpu.enqueue_dma source(%dma_start3A_16 : memref<80xi32, #tpu.memory_space<hbm>>) target(%dma_start3A_15 : memref<80xi32, #tpu.memory_space<vmem>>) target_semaphore(%arg16 : memref<!tpu.dma_semaphore, #tpu.memory_space<semaphore_mem>>)
    %dma_start3A_17 = arith.constant 0 : i32
    %dma_start3A_18 = arith.constant 0 : i32
    %dma_start3A_19 = tpu.memref_slice %arg11[%dma_start3A_17, %dma_start3A_18] : memref<4x80xi32, #tpu.memory_space<vmem>> -> memref<1x80xi32, #tpu.memory_space<vmem>>
    %dma_start3A_20 = tpu.memref_squeeze %dma_start3A_19 : memref<1x80xi32, #tpu.memory_space<vmem>> -> memref<80xi32, #tpu.memory_space<vmem>>
    %dma_start3A_21 = tpu.memref_slice %arg5[%mul3A_8] : memref<320000xi32, #tpu.memory_space<hbm>> -> memref<80xi32, #tpu.memory_space<hbm>>
    %dma_start3A_22 = arith.constant 0 : i32
    %dma_start3A_23 = tpu.memref_slice %arg11[%dma_start3A_17, %dma_start3A_22] : memref<4x80xi32, #tpu.memory_space<vmem>> -> memref<1x80xi32, #tpu.memory_space<vmem>>
    %dma_start3A_24 = tpu.memref_squeeze %dma_start3A_23 : memref<1x80xi32, #tpu.memory_space<vmem>> -> memref<80xi32, #tpu.memory_space<vmem>>
    %dma_start3A_25 = tpu.memref_slice %arg5[%mul3A_8] : memref<320000xi32, #tpu.memory_space<hbm>> -> memref<80xi32, #tpu.memory_space<hbm>>
    tpu.enqueue_dma source(%dma_start3A_25 : memref<80xi32, #tpu.memory_space<hbm>>) target(%dma_start3A_24 : memref<80xi32, #tpu.memory_space<vmem>>) target_semaphore(%arg16 : memref<!tpu.dma_semaphore, #tpu.memory_space<semaphore_mem>>)
    %add3A_26 = arith.constant 1 : i32
    %add3A_27 = arith.addi %mul3A_4, %add3A_26 : i32
    %mul3A_28 = arith.constant 80 : i32
    %mul3A_29 = arith.muli %add3A_27, %mul3A_28 : i32
    %dma_start3A_30 = arith.constant 1 : i32
    %dma_start3A_31 = arith.constant 0 : i32
    %dma_start3A_32 = tpu.memref_slice %arg10[%dma_start3A_30, %dma_start3A_31] : memref<4x80xi32, #tpu.memory_space<vmem>> -> memref<1x80xi32, #tpu.memory_space<vmem>>
    %dma_start3A_33 = tpu.memref_squeeze %dma_start3A_32 : memref<1x80xi32, #tpu.memory_space<vmem>> -> memref<80xi32, #tpu.memory_space<vmem>>
    %dma_start3A_34 = tpu.memref_slice %arg4[%mul3A_29] : memref<320000xi32, #tpu.memory_space<hbm>> -> memref<80xi32, #tpu.memory_space<hbm>>
    %dma_start3A_35 = arith.constant 0 : i32
    %dma_start3A_36 = tpu.memref_slice %arg10[%dma_start3A_30, %dma_start3A_35] : memref<4x80xi32, #tpu.memory_space<vmem>> -> memref<1x80xi32, #tpu.memory_space<vmem>>
    %dma_start3A_37 = tpu.memref_squeeze %dma_start3A_36 : memref<1x80xi32, #tpu.memory_space<vmem>> -> memref<80xi32, #tpu.memory_space<vmem>>
    %dma_start3A_38 = tpu.memref_slice %arg4[%mul3A_29] : memref<320000xi32, #tpu.memory_space<hbm>> -> memref<80xi32, #tpu.memory_space<hbm>>
    tpu.enqueue_dma source(%dma_start3A_38 : memref<80xi32, #tpu.memory_space<hbm>>) target(%dma_start3A_37 : memref<80xi32, #tpu.memory_space<vmem>>) target_semaphore(%arg17 : memref<!tpu.dma_semaphore, #tpu.memory_space<semaphore_mem>>)
    %dma_start3A_39 = arith.constant 1 : i32
    %dma_start3A_40 = arith.constant 0 : i32
    %dma_start3A_41 = tpu.memref_slice %arg11[%dma_start3A_39, %dma_start3A_40] : memref<4x80xi32, #tpu.memory_space<vmem>> -> memref<1x80xi32, #tpu.memory_space<vmem>>
    %dma_start3A_42 = tpu.memref_squeeze %dma_start3A_41 : memref<1x80xi32, #tpu.memory_space<vmem>> -> memref<80xi32, #tpu.memory_space<vmem>>
    %dma_start3A_43 = tpu.memref_slice %arg5[%mul3A_29] : memref<320000xi32, #tpu.memory_space<hbm>> -> memref<80xi32, #tpu.memory_space<hbm>>
    %dma_start3A_44 = arith.constant 0 : i32
    %dma_start3A_45 = tpu.memref_slice %arg11[%dma_start3A_39, %dma_start3A_44] : memref<4x80xi32, #tpu.memory_space<vmem>> -> memref<1x80xi32, #tpu.memory_space<vmem>>
    %dma_start3A_46 = tpu.memref_squeeze %dma_start3A_45 : memref<1x80xi32, #tpu.memory_space<vmem>> -> memref<80xi32, #tpu.memory_space<vmem>>
    %dma_start3A_47 = tpu.memref_slice %arg5[%mul3A_29] : memref<320000xi32, #tpu.memory_space<hbm>> -> memref<80xi32, #tpu.memory_space<hbm>>
    tpu.enqueue_dma source(%dma_start3A_47 : memref<80xi32, #tpu.memory_space<hbm>>) target(%dma_start3A_46 : memref<80xi32, #tpu.memory_space<vmem>>) target_semaphore(%arg17 : memref<!tpu.dma_semaphore, #tpu.memory_space<semaphore_mem>>)
    %add3A_48 = arith.constant 2 : i32
    %add3A_49 = arith.addi %mul3A_4, %add3A_48 : i32
    %mul3A_50 = arith.constant 80 : i32
    %mul3A_51 = arith.muli %add3A_49, %mul3A_50 : i32
    %dma_start3A_52 = arith.constant 2 : i32
    %dma_start3A_53 = arith.constant 0 : i32
    %dma_start3A_54 = tpu.memref_slice %arg10[%dma_start3A_52, %dma_start3A_53] : memref<4x80xi32, #tpu.memory_space<vmem>> -> memref<1x80xi32, #tpu.memory_space<vmem>>
    %dma_start3A_55 = tpu.memref_squeeze %dma_start3A_54 : memref<1x80xi32, #tpu.memory_space<vmem>> -> memref<80xi32, #tpu.memory_space<vmem>>
    %dma_start3A_56 = tpu.memref_slice %arg4[%mul3A_51] : memref<320000xi32, #tpu.memory_space<hbm>> -> memref<80xi32, #tpu.memory_space<hbm>>
    %dma_start3A_57 = arith.constant 0 : i32
    %dma_start3A_58 = tpu.memref_slice %arg10[%dma_start3A_52, %dma_start3A_57] : memref<4x80xi32, #tpu.memory_space<vmem>> -> memref<1x80xi32, #tpu.memory_space<vmem>>
    %dma_start3A_59 = tpu.memref_squeeze %dma_start3A_58 : memref<1x80xi32, #tpu.memory_space<vmem>> -> memref<80xi32, #tpu.memory_space<vmem>>
    %dma_start3A_60 = tpu.memref_slice %arg4[%mul3A_51] : memref<320000xi32, #tpu.memory_space<hbm>> -> memref<80xi32, #tpu.memory_space<hbm>>
    tpu.enqueue_dma source(%dma_start3A_60 : memref<80xi32, #tpu.memory_space<hbm>>) target(%dma_start3A_59 : memref<80xi32, #tpu.memory_space<vmem>>) target_semaphore(%arg18 : memref<!tpu.dma_semaphore, #tpu.memory_space<semaphore_mem>>)
    %dma_start3A_61 = arith.constant 2 : i32
    %dma_start3A_62 = arith.constant 0 : i32
    %dma_start3A_63 = tpu.memref_slice %arg11[%dma_start3A_61, %dma_start3A_62] : memref<4x80xi32, #tpu.memory_space<vmem>> -> memref<1x80xi32, #tpu.memory_space<vmem>>
    %dma_start3A_64 = tpu.memref_squeeze %dma_start3A_63 : memref<1x80xi32, #tpu.memory_space<vmem>> -> memref<80xi32, #tpu.memory_space<vmem>>
    %dma_start3A_65 = tpu.memref_slice %arg5[%mul3A_51] : memref<320000xi32, #tpu.memory_space<hbm>> -> memref<80xi32, #tpu.memory_space<hbm>>
    %dma_start3A_66 = arith.constant 0 : i32
    %dma_start3A_67 = tpu.memref_slice %arg11[%dma_start3A_61, %dma_start3A_66] : memref<4x80xi32, #tpu.memory_space<vmem>> -> memref<1x80xi32, #tpu.memory_space<vmem>>
    %dma_start3A_68 = tpu.memref_squeeze %dma_start3A_67 : memref<1x80xi32, #tpu.memory_space<vmem>> -> memref<80xi32, #tpu.memory_space<vmem>>
    %dma_start3A_69 = tpu.memref_slice %arg5[%mul3A_51] : memref<320000xi32, #tpu.memory_space<hbm>> -> memref<80xi32, #tpu.memory_space<hbm>>
    tpu.enqueue_dma source(%dma_start3A_69 : memref<80xi32, #tpu.memory_space<hbm>>) target(%dma_start3A_68 : memref<80xi32, #tpu.memory_space<vmem>>) target_semaphore(%arg18 : memref<!tpu.dma_semaphore, #tpu.memory_space<semaphore_mem>>)
    %broadcast_in_dim3A = arith.constant 0.000000e+00 : f32
    %broadcast_in_dim3A_70 = vector.broadcast %broadcast_in_dim3A : f32 to vector<16xf32>
    %iota3A = tpu.iota {dimensions = array<i32: 0>} : vector<16xi32>
    %scan3A = arith.constant 0 : i32
    %scan3A_71 = arith.constant 80 : i32
    %scan3A_72 = arith.addi %scan3A, %scan3A_71 : i32
    %scan3A_73 = arith.constant 1 : i32
    scf.for %scan3A_200 = %scan3A to %scan3A_72 step %scan3A_73  : i32 {
      %mul3A_201 = arith.constant 1 : i32
      %mul3A_202 = arith.muli %scan3A_200, %mul3A_201 : i32
      %add3A_203 = arith.constant 0 : i32
      %add3A_204 = arith.addi %add3A_203, %mul3A_202 : i32
      %swap3A_205 = arith.index_cast %add3A_204 : i32 to index
      %swap3A_206 = arith.constant 0 : index
      %swap3A_207 = tpu.vector_load %arg9[%swap3A_205, %swap3A_206] {strides = array<i32>} : memref<80x128xf32, #tpu.memory_space<vmem>>, vector<16xf32>,
      tpu.vector_store %arg9[%swap3A_205, %swap3A_206], %broadcast_in_dim3A_70 {strides = array<i32>} : memref<80x128xf32, #tpu.memory_space<vmem>>, vector<16xf32>,
      %swap3A_208 = arith.index_cast %add3A_204 : i32 to index
      %swap3A_209 = arith.constant 16 : index
      %swap3A_210 = tpu.vector_load %arg9[%swap3A_208, %swap3A_209] {strides = array<i32>} : memref<80x128xf32, #tpu.memory_space<vmem>>, vector<16xf32>,
      tpu.vector_store %arg9[%swap3A_208, %swap3A_209], %broadcast_in_dim3A_70 {strides = array<i32>} : memref<80x128xf32, #tpu.memory_space<vmem>>, vector<16xf32>,
      %swap3A_211 = arith.index_cast %add3A_204 : i32 to index
      %swap3A_212 = arith.constant 32 : index
      %swap3A_213 = tpu.vector_load %arg9[%swap3A_211, %swap3A_212] {strides = array<i32>} : memref<80x128xf32, #tpu.memory_space<vmem>>, vector<16xf32>,
      tpu.vector_store %arg9[%swap3A_211, %swap3A_212], %broadcast_in_dim3A_70 {strides = array<i32>} : memref<80x128xf32, #tpu.memory_space<vmem>>, vector<16xf32>,
      %swap3A_214 = arith.index_cast %add3A_204 : i32 to index
      %swap3A_215 = arith.constant 48 : index
      %swap3A_216 = tpu.vector_load %arg9[%swap3A_214, %swap3A_215] {strides = array<i32>} : memref<80x128xf32, #tpu.memory_space<vmem>>, vector<16xf32>,
      tpu.vector_store %arg9[%swap3A_214, %swap3A_215], %broadcast_in_dim3A_70 {strides = array<i32>} : memref<80x128xf32, #tpu.memory_space<vmem>>, vector<16xf32>,
      %swap3A_217 = arith.index_cast %add3A_204 : i32 to index
      %swap3A_218 = arith.constant 64 : index
      %swap3A_219 = tpu.vector_load %arg9[%swap3A_217, %swap3A_218] {strides = array<i32>} : memref<80x128xf32, #tpu.memory_space<vmem>>, vector<16xf32>,
      tpu.vector_store %arg9[%swap3A_217, %swap3A_218], %broadcast_in_dim3A_70 {strides = array<i32>} : memref<80x128xf32, #tpu.memory_space<vmem>>, vector<16xf32>,
      %swap3A_220 = arith.index_cast %add3A_204 : i32 to index
      %swap3A_221 = arith.constant 80 : index
      %swap3A_222 = tpu.vector_load %arg9[%swap3A_220, %swap3A_221] {strides = array<i32>} : memref<80x128xf32, #tpu.memory_space<vmem>>, vector<16xf32>,
      tpu.vector_store %arg9[%swap3A_220, %swap3A_221], %broadcast_in_dim3A_70 {strides = array<i32>} : memref<80x128xf32, #tpu.memory_space<vmem>>, vector<16xf32>,
      %swap3A_223 = arith.index_cast %add3A_204 : i32 to index
      %swap3A_224 = arith.constant 96 : index
      %swap3A_225 = tpu.vector_load %arg9[%swap3A_223, %swap3A_224] {strides = array<i32>} : memref<80x128xf32, #tpu.memory_space<vmem>>, vector<16xf32>,
      tpu.vector_store %arg9[%swap3A_223, %swap3A_224], %broadcast_in_dim3A_70 {strides = array<i32>} : memref<80x128xf32, #tpu.memory_space<vmem>>, vector<16xf32>,
      %swap3A_226 = arith.index_cast %add3A_204 : i32 to index
      %swap3A_227 = arith.constant 112 : index
      %swap3A_228 = tpu.vector_load %arg9[%swap3A_226, %swap3A_227] {strides = array<i32>} : memref<80x128xf32, #tpu.memory_space<vmem>>, vector<16xf32>,
      tpu.vector_store %arg9[%swap3A_226, %swap3A_227], %broadcast_in_dim3A_70 {strides = array<i32>} : memref<80x128xf32, #tpu.memory_space<vmem>>, vector<16xf32>,
    }
    %scan3A_74 = arith.constant 80 : i32
    %add3A_75 = arith.constant 10112 : i32
    %add3A_76 = vector.broadcast %add3A_75 : i32 to vector<16xi32>
    %add3A_77 = arith.addi %iota3A, %add3A_76 : vector<16xi32>
    %swap3A = arith.constant 0 : index
    %swap3A_78 = tpu.vector_load %arg13[%swap3A] {strides = array<i32>} : memref<80xi32, #tpu.memory_space<vmem>>, vector<16xi32>,
    tpu.vector_store %arg13[%swap3A], %add3A_77 {strides = array<i32>} : memref<80xi32, #tpu.memory_space<vmem>>, vector<16xi32>,
    %add3A_79 = arith.constant 10128 : i32
    %add3A_80 = vector.broadcast %add3A_79 : i32 to vector<16xi32>
    %add3A_81 = arith.addi %iota3A, %add3A_80 : vector<16xi32>
    %swap3A_82 = arith.constant 16 : index
    %swap3A_83 = tpu.vector_load %arg13[%swap3A_82] {strides = array<i32>} : memref<80xi32, #tpu.memory_space<vmem>>, vector<16xi32>,
    tpu.vector_store %arg13[%swap3A_82], %add3A_81 {strides = array<i32>} : memref<80xi32, #tpu.memory_space<vmem>>, vector<16xi32>,
    %add3A_84 = arith.constant 10144 : i32
    %add3A_85 = vector.broadcast %add3A_84 : i32 to vector<16xi32>
    %add3A_86 = arith.addi %iota3A, %add3A_85 : vector<16xi32>
    %swap3A_87 = arith.constant 32 : index
    %swap3A_88 = tpu.vector_load %arg13[%swap3A_87] {strides = array<i32>} : memref<80xi32, #tpu.memory_space<vmem>>, vector<16xi32>,
    tpu.vector_store %arg13[%swap3A_87], %add3A_86 {strides = array<i32>} : memref<80xi32, #tpu.memory_space<vmem>>, vector<16xi32>,
    %add3A_89 = arith.constant 10160 : i32
    %add3A_90 = vector.broadcast %add3A_89 : i32 to vector<16xi32>
    %add3A_91 = arith.addi %iota3A, %add3A_90 : vector<16xi32>
    %swap3A_92 = arith.constant 48 : index
    %swap3A_93 = tpu.vector_load %arg13[%swap3A_92] {strides = array<i32>} : memref<80xi32, #tpu.memory_space<vmem>>, vector<16xi32>,
    tpu.vector_store %arg13[%swap3A_92], %add3A_91 {strides = array<i32>} : memref<80xi32, #tpu.memory_space<vmem>>, vector<16xi32>,
    %add3A_94 = arith.constant 10176 : i32
    %add3A_95 = vector.broadcast %add3A_94 : i32 to vector<16xi32>
    %add3A_96 = arith.addi %iota3A, %add3A_95 : vector<16xi32>
    %swap3A_97 = arith.constant 64 : index
    %swap3A_98 = tpu.vector_load %arg13[%swap3A_97] {strides = array<i32>} : memref<80xi32, #tpu.memory_space<vmem>>, vector<16xi32>,
    tpu.vector_store %arg13[%swap3A_97], %add3A_96 {strides = array<i32>} : memref<80xi32, #tpu.memory_space<vmem>>, vector<16xi32>,
    %scan3A_99 = arith.constant 0 : i32
    %scan3A_100 = arith.constant 8 : i32
    %scan3A_101 = arith.addi %scan3A_99, %scan3A_100 : i32
    %scan3A_102 = arith.constant 1 : i32
    scf.for %scan3A_200 = %scan3A_99 to %scan3A_101 step %scan3A_102  : i32 {
      %mul3A_201 = arith.constant 80 : i32
      %mul3A_202 = arith.muli %scan3A_200, %mul3A_201 : i32
      %add3A_203 = arith.constant 0 : i32
      %add3A_204 = arith.addi %add3A_203, %mul3A_202 : i32
      %add3A_205 = arith.addi %mul3A_0, %add3A_204 : i32
      "tpu.region"() ({
        %run_scoped3A = tpu.sem_alloc : memref<!tpu.dma_semaphore, #tpu.memory_space<semaphore_mem>>
        %dma_start3A_206 = arith.constant 0 : i32
        %dma_start3A_207 = tpu.memref_slice %arg7[%add3A_205, %dma_start3A_206] : memref<10240x128xf32, #tpu.memory_space<vmem_shared>> -> memref<80x128xf32, #tpu.memory_space<vmem_shared>>
        %dma_start3A_208 = arith.constant 0 : i32
        %dma_start3A_209 = tpu.memref_slice %arg7[%add3A_205, %dma_start3A_208] : memref<10240x128xf32, #tpu.memory_space<vmem_shared>> -> memref<80x128xf32, #tpu.memory_space<vmem_shared>>
        tpu.enqueue_dma source(%arg9 : memref<80x128xf32, #tpu.memory_space<vmem>>) target(%dma_start3A_209 : memref<80x128xf32, #tpu.memory_space<vmem_shared>>) target_semaphore(%run_scoped3A : memref<!tpu.dma_semaphore, #tpu.memory_space<semaphore_mem>>)
        %dma_wait3A_210 = arith.constant 0 : i32
        %dma_wait3A_211 = tpu.memref_slice %arg7[%add3A_205, %dma_wait3A_210] : memref<10240x128xf32, #tpu.memory_space<vmem_shared>> -> memref<80x128xf32, #tpu.memory_space<vmem_shared>>
        %dma_wait3A_212 = arith.constant 0 : i32
        %dma_wait3A_213 = tpu.memref_slice %arg7[%add3A_205, %dma_wait3A_212] : memref<10240x128xf32, #tpu.memory_space<vmem_shared>> -> memref<80x128xf32, #tpu.memory_space<vmem_shared>>
        tpu.wait_dma2 semaphore(%run_scoped3A : memref<!tpu.dma_semaphore, #tpu.memory_space<semaphore_mem>>) src(%arg9 : memref<80x128xf32, #tpu.memory_space<vmem>>) dst(%dma_wait3A_213 : memref<80x128xf32, #tpu.memory_space<vmem_shared>>)
        tpu.yield
      }) : () -> ()
    }
    %scan3A_103 = arith.constant 8 : i32
    "tpu.region"() ({
      %run_scoped3A = tpu.sem_alloc : memref<!tpu.dma_semaphore, #tpu.memory_space<semaphore_mem>>
      tpu.enqueue_dma source(%arg3 : memref<10000xi32, #tpu.memory_space<hbm>>) target(%arg8 : memref<10000xi32, #tpu.memory_space<vmem>>) target_semaphore(%run_scoped3A : memref<!tpu.dma_semaphore, #tpu.memory_space<semaphore_mem>>)
      tpu.wait_dma2 semaphore(%run_scoped3A : memref<!tpu.dma_semaphore, #tpu.memory_space<semaphore_mem>>) src(%arg3 : memref<10000xi32, #tpu.memory_space<hbm>>) dst(%arg8 : memref<10000xi32, #tpu.memory_space<vmem>>)
      tpu.yield
    }) : () -> ()
    %dma_wait3A = arith.constant 0 : i32
    %dma_wait3A_104 = arith.constant 0 : i32
    %dma_wait3A_105 = tpu.memref_slice %arg10[%dma_wait3A, %dma_wait3A_104] : memref<4x80xi32, #tpu.memory_space<vmem>> -> memref<1x80xi32, #tpu.memory_space<vmem>>
    %dma_wait3A_106 = tpu.memref_squeeze %dma_wait3A_105 : memref<1x80xi32, #tpu.memory_space<vmem>> -> memref<80xi32, #tpu.memory_space<vmem>>
    %dma_wait3A_107 = arith.constant 0 : i32
    %dma_wait3A_108 = tpu.memref_slice %arg4[%dma_wait3A_107] : memref<320000xi32, #tpu.memory_space<hbm>> -> memref<80xi32, #tpu.memory_space<hbm>>
    %dma_wait3A_109 = arith.constant 0 : i32
    %dma_wait3A_110 = tpu.memref_slice %arg10[%dma_wait3A, %dma_wait3A_109] : memref<4x80xi32, #tpu.memory_space<vmem>> -> memref<1x80xi32, #tpu.memory_space<vmem>>
    %dma_wait3A_111 = tpu.memref_squeeze %dma_wait3A_110 : memref<1x80xi32, #tpu.memory_space<vmem>> -> memref<80xi32, #tpu.memory_space<vmem>>
    %dma_wait3A_112 = arith.constant 0 : i32
    %dma_wait3A_113 = tpu.memref_slice %arg4[%dma_wait3A_112] : memref<320000xi32, #tpu.memory_space<hbm>> -> memref<80xi32, #tpu.memory_space<hbm>>
    tpu.wait_dma2 semaphore(%arg16 : memref<!tpu.dma_semaphore, #tpu.memory_space<semaphore_mem>>) src(%dma_wait3A_113 : memref<80xi32, #tpu.memory_space<hbm>>) dst(%dma_wait3A_111 : memref<80xi32, #tpu.memory_space<vmem>>)
    %dma_wait3A_114 = arith.constant 0 : i32
    %dma_wait3A_115 = arith.constant 0 : i32
    %dma_wait3A_116 = tpu.memref_slice %arg11[%dma_wait3A_114, %dma_wait3A_115] : memref<4x80xi32, #tpu.memory_space<vmem>> -> memref<1x80xi32, #tpu.memory_space<vmem>>
    %dma_wait3A_117 = tpu.memref_squeeze %dma_wait3A_116 : memref<1x80xi32, #tpu.memory_space<vmem>> -> memref<80xi32, #tpu.memory_space<vmem>>
    %dma_wait3A_118 = arith.constant 0 : i32
    %dma_wait3A_119 = tpu.memref_slice %arg4[%dma_wait3A_118] : memref<320000xi32, #tpu.memory_space<hbm>> -> memref<80xi32, #tpu.memory_space<hbm>>
    %dma_wait3A_120 = arith.constant 0 : i32
    %dma_wait3A_121 = tpu.memref_slice %arg11[%dma_wait3A_114, %dma_wait3A_120] : memref<4x80xi32, #tpu.memory_space<vmem>> -> memref<1x80xi32, #tpu.memory_space<vmem>>
    %dma_wait3A_122 = tpu.memref_squeeze %dma_wait3A_121 : memref<1x80xi32, #tpu.memory_space<vmem>> -> memref<80xi32, #tpu.memory_space<vmem>>
    %dma_wait3A_123 = arith.constant 0 : i32
    %dma_wait3A_124 = tpu.memref_slice %arg4[%dma_wait3A_123] : memref<320000xi32, #tpu.memory_space<hbm>> -> memref<80xi32, #tpu.memory_space<hbm>>
    tpu.wait_dma2 semaphore(%arg16 : memref<!tpu.dma_semaphore, #tpu.memory_space<semaphore_mem>>) src(%dma_wait3A_124 : memref<80xi32, #tpu.memory_space<hbm>>) dst(%dma_wait3A_122 : memref<80xi32, #tpu.memory_space<vmem>>)
    %dma_start3A_125 = arith.constant 0 : i32
    %dma_start3A_126 = arith.constant 0 : i32
    %dma_start3A_127 = tpu.memref_slice %arg11[%dma_start3A_125, %dma_start3A_126] : memref<4x80xi32, #tpu.memory_space<vmem>> -> memref<1x80xi32, #tpu.memory_space<vmem>>
    %dma_start3A_128 = tpu.memref_squeeze %dma_start3A_127 : memref<1x80xi32, #tpu.memory_space<vmem>> -> memref<80xi32, #tpu.memory_space<vmem>>
    %dma_start3A_129 = arith.constant 0 : i32
    %dma_start3A_130 = arith.constant 0 : i32
    %dma_start3A_131 = tpu.memref_slice %arg2[%dma_start3A_129, %dma_start3A_130] : memref<10000x128xf32, #tpu.memory_space<hbm>> -> memref<10000x128xf32, #tpu.memory_space<hbm>>
    tpu.enqueue_indirect_dma source(%dma_start3A_131 : memref<10000x128xf32, #tpu.memory_space<hbm>>) target(%arg14 : memref<80x128xf32, #tpu.memory_space<vmem>>) offsets(%dma_start3A_128 : memref<80xi32, #tpu.memory_space<vmem>>) semaphore(%arg20 : memref<!tpu.dma_semaphore, #tpu.memory_space<semaphore_mem>>)
    %barrier3A = arith.constant 0 : index
    tpu.barrier barrier_id(%barrier3A)
    %eq3A = arith.constant 0 : i32
    %eq3A_132 = vector.broadcast %eq3A : i32 to vector<16xi32>
    %eq3A_133 = arith.cmpi eq, %iota3A, %eq3A_132 : vector<16xi32>
    %eq3A_134 = arith.constant 1 : i32
    %eq3A_135 = vector.broadcast %eq3A_134 : i32 to vector<16xi32>
    %eq3A_136 = arith.cmpi eq, %iota3A, %eq3A_135 : vector<16xi32>
    %eq3A_137 = arith.constant 2 : i32
    %eq3A_138 = vector.broadcast %eq3A_137 : i32 to vector<16xi32>
    %eq3A_139 = arith.cmpi eq, %iota3A, %eq3A_138 : vector<16xi32>
    %eq3A_140 = arith.constant 3 : i32
    %eq3A_141 = vector.broadcast %eq3A_140 : i32 to vector<16xi32>
    %eq3A_142 = arith.cmpi eq, %iota3A, %eq3A_141 : vector<16xi32>
    %eq3A_143 = arith.constant 4 : i32
    %eq3A_144 = vector.broadcast %eq3A_143 : i32 to vector<16xi32>
    %eq3A_145 = arith.cmpi eq, %iota3A, %eq3A_144 : vector<16xi32>
    %eq3A_146 = arith.constant 5 : i32
    %eq3A_147 = vector.broadcast %eq3A_146 : i32 to vector<16xi32>
    %eq3A_148 = arith.cmpi eq, %iota3A, %eq3A_147 : vector<16xi32>
    %eq3A_149 = arith.constant 6 : i32
    %eq3A_150 = vector.broadcast %eq3A_149 : i32 to vector<16xi32>
    %eq3A_151 = arith.cmpi eq, %iota3A, %eq3A_150 : vector<16xi32>
    %eq3A_152 = arith.constant 7 : i32
    %eq3A_153 = vector.broadcast %eq3A_152 : i32 to vector<16xi32>
    %eq3A_154 = arith.cmpi eq, %iota3A, %eq3A_153 : vector<16xi32>
    %eq3A_155 = arith.constant 8 : i32
    %eq3A_156 = vector.broadcast %eq3A_155 : i32 to vector<16xi32>
    %eq3A_157 = arith.cmpi eq, %iota3A, %eq3A_156 : vector<16xi32>
    %eq3A_158 = arith.constant 9 : i32
    %eq3A_159 = vector.broadcast %eq3A_158 : i32 to vector<16xi32>
    %eq3A_160 = arith.cmpi eq, %iota3A, %eq3A_159 : vector<16xi32>
    %eq3A_161 = arith.constant 10 : i32
    %eq3A_162 = vector.broadcast %eq3A_161 : i32 to vector<16xi32>
    %eq3A_163 = arith.cmpi eq, %iota3A, %eq3A_162 : vector<16xi32>
    %eq3A_164 = arith.constant 11 : i32
    %eq3A_165 = vector.broadcast %eq3A_164 : i32 to vector<16xi32>
    %eq3A_166 = arith.cmpi eq, %iota3A, %eq3A_165 : vector<16xi32>
    %eq3A_167 = arith.constant 12 : i32
    %eq3A_168 = vector.broadcast %eq3A_167 : i32 to vector<16xi32>
    %eq3A_169 = arith.cmpi eq, %iota3A, %eq3A_168 : vector<16xi32>
    %eq3A_170 = arith.constant 13 : i32
    %eq3A_171 = vector.broadcast %eq3A_170 : i32 to vector<16xi32>
    %eq3A_172 = arith.cmpi eq, %iota3A, %eq3A_171 : vector<16xi32>
    %eq3A_173 = arith.constant 14 : i32
    %eq3A_174 = vector.broadcast %eq3A_173 : i32 to vector<16xi32>
    %eq3A_175 = arith.cmpi eq, %iota3A, %eq3A_174 : vector<16xi32>
    %eq3A_176 = arith.constant 15 : i32
    %eq3A_177 = vector.broadcast %eq3A_176 : i32 to vector<16xi32>
    %eq3A_178 = arith.cmpi eq, %iota3A, %eq3A_177 : vector<16xi32>
    %scan3A_179 = arith.constant 0 : i32
    %scan3A_180 = arith.constant 32 : i32
    %scan3A_181 = arith.addi %scan3A_179, %scan3A_180 : i32
    %scan3A_182 = arith.constant 1 : i32
    scf.for %scan3A_200 = %scan3A_179 to %scan3A_181 step %scan3A_182  : i32 {
      %mul3A_201 = arith.constant 4 : i32
      %mul3A_202 = arith.muli %scan3A_200, %mul3A_201 : i32
      %add3A_203 = arith.constant 0 : i32
      %add3A_204 = arith.addi %add3A_203, %mul3A_202 : i32
      %add3A_205 = arith.constant 0 : i32
      %add3A_206 = arith.addi %add3A_204, %add3A_205 : i32
      %add3A_207 = arith.constant 1 : i32
      %add3A_208 = arith.addi %add3A_206, %add3A_207 : i32
      %lt3A = arith.constant 125 : i32
      %lt3A_209 = arith.cmpi slt, %add3A_208, %lt3A : i32
      %convert_element_type3A = arith.extui %lt3A_209 : i1 to i32
      %cond3A = arith.constant 0 : i32
      %cond3A_210 = arith.cmpi ne, %convert_element_type3A, %cond3A : i32
      scf.if %cond3A_210 {
        %ge3A = arith.constant 1 : i32
        %ge3A_258 = arith.cmpi sge, %add3A_206, %ge3A : i32
        %convert_element_type3A_259 = arith.extui %ge3A_258 : i1 to i32
        %cond3A_260 = arith.constant 0 : i32
        %cond3A_261 = arith.cmpi ne, %convert_element_type3A_259, %cond3A_260 : i32
        scf.if %cond3A_261 {
          %dma_wait3A_298 = arith.constant 0 : i32
          %dma_wait3A_299 = arith.constant 0 : i32
          %dma_wait3A_300 = tpu.memref_slice %arg7[%dma_wait3A_298, %dma_wait3A_299] : memref<10240x128xf32, #tpu.memory_space<vmem_shared>> -> memref<80x128xf32, #tpu.memory_space<vmem_shared>>
          %dma_wait3A_301 = arith.constant 0 : i32
          %dma_wait3A_302 = arith.constant 0 : i32
          %dma_wait3A_303 = tpu.memref_slice %arg7[%dma_wait3A_301, %dma_wait3A_302] : memref<10240x128xf32, #tpu.memory_space<vmem_shared>> -> memref<80x128xf32, #tpu.memory_space<vmem_shared>>
          tpu.wait_dma2 semaphore(%arg23 : memref<!tpu.dma_semaphore, #tpu.memory_space<semaphore_mem>>) src(%arg15 : memref<80x128xf32, #tpu.memory_space<vmem>>) dst(%dma_wait3A_303 : memref<80x128xf32, #tpu.memory_space<vmem_shared>>)
        } else {
        }
        %dma_wait3A_262 = arith.constant 1 : i32
        %dma_wait3A_263 = arith.constant 0 : i32
        %dma_wait3A_264 = tpu.memref_slice %arg10[%dma_wait3A_262, %dma_wait3A_263] : memref<4x80xi32, #tpu.memory_space<vmem>> -> memref<1x80xi32, #tpu.memory_space<vmem>>
        %dma_wait3A_265 = tpu.memref_squeeze %dma_wait3A_264 : memref<1x80xi32, #tpu.memory_space<vmem>> -> memref<80xi32, #tpu.memory_space<vmem>>
        %dma_wait3A_266 = arith.constant 0 : i32
        %dma_wait3A_267 = tpu.memref_slice %arg4[%dma_wait3A_266] : memref<320000xi32, #tpu.memory_space<hbm>> -> memref<80xi32, #tpu.memory_space<hbm>>
        %dma_wait3A_268 = arith.constant 0 : i32
        %dma_wait3A_269 = tpu.memref_slice %arg10[%dma_wait3A_262, %dma_wait3A_268] : memref<4x80xi32, #tpu.memory_space<vmem>> -> memref<1x80xi32, #tpu.memory_space<vmem>>
        %dma_wait3A_270 = tpu.memref_squeeze %dma_wait3A_269 : memref<1x80xi32, #tpu.memory_space<vmem>> -> memref<80xi32, #tpu.memory_space<vmem>>
        %dma_wait3A_271 = arith.constant 0 : i32
        %dma_wait3A_272 = tpu.memref_slice %arg4[%dma_wait3A_271] : memref<320000xi32, #tpu.memory_space<hbm>> -> memref<80xi32, #tpu.memory_space<hbm>>
        tpu.wait_dma2 semaphore(%arg17 : memref<!tpu.dma_semaphore, #tpu.memory_space<semaphore_mem>>) src(%dma_wait3A_272 : memref<80xi32, #tpu.memory_space<hbm>>) dst(%dma_wait3A_270 : memref<80xi32, #tpu.memory_space<vmem>>)
        %dma_wait3A_273 = arith.constant 1 : i32
        %dma_wait3A_274 = arith.constant 0 : i32
        %dma_wait3A_275 = tpu.memref_slice %arg11[%dma_wait3A_273, %dma_wait3A_274] : memref<4x80xi32, #tpu.memory_space<vmem>> -> memref<1x80xi32, #tpu.memory_space<vmem>>
        %dma_wait3A_276 = tpu.memref_squeeze %dma_wait3A_275 : memref<1x80xi32, #tpu.memory_space<vmem>> -> memref<80xi32, #tpu.memory_space<vmem>>
        %dma_wait3A_277 = arith.constant 0 : i32
        %dma_wait3A_278 = tpu.memref_slice %arg4[%dma_wait3A_277] : memref<320000xi32, #tpu.memory_space<hbm>> -> memref<80xi32, #tpu.memory_space<hbm>>
        %dma_wait3A_279 = arith.constant 0 : i32
        %dma_wait3A_280 = tpu.memref_slice %arg11[%dma_wait3A_273, %dma_wait3A_279] : memref<4x80xi32, #tpu.memory_space<vmem>> -> memref<1x80xi32, #tpu.memory_space<vmem>>
        %dma_wait3A_281 = tpu.memref_squeeze %dma_wait3A_280 : memref<1x80xi32, #tpu.memory_space<vmem>> -> memref<80xi32, #tpu.memory_space<vmem>>
        %dma_wait3A_282 = arith.constant 0 : i32
        %dma_wait3A_283 = tpu.memref_slice %arg4[%dma_wait3A_282] : memref<320000xi32, #tpu.memory_space<hbm>> -> memref<80xi32, #tpu.memory_space<hbm>>
        tpu.wait_dma2 semaphore(%arg17 : memref<!tpu.dma_semaphore, #tpu.memory_space<semaphore_mem>>) src(%dma_wait3A_283 : memref<80xi32, #tpu.memory_space<hbm>>) dst(%dma_wait3A_281 : memref<80xi32, #tpu.memory_space<vmem>>)
        %dma_start3A_284 = arith.constant 1 : i32
        %dma_start3A_285 = arith.constant 0 : i32
        %dma_start3A_286 = tpu.memref_slice %arg11[%dma_start3A_284, %dma_start3A_285] : memref<4x80xi32, #tpu.memory_space<vmem>> -> memref<1x80xi32, #tpu.memory_space<vmem>>
        %dma_start3A_287 = tpu.memref_squeeze %dma_start3A_286 : memref<1x80xi32, #tpu.memory_space<vmem>> -> memref<80xi32, #tpu.memory_space<vmem>>
        %dma_start3A_288 = arith.constant 0 : i32
        %dma_start3A_289 = arith.constant 0 : i32
        %dma_start3A_290 = tpu.memref_slice %arg2[%dma_start3A_288, %dma_start3A_289] : memref<10000x128xf32, #tpu.memory_space<hbm>> -> memref<10000x128xf32, #tpu.memory_space<hbm>>
        tpu.enqueue_indirect_dma source(%dma_start3A_290 : memref<10000x128xf32, #tpu.memory_space<hbm>>) target(%arg15 : memref<80x128xf32, #tpu.memory_space<vmem>>) offsets(%dma_start3A_287 : memref<80xi32, #tpu.memory_space<vmem>>) semaphore(%arg21 : memref<!tpu.dma_semaphore, #tpu.memory_space<semaphore_mem>>)
        %add3A_291 = arith.constant 3 : i32
        %add3A_292 = arith.addi %add3A_206, %add3A_291 : i32
        %lt3A_293 = arith.constant 125 : i32
        %lt3A_294 = arith.cmpi slt, %add3A_292, %lt3A_293 : i32
        %convert_element_type3A_295 = arith.extui %lt3A_294 : i1 to i32
        %cond3A_296 = arith.constant 0 : i32
        %cond3A_297 = arith.cmpi ne, %convert_element_type3A_295, %cond3A_296 : i32
        scf.if %cond3A_297 {
          %add3A_298 = arith.constant 3 : i32
          %add3A_299 = arith.addi %add3A_206, %add3A_298 : i32
          %add3A_300 = arith.addi %mul3A_4, %add3A_299 : i32
          %mul3A_301 = arith.constant 80 : i32
          %mul3A_302 = arith.muli %add3A_300, %mul3A_301 : i32
          %dma_start3A_303 = arith.constant 3 : i32
          %dma_start3A_304 = arith.constant 0 : i32
          %dma_start3A_305 = tpu.memref_slice %arg10[%dma_start3A_303, %dma_start3A_304] : memref<4x80xi32, #tpu.memory_space<vmem>> -> memref<1x80xi32, #tpu.memory_space<vmem>>
          %dma_start3A_306 = tpu.memref_squeeze %dma_start3A_305 : memref<1x80xi32, #tpu.memory_space<vmem>> -> memref<80xi32, #tpu.memory_space<vmem>>
          %dma_start3A_307 = tpu.memref_slice %arg4[%mul3A_302] : memref<320000xi32, #tpu.memory_space<hbm>> -> memref<80xi32, #tpu.memory_space<hbm>>
          %dma_start3A_308 = arith.constant 0 : i32
          %dma_start3A_309 = tpu.memref_slice %arg10[%dma_start3A_303, %dma_start3A_308] : memref<4x80xi32, #tpu.memory_space<vmem>> -> memref<1x80xi32, #tpu.memory_space<vmem>>
          %dma_start3A_310 = tpu.memref_squeeze %dma_start3A_309 : memref<1x80xi32, #tpu.memory_space<vmem>> -> memref<80xi32, #tpu.memory_space<vmem>>
          %dma_start3A_311 = tpu.memref_slice %arg4[%mul3A_302] : memref<320000xi32, #tpu.memory_space<hbm>> -> memref<80xi32, #tpu.memory_space<hbm>>
          tpu.enqueue_dma source(%dma_start3A_311 : memref<80xi32, #tpu.memory_space<hbm>>) target(%dma_start3A_310 : memref<80xi32, #tpu.memory_space<vmem>>) target_semaphore(%arg19 : memref<!tpu.dma_semaphore, #tpu.memory_space<semaphore_mem>>)
          %dma_start3A_312 = arith.constant 3 : i32
          %dma_start3A_313 = arith.constant 0 : i32
          %dma_start3A_314 = tpu.memref_slice %arg11[%dma_start3A_312, %dma_start3A_313] : memref<4x80xi32, #tpu.memory_space<vmem>> -> memref<1x80xi32, #tpu.memory_space<vmem>>
          %dma_start3A_315 = tpu.memref_squeeze %dma_start3A_314 : memref<1x80xi32, #tpu.memory_space<vmem>> -> memref<80xi32, #tpu.memory_space<vmem>>
          %dma_start3A_316 = tpu.memref_slice %arg5[%mul3A_302] : memref<320000xi32, #tpu.memory_space<hbm>> -> memref<80xi32, #tpu.memory_space<hbm>>
          %dma_start3A_317 = arith.constant 0 : i32
          %dma_start3A_318 = tpu.memref_slice %arg11[%dma_start3A_312, %dma_start3A_317] : memref<4x80xi32, #tpu.memory_space<vmem>> -> memref<1x80xi32, #tpu.memory_space<vmem>>
          %dma_start3A_319 = tpu.memref_squeeze %dma_start3A_318 : memref<1x80xi32, #tpu.memory_space<vmem>> -> memref<80xi32, #tpu.memory_space<vmem>>
          %dma_start3A_320 = tpu.memref_slice %arg5[%mul3A_302] : memref<320000xi32, #tpu.memory_space<hbm>> -> memref<80xi32, #tpu.memory_space<hbm>>
          tpu.enqueue_dma source(%dma_start3A_320 : memref<80xi32, #tpu.memory_space<hbm>>) target(%dma_start3A_319 : memref<80xi32, #tpu.memory_space<vmem>>) target_semaphore(%arg19 : memref<!tpu.dma_semaphore, #tpu.memory_space<semaphore_mem>>)
        } else {
        }
      } else {
      }
      %lt3A_211 = arith.constant 125 : i32
      %lt3A_212 = arith.cmpi slt, %add3A_206, %lt3A_211 : i32
      %convert_element_type3A_213 = arith.extui %lt3A_212 : i1 to i32
      %cond3A_214 = arith.constant 0 : i32
      %cond3A_215 = arith.cmpi ne, %convert_element_type3A_213, %cond3A_214 : i32
      scf.if %cond3A_215 {
        %dma_wait3A_258 = arith.constant 0 : i32
        %dma_wait3A_259 = arith.constant 0 : i32
        %dma_wait3A_260 = tpu.memref_slice %arg2[%dma_wait3A_258, %dma_wait3A_259] : memref<10000x128xf32, #tpu.memory_space<hbm>> -> memref<80x128xf32, #tpu.memory_space<hbm>>
        %dma_wait3A_261 = arith.constant 0 : i32
        %dma_wait3A_262 = arith.constant 0 : i32
        %dma_wait3A_263 = tpu.memref_slice %arg2[%dma_wait3A_261, %dma_wait3A_262] : memref<10000x128xf32, #tpu.memory_space<hbm>> -> memref<80x128xf32, #tpu.memory_space<hbm>>
        tpu.wait_dma2 semaphore(%arg20 : memref<!tpu.dma_semaphore, #tpu.memory_space<semaphore_mem>>) src(%dma_wait3A_263 : memref<80x128xf32, #tpu.memory_space<hbm>>) dst(%arg14 : memref<80x128xf32, #tpu.memory_space<vmem>>)
        %parallel_loop3A = arith.constant 0 : i32
        %parallel_loop3A_264 = arith.constant 80 : i32
        %parallel_loop3A_265 = arith.constant 16 : i32
        %parallel_loop3A_266 = arith.constant 0 : i32
        %parallel_loop3A_267 = arith.constant 0 : i32
        scf.for %parallel_loop3A_278 = %parallel_loop3A to %parallel_loop3A_264 step %parallel_loop3A_265  : i32 {
          %parallel_loop3A_279 = arith.constant 0 : i32
          %parallel_loop3A_280 = tpu.memref_slice %arg10[%parallel_loop3A_266, %parallel_loop3A_279] : memref<4x80xi32, #tpu.memory_space<vmem>> -> memref<1x80xi32, #tpu.memory_space<vmem>>
          %parallel_loop3A_281 = tpu.memref_squeeze %parallel_loop3A_280 : memref<1x80xi32, #tpu.memory_space<vmem>> -> memref<80xi32, #tpu.memory_space<vmem>>
          %parallel_loop3A_282 = arith.index_cast %parallel_loop3A_278 : i32 to index
          %parallel_loop3A_283 = tpu.vector_load %parallel_loop3A_281[%parallel_loop3A_282] {strides = array<i32>} : memref<80xi32, #tpu.memory_space<vmem>>, vector<16xi32>,
          %parallel_loop3A_284 = tpu.vector_load_idx %arg8[%parallel_loop3A_283] : memref<10000xi32, #tpu.memory_space<vmem>>[vector<16xi32>], vector<16xi32>,
          %parallel_loop3A_285 = arith.constant 0 : i32
          %parallel_loop3A_286 = tpu.memref_slice %arg11[%parallel_loop3A_267, %parallel_loop3A_285] : memref<4x80xi32, #tpu.memory_space<vmem>> -> memref<1x80xi32, #tpu.memory_space<vmem>>
          %parallel_loop3A_287 = tpu.memref_squeeze %parallel_loop3A_286 : memref<1x80xi32, #tpu.memory_space<vmem>> -> memref<80xi32, #tpu.memory_space<vmem>>
          %parallel_loop3A_288 = arith.index_cast %parallel_loop3A_278 : i32 to index
          %parallel_loop3A_289 = tpu.vector_load %parallel_loop3A_287[%parallel_loop3A_288] {strides = array<i32>} : memref<80xi32, #tpu.memory_space<vmem>>, vector<16xi32>,
          %parallel_loop3A_290 = tpu.vector_load_idx %arg8[%parallel_loop3A_289] : memref<10000xi32, #tpu.memory_space<vmem>>[vector<16xi32>], vector<16xi32>,
          %parallel_loop3A_291 = arith.constant -65536 : i32
          %parallel_loop3A_292 = vector.broadcast %parallel_loop3A_291 : i32 to vector<16xi32>
          %parallel_loop3A_293 = arith.andi %parallel_loop3A_284, %parallel_loop3A_292 : vector<16xi32>
          %parallel_loop3A_294 = vector.bitcast %parallel_loop3A_293 : vector<16xi32> to vector<16xf32>
          %parallel_loop3A_295 = arith.constant 16 : i32
          %parallel_loop3A_296 = vector.broadcast %parallel_loop3A_295 : i32 to vector<16xi32>
          %parallel_loop3A_297 = arith.shli %parallel_loop3A_290, %parallel_loop3A_296 : vector<16xi32>
          %parallel_loop3A_298 = vector.bitcast %parallel_loop3A_297 : vector<16xi32> to vector<16xf32>
          %parallel_loop3A_299 = arith.addf %parallel_loop3A_294, %parallel_loop3A_298 : vector<16xf32>
          %parallel_loop3A_300 = arith.constant 2.000000e-01 : f32
          %parallel_loop3A_301 = vector.broadcast %parallel_loop3A_300 : f32 to vector<16xf32>
          %parallel_loop3A_302 = arith.mulf %parallel_loop3A_301, %parallel_loop3A_299 : vector<16xf32>
          %parallel_loop3A_303 = arith.maximumf %parallel_loop3A_299, %parallel_loop3A_302 : vector<16xf32>
          %parallel_loop3A_304 = arith.constant 0.000000e+00 : f32
          %parallel_loop3A_305 = vector.broadcast %parallel_loop3A_304 : f32 to vector<16xf32>
          %parallel_loop3A_306 = arith.subf %parallel_loop3A_305, %parallel_loop3A_303 : vector<16xf32>
          %parallel_loop3A_307 = math.exp %parallel_loop3A_306 : vector<16xf32>
          %parallel_loop3A_308 = arith.index_cast %parallel_loop3A_278 : i32 to index
          %parallel_loop3A_309 = tpu.vector_load %arg12[%parallel_loop3A_308] {strides = array<i32>} : memref<80xf32, #tpu.memory_space<vmem>>, vector<16xf32>,
          tpu.vector_store %arg12[%parallel_loop3A_308], %parallel_loop3A_307 {strides = array<i32>} : memref<80xf32, #tpu.memory_space<vmem>>, vector<16xf32>,
          %parallel_loop3A_310 = arith.constant 7 : i32
          %parallel_loop3A_311 = vector.broadcast %parallel_loop3A_310 : i32 to vector<16xi32>
          %parallel_loop3A_312 = arith.shrui %parallel_loop3A_283, %parallel_loop3A_311 : vector<16xi32>
          %parallel_loop3A_313 = arith.constant 127 : i32
          %parallel_loop3A_314 = vector.broadcast %parallel_loop3A_313 : i32 to vector<16xi32>
          %parallel_loop3A_315 = arith.andi %parallel_loop3A_283, %parallel_loop3A_314 : vector<16xi32>
          tpu.vector_store_idx %arg9[%parallel_loop3A_312, %parallel_loop3A_315], %parallel_loop3A_307 masked %eq3A_133 {add = true} : memref<80x128xf32, #tpu.memory_space<vmem>>[vector<16xi32>, vector<16xi32>], vector<16xf32>, vector<16xi1>
          tpu.vector_store_idx %arg9[%parallel_loop3A_312, %parallel_loop3A_315], %parallel_loop3A_307 masked %eq3A_136 {add = true} : memref<80x128xf32, #tpu.memory_space<vmem>>[vector<16xi32>, vector<16xi32>], vector<16xf32>, vector<16xi1>
          tpu.vector_store_idx %arg9[%parallel_loop3A_312, %parallel_loop3A_315], %parallel_loop3A_307 masked %eq3A_139 {add = true} : memref<80x128xf32, #tpu.memory_space<vmem>>[vector<16xi32>, vector<16xi32>], vector<16xf32>, vector<16xi1>
          tpu.vector_store_idx %arg9[%parallel_loop3A_312, %parallel_loop3A_315], %parallel_loop3A_307 masked %eq3A_142 {add = true} : memref<80x128xf32, #tpu.memory_space<vmem>>[vector<16xi32>, vector<16xi32>], vector<16xf32>, vector<16xi1>
          tpu.vector_store_idx %arg9[%parallel_loop3A_312, %parallel_loop3A_315], %parallel_loop3A_307 masked %eq3A_145 {add = true} : memref<80x128xf32, #tpu.memory_space<vmem>>[vector<16xi32>, vector<16xi32>], vector<16xf32>, vector<16xi1>
          tpu.vector_store_idx %arg9[%parallel_loop3A_312, %parallel_loop3A_315], %parallel_loop3A_307 masked %eq3A_148 {add = true} : memref<80x128xf32, #tpu.memory_space<vmem>>[vector<16xi32>, vector<16xi32>], vector<16xf32>, vector<16xi1>
          tpu.vector_store_idx %arg9[%parallel_loop3A_312, %parallel_loop3A_315], %parallel_loop3A_307 masked %eq3A_151 {add = true} : memref<80x128xf32, #tpu.memory_space<vmem>>[vector<16xi32>, vector<16xi32>], vector<16xf32>, vector<16xi1>
          tpu.vector_store_idx %arg9[%parallel_loop3A_312, %parallel_loop3A_315], %parallel_loop3A_307 masked %eq3A_154 {add = true} : memref<80x128xf32, #tpu.memory_space<vmem>>[vector<16xi32>, vector<16xi32>], vector<16xf32>, vector<16xi1>
          tpu.vector_store_idx %arg9[%parallel_loop3A_312, %parallel_loop3A_315], %parallel_loop3A_307 masked %eq3A_157 {add = true} : memref<80x128xf32, #tpu.memory_space<vmem>>[vector<16xi32>, vector<16xi32>], vector<16xf32>, vector<16xi1>
          tpu.vector_store_idx %arg9[%parallel_loop3A_312, %parallel_loop3A_315], %parallel_loop3A_307 masked %eq3A_160 {add = true} : memref<80x128xf32, #tpu.memory_space<vmem>>[vector<16xi32>, vector<16xi32>], vector<16xf32>, vector<16xi1>
          tpu.vector_store_idx %arg9[%parallel_loop3A_312, %parallel_loop3A_315], %parallel_loop3A_307 masked %eq3A_163 {add = true} : memref<80x128xf32, #tpu.memory_space<vmem>>[vector<16xi32>, vector<16xi32>], vector<16xf32>, vector<16xi1>
          tpu.vector_store_idx %arg9[%parallel_loop3A_312, %parallel_loop3A_315], %parallel_loop3A_307 masked %eq3A_166 {add = true} : memref<80x128xf32, #tpu.memory_space<vmem>>[vector<16xi32>, vector<16xi32>], vector<16xf32>, vector<16xi1>
          tpu.vector_store_idx %arg9[%parallel_loop3A_312, %parallel_loop3A_315], %parallel_loop3A_307 masked %eq3A_169 {add = true} : memref<80x128xf32, #tpu.memory_space<vmem>>[vector<16xi32>, vector<16xi32>], vector<16xf32>, vector<16xi1>
          tpu.vector_store_idx %arg9[%parallel_loop3A_312, %parallel_loop3A_315], %parallel_loop3A_307 masked %eq3A_172 {add = true} : memref<80x128xf32, #tpu.memory_space<vmem>>[vector<16xi32>, vector<16xi32>], vector<16xf32>, vector<16xi1>
          tpu.vector_store_idx %arg9[%parallel_loop3A_312, %parallel_loop3A_315], %parallel_loop3A_307 masked %eq3A_175 {add = true} : memref<80x128xf32, #tpu.memory_space<vmem>>[vector<16xi32>, vector<16xi32>], vector<16xf32>, vector<16xi1>
          tpu.vector_store_idx %arg9[%parallel_loop3A_312, %parallel_loop3A_315], %parallel_loop3A_307 masked %eq3A_178 {add = true} : memref<80x128xf32, #tpu.memory_space<vmem>>[vector<16xi32>, vector<16xi32>], vector<16xf32>, vector<16xi1>
        } {sc.loop_unroll_factor = 5 : i64, sc.parallel_access}
        %parallel_loop3A_268 = arith.constant 0 : i32
        %parallel_loop3A_269 = arith.constant 80 : i32
        %parallel_loop3A_270 = arith.constant 1 : i32
        scf.for %parallel_loop3A_278 = %parallel_loop3A_268 to %parallel_loop3A_269 step %parallel_loop3A_270  : i32 {
          %parallel_loop3A_279 = vector.broadcast %parallel_loop3A_278 : i32 to vector<16xi32>
          %parallel_loop3A_280 = tpu.vector_load_idx %arg12[%parallel_loop3A_279] : memref<80xf32, #tpu.memory_space<vmem>>[vector<16xi32>], vector<16xf32>,
          %parallel_loop3A_281 = arith.index_cast %parallel_loop3A_278 : i32 to index
          %parallel_loop3A_282 = arith.constant 0 : index
          %parallel_loop3A_283 = tpu.vector_load %arg14[%parallel_loop3A_281, %parallel_loop3A_282] {strides = array<i32>} : memref<80x128xf32, #tpu.memory_space<vmem>>, vector<16xf32>,
          %parallel_loop3A_284 = arith.mulf %parallel_loop3A_283, %parallel_loop3A_280 : vector<16xf32>
          %parallel_loop3A_285 = arith.index_cast %parallel_loop3A_278 : i32 to index
          %parallel_loop3A_286 = arith.constant 0 : index
          %parallel_loop3A_287 = tpu.vector_load %arg14[%parallel_loop3A_285, %parallel_loop3A_286] {strides = array<i32>} : memref<80x128xf32, #tpu.memory_space<vmem>>, vector<16xf32>,
          tpu.vector_store %arg14[%parallel_loop3A_285, %parallel_loop3A_286], %parallel_loop3A_284 {strides = array<i32>} : memref<80x128xf32, #tpu.memory_space<vmem>>, vector<16xf32>,
          %parallel_loop3A_288 = arith.index_cast %parallel_loop3A_278 : i32 to index
          %parallel_loop3A_289 = arith.constant 16 : index
          %parallel_loop3A_290 = tpu.vector_load %arg14[%parallel_loop3A_288, %parallel_loop3A_289] {strides = array<i32>} : memref<80x128xf32, #tpu.memory_space<vmem>>, vector<16xf32>,
          %parallel_loop3A_291 = arith.mulf %parallel_loop3A_290, %parallel_loop3A_280 : vector<16xf32>
          %parallel_loop3A_292 = arith.index_cast %parallel_loop3A_278 : i32 to index
          %parallel_loop3A_293 = arith.constant 16 : index
          %parallel_loop3A_294 = tpu.vector_load %arg14[%parallel_loop3A_292, %parallel_loop3A_293] {strides = array<i32>} : memref<80x128xf32, #tpu.memory_space<vmem>>, vector<16xf32>,
          tpu.vector_store %arg14[%parallel_loop3A_292, %parallel_loop3A_293], %parallel_loop3A_291 {strides = array<i32>} : memref<80x128xf32, #tpu.memory_space<vmem>>, vector<16xf32>,
          %parallel_loop3A_295 = arith.index_cast %parallel_loop3A_278 : i32 to index
          %parallel_loop3A_296 = arith.constant 32 : index
          %parallel_loop3A_297 = tpu.vector_load %arg14[%parallel_loop3A_295, %parallel_loop3A_296] {strides = array<i32>} : memref<80x128xf32, #tpu.memory_space<vmem>>, vector<16xf32>,
          %parallel_loop3A_298 = arith.mulf %parallel_loop3A_297, %parallel_loop3A_280 : vector<16xf32>
          %parallel_loop3A_299 = arith.index_cast %parallel_loop3A_278 : i32 to index
          %parallel_loop3A_300 = arith.constant 32 : index
          %parallel_loop3A_301 = tpu.vector_load %arg14[%parallel_loop3A_299, %parallel_loop3A_300] {strides = array<i32>} : memref<80x128xf32, #tpu.memory_space<vmem>>, vector<16xf32>,
          tpu.vector_store %arg14[%parallel_loop3A_299, %parallel_loop3A_300], %parallel_loop3A_298 {strides = array<i32>} : memref<80x128xf32, #tpu.memory_space<vmem>>, vector<16xf32>,
          %parallel_loop3A_302 = arith.index_cast %parallel_loop3A_278 : i32 to index
          %parallel_loop3A_303 = arith.constant 48 : index
          %parallel_loop3A_304 = tpu.vector_load %arg14[%parallel_loop3A_302, %parallel_loop3A_303] {strides = array<i32>} : memref<80x128xf32, #tpu.memory_space<vmem>>, vector<16xf32>,
          %parallel_loop3A_305 = arith.mulf %parallel_loop3A_304, %parallel_loop3A_280 : vector<16xf32>
          %parallel_loop3A_306 = arith.index_cast %parallel_loop3A_278 : i32 to index
          %parallel_loop3A_307 = arith.constant 48 : index
          %parallel_loop3A_308 = tpu.vector_load %arg14[%parallel_loop3A_306, %parallel_loop3A_307] {strides = array<i32>} : memref<80x128xf32, #tpu.memory_space<vmem>>, vector<16xf32>,
          tpu.vector_store %arg14[%parallel_loop3A_306, %parallel_loop3A_307], %parallel_loop3A_305 {strides = array<i32>} : memref<80x128xf32, #tpu.memory_space<vmem>>, vector<16xf32>,
          %parallel_loop3A_309 = arith.index_cast %parallel_loop3A_278 : i32 to index
          %parallel_loop3A_310 = arith.constant 64 : index
          %parallel_loop3A_311 = tpu.vector_load %arg14[%parallel_loop3A_309, %parallel_loop3A_310] {strides = array<i32>} : memref<80x128xf32, #tpu.memory_space<vmem>>, vector<16xf32>,
          %parallel_loop3A_312 = arith.mulf %parallel_loop3A_311, %parallel_loop3A_280 : vector<16xf32>
          %parallel_loop3A_313 = arith.index_cast %parallel_loop3A_278 : i32 to index
          %parallel_loop3A_314 = arith.constant 64 : index
          %parallel_loop3A_315 = tpu.vector_load %arg14[%parallel_loop3A_313, %parallel_loop3A_314] {strides = array<i32>} : memref<80x128xf32, #tpu.memory_space<vmem>>, vector<16xf32>,
          tpu.vector_store %arg14[%parallel_loop3A_313, %parallel_loop3A_314], %parallel_loop3A_312 {strides = array<i32>} : memref<80x128xf32, #tpu.memory_space<vmem>>, vector<16xf32>,
          %parallel_loop3A_316 = arith.index_cast %parallel_loop3A_278 : i32 to index
          %parallel_loop3A_317 = arith.constant 80 : index
          %parallel_loop3A_318 = tpu.vector_load %arg14[%parallel_loop3A_316, %parallel_loop3A_317] {strides = array<i32>} : memref<80x128xf32, #tpu.memory_space<vmem>>, vector<16xf32>,
          %parallel_loop3A_319 = arith.mulf %parallel_loop3A_318, %parallel_loop3A_280 : vector<16xf32>
          %parallel_loop3A_320 = arith.index_cast %parallel_loop3A_278 : i32 to index
          %parallel_loop3A_321 = arith.constant 80 : index
          %parallel_loop3A_322 = tpu.vector_load %arg14[%parallel_loop3A_320, %parallel_loop3A_321] {strides = array<i32>} : memref<80x128xf32, #tpu.memory_space<vmem>>, vector<16xf32>,
          tpu.vector_store %arg14[%parallel_loop3A_320, %parallel_loop3A_321], %parallel_loop3A_319 {strides = array<i32>} : memref<80x128xf32, #tpu.memory_space<vmem>>, vector<16xf32>,
          %parallel_loop3A_323 = arith.index_cast %parallel_loop3A_278 : i32 to index
          %parallel_loop3A_324 = arith.constant 96 : index
          %parallel_loop3A_325 = tpu.vector_load %arg14[%parallel_loop3A_323, %parallel_loop3A_324] {strides = array<i32>} : memref<80x128xf32, #tpu.memory_space<vmem>>, vector<16xf32>,
          %parallel_loop3A_326 = arith.mulf %parallel_loop3A_325, %parallel_loop3A_280 : vector<16xf32>
          %parallel_loop3A_327 = arith.index_cast %parallel_loop3A_278 : i32 to index
          %parallel_loop3A_328 = arith.constant 96 : index
          %parallel_loop3A_329 = tpu.vector_load %arg14[%parallel_loop3A_327, %parallel_loop3A_328] {strides = array<i32>} : memref<80x128xf32, #tpu.memory_space<vmem>>, vector<16xf32>,
          tpu.vector_store %arg14[%parallel_loop3A_327, %parallel_loop3A_328], %parallel_loop3A_326 {strides = array<i32>} : memref<80x128xf32, #tpu.memory_space<vmem>>, vector<16xf32>,
          %parallel_loop3A_330 = arith.index_cast %parallel_loop3A_278 : i32 to index
          %parallel_loop3A_331 = arith.constant 112 : index
          %parallel_loop3A_332 = tpu.vector_load %arg14[%parallel_loop3A_330, %parallel_loop3A_331] {strides = array<i32>} : memref<80x128xf32, #tpu.memory_space<vmem>>, vector<16xf32>,
          %parallel_loop3A_333 = arith.mulf %parallel_loop3A_332, %parallel_loop3A_280 : vector<16xf32>
          %parallel_loop3A_334 = arith.index_cast %parallel_loop3A_278 : i32 to index
          %parallel_loop3A_335 = arith.constant 112 : index
          %parallel_loop3A_336 = tpu.vector_load %arg14[%parallel_loop3A_334, %parallel_loop3A_335] {strides = array<i32>} : memref<80x128xf32, #tpu.memory_space<vmem>>, vector<16xf32>,
          tpu.vector_store %arg14[%parallel_loop3A_334, %parallel_loop3A_335], %parallel_loop3A_333 {strides = array<i32>} : memref<80x128xf32, #tpu.memory_space<vmem>>, vector<16xf32>,
        } {sc.loop_unroll_factor = 8 : i64, sc.parallel_access}
        %dma_start3A_271 = arith.constant 0 : i32
        %dma_start3A_272 = arith.constant 0 : i32
        %dma_start3A_273 = tpu.memref_slice %arg10[%dma_start3A_271, %dma_start3A_272] : memref<4x80xi32, #tpu.memory_space<vmem>> -> memref<1x80xi32, #tpu.memory_space<vmem>>
        %dma_start3A_274 = tpu.memref_squeeze %dma_start3A_273 : memref<1x80xi32, #tpu.memory_space<vmem>> -> memref<80xi32, #tpu.memory_space<vmem>>
        %dma_start3A_275 = arith.constant 0 : i32
        %dma_start3A_276 = arith.constant 0 : i32
        %dma_start3A_277 = tpu.memref_slice %arg7[%dma_start3A_275, %dma_start3A_276] : memref<10240x128xf32, #tpu.memory_space<vmem_shared>> -> memref<10240x128xf32, #tpu.memory_space<vmem_shared>>
        tpu.enqueue_indirect_dma source(%arg14 : memref<80x128xf32, #tpu.memory_space<vmem>>) target(%dma_start3A_277 : memref<10240x128xf32, #tpu.memory_space<vmem_shared>>) offsets(%dma_start3A_274 : memref<80xi32, #tpu.memory_space<vmem>>) semaphore(%arg22 : memref<!tpu.dma_semaphore, #tpu.memory_space<semaphore_mem>>) {add = true}
      } else {
      }
      %add3A_216 = arith.constant 1 : i32
      %add3A_217 = arith.addi %add3A_204, %add3A_216 : i32
      %add3A_218 = arith.constant 1 : i32
      %add3A_219 = arith.addi %add3A_217, %add3A_218 : i32
      %lt3A_220 = arith.constant 125 : i32
      %lt3A_221 = arith.cmpi slt, %add3A_219, %lt3A_220 : i32
      %convert_element_type3A_222 = arith.extui %lt3A_221 : i1 to i32
      %cond3A_223 = arith.constant 0 : i32
      %cond3A_224 = arith.cmpi ne, %convert_element_type3A_222, %cond3A_223 : i32
      scf.if %cond3A_224 {
        %ge3A = arith.constant 1 : i32
        %ge3A_258 = arith.cmpi sge, %add3A_217, %ge3A : i32
        %convert_element_type3A_259 = arith.extui %ge3A_258 : i1 to i32
        %cond3A_260 = arith.constant 0 : i32
        %cond3A_261 = arith.cmpi ne, %convert_element_type3A_259, %cond3A_260 : i32
        scf.if %cond3A_261 {
          %dma_wait3A_298 = arith.constant 0 : i32
          %dma_wait3A_299 = arith.constant 0 : i32
          %dma_wait3A_300 = tpu.memref_slice %arg7[%dma_wait3A_298, %dma_wait3A_299] : memref<10240x128xf32, #tpu.memory_space<vmem_shared>> -> memref<80x128xf32, #tpu.memory_space<vmem_shared>>
          %dma_wait3A_301 = arith.constant 0 : i32
          %dma_wait3A_302 = arith.constant 0 : i32
          %dma_wait3A_303 = tpu.memref_slice %arg7[%dma_wait3A_301, %dma_wait3A_302] : memref<10240x128xf32, #tpu.memory_space<vmem_shared>> -> memref<80x128xf32, #tpu.memory_space<vmem_shared>>
          tpu.wait_dma2 semaphore(%arg22 : memref<!tpu.dma_semaphore, #tpu.memory_space<semaphore_mem>>) src(%arg14 : memref<80x128xf32, #tpu.memory_space<vmem>>) dst(%dma_wait3A_303 : memref<80x128xf32, #tpu.memory_space<vmem_shared>>)
        } else {
        }
        %dma_wait3A_262 = arith.constant 2 : i32
        %dma_wait3A_263 = arith.constant 0 : i32
        %dma_wait3A_264 = tpu.memref_slice %arg10[%dma_wait3A_262, %dma_wait3A_263] : memref<4x80xi32, #tpu.memory_space<vmem>> -> memref<1x80xi32, #tpu.memory_space<vmem>>
        %dma_wait3A_265 = tpu.memref_squeeze %dma_wait3A_264 : memref<1x80xi32, #tpu.memory_space<vmem>> -> memref<80xi32, #tpu.memory_space<vmem>>
        %dma_wait3A_266 = arith.constant 0 : i32
        %dma_wait3A_267 = tpu.memref_slice %arg4[%dma_wait3A_266] : memref<320000xi32, #tpu.memory_space<hbm>> -> memref<80xi32, #tpu.memory_space<hbm>>
        %dma_wait3A_268 = arith.constant 0 : i32
        %dma_wait3A_269 = tpu.memref_slice %arg10[%dma_wait3A_262, %dma_wait3A_268] : memref<4x80xi32, #tpu.memory_space<vmem>> -> memref<1x80xi32, #tpu.memory_space<vmem>>
        %dma_wait3A_270 = tpu.memref_squeeze %dma_wait3A_269 : memref<1x80xi32, #tpu.memory_space<vmem>> -> memref<80xi32, #tpu.memory_space<vmem>>
        %dma_wait3A_271 = arith.constant 0 : i32
        %dma_wait3A_272 = tpu.memref_slice %arg4[%dma_wait3A_271] : memref<320000xi32, #tpu.memory_space<hbm>> -> memref<80xi32, #tpu.memory_space<hbm>>
        tpu.wait_dma2 semaphore(%arg18 : memref<!tpu.dma_semaphore, #tpu.memory_space<semaphore_mem>>) src(%dma_wait3A_272 : memref<80xi32, #tpu.memory_space<hbm>>) dst(%dma_wait3A_270 : memref<80xi32, #tpu.memory_space<vmem>>)
        %dma_wait3A_273 = arith.constant 2 : i32
        %dma_wait3A_274 = arith.constant 0 : i32
        %dma_wait3A_275 = tpu.memref_slice %arg11[%dma_wait3A_273, %dma_wait3A_274] : memref<4x80xi32, #tpu.memory_space<vmem>> -> memref<1x80xi32, #tpu.memory_space<vmem>>
        %dma_wait3A_276 = tpu.memref_squeeze %dma_wait3A_275 : memref<1x80xi32, #tpu.memory_space<vmem>> -> memref<80xi32, #tpu.memory_space<vmem>>
        %dma_wait3A_277 = arith.constant 0 : i32
        %dma_wait3A_278 = tpu.memref_slice %arg4[%dma_wait3A_277] : memref<320000xi32, #tpu.memory_space<hbm>> -> memref<80xi32, #tpu.memory_space<hbm>>
        %dma_wait3A_279 = arith.constant 0 : i32
        %dma_wait3A_280 = tpu.memref_slice %arg11[%dma_wait3A_273, %dma_wait3A_279] : memref<4x80xi32, #tpu.memory_space<vmem>> -> memref<1x80xi32, #tpu.memory_space<vmem>>
        %dma_wait3A_281 = tpu.memref_squeeze %dma_wait3A_280 : memref<1x80xi32, #tpu.memory_space<vmem>> -> memref<80xi32, #tpu.memory_space<vmem>>
        %dma_wait3A_282 = arith.constant 0 : i32
        %dma_wait3A_283 = tpu.memref_slice %arg4[%dma_wait3A_282] : memref<320000xi32, #tpu.memory_space<hbm>> -> memref<80xi32, #tpu.memory_space<hbm>>
        tpu.wait_dma2 semaphore(%arg18 : memref<!tpu.dma_semaphore, #tpu.memory_space<semaphore_mem>>) src(%dma_wait3A_283 : memref<80xi32, #tpu.memory_space<hbm>>) dst(%dma_wait3A_281 : memref<80xi32, #tpu.memory_space<vmem>>)
        %dma_start3A_284 = arith.constant 2 : i32
        %dma_start3A_285 = arith.constant 0 : i32
        %dma_start3A_286 = tpu.memref_slice %arg11[%dma_start3A_284, %dma_start3A_285] : memref<4x80xi32, #tpu.memory_space<vmem>> -> memref<1x80xi32, #tpu.memory_space<vmem>>
        %dma_start3A_287 = tpu.memref_squeeze %dma_start3A_286 : memref<1x80xi32, #tpu.memory_space<vmem>> -> memref<80xi32, #tpu.memory_space<vmem>>
        %dma_start3A_288 = arith.constant 0 : i32
        %dma_start3A_289 = arith.constant 0 : i32
        %dma_start3A_290 = tpu.memref_slice %arg2[%dma_start3A_288, %dma_start3A_289] : memref<10000x128xf32, #tpu.memory_space<hbm>> -> memref<10000x128xf32, #tpu.memory_space<hbm>>
        tpu.enqueue_indirect_dma source(%dma_start3A_290 : memref<10000x128xf32, #tpu.memory_space<hbm>>) target(%arg14 : memref<80x128xf32, #tpu.memory_space<vmem>>) offsets(%dma_start3A_287 : memref<80xi32, #tpu.memory_space<vmem>>) semaphore(%arg20 : memref<!tpu.dma_semaphore, #tpu.memory_space<semaphore_mem>>)
        %add3A_291 = arith.constant 3 : i32
        %add3A_292 = arith.addi %add3A_217, %add3A_291 : i32
        %lt3A_293 = arith.constant 125 : i32
        %lt3A_294 = arith.cmpi slt, %add3A_292, %lt3A_293 : i32
        %convert_element_type3A_295 = arith.extui %lt3A_294 : i1 to i32
        %cond3A_296 = arith.constant 0 : i32
        %cond3A_297 = arith.cmpi ne, %convert_element_type3A_295, %cond3A_296 : i32
        scf.if %cond3A_297 {
          %add3A_298 = arith.constant 3 : i32
          %add3A_299 = arith.addi %add3A_217, %add3A_298 : i32
          %add3A_300 = arith.addi %mul3A_4, %add3A_299 : i32
          %mul3A_301 = arith.constant 80 : i32
          %mul3A_302 = arith.muli %add3A_300, %mul3A_301 : i32
          %dma_start3A_303 = arith.constant 0 : i32
          %dma_start3A_304 = arith.constant 0 : i32
          %dma_start3A_305 = tpu.memref_slice %arg10[%dma_start3A_303, %dma_start3A_304] : memref<4x80xi32, #tpu.memory_space<vmem>> -> memref<1x80xi32, #tpu.memory_space<vmem>>
          %dma_start3A_306 = tpu.memref_squeeze %dma_start3A_305 : memref<1x80xi32, #tpu.memory_space<vmem>> -> memref<80xi32, #tpu.memory_space<vmem>>
          %dma_start3A_307 = tpu.memref_slice %arg4[%mul3A_302] : memref<320000xi32, #tpu.memory_space<hbm>> -> memref<80xi32, #tpu.memory_space<hbm>>
          %dma_start3A_308 = arith.constant 0 : i32
          %dma_start3A_309 = tpu.memref_slice %arg10[%dma_start3A_303, %dma_start3A_308] : memref<4x80xi32, #tpu.memory_space<vmem>> -> memref<1x80xi32, #tpu.memory_space<vmem>>
          %dma_start3A_310 = tpu.memref_squeeze %dma_start3A_309 : memref<1x80xi32, #tpu.memory_space<vmem>> -> memref<80xi32, #tpu.memory_space<vmem>>
          %dma_start3A_311 = tpu.memref_slice %arg4[%mul3A_302] : memref<320000xi32, #tpu.memory_space<hbm>> -> memref<80xi32, #tpu.memory_space<hbm>>
          tpu.enqueue_dma source(%dma_start3A_311 : memref<80xi32, #tpu.memory_space<hbm>>) target(%dma_start3A_310 : memref<80xi32, #tpu.memory_space<vmem>>) target_semaphore(%arg16 : memref<!tpu.dma_semaphore, #tpu.memory_space<semaphore_mem>>)
          %dma_start3A_312 = arith.constant 0 : i32
          %dma_start3A_313 = arith.constant 0 : i32
          %dma_start3A_314 = tpu.memref_slice %arg11[%dma_start3A_312, %dma_start3A_313] : memref<4x80xi32, #tpu.memory_space<vmem>> -> memref<1x80xi32, #tpu.memory_space<vmem>>
          %dma_start3A_315 = tpu.memref_squeeze %dma_start3A_314 : memref<1x80xi32, #tpu.memory_space<vmem>> -> memref<80xi32, #tpu.memory_space<vmem>>
          %dma_start3A_316 = tpu.memref_slice %arg5[%mul3A_302] : memref<320000xi32, #tpu.memory_space<hbm>> -> memref<80xi32, #tpu.memory_space<hbm>>
          %dma_start3A_317 = arith.constant 0 : i32
          %dma_start3A_318 = tpu.memref_slice %arg11[%dma_start3A_312, %dma_start3A_317] : memref<4x80xi32, #tpu.memory_space<vmem>> -> memref<1x80xi32, #tpu.memory_space<vmem>>
          %dma_start3A_319 = tpu.memref_squeeze %dma_start3A_318 : memref<1x80xi32, #tpu.memory_space<vmem>> -> memref<80xi32, #tpu.memory_space<vmem>>
          %dma_start3A_320 = tpu.memref_slice %arg5[%mul3A_302] : memref<320000xi32, #tpu.memory_space<hbm>> -> memref<80xi32, #tpu.memory_space<hbm>>
          tpu.enqueue_dma source(%dma_start3A_320 : memref<80xi32, #tpu.memory_space<hbm>>) target(%dma_start3A_319 : memref<80xi32, #tpu.memory_space<vmem>>) target_semaphore(%arg16 : memref<!tpu.dma_semaphore, #tpu.memory_space<semaphore_mem>>)
        } else {
        }
      } else {
      }
      %lt3A_225 = arith.constant 125 : i32
      %lt3A_226 = arith.cmpi slt, %add3A_217, %lt3A_225 : i32
      %convert_element_type3A_227 = arith.extui %lt3A_226 : i1 to i32
      %cond3A_228 = arith.constant 0 : i32
      %cond3A_229 = arith.cmpi ne, %convert_element_type3A_227, %cond3A_228 : i32
      scf.if %cond3A_229 {
        %dma_wait3A_258 = arith.constant 0 : i32
        %dma_wait3A_259 = arith.constant 0 : i32
        %dma_wait3A_260 = tpu.memref_slice %arg2[%dma_wait3A_258, %dma_wait3A_259] : memref<10000x128xf32, #tpu.memory_space<hbm>> -> memref<80x128xf32, #tpu.memory_space<hbm>>
        %dma_wait3A_261 = arith.constant 0 : i32
        %dma_wait3A_262 = arith.constant 0 : i32
        %dma_wait3A_263 = tpu.memref_slice %arg2[%dma_wait3A_261, %dma_wait3A_262] : memref<10000x128xf32, #tpu.memory_space<hbm>> -> memref<80x128xf32, #tpu.memory_space<hbm>>
        tpu.wait_dma2 semaphore(%arg21 : memref<!tpu.dma_semaphore, #tpu.memory_space<semaphore_mem>>) src(%dma_wait3A_263 : memref<80x128xf32, #tpu.memory_space<hbm>>) dst(%arg15 : memref<80x128xf32, #tpu.memory_space<vmem>>)
        %parallel_loop3A = arith.constant 0 : i32
        %parallel_loop3A_264 = arith.constant 80 : i32
        %parallel_loop3A_265 = arith.constant 16 : i32
        %parallel_loop3A_266 = arith.constant 1 : i32
        %parallel_loop3A_267 = arith.constant 1 : i32
        scf.for %parallel_loop3A_278 = %parallel_loop3A to %parallel_loop3A_264 step %parallel_loop3A_265  : i32 {
          %parallel_loop3A_279 = arith.constant 0 : i32
          %parallel_loop3A_280 = tpu.memref_slice %arg10[%parallel_loop3A_266, %parallel_loop3A_279] : memref<4x80xi32, #tpu.memory_space<vmem>> -> memref<1x80xi32, #tpu.memory_space<vmem>>
          %parallel_loop3A_281 = tpu.memref_squeeze %parallel_loop3A_280 : memref<1x80xi32, #tpu.memory_space<vmem>> -> memref<80xi32, #tpu.memory_space<vmem>>
          %parallel_loop3A_282 = arith.index_cast %parallel_loop3A_278 : i32 to index
          %parallel_loop3A_283 = tpu.vector_load %parallel_loop3A_281[%parallel_loop3A_282] {strides = array<i32>} : memref<80xi32, #tpu.memory_space<vmem>>, vector<16xi32>,
          %parallel_loop3A_284 = tpu.vector_load_idx %arg8[%parallel_loop3A_283] : memref<10000xi32, #tpu.memory_space<vmem>>[vector<16xi32>], vector<16xi32>,
          %parallel_loop3A_285 = arith.constant 0 : i32
          %parallel_loop3A_286 = tpu.memref_slice %arg11[%parallel_loop3A_267, %parallel_loop3A_285] : memref<4x80xi32, #tpu.memory_space<vmem>> -> memref<1x80xi32, #tpu.memory_space<vmem>>
          %parallel_loop3A_287 = tpu.memref_squeeze %parallel_loop3A_286 : memref<1x80xi32, #tpu.memory_space<vmem>> -> memref<80xi32, #tpu.memory_space<vmem>>
          %parallel_loop3A_288 = arith.index_cast %parallel_loop3A_278 : i32 to index
          %parallel_loop3A_289 = tpu.vector_load %parallel_loop3A_287[%parallel_loop3A_288] {strides = array<i32>} : memref<80xi32, #tpu.memory_space<vmem>>, vector<16xi32>,
          %parallel_loop3A_290 = tpu.vector_load_idx %arg8[%parallel_loop3A_289] : memref<10000xi32, #tpu.memory_space<vmem>>[vector<16xi32>], vector<16xi32>,
          %parallel_loop3A_291 = arith.constant -65536 : i32
          %parallel_loop3A_292 = vector.broadcast %parallel_loop3A_291 : i32 to vector<16xi32>
          %parallel_loop3A_293 = arith.andi %parallel_loop3A_284, %parallel_loop3A_292 : vector<16xi32>
          %parallel_loop3A_294 = vector.bitcast %parallel_loop3A_293 : vector<16xi32> to vector<16xf32>
          %parallel_loop3A_295 = arith.constant 16 : i32
          %parallel_loop3A_296 = vector.broadcast %parallel_loop3A_295 : i32 to vector<16xi32>
          %parallel_loop3A_297 = arith.shli %parallel_loop3A_290, %parallel_loop3A_296 : vector<16xi32>
          %parallel_loop3A_298 = vector.bitcast %parallel_loop3A_297 : vector<16xi32> to vector<16xf32>
          %parallel_loop3A_299 = arith.addf %parallel_loop3A_294, %parallel_loop3A_298 : vector<16xf32>
          %parallel_loop3A_300 = arith.constant 2.000000e-01 : f32
          %parallel_loop3A_301 = vector.broadcast %parallel_loop3A_300 : f32 to vector<16xf32>
          %parallel_loop3A_302 = arith.mulf %parallel_loop3A_301, %parallel_loop3A_299 : vector<16xf32>
          %parallel_loop3A_303 = arith.maximumf %parallel_loop3A_299, %parallel_loop3A_302 : vector<16xf32>
          %parallel_loop3A_304 = arith.constant 0.000000e+00 : f32
          %parallel_loop3A_305 = vector.broadcast %parallel_loop3A_304 : f32 to vector<16xf32>
          %parallel_loop3A_306 = arith.subf %parallel_loop3A_305, %parallel_loop3A_303 : vector<16xf32>
          %parallel_loop3A_307 = math.exp %parallel_loop3A_306 : vector<16xf32>
          %parallel_loop3A_308 = arith.index_cast %parallel_loop3A_278 : i32 to index
          %parallel_loop3A_309 = tpu.vector_load %arg12[%parallel_loop3A_308] {strides = array<i32>} : memref<80xf32, #tpu.memory_space<vmem>>, vector<16xf32>,
          tpu.vector_store %arg12[%parallel_loop3A_308], %parallel_loop3A_307 {strides = array<i32>} : memref<80xf32, #tpu.memory_space<vmem>>, vector<16xf32>,
          %parallel_loop3A_310 = arith.constant 7 : i32
          %parallel_loop3A_311 = vector.broadcast %parallel_loop3A_310 : i32 to vector<16xi32>
          %parallel_loop3A_312 = arith.shrui %parallel_loop3A_283, %parallel_loop3A_311 : vector<16xi32>
          %parallel_loop3A_313 = arith.constant 127 : i32
          %parallel_loop3A_314 = vector.broadcast %parallel_loop3A_313 : i32 to vector<16xi32>
          %parallel_loop3A_315 = arith.andi %parallel_loop3A_283, %parallel_loop3A_314 : vector<16xi32>
          tpu.vector_store_idx %arg9[%parallel_loop3A_312, %parallel_loop3A_315], %parallel_loop3A_307 masked %eq3A_133 {add = true} : memref<80x128xf32, #tpu.memory_space<vmem>>[vector<16xi32>, vector<16xi32>], vector<16xf32>, vector<16xi1>
          tpu.vector_store_idx %arg9[%parallel_loop3A_312, %parallel_loop3A_315], %parallel_loop3A_307 masked %eq3A_136 {add = true} : memref<80x128xf32, #tpu.memory_space<vmem>>[vector<16xi32>, vector<16xi32>], vector<16xf32>, vector<16xi1>
          tpu.vector_store_idx %arg9[%parallel_loop3A_312, %parallel_loop3A_315], %parallel_loop3A_307 masked %eq3A_139 {add = true} : memref<80x128xf32, #tpu.memory_space<vmem>>[vector<16xi32>, vector<16xi32>], vector<16xf32>, vector<16xi1>
          tpu.vector_store_idx %arg9[%parallel_loop3A_312, %parallel_loop3A_315], %parallel_loop3A_307 masked %eq3A_142 {add = true} : memref<80x128xf32, #tpu.memory_space<vmem>>[vector<16xi32>, vector<16xi32>], vector<16xf32>, vector<16xi1>
          tpu.vector_store_idx %arg9[%parallel_loop3A_312, %parallel_loop3A_315], %parallel_loop3A_307 masked %eq3A_145 {add = true} : memref<80x128xf32, #tpu.memory_space<vmem>>[vector<16xi32>, vector<16xi32>], vector<16xf32>, vector<16xi1>
          tpu.vector_store_idx %arg9[%parallel_loop3A_312, %parallel_loop3A_315], %parallel_loop3A_307 masked %eq3A_148 {add = true} : memref<80x128xf32, #tpu.memory_space<vmem>>[vector<16xi32>, vector<16xi32>], vector<16xf32>, vector<16xi1>
          tpu.vector_store_idx %arg9[%parallel_loop3A_312, %parallel_loop3A_315], %parallel_loop3A_307 masked %eq3A_151 {add = true} : memref<80x128xf32, #tpu.memory_space<vmem>>[vector<16xi32>, vector<16xi32>], vector<16xf32>, vector<16xi1>
          tpu.vector_store_idx %arg9[%parallel_loop3A_312, %parallel_loop3A_315], %parallel_loop3A_307 masked %eq3A_154 {add = true} : memref<80x128xf32, #tpu.memory_space<vmem>>[vector<16xi32>, vector<16xi32>], vector<16xf32>, vector<16xi1>
          tpu.vector_store_idx %arg9[%parallel_loop3A_312, %parallel_loop3A_315], %parallel_loop3A_307 masked %eq3A_157 {add = true} : memref<80x128xf32, #tpu.memory_space<vmem>>[vector<16xi32>, vector<16xi32>], vector<16xf32>, vector<16xi1>
          tpu.vector_store_idx %arg9[%parallel_loop3A_312, %parallel_loop3A_315], %parallel_loop3A_307 masked %eq3A_160 {add = true} : memref<80x128xf32, #tpu.memory_space<vmem>>[vector<16xi32>, vector<16xi32>], vector<16xf32>, vector<16xi1>
          tpu.vector_store_idx %arg9[%parallel_loop3A_312, %parallel_loop3A_315], %parallel_loop3A_307 masked %eq3A_163 {add = true} : memref<80x128xf32, #tpu.memory_space<vmem>>[vector<16xi32>, vector<16xi32>], vector<16xf32>, vector<16xi1>
          tpu.vector_store_idx %arg9[%parallel_loop3A_312, %parallel_loop3A_315], %parallel_loop3A_307 masked %eq3A_166 {add = true} : memref<80x128xf32, #tpu.memory_space<vmem>>[vector<16xi32>, vector<16xi32>], vector<16xf32>, vector<16xi1>
          tpu.vector_store_idx %arg9[%parallel_loop3A_312, %parallel_loop3A_315], %parallel_loop3A_307 masked %eq3A_169 {add = true} : memref<80x128xf32, #tpu.memory_space<vmem>>[vector<16xi32>, vector<16xi32>], vector<16xf32>, vector<16xi1>
          tpu.vector_store_idx %arg9[%parallel_loop3A_312, %parallel_loop3A_315], %parallel_loop3A_307 masked %eq3A_172 {add = true} : memref<80x128xf32, #tpu.memory_space<vmem>>[vector<16xi32>, vector<16xi32>], vector<16xf32>, vector<16xi1>
          tpu.vector_store_idx %arg9[%parallel_loop3A_312, %parallel_loop3A_315], %parallel_loop3A_307 masked %eq3A_175 {add = true} : memref<80x128xf32, #tpu.memory_space<vmem>>[vector<16xi32>, vector<16xi32>], vector<16xf32>, vector<16xi1>
          tpu.vector_store_idx %arg9[%parallel_loop3A_312, %parallel_loop3A_315], %parallel_loop3A_307 masked %eq3A_178 {add = true} : memref<80x128xf32, #tpu.memory_space<vmem>>[vector<16xi32>, vector<16xi32>], vector<16xf32>, vector<16xi1>
        } {sc.loop_unroll_factor = 5 : i64, sc.parallel_access}
        %parallel_loop3A_268 = arith.constant 0 : i32
        %parallel_loop3A_269 = arith.constant 80 : i32
        %parallel_loop3A_270 = arith.constant 1 : i32
        scf.for %parallel_loop3A_278 = %parallel_loop3A_268 to %parallel_loop3A_269 step %parallel_loop3A_270  : i32 {
          %parallel_loop3A_279 = vector.broadcast %parallel_loop3A_278 : i32 to vector<16xi32>
          %parallel_loop3A_280 = tpu.vector_load_idx %arg12[%parallel_loop3A_279] : memref<80xf32, #tpu.memory_space<vmem>>[vector<16xi32>], vector<16xf32>,
          %parallel_loop3A_281 = arith.index_cast %parallel_loop3A_278 : i32 to index
          %parallel_loop3A_282 = arith.constant 0 : index
          %parallel_loop3A_283 = tpu.vector_load %arg15[%parallel_loop3A_281, %parallel_loop3A_282] {strides = array<i32>} : memref<80x128xf32, #tpu.memory_space<vmem>>, vector<16xf32>,
          %parallel_loop3A_284 = arith.mulf %parallel_loop3A_283, %parallel_loop3A_280 : vector<16xf32>
          %parallel_loop3A_285 = arith.index_cast %parallel_loop3A_278 : i32 to index
          %parallel_loop3A_286 = arith.constant 0 : index
          %parallel_loop3A_287 = tpu.vector_load %arg15[%parallel_loop3A_285, %parallel_loop3A_286] {strides = array<i32>} : memref<80x128xf32, #tpu.memory_space<vmem>>, vector<16xf32>,
          tpu.vector_store %arg15[%parallel_loop3A_285, %parallel_loop3A_286], %parallel_loop3A_284 {strides = array<i32>} : memref<80x128xf32, #tpu.memory_space<vmem>>, vector<16xf32>,
          %parallel_loop3A_288 = arith.index_cast %parallel_loop3A_278 : i32 to index
          %parallel_loop3A_289 = arith.constant 16 : index
          %parallel_loop3A_290 = tpu.vector_load %arg15[%parallel_loop3A_288, %parallel_loop3A_289] {strides = array<i32>} : memref<80x128xf32, #tpu.memory_space<vmem>>, vector<16xf32>,
          %parallel_loop3A_291 = arith.mulf %parallel_loop3A_290, %parallel_loop3A_280 : vector<16xf32>
          %parallel_loop3A_292 = arith.index_cast %parallel_loop3A_278 : i32 to index
          %parallel_loop3A_293 = arith.constant 16 : index
          %parallel_loop3A_294 = tpu.vector_load %arg15[%parallel_loop3A_292, %parallel_loop3A_293] {strides = array<i32>} : memref<80x128xf32, #tpu.memory_space<vmem>>, vector<16xf32>,
          tpu.vector_store %arg15[%parallel_loop3A_292, %parallel_loop3A_293], %parallel_loop3A_291 {strides = array<i32>} : memref<80x128xf32, #tpu.memory_space<vmem>>, vector<16xf32>,
          %parallel_loop3A_295 = arith.index_cast %parallel_loop3A_278 : i32 to index
          %parallel_loop3A_296 = arith.constant 32 : index
          %parallel_loop3A_297 = tpu.vector_load %arg15[%parallel_loop3A_295, %parallel_loop3A_296] {strides = array<i32>} : memref<80x128xf32, #tpu.memory_space<vmem>>, vector<16xf32>,
          %parallel_loop3A_298 = arith.mulf %parallel_loop3A_297, %parallel_loop3A_280 : vector<16xf32>
          %parallel_loop3A_299 = arith.index_cast %parallel_loop3A_278 : i32 to index
          %parallel_loop3A_300 = arith.constant 32 : index
          %parallel_loop3A_301 = tpu.vector_load %arg15[%parallel_loop3A_299, %parallel_loop3A_300] {strides = array<i32>} : memref<80x128xf32, #tpu.memory_space<vmem>>, vector<16xf32>,
          tpu.vector_store %arg15[%parallel_loop3A_299, %parallel_loop3A_300], %parallel_loop3A_298 {strides = array<i32>} : memref<80x128xf32, #tpu.memory_space<vmem>>, vector<16xf32>,
          %parallel_loop3A_302 = arith.index_cast %parallel_loop3A_278 : i32 to index
          %parallel_loop3A_303 = arith.constant 48 : index
          %parallel_loop3A_304 = tpu.vector_load %arg15[%parallel_loop3A_302, %parallel_loop3A_303] {strides = array<i32>} : memref<80x128xf32, #tpu.memory_space<vmem>>, vector<16xf32>,
          %parallel_loop3A_305 = arith.mulf %parallel_loop3A_304, %parallel_loop3A_280 : vector<16xf32>
          %parallel_loop3A_306 = arith.index_cast %parallel_loop3A_278 : i32 to index
          %parallel_loop3A_307 = arith.constant 48 : index
          %parallel_loop3A_308 = tpu.vector_load %arg15[%parallel_loop3A_306, %parallel_loop3A_307] {strides = array<i32>} : memref<80x128xf32, #tpu.memory_space<vmem>>, vector<16xf32>,
          tpu.vector_store %arg15[%parallel_loop3A_306, %parallel_loop3A_307], %parallel_loop3A_305 {strides = array<i32>} : memref<80x128xf32, #tpu.memory_space<vmem>>, vector<16xf32>,
          %parallel_loop3A_309 = arith.index_cast %parallel_loop3A_278 : i32 to index
          %parallel_loop3A_310 = arith.constant 64 : index
          %parallel_loop3A_311 = tpu.vector_load %arg15[%parallel_loop3A_309, %parallel_loop3A_310] {strides = array<i32>} : memref<80x128xf32, #tpu.memory_space<vmem>>, vector<16xf32>,
          %parallel_loop3A_312 = arith.mulf %parallel_loop3A_311, %parallel_loop3A_280 : vector<16xf32>
          %parallel_loop3A_313 = arith.index_cast %parallel_loop3A_278 : i32 to index
          %parallel_loop3A_314 = arith.constant 64 : index
          %parallel_loop3A_315 = tpu.vector_load %arg15[%parallel_loop3A_313, %parallel_loop3A_314] {strides = array<i32>} : memref<80x128xf32, #tpu.memory_space<vmem>>, vector<16xf32>,
          tpu.vector_store %arg15[%parallel_loop3A_313, %parallel_loop3A_314], %parallel_loop3A_312 {strides = array<i32>} : memref<80x128xf32, #tpu.memory_space<vmem>>, vector<16xf32>,
          %parallel_loop3A_316 = arith.index_cast %parallel_loop3A_278 : i32 to index
          %parallel_loop3A_317 = arith.constant 80 : index
          %parallel_loop3A_318 = tpu.vector_load %arg15[%parallel_loop3A_316, %parallel_loop3A_317] {strides = array<i32>} : memref<80x128xf32, #tpu.memory_space<vmem>>, vector<16xf32>,
          %parallel_loop3A_319 = arith.mulf %parallel_loop3A_318, %parallel_loop3A_280 : vector<16xf32>
          %parallel_loop3A_320 = arith.index_cast %parallel_loop3A_278 : i32 to index
          %parallel_loop3A_321 = arith.constant 80 : index
          %parallel_loop3A_322 = tpu.vector_load %arg15[%parallel_loop3A_320, %parallel_loop3A_321] {strides = array<i32>} : memref<80x128xf32, #tpu.memory_space<vmem>>, vector<16xf32>,
          tpu.vector_store %arg15[%parallel_loop3A_320, %parallel_loop3A_321], %parallel_loop3A_319 {strides = array<i32>} : memref<80x128xf32, #tpu.memory_space<vmem>>, vector<16xf32>,
          %parallel_loop3A_323 = arith.index_cast %parallel_loop3A_278 : i32 to index
          %parallel_loop3A_324 = arith.constant 96 : index
          %parallel_loop3A_325 = tpu.vector_load %arg15[%parallel_loop3A_323, %parallel_loop3A_324] {strides = array<i32>} : memref<80x128xf32, #tpu.memory_space<vmem>>, vector<16xf32>,
          %parallel_loop3A_326 = arith.mulf %parallel_loop3A_325, %parallel_loop3A_280 : vector<16xf32>
          %parallel_loop3A_327 = arith.index_cast %parallel_loop3A_278 : i32 to index
          %parallel_loop3A_328 = arith.constant 96 : index
          %parallel_loop3A_329 = tpu.vector_load %arg15[%parallel_loop3A_327, %parallel_loop3A_328] {strides = array<i32>} : memref<80x128xf32, #tpu.memory_space<vmem>>, vector<16xf32>,
          tpu.vector_store %arg15[%parallel_loop3A_327, %parallel_loop3A_328], %parallel_loop3A_326 {strides = array<i32>} : memref<80x128xf32, #tpu.memory_space<vmem>>, vector<16xf32>,
          %parallel_loop3A_330 = arith.index_cast %parallel_loop3A_278 : i32 to index
          %parallel_loop3A_331 = arith.constant 112 : index
          %parallel_loop3A_332 = tpu.vector_load %arg15[%parallel_loop3A_330, %parallel_loop3A_331] {strides = array<i32>} : memref<80x128xf32, #tpu.memory_space<vmem>>, vector<16xf32>,
          %parallel_loop3A_333 = arith.mulf %parallel_loop3A_332, %parallel_loop3A_280 : vector<16xf32>
          %parallel_loop3A_334 = arith.index_cast %parallel_loop3A_278 : i32 to index
          %parallel_loop3A_335 = arith.constant 112 : index
          %parallel_loop3A_336 = tpu.vector_load %arg15[%parallel_loop3A_334, %parallel_loop3A_335] {strides = array<i32>} : memref<80x128xf32, #tpu.memory_space<vmem>>, vector<16xf32>,
          tpu.vector_store %arg15[%parallel_loop3A_334, %parallel_loop3A_335], %parallel_loop3A_333 {strides = array<i32>} : memref<80x128xf32, #tpu.memory_space<vmem>>, vector<16xf32>,
        } {sc.loop_unroll_factor = 8 : i64, sc.parallel_access}
        %dma_start3A_271 = arith.constant 1 : i32
        %dma_start3A_272 = arith.constant 0 : i32
        %dma_start3A_273 = tpu.memref_slice %arg10[%dma_start3A_271, %dma_start3A_272] : memref<4x80xi32, #tpu.memory_space<vmem>> -> memref<1x80xi32, #tpu.memory_space<vmem>>
        %dma_start3A_274 = tpu.memref_squeeze %dma_start3A_273 : memref<1x80xi32, #tpu.memory_space<vmem>> -> memref<80xi32, #tpu.memory_space<vmem>>
        %dma_start3A_275 = arith.constant 0 : i32
        %dma_start3A_276 = arith.constant 0 : i32
        %dma_start3A_277 = tpu.memref_slice %arg7[%dma_start3A_275, %dma_start3A_276] : memref<10240x128xf32, #tpu.memory_space<vmem_shared>> -> memref<10240x128xf32, #tpu.memory_space<vmem_shared>>
        tpu.enqueue_indirect_dma source(%arg15 : memref<80x128xf32, #tpu.memory_space<vmem>>) target(%dma_start3A_277 : memref<10240x128xf32, #tpu.memory_space<vmem_shared>>) offsets(%dma_start3A_274 : memref<80xi32, #tpu.memory_space<vmem>>) semaphore(%arg23 : memref<!tpu.dma_semaphore, #tpu.memory_space<semaphore_mem>>) {add = true}
      } else {
      }
      %add3A_230 = arith.constant 2 : i32
      %add3A_231 = arith.addi %add3A_204, %add3A_230 : i32
      %add3A_232 = arith.constant 1 : i32
      %add3A_233 = arith.addi %add3A_231, %add3A_232 : i32
      %lt3A_234 = arith.constant 125 : i32
      %lt3A_235 = arith.cmpi slt, %add3A_233, %lt3A_234 : i32
      %convert_element_type3A_236 = arith.extui %lt3A_235 : i1 to i32
      %cond3A_237 = arith.constant 0 : i32
      %cond3A_238 = arith.cmpi ne, %convert_element_type3A_236, %cond3A_237 : i32
      scf.if %cond3A_238 {
        %ge3A = arith.constant 1 : i32
        %ge3A_258 = arith.cmpi sge, %add3A_231, %ge3A : i32
        %convert_element_type3A_259 = arith.extui %ge3A_258 : i1 to i32
        %cond3A_260 = arith.constant 0 : i32
        %cond3A_261 = arith.cmpi ne, %convert_element_type3A_259, %cond3A_260 : i32
        scf.if %cond3A_261 {
          %dma_wait3A_298 = arith.constant 0 : i32
          %dma_wait3A_299 = arith.constant 0 : i32
          %dma_wait3A_300 = tpu.memref_slice %arg7[%dma_wait3A_298, %dma_wait3A_299] : memref<10240x128xf32, #tpu.memory_space<vmem_shared>> -> memref<80x128xf32, #tpu.memory_space<vmem_shared>>
          %dma_wait3A_301 = arith.constant 0 : i32
          %dma_wait3A_302 = arith.constant 0 : i32
          %dma_wait3A_303 = tpu.memref_slice %arg7[%dma_wait3A_301, %dma_wait3A_302] : memref<10240x128xf32, #tpu.memory_space<vmem_shared>> -> memref<80x128xf32, #tpu.memory_space<vmem_shared>>
          tpu.wait_dma2 semaphore(%arg23 : memref<!tpu.dma_semaphore, #tpu.memory_space<semaphore_mem>>) src(%arg15 : memref<80x128xf32, #tpu.memory_space<vmem>>) dst(%dma_wait3A_303 : memref<80x128xf32, #tpu.memory_space<vmem_shared>>)
        } else {
        }
        %dma_wait3A_262 = arith.constant 3 : i32
        %dma_wait3A_263 = arith.constant 0 : i32
        %dma_wait3A_264 = tpu.memref_slice %arg10[%dma_wait3A_262, %dma_wait3A_263] : memref<4x80xi32, #tpu.memory_space<vmem>> -> memref<1x80xi32, #tpu.memory_space<vmem>>
        %dma_wait3A_265 = tpu.memref_squeeze %dma_wait3A_264 : memref<1x80xi32, #tpu.memory_space<vmem>> -> memref<80xi32, #tpu.memory_space<vmem>>
        %dma_wait3A_266 = arith.constant 0 : i32
        %dma_wait3A_267 = tpu.memref_slice %arg4[%dma_wait3A_266] : memref<320000xi32, #tpu.memory_space<hbm>> -> memref<80xi32, #tpu.memory_space<hbm>>
        %dma_wait3A_268 = arith.constant 0 : i32
        %dma_wait3A_269 = tpu.memref_slice %arg10[%dma_wait3A_262, %dma_wait3A_268] : memref<4x80xi32, #tpu.memory_space<vmem>> -> memref<1x80xi32, #tpu.memory_space<vmem>>
        %dma_wait3A_270 = tpu.memref_squeeze %dma_wait3A_269 : memref<1x80xi32, #tpu.memory_space<vmem>> -> memref<80xi32, #tpu.memory_space<vmem>>
        %dma_wait3A_271 = arith.constant 0 : i32
        %dma_wait3A_272 = tpu.memref_slice %arg4[%dma_wait3A_271] : memref<320000xi32, #tpu.memory_space<hbm>> -> memref<80xi32, #tpu.memory_space<hbm>>
        tpu.wait_dma2 semaphore(%arg19 : memref<!tpu.dma_semaphore, #tpu.memory_space<semaphore_mem>>) src(%dma_wait3A_272 : memref<80xi32, #tpu.memory_space<hbm>>) dst(%dma_wait3A_270 : memref<80xi32, #tpu.memory_space<vmem>>)
        %dma_wait3A_273 = arith.constant 3 : i32
        %dma_wait3A_274 = arith.constant 0 : i32
        %dma_wait3A_275 = tpu.memref_slice %arg11[%dma_wait3A_273, %dma_wait3A_274] : memref<4x80xi32, #tpu.memory_space<vmem>> -> memref<1x80xi32, #tpu.memory_space<vmem>>
        %dma_wait3A_276 = tpu.memref_squeeze %dma_wait3A_275 : memref<1x80xi32, #tpu.memory_space<vmem>> -> memref<80xi32, #tpu.memory_space<vmem>>
        %dma_wait3A_277 = arith.constant 0 : i32
        %dma_wait3A_278 = tpu.memref_slice %arg4[%dma_wait3A_277] : memref<320000xi32, #tpu.memory_space<hbm>> -> memref<80xi32, #tpu.memory_space<hbm>>
        %dma_wait3A_279 = arith.constant 0 : i32
        %dma_wait3A_280 = tpu.memref_slice %arg11[%dma_wait3A_273, %dma_wait3A_279] : memref<4x80xi32, #tpu.memory_space<vmem>> -> memref<1x80xi32, #tpu.memory_space<vmem>>
        %dma_wait3A_281 = tpu.memref_squeeze %dma_wait3A_280 : memref<1x80xi32, #tpu.memory_space<vmem>> -> memref<80xi32, #tpu.memory_space<vmem>>
        %dma_wait3A_282 = arith.constant 0 : i32
        %dma_wait3A_283 = tpu.memref_slice %arg4[%dma_wait3A_282] : memref<320000xi32, #tpu.memory_space<hbm>> -> memref<80xi32, #tpu.memory_space<hbm>>
        tpu.wait_dma2 semaphore(%arg19 : memref<!tpu.dma_semaphore, #tpu.memory_space<semaphore_mem>>) src(%dma_wait3A_283 : memref<80xi32, #tpu.memory_space<hbm>>) dst(%dma_wait3A_281 : memref<80xi32, #tpu.memory_space<vmem>>)
        %dma_start3A_284 = arith.constant 3 : i32
        %dma_start3A_285 = arith.constant 0 : i32
        %dma_start3A_286 = tpu.memref_slice %arg11[%dma_start3A_284, %dma_start3A_285] : memref<4x80xi32, #tpu.memory_space<vmem>> -> memref<1x80xi32, #tpu.memory_space<vmem>>
        %dma_start3A_287 = tpu.memref_squeeze %dma_start3A_286 : memref<1x80xi32, #tpu.memory_space<vmem>> -> memref<80xi32, #tpu.memory_space<vmem>>
        %dma_start3A_288 = arith.constant 0 : i32
        %dma_start3A_289 = arith.constant 0 : i32
        %dma_start3A_290 = tpu.memref_slice %arg2[%dma_start3A_288, %dma_start3A_289] : memref<10000x128xf32, #tpu.memory_space<hbm>> -> memref<10000x128xf32, #tpu.memory_space<hbm>>
        tpu.enqueue_indirect_dma source(%dma_start3A_290 : memref<10000x128xf32, #tpu.memory_space<hbm>>) target(%arg15 : memref<80x128xf32, #tpu.memory_space<vmem>>) offsets(%dma_start3A_287 : memref<80xi32, #tpu.memory_space<vmem>>) semaphore(%arg21 : memref<!tpu.dma_semaphore, #tpu.memory_space<semaphore_mem>>)
        %add3A_291 = arith.constant 3 : i32
        %add3A_292 = arith.addi %add3A_231, %add3A_291 : i32
        %lt3A_293 = arith.constant 125 : i32
        %lt3A_294 = arith.cmpi slt, %add3A_292, %lt3A_293 : i32
        %convert_element_type3A_295 = arith.extui %lt3A_294 : i1 to i32
        %cond3A_296 = arith.constant 0 : i32
        %cond3A_297 = arith.cmpi ne, %convert_element_type3A_295, %cond3A_296 : i32
        scf.if %cond3A_297 {
          %add3A_298 = arith.constant 3 : i32
          %add3A_299 = arith.addi %add3A_231, %add3A_298 : i32
          %add3A_300 = arith.addi %mul3A_4, %add3A_299 : i32
          %mul3A_301 = arith.constant 80 : i32
          %mul3A_302 = arith.muli %add3A_300, %mul3A_301 : i32
          %dma_start3A_303 = arith.constant 1 : i32
          %dma_start3A_304 = arith.constant 0 : i32
          %dma_start3A_305 = tpu.memref_slice %arg10[%dma_start3A_303, %dma_start3A_304] : memref<4x80xi32, #tpu.memory_space<vmem>> -> memref<1x80xi32, #tpu.memory_space<vmem>>
          %dma_start3A_306 = tpu.memref_squeeze %dma_start3A_305 : memref<1x80xi32, #tpu.memory_space<vmem>> -> memref<80xi32, #tpu.memory_space<vmem>>
          %dma_start3A_307 = tpu.memref_slice %arg4[%mul3A_302] : memref<320000xi32, #tpu.memory_space<hbm>> -> memref<80xi32, #tpu.memory_space<hbm>>
          %dma_start3A_308 = arith.constant 0 : i32
          %dma_start3A_309 = tpu.memref_slice %arg10[%dma_start3A_303, %dma_start3A_308] : memref<4x80xi32, #tpu.memory_space<vmem>> -> memref<1x80xi32, #tpu.memory_space<vmem>>
          %dma_start3A_310 = tpu.memref_squeeze %dma_start3A_309 : memref<1x80xi32, #tpu.memory_space<vmem>> -> memref<80xi32, #tpu.memory_space<vmem>>
          %dma_start3A_311 = tpu.memref_slice %arg4[%mul3A_302] : memref<320000xi32, #tpu.memory_space<hbm>> -> memref<80xi32, #tpu.memory_space<hbm>>
          tpu.enqueue_dma source(%dma_start3A_311 : memref<80xi32, #tpu.memory_space<hbm>>) target(%dma_start3A_310 : memref<80xi32, #tpu.memory_space<vmem>>) target_semaphore(%arg17 : memref<!tpu.dma_semaphore, #tpu.memory_space<semaphore_mem>>)
          %dma_start3A_312 = arith.constant 1 : i32
          %dma_start3A_313 = arith.constant 0 : i32
          %dma_start3A_314 = tpu.memref_slice %arg11[%dma_start3A_312, %dma_start3A_313] : memref<4x80xi32, #tpu.memory_space<vmem>> -> memref<1x80xi32, #tpu.memory_space<vmem>>
          %dma_start3A_315 = tpu.memref_squeeze %dma_start3A_314 : memref<1x80xi32, #tpu.memory_space<vmem>> -> memref<80xi32, #tpu.memory_space<vmem>>
          %dma_start3A_316 = tpu.memref_slice %arg5[%mul3A_302] : memref<320000xi32, #tpu.memory_space<hbm>> -> memref<80xi32, #tpu.memory_space<hbm>>
          %dma_start3A_317 = arith.constant 0 : i32
          %dma_start3A_318 = tpu.memref_slice %arg11[%dma_start3A_312, %dma_start3A_317] : memref<4x80xi32, #tpu.memory_space<vmem>> -> memref<1x80xi32, #tpu.memory_space<vmem>>
          %dma_start3A_319 = tpu.memref_squeeze %dma_start3A_318 : memref<1x80xi32, #tpu.memory_space<vmem>> -> memref<80xi32, #tpu.memory_space<vmem>>
          %dma_start3A_320 = tpu.memref_slice %arg5[%mul3A_302] : memref<320000xi32, #tpu.memory_space<hbm>> -> memref<80xi32, #tpu.memory_space<hbm>>
          tpu.enqueue_dma source(%dma_start3A_320 : memref<80xi32, #tpu.memory_space<hbm>>) target(%dma_start3A_319 : memref<80xi32, #tpu.memory_space<vmem>>) target_semaphore(%arg17 : memref<!tpu.dma_semaphore, #tpu.memory_space<semaphore_mem>>)
        } else {
        }
      } else {
      }
      %lt3A_239 = arith.constant 125 : i32
      %lt3A_240 = arith.cmpi slt, %add3A_231, %lt3A_239 : i32
      %convert_element_type3A_241 = arith.extui %lt3A_240 : i1 to i32
      %cond3A_242 = arith.constant 0 : i32
      %cond3A_243 = arith.cmpi ne, %convert_element_type3A_241, %cond3A_242 : i32
      scf.if %cond3A_243 {
        %dma_wait3A_258 = arith.constant 0 : i32
        %dma_wait3A_259 = arith.constant 0 : i32
        %dma_wait3A_260 = tpu.memref_slice %arg2[%dma_wait3A_258, %dma_wait3A_259] : memref<10000x128xf32, #tpu.memory_space<hbm>> -> memref<80x128xf32, #tpu.memory_space<hbm>>
        %dma_wait3A_261 = arith.constant 0 : i32
        %dma_wait3A_262 = arith.constant 0 : i32
        %dma_wait3A_263 = tpu.memref_slice %arg2[%dma_wait3A_261, %dma_wait3A_262] : memref<10000x128xf32, #tpu.memory_space<hbm>> -> memref<80x128xf32, #tpu.memory_space<hbm>>
        tpu.wait_dma2 semaphore(%arg20 : memref<!tpu.dma_semaphore, #tpu.memory_space<semaphore_mem>>) src(%dma_wait3A_263 : memref<80x128xf32, #tpu.memory_space<hbm>>) dst(%arg14 : memref<80x128xf32, #tpu.memory_space<vmem>>)
        %parallel_loop3A = arith.constant 0 : i32
        %parallel_loop3A_264 = arith.constant 80 : i32
        %parallel_loop3A_265 = arith.constant 16 : i32
        %parallel_loop3A_266 = arith.constant 2 : i32
        %parallel_loop3A_267 = arith.constant 2 : i32
        scf.for %parallel_loop3A_278 = %parallel_loop3A to %parallel_loop3A_264 step %parallel_loop3A_265  : i32 {
          %parallel_loop3A_279 = arith.constant 0 : i32
          %parallel_loop3A_280 = tpu.memref_slice %arg10[%parallel_loop3A_266, %parallel_loop3A_279] : memref<4x80xi32, #tpu.memory_space<vmem>> -> memref<1x80xi32, #tpu.memory_space<vmem>>
          %parallel_loop3A_281 = tpu.memref_squeeze %parallel_loop3A_280 : memref<1x80xi32, #tpu.memory_space<vmem>> -> memref<80xi32, #tpu.memory_space<vmem>>
          %parallel_loop3A_282 = arith.index_cast %parallel_loop3A_278 : i32 to index
          %parallel_loop3A_283 = tpu.vector_load %parallel_loop3A_281[%parallel_loop3A_282] {strides = array<i32>} : memref<80xi32, #tpu.memory_space<vmem>>, vector<16xi32>,
          %parallel_loop3A_284 = tpu.vector_load_idx %arg8[%parallel_loop3A_283] : memref<10000xi32, #tpu.memory_space<vmem>>[vector<16xi32>], vector<16xi32>,
          %parallel_loop3A_285 = arith.constant 0 : i32
          %parallel_loop3A_286 = tpu.memref_slice %arg11[%parallel_loop3A_267, %parallel_loop3A_285] : memref<4x80xi32, #tpu.memory_space<vmem>> -> memref<1x80xi32, #tpu.memory_space<vmem>>
          %parallel_loop3A_287 = tpu.memref_squeeze %parallel_loop3A_286 : memref<1x80xi32, #tpu.memory_space<vmem>> -> memref<80xi32, #tpu.memory_space<vmem>>
          %parallel_loop3A_288 = arith.index_cast %parallel_loop3A_278 : i32 to index
          %parallel_loop3A_289 = tpu.vector_load %parallel_loop3A_287[%parallel_loop3A_288] {strides = array<i32>} : memref<80xi32, #tpu.memory_space<vmem>>, vector<16xi32>,
          %parallel_loop3A_290 = tpu.vector_load_idx %arg8[%parallel_loop3A_289] : memref<10000xi32, #tpu.memory_space<vmem>>[vector<16xi32>], vector<16xi32>,
          %parallel_loop3A_291 = arith.constant -65536 : i32
          %parallel_loop3A_292 = vector.broadcast %parallel_loop3A_291 : i32 to vector<16xi32>
          %parallel_loop3A_293 = arith.andi %parallel_loop3A_284, %parallel_loop3A_292 : vector<16xi32>
          %parallel_loop3A_294 = vector.bitcast %parallel_loop3A_293 : vector<16xi32> to vector<16xf32>
          %parallel_loop3A_295 = arith.constant 16 : i32
          %parallel_loop3A_296 = vector.broadcast %parallel_loop3A_295 : i32 to vector<16xi32>
          %parallel_loop3A_297 = arith.shli %parallel_loop3A_290, %parallel_loop3A_296 : vector<16xi32>
          %parallel_loop3A_298 = vector.bitcast %parallel_loop3A_297 : vector<16xi32> to vector<16xf32>
          %parallel_loop3A_299 = arith.addf %parallel_loop3A_294, %parallel_loop3A_298 : vector<16xf32>
          %parallel_loop3A_300 = arith.constant 2.000000e-01 : f32
          %parallel_loop3A_301 = vector.broadcast %parallel_loop3A_300 : f32 to vector<16xf32>
          %parallel_loop3A_302 = arith.mulf %parallel_loop3A_301, %parallel_loop3A_299 : vector<16xf32>
          %parallel_loop3A_303 = arith.maximumf %parallel_loop3A_299, %parallel_loop3A_302 : vector<16xf32>
          %parallel_loop3A_304 = arith.constant 0.000000e+00 : f32
          %parallel_loop3A_305 = vector.broadcast %parallel_loop3A_304 : f32 to vector<16xf32>
          %parallel_loop3A_306 = arith.subf %parallel_loop3A_305, %parallel_loop3A_303 : vector<16xf32>
          %parallel_loop3A_307 = math.exp %parallel_loop3A_306 : vector<16xf32>
          %parallel_loop3A_308 = arith.index_cast %parallel_loop3A_278 : i32 to index
          %parallel_loop3A_309 = tpu.vector_load %arg12[%parallel_loop3A_308] {strides = array<i32>} : memref<80xf32, #tpu.memory_space<vmem>>, vector<16xf32>,
          tpu.vector_store %arg12[%parallel_loop3A_308], %parallel_loop3A_307 {strides = array<i32>} : memref<80xf32, #tpu.memory_space<vmem>>, vector<16xf32>,
          %parallel_loop3A_310 = arith.constant 7 : i32
          %parallel_loop3A_311 = vector.broadcast %parallel_loop3A_310 : i32 to vector<16xi32>
          %parallel_loop3A_312 = arith.shrui %parallel_loop3A_283, %parallel_loop3A_311 : vector<16xi32>
          %parallel_loop3A_313 = arith.constant 127 : i32
          %parallel_loop3A_314 = vector.broadcast %parallel_loop3A_313 : i32 to vector<16xi32>
          %parallel_loop3A_315 = arith.andi %parallel_loop3A_283, %parallel_loop3A_314 : vector<16xi32>
          tpu.vector_store_idx %arg9[%parallel_loop3A_312, %parallel_loop3A_315], %parallel_loop3A_307 masked %eq3A_133 {add = true} : memref<80x128xf32, #tpu.memory_space<vmem>>[vector<16xi32>, vector<16xi32>], vector<16xf32>, vector<16xi1>
          tpu.vector_store_idx %arg9[%parallel_loop3A_312, %parallel_loop3A_315], %parallel_loop3A_307 masked %eq3A_136 {add = true} : memref<80x128xf32, #tpu.memory_space<vmem>>[vector<16xi32>, vector<16xi32>], vector<16xf32>, vector<16xi1>
          tpu.vector_store_idx %arg9[%parallel_loop3A_312, %parallel_loop3A_315], %parallel_loop3A_307 masked %eq3A_139 {add = true} : memref<80x128xf32, #tpu.memory_space<vmem>>[vector<16xi32>, vector<16xi32>], vector<16xf32>, vector<16xi1>
          tpu.vector_store_idx %arg9[%parallel_loop3A_312, %parallel_loop3A_315], %parallel_loop3A_307 masked %eq3A_142 {add = true} : memref<80x128xf32, #tpu.memory_space<vmem>>[vector<16xi32>, vector<16xi32>], vector<16xf32>, vector<16xi1>
          tpu.vector_store_idx %arg9[%parallel_loop3A_312, %parallel_loop3A_315], %parallel_loop3A_307 masked %eq3A_145 {add = true} : memref<80x128xf32, #tpu.memory_space<vmem>>[vector<16xi32>, vector<16xi32>], vector<16xf32>, vector<16xi1>
          tpu.vector_store_idx %arg9[%parallel_loop3A_312, %parallel_loop3A_315], %parallel_loop3A_307 masked %eq3A_148 {add = true} : memref<80x128xf32, #tpu.memory_space<vmem>>[vector<16xi32>, vector<16xi32>], vector<16xf32>, vector<16xi1>
          tpu.vector_store_idx %arg9[%parallel_loop3A_312, %parallel_loop3A_315], %parallel_loop3A_307 masked %eq3A_151 {add = true} : memref<80x128xf32, #tpu.memory_space<vmem>>[vector<16xi32>, vector<16xi32>], vector<16xf32>, vector<16xi1>
          tpu.vector_store_idx %arg9[%parallel_loop3A_312, %parallel_loop3A_315], %parallel_loop3A_307 masked %eq3A_154 {add = true} : memref<80x128xf32, #tpu.memory_space<vmem>>[vector<16xi32>, vector<16xi32>], vector<16xf32>, vector<16xi1>
          tpu.vector_store_idx %arg9[%parallel_loop3A_312, %parallel_loop3A_315], %parallel_loop3A_307 masked %eq3A_157 {add = true} : memref<80x128xf32, #tpu.memory_space<vmem>>[vector<16xi32>, vector<16xi32>], vector<16xf32>, vector<16xi1>
          tpu.vector_store_idx %arg9[%parallel_loop3A_312, %parallel_loop3A_315], %parallel_loop3A_307 masked %eq3A_160 {add = true} : memref<80x128xf32, #tpu.memory_space<vmem>>[vector<16xi32>, vector<16xi32>], vector<16xf32>, vector<16xi1>
          tpu.vector_store_idx %arg9[%parallel_loop3A_312, %parallel_loop3A_315], %parallel_loop3A_307 masked %eq3A_163 {add = true} : memref<80x128xf32, #tpu.memory_space<vmem>>[vector<16xi32>, vector<16xi32>], vector<16xf32>, vector<16xi1>
          tpu.vector_store_idx %arg9[%parallel_loop3A_312, %parallel_loop3A_315], %parallel_loop3A_307 masked %eq3A_166 {add = true} : memref<80x128xf32, #tpu.memory_space<vmem>>[vector<16xi32>, vector<16xi32>], vector<16xf32>, vector<16xi1>
          tpu.vector_store_idx %arg9[%parallel_loop3A_312, %parallel_loop3A_315], %parallel_loop3A_307 masked %eq3A_169 {add = true} : memref<80x128xf32, #tpu.memory_space<vmem>>[vector<16xi32>, vector<16xi32>], vector<16xf32>, vector<16xi1>
          tpu.vector_store_idx %arg9[%parallel_loop3A_312, %parallel_loop3A_315], %parallel_loop3A_307 masked %eq3A_172 {add = true} : memref<80x128xf32, #tpu.memory_space<vmem>>[vector<16xi32>, vector<16xi32>], vector<16xf32>, vector<16xi1>
          tpu.vector_store_idx %arg9[%parallel_loop3A_312, %parallel_loop3A_315], %parallel_loop3A_307 masked %eq3A_175 {add = true} : memref<80x128xf32, #tpu.memory_space<vmem>>[vector<16xi32>, vector<16xi32>], vector<16xf32>, vector<16xi1>
          tpu.vector_store_idx %arg9[%parallel_loop3A_312, %parallel_loop3A_315], %parallel_loop3A_307 masked %eq3A_178 {add = true} : memref<80x128xf32, #tpu.memory_space<vmem>>[vector<16xi32>, vector<16xi32>], vector<16xf32>, vector<16xi1>
        } {sc.loop_unroll_factor = 5 : i64, sc.parallel_access}
        %parallel_loop3A_268 = arith.constant 0 : i32
        %parallel_loop3A_269 = arith.constant 80 : i32
        %parallel_loop3A_270 = arith.constant 1 : i32
        scf.for %parallel_loop3A_278 = %parallel_loop3A_268 to %parallel_loop3A_269 step %parallel_loop3A_270  : i32 {
          %parallel_loop3A_279 = vector.broadcast %parallel_loop3A_278 : i32 to vector<16xi32>
          %parallel_loop3A_280 = tpu.vector_load_idx %arg12[%parallel_loop3A_279] : memref<80xf32, #tpu.memory_space<vmem>>[vector<16xi32>], vector<16xf32>,
          %parallel_loop3A_281 = arith.index_cast %parallel_loop3A_278 : i32 to index
          %parallel_loop3A_282 = arith.constant 0 : index
          %parallel_loop3A_283 = tpu.vector_load %arg14[%parallel_loop3A_281, %parallel_loop3A_282] {strides = array<i32>} : memref<80x128xf32, #tpu.memory_space<vmem>>, vector<16xf32>,
          %parallel_loop3A_284 = arith.mulf %parallel_loop3A_283, %parallel_loop3A_280 : vector<16xf32>
          %parallel_loop3A_285 = arith.index_cast %parallel_loop3A_278 : i32 to index
          %parallel_loop3A_286 = arith.constant 0 : index
          %parallel_loop3A_287 = tpu.vector_load %arg14[%parallel_loop3A_285, %parallel_loop3A_286] {strides = array<i32>} : memref<80x128xf32, #tpu.memory_space<vmem>>, vector<16xf32>,
          tpu.vector_store %arg14[%parallel_loop3A_285, %parallel_loop3A_286], %parallel_loop3A_284 {strides = array<i32>} : memref<80x128xf32, #tpu.memory_space<vmem>>, vector<16xf32>,
          %parallel_loop3A_288 = arith.index_cast %parallel_loop3A_278 : i32 to index
          %parallel_loop3A_289 = arith.constant 16 : index
          %parallel_loop3A_290 = tpu.vector_load %arg14[%parallel_loop3A_288, %parallel_loop3A_289] {strides = array<i32>} : memref<80x128xf32, #tpu.memory_space<vmem>>, vector<16xf32>,
          %parallel_loop3A_291 = arith.mulf %parallel_loop3A_290, %parallel_loop3A_280 : vector<16xf32>
          %parallel_loop3A_292 = arith.index_cast %parallel_loop3A_278 : i32 to index
          %parallel_loop3A_293 = arith.constant 16 : index
          %parallel_loop3A_294 = tpu.vector_load %arg14[%parallel_loop3A_292, %parallel_loop3A_293] {strides = array<i32>} : memref<80x128xf32, #tpu.memory_space<vmem>>, vector<16xf32>,
          tpu.vector_store %arg14[%parallel_loop3A_292, %parallel_loop3A_293], %parallel_loop3A_291 {strides = array<i32>} : memref<80x128xf32, #tpu.memory_space<vmem>>, vector<16xf32>,
          %parallel_loop3A_295 = arith.index_cast %parallel_loop3A_278 : i32 to index
          %parallel_loop3A_296 = arith.constant 32 : index
          %parallel_loop3A_297 = tpu.vector_load %arg14[%parallel_loop3A_295, %parallel_loop3A_296] {strides = array<i32>} : memref<80x128xf32, #tpu.memory_space<vmem>>, vector<16xf32>,
          %parallel_loop3A_298 = arith.mulf %parallel_loop3A_297, %parallel_loop3A_280 : vector<16xf32>
          %parallel_loop3A_299 = arith.index_cast %parallel_loop3A_278 : i32 to index
          %parallel_loop3A_300 = arith.constant 32 : index
          %parallel_loop3A_301 = tpu.vector_load %arg14[%parallel_loop3A_299, %parallel_loop3A_300] {strides = array<i32>} : memref<80x128xf32, #tpu.memory_space<vmem>>, vector<16xf32>,
          tpu.vector_store %arg14[%parallel_loop3A_299, %parallel_loop3A_300], %parallel_loop3A_298 {strides = array<i32>} : memref<80x128xf32, #tpu.memory_space<vmem>>, vector<16xf32>,
          %parallel_loop3A_302 = arith.index_cast %parallel_loop3A_278 : i32 to index
          %parallel_loop3A_303 = arith.constant 48 : index
          %parallel_loop3A_304 = tpu.vector_load %arg14[%parallel_loop3A_302, %parallel_loop3A_303] {strides = array<i32>} : memref<80x128xf32, #tpu.memory_space<vmem>>, vector<16xf32>,
          %parallel_loop3A_305 = arith.mulf %parallel_loop3A_304, %parallel_loop3A_280 : vector<16xf32>
          %parallel_loop3A_306 = arith.index_cast %parallel_loop3A_278 : i32 to index
          %parallel_loop3A_307 = arith.constant 48 : index
          %parallel_loop3A_308 = tpu.vector_load %arg14[%parallel_loop3A_306, %parallel_loop3A_307] {strides = array<i32>} : memref<80x128xf32, #tpu.memory_space<vmem>>, vector<16xf32>,
          tpu.vector_store %arg14[%parallel_loop3A_306, %parallel_loop3A_307], %parallel_loop3A_305 {strides = array<i32>} : memref<80x128xf32, #tpu.memory_space<vmem>>, vector<16xf32>,
          %parallel_loop3A_309 = arith.index_cast %parallel_loop3A_278 : i32 to index
          %parallel_loop3A_310 = arith.constant 64 : index
          %parallel_loop3A_311 = tpu.vector_load %arg14[%parallel_loop3A_309, %parallel_loop3A_310] {strides = array<i32>} : memref<80x128xf32, #tpu.memory_space<vmem>>, vector<16xf32>,
          %parallel_loop3A_312 = arith.mulf %parallel_loop3A_311, %parallel_loop3A_280 : vector<16xf32>
          %parallel_loop3A_313 = arith.index_cast %parallel_loop3A_278 : i32 to index
          %parallel_loop3A_314 = arith.constant 64 : index
          %parallel_loop3A_315 = tpu.vector_load %arg14[%parallel_loop3A_313, %parallel_loop3A_314] {strides = array<i32>} : memref<80x128xf32, #tpu.memory_space<vmem>>, vector<16xf32>,
          tpu.vector_store %arg14[%parallel_loop3A_313, %parallel_loop3A_314], %parallel_loop3A_312 {strides = array<i32>} : memref<80x128xf32, #tpu.memory_space<vmem>>, vector<16xf32>,
          %parallel_loop3A_316 = arith.index_cast %parallel_loop3A_278 : i32 to index
          %parallel_loop3A_317 = arith.constant 80 : index
          %parallel_loop3A_318 = tpu.vector_load %arg14[%parallel_loop3A_316, %parallel_loop3A_317] {strides = array<i32>} : memref<80x128xf32, #tpu.memory_space<vmem>>, vector<16xf32>,
          %parallel_loop3A_319 = arith.mulf %parallel_loop3A_318, %parallel_loop3A_280 : vector<16xf32>
          %parallel_loop3A_320 = arith.index_cast %parallel_loop3A_278 : i32 to index
          %parallel_loop3A_321 = arith.constant 80 : index
          %parallel_loop3A_322 = tpu.vector_load %arg14[%parallel_loop3A_320, %parallel_loop3A_321] {strides = array<i32>} : memref<80x128xf32, #tpu.memory_space<vmem>>, vector<16xf32>,
          tpu.vector_store %arg14[%parallel_loop3A_320, %parallel_loop3A_321], %parallel_loop3A_319 {strides = array<i32>} : memref<80x128xf32, #tpu.memory_space<vmem>>, vector<16xf32>,
          %parallel_loop3A_323 = arith.index_cast %parallel_loop3A_278 : i32 to index
          %parallel_loop3A_324 = arith.constant 96 : index
          %parallel_loop3A_325 = tpu.vector_load %arg14[%parallel_loop3A_323, %parallel_loop3A_324] {strides = array<i32>} : memref<80x128xf32, #tpu.memory_space<vmem>>, vector<16xf32>,
          %parallel_loop3A_326 = arith.mulf %parallel_loop3A_325, %parallel_loop3A_280 : vector<16xf32>
          %parallel_loop3A_327 = arith.index_cast %parallel_loop3A_278 : i32 to index
          %parallel_loop3A_328 = arith.constant 96 : index
          %parallel_loop3A_329 = tpu.vector_load %arg14[%parallel_loop3A_327, %parallel_loop3A_328] {strides = array<i32>} : memref<80x128xf32, #tpu.memory_space<vmem>>, vector<16xf32>,
          tpu.vector_store %arg14[%parallel_loop3A_327, %parallel_loop3A_328], %parallel_loop3A_326 {strides = array<i32>} : memref<80x128xf32, #tpu.memory_space<vmem>>, vector<16xf32>,
          %parallel_loop3A_330 = arith.index_cast %parallel_loop3A_278 : i32 to index
          %parallel_loop3A_331 = arith.constant 112 : index
          %parallel_loop3A_332 = tpu.vector_load %arg14[%parallel_loop3A_330, %parallel_loop3A_331] {strides = array<i32>} : memref<80x128xf32, #tpu.memory_space<vmem>>, vector<16xf32>,
          %parallel_loop3A_333 = arith.mulf %parallel_loop3A_332, %parallel_loop3A_280 : vector<16xf32>
          %parallel_loop3A_334 = arith.index_cast %parallel_loop3A_278 : i32 to index
          %parallel_loop3A_335 = arith.constant 112 : index
          %parallel_loop3A_336 = tpu.vector_load %arg14[%parallel_loop3A_334, %parallel_loop3A_335] {strides = array<i32>} : memref<80x128xf32, #tpu.memory_space<vmem>>, vector<16xf32>,
          tpu.vector_store %arg14[%parallel_loop3A_334, %parallel_loop3A_335], %parallel_loop3A_333 {strides = array<i32>} : memref<80x128xf32, #tpu.memory_space<vmem>>, vector<16xf32>,
        } {sc.loop_unroll_factor = 8 : i64, sc.parallel_access}
        %dma_start3A_271 = arith.constant 2 : i32
        %dma_start3A_272 = arith.constant 0 : i32
        %dma_start3A_273 = tpu.memref_slice %arg10[%dma_start3A_271, %dma_start3A_272] : memref<4x80xi32, #tpu.memory_space<vmem>> -> memref<1x80xi32, #tpu.memory_space<vmem>>
        %dma_start3A_274 = tpu.memref_squeeze %dma_start3A_273 : memref<1x80xi32, #tpu.memory_space<vmem>> -> memref<80xi32, #tpu.memory_space<vmem>>
        %dma_start3A_275 = arith.constant 0 : i32
        %dma_start3A_276 = arith.constant 0 : i32
        %dma_start3A_277 = tpu.memref_slice %arg7[%dma_start3A_275, %dma_start3A_276] : memref<10240x128xf32, #tpu.memory_space<vmem_shared>> -> memref<10240x128xf32, #tpu.memory_space<vmem_shared>>
        tpu.enqueue_indirect_dma source(%arg14 : memref<80x128xf32, #tpu.memory_space<vmem>>) target(%dma_start3A_277 : memref<10240x128xf32, #tpu.memory_space<vmem_shared>>) offsets(%dma_start3A_274 : memref<80xi32, #tpu.memory_space<vmem>>) semaphore(%arg22 : memref<!tpu.dma_semaphore, #tpu.memory_space<semaphore_mem>>) {add = true}
      } else {
      }
      %add3A_244 = arith.constant 3 : i32
      %add3A_245 = arith.addi %add3A_204, %add3A_244 : i32
      %add3A_246 = arith.constant 1 : i32
      %add3A_247 = arith.addi %add3A_245, %add3A_246 : i32
      %lt3A_248 = arith.constant 125 : i32
      %lt3A_249 = arith.cmpi slt, %add3A_247, %lt3A_248 : i32
      %convert_element_type3A_250 = arith.extui %lt3A_249 : i1 to i32
      %cond3A_251 = arith.constant 0 : i32
      %cond3A_252 = arith.cmpi ne, %convert_element_type3A_250, %cond3A_251 : i32
      scf.if %cond3A_252 {
        %ge3A = arith.constant 1 : i32
        %ge3A_258 = arith.cmpi sge, %add3A_245, %ge3A : i32
        %convert_element_type3A_259 = arith.extui %ge3A_258 : i1 to i32
        %cond3A_260 = arith.constant 0 : i32
        %cond3A_261 = arith.cmpi ne, %convert_element_type3A_259, %cond3A_260 : i32
        scf.if %cond3A_261 {
          %dma_wait3A_298 = arith.constant 0 : i32
          %dma_wait3A_299 = arith.constant 0 : i32
          %dma_wait3A_300 = tpu.memref_slice %arg7[%dma_wait3A_298, %dma_wait3A_299] : memref<10240x128xf32, #tpu.memory_space<vmem_shared>> -> memref<80x128xf32, #tpu.memory_space<vmem_shared>>
          %dma_wait3A_301 = arith.constant 0 : i32
          %dma_wait3A_302 = arith.constant 0 : i32
          %dma_wait3A_303 = tpu.memref_slice %arg7[%dma_wait3A_301, %dma_wait3A_302] : memref<10240x128xf32, #tpu.memory_space<vmem_shared>> -> memref<80x128xf32, #tpu.memory_space<vmem_shared>>
          tpu.wait_dma2 semaphore(%arg22 : memref<!tpu.dma_semaphore, #tpu.memory_space<semaphore_mem>>) src(%arg14 : memref<80x128xf32, #tpu.memory_space<vmem>>) dst(%dma_wait3A_303 : memref<80x128xf32, #tpu.memory_space<vmem_shared>>)
        } else {
        }
        %dma_wait3A_262 = arith.constant 0 : i32
        %dma_wait3A_263 = arith.constant 0 : i32
        %dma_wait3A_264 = tpu.memref_slice %arg10[%dma_wait3A_262, %dma_wait3A_263] : memref<4x80xi32, #tpu.memory_space<vmem>> -> memref<1x80xi32, #tpu.memory_space<vmem>>
        %dma_wait3A_265 = tpu.memref_squeeze %dma_wait3A_264 : memref<1x80xi32, #tpu.memory_space<vmem>> -> memref<80xi32, #tpu.memory_space<vmem>>
        %dma_wait3A_266 = arith.constant 0 : i32
        %dma_wait3A_267 = tpu.memref_slice %arg4[%dma_wait3A_266] : memref<320000xi32, #tpu.memory_space<hbm>> -> memref<80xi32, #tpu.memory_space<hbm>>
        %dma_wait3A_268 = arith.constant 0 : i32
        %dma_wait3A_269 = tpu.memref_slice %arg10[%dma_wait3A_262, %dma_wait3A_268] : memref<4x80xi32, #tpu.memory_space<vmem>> -> memref<1x80xi32, #tpu.memory_space<vmem>>
        %dma_wait3A_270 = tpu.memref_squeeze %dma_wait3A_269 : memref<1x80xi32, #tpu.memory_space<vmem>> -> memref<80xi32, #tpu.memory_space<vmem>>
        %dma_wait3A_271 = arith.constant 0 : i32
        %dma_wait3A_272 = tpu.memref_slice %arg4[%dma_wait3A_271] : memref<320000xi32, #tpu.memory_space<hbm>> -> memref<80xi32, #tpu.memory_space<hbm>>
        tpu.wait_dma2 semaphore(%arg16 : memref<!tpu.dma_semaphore, #tpu.memory_space<semaphore_mem>>) src(%dma_wait3A_272 : memref<80xi32, #tpu.memory_space<hbm>>) dst(%dma_wait3A_270 : memref<80xi32, #tpu.memory_space<vmem>>)
        %dma_wait3A_273 = arith.constant 0 : i32
        %dma_wait3A_274 = arith.constant 0 : i32
        %dma_wait3A_275 = tpu.memref_slice %arg11[%dma_wait3A_273, %dma_wait3A_274] : memref<4x80xi32, #tpu.memory_space<vmem>> -> memref<1x80xi32, #tpu.memory_space<vmem>>
        %dma_wait3A_276 = tpu.memref_squeeze %dma_wait3A_275 : memref<1x80xi32, #tpu.memory_space<vmem>> -> memref<80xi32, #tpu.memory_space<vmem>>
        %dma_wait3A_277 = arith.constant 0 : i32
        %dma_wait3A_278 = tpu.memref_slice %arg4[%dma_wait3A_277] : memref<320000xi32, #tpu.memory_space<hbm>> -> memref<80xi32, #tpu.memory_space<hbm>>
        %dma_wait3A_279 = arith.constant 0 : i32
        %dma_wait3A_280 = tpu.memref_slice %arg11[%dma_wait3A_273, %dma_wait3A_279] : memref<4x80xi32, #tpu.memory_space<vmem>> -> memref<1x80xi32, #tpu.memory_space<vmem>>
        %dma_wait3A_281 = tpu.memref_squeeze %dma_wait3A_280 : memref<1x80xi32, #tpu.memory_space<vmem>> -> memref<80xi32, #tpu.memory_space<vmem>>
        %dma_wait3A_282 = arith.constant 0 : i32
        %dma_wait3A_283 = tpu.memref_slice %arg4[%dma_wait3A_282] : memref<320000xi32, #tpu.memory_space<hbm>> -> memref<80xi32, #tpu.memory_space<hbm>>
        tpu.wait_dma2 semaphore(%arg16 : memref<!tpu.dma_semaphore, #tpu.memory_space<semaphore_mem>>) src(%dma_wait3A_283 : memref<80xi32, #tpu.memory_space<hbm>>) dst(%dma_wait3A_281 : memref<80xi32, #tpu.memory_space<vmem>>)
        %dma_start3A_284 = arith.constant 0 : i32
        %dma_start3A_285 = arith.constant 0 : i32
        %dma_start3A_286 = tpu.memref_slice %arg11[%dma_start3A_284, %dma_start3A_285] : memref<4x80xi32, #tpu.memory_space<vmem>> -> memref<1x80xi32, #tpu.memory_space<vmem>>
        %dma_start3A_287 = tpu.memref_squeeze %dma_start3A_286 : memref<1x80xi32, #tpu.memory_space<vmem>> -> memref<80xi32, #tpu.memory_space<vmem>>
        %dma_start3A_288 = arith.constant 0 : i32
        %dma_start3A_289 = arith.constant 0 : i32
        %dma_start3A_290 = tpu.memref_slice %arg2[%dma_start3A_288, %dma_start3A_289] : memref<10000x128xf32, #tpu.memory_space<hbm>> -> memref<10000x128xf32, #tpu.memory_space<hbm>>
        tpu.enqueue_indirect_dma source(%dma_start3A_290 : memref<10000x128xf32, #tpu.memory_space<hbm>>) target(%arg14 : memref<80x128xf32, #tpu.memory_space<vmem>>) offsets(%dma_start3A_287 : memref<80xi32, #tpu.memory_space<vmem>>) semaphore(%arg20 : memref<!tpu.dma_semaphore, #tpu.memory_space<semaphore_mem>>)
        %add3A_291 = arith.constant 3 : i32
        %add3A_292 = arith.addi %add3A_245, %add3A_291 : i32
        %lt3A_293 = arith.constant 125 : i32
        %lt3A_294 = arith.cmpi slt, %add3A_292, %lt3A_293 : i32
        %convert_element_type3A_295 = arith.extui %lt3A_294 : i1 to i32
        %cond3A_296 = arith.constant 0 : i32
        %cond3A_297 = arith.cmpi ne, %convert_element_type3A_295, %cond3A_296 : i32
        scf.if %cond3A_297 {
          %add3A_298 = arith.constant 3 : i32
          %add3A_299 = arith.addi %add3A_245, %add3A_298 : i32
          %add3A_300 = arith.addi %mul3A_4, %add3A_299 : i32
          %mul3A_301 = arith.constant 80 : i32
          %mul3A_302 = arith.muli %add3A_300, %mul3A_301 : i32
          %dma_start3A_303 = arith.constant 2 : i32
          %dma_start3A_304 = arith.constant 0 : i32
          %dma_start3A_305 = tpu.memref_slice %arg10[%dma_start3A_303, %dma_start3A_304] : memref<4x80xi32, #tpu.memory_space<vmem>> -> memref<1x80xi32, #tpu.memory_space<vmem>>
          %dma_start3A_306 = tpu.memref_squeeze %dma_start3A_305 : memref<1x80xi32, #tpu.memory_space<vmem>> -> memref<80xi32, #tpu.memory_space<vmem>>
          %dma_start3A_307 = tpu.memref_slice %arg4[%mul3A_302] : memref<320000xi32, #tpu.memory_space<hbm>> -> memref<80xi32, #tpu.memory_space<hbm>>
          %dma_start3A_308 = arith.constant 0 : i32
          %dma_start3A_309 = tpu.memref_slice %arg10[%dma_start3A_303, %dma_start3A_308] : memref<4x80xi32, #tpu.memory_space<vmem>> -> memref<1x80xi32, #tpu.memory_space<vmem>>
          %dma_start3A_310 = tpu.memref_squeeze %dma_start3A_309 : memref<1x80xi32, #tpu.memory_space<vmem>> -> memref<80xi32, #tpu.memory_space<vmem>>
          %dma_start3A_311 = tpu.memref_slice %arg4[%mul3A_302] : memref<320000xi32, #tpu.memory_space<hbm>> -> memref<80xi32, #tpu.memory_space<hbm>>
          tpu.enqueue_dma source(%dma_start3A_311 : memref<80xi32, #tpu.memory_space<hbm>>) target(%dma_start3A_310 : memref<80xi32, #tpu.memory_space<vmem>>) target_semaphore(%arg18 : memref<!tpu.dma_semaphore, #tpu.memory_space<semaphore_mem>>)
          %dma_start3A_312 = arith.constant 2 : i32
          %dma_start3A_313 = arith.constant 0 : i32
          %dma_start3A_314 = tpu.memref_slice %arg11[%dma_start3A_312, %dma_start3A_313] : memref<4x80xi32, #tpu.memory_space<vmem>> -> memref<1x80xi32, #tpu.memory_space<vmem>>
          %dma_start3A_315 = tpu.memref_squeeze %dma_start3A_314 : memref<1x80xi32, #tpu.memory_space<vmem>> -> memref<80xi32, #tpu.memory_space<vmem>>
          %dma_start3A_316 = tpu.memref_slice %arg5[%mul3A_302] : memref<320000xi32, #tpu.memory_space<hbm>> -> memref<80xi32, #tpu.memory_space<hbm>>
          %dma_start3A_317 = arith.constant 0 : i32
          %dma_start3A_318 = tpu.memref_slice %arg11[%dma_start3A_312, %dma_start3A_317] : memref<4x80xi32, #tpu.memory_space<vmem>> -> memref<1x80xi32, #tpu.memory_space<vmem>>
          %dma_start3A_319 = tpu.memref_squeeze %dma_start3A_318 : memref<1x80xi32, #tpu.memory_space<vmem>> -> memref<80xi32, #tpu.memory_space<vmem>>
          %dma_start3A_320 = tpu.memref_slice %arg5[%mul3A_302] : memref<320000xi32, #tpu.memory_space<hbm>> -> memref<80xi32, #tpu.memory_space<hbm>>
          tpu.enqueue_dma source(%dma_start3A_320 : memref<80xi32, #tpu.memory_space<hbm>>) target(%dma_start3A_319 : memref<80xi32, #tpu.memory_space<vmem>>) target_semaphore(%arg18 : memref<!tpu.dma_semaphore, #tpu.memory_space<semaphore_mem>>)
        } else {
        }
      } else {
      }
      %lt3A_253 = arith.constant 125 : i32
      %lt3A_254 = arith.cmpi slt, %add3A_245, %lt3A_253 : i32
      %convert_element_type3A_255 = arith.extui %lt3A_254 : i1 to i32
      %cond3A_256 = arith.constant 0 : i32
      %cond3A_257 = arith.cmpi ne, %convert_element_type3A_255, %cond3A_256 : i32
      scf.if %cond3A_257 {
        %dma_wait3A_258 = arith.constant 0 : i32
        %dma_wait3A_259 = arith.constant 0 : i32
        %dma_wait3A_260 = tpu.memref_slice %arg2[%dma_wait3A_258, %dma_wait3A_259] : memref<10000x128xf32, #tpu.memory_space<hbm>> -> memref<80x128xf32, #tpu.memory_space<hbm>>
        %dma_wait3A_261 = arith.constant 0 : i32
        %dma_wait3A_262 = arith.constant 0 : i32
        %dma_wait3A_263 = tpu.memref_slice %arg2[%dma_wait3A_261, %dma_wait3A_262] : memref<10000x128xf32, #tpu.memory_space<hbm>> -> memref<80x128xf32, #tpu.memory_space<hbm>>
        tpu.wait_dma2 semaphore(%arg21 : memref<!tpu.dma_semaphore, #tpu.memory_space<semaphore_mem>>) src(%dma_wait3A_263 : memref<80x128xf32, #tpu.memory_space<hbm>>) dst(%arg15 : memref<80x128xf32, #tpu.memory_space<vmem>>)
        %parallel_loop3A = arith.constant 0 : i32
        %parallel_loop3A_264 = arith.constant 80 : i32
        %parallel_loop3A_265 = arith.constant 16 : i32
        %parallel_loop3A_266 = arith.constant 3 : i32
        %parallel_loop3A_267 = arith.constant 3 : i32
        scf.for %parallel_loop3A_278 = %parallel_loop3A to %parallel_loop3A_264 step %parallel_loop3A_265  : i32 {
          %parallel_loop3A_279 = arith.constant 0 : i32
          %parallel_loop3A_280 = tpu.memref_slice %arg10[%parallel_loop3A_266, %parallel_loop3A_279] : memref<4x80xi32, #tpu.memory_space<vmem>> -> memref<1x80xi32, #tpu.memory_space<vmem>>
          %parallel_loop3A_281 = tpu.memref_squeeze %parallel_loop3A_280 : memref<1x80xi32, #tpu.memory_space<vmem>> -> memref<80xi32, #tpu.memory_space<vmem>>
          %parallel_loop3A_282 = arith.index_cast %parallel_loop3A_278 : i32 to index
          %parallel_loop3A_283 = tpu.vector_load %parallel_loop3A_281[%parallel_loop3A_282] {strides = array<i32>} : memref<80xi32, #tpu.memory_space<vmem>>, vector<16xi32>,
          %parallel_loop3A_284 = tpu.vector_load_idx %arg8[%parallel_loop3A_283] : memref<10000xi32, #tpu.memory_space<vmem>>[vector<16xi32>], vector<16xi32>,
          %parallel_loop3A_285 = arith.constant 0 : i32
          %parallel_loop3A_286 = tpu.memref_slice %arg11[%parallel_loop3A_267, %parallel_loop3A_285] : memref<4x80xi32, #tpu.memory_space<vmem>> -> memref<1x80xi32, #tpu.memory_space<vmem>>
          %parallel_loop3A_287 = tpu.memref_squeeze %parallel_loop3A_286 : memref<1x80xi32, #tpu.memory_space<vmem>> -> memref<80xi32, #tpu.memory_space<vmem>>
          %parallel_loop3A_288 = arith.index_cast %parallel_loop3A_278 : i32 to index
          %parallel_loop3A_289 = tpu.vector_load %parallel_loop3A_287[%parallel_loop3A_288] {strides = array<i32>} : memref<80xi32, #tpu.memory_space<vmem>>, vector<16xi32>,
          %parallel_loop3A_290 = tpu.vector_load_idx %arg8[%parallel_loop3A_289] : memref<10000xi32, #tpu.memory_space<vmem>>[vector<16xi32>], vector<16xi32>,
          %parallel_loop3A_291 = arith.constant -65536 : i32
          %parallel_loop3A_292 = vector.broadcast %parallel_loop3A_291 : i32 to vector<16xi32>
          %parallel_loop3A_293 = arith.andi %parallel_loop3A_284, %parallel_loop3A_292 : vector<16xi32>
          %parallel_loop3A_294 = vector.bitcast %parallel_loop3A_293 : vector<16xi32> to vector<16xf32>
          %parallel_loop3A_295 = arith.constant 16 : i32
          %parallel_loop3A_296 = vector.broadcast %parallel_loop3A_295 : i32 to vector<16xi32>
          %parallel_loop3A_297 = arith.shli %parallel_loop3A_290, %parallel_loop3A_296 : vector<16xi32>
          %parallel_loop3A_298 = vector.bitcast %parallel_loop3A_297 : vector<16xi32> to vector<16xf32>
          %parallel_loop3A_299 = arith.addf %parallel_loop3A_294, %parallel_loop3A_298 : vector<16xf32>
          %parallel_loop3A_300 = arith.constant 2.000000e-01 : f32
          %parallel_loop3A_301 = vector.broadcast %parallel_loop3A_300 : f32 to vector<16xf32>
          %parallel_loop3A_302 = arith.mulf %parallel_loop3A_301, %parallel_loop3A_299 : vector<16xf32>
          %parallel_loop3A_303 = arith.maximumf %parallel_loop3A_299, %parallel_loop3A_302 : vector<16xf32>
          %parallel_loop3A_304 = arith.constant 0.000000e+00 : f32
          %parallel_loop3A_305 = vector.broadcast %parallel_loop3A_304 : f32 to vector<16xf32>
          %parallel_loop3A_306 = arith.subf %parallel_loop3A_305, %parallel_loop3A_303 : vector<16xf32>
          %parallel_loop3A_307 = math.exp %parallel_loop3A_306 : vector<16xf32>
          %parallel_loop3A_308 = arith.index_cast %parallel_loop3A_278 : i32 to index
          %parallel_loop3A_309 = tpu.vector_load %arg12[%parallel_loop3A_308] {strides = array<i32>} : memref<80xf32, #tpu.memory_space<vmem>>, vector<16xf32>,
          tpu.vector_store %arg12[%parallel_loop3A_308], %parallel_loop3A_307 {strides = array<i32>} : memref<80xf32, #tpu.memory_space<vmem>>, vector<16xf32>,
          %parallel_loop3A_310 = arith.constant 7 : i32
          %parallel_loop3A_311 = vector.broadcast %parallel_loop3A_310 : i32 to vector<16xi32>
          %parallel_loop3A_312 = arith.shrui %parallel_loop3A_283, %parallel_loop3A_311 : vector<16xi32>
          %parallel_loop3A_313 = arith.constant 127 : i32
          %parallel_loop3A_314 = vector.broadcast %parallel_loop3A_313 : i32 to vector<16xi32>
          %parallel_loop3A_315 = arith.andi %parallel_loop3A_283, %parallel_loop3A_314 : vector<16xi32>
          tpu.vector_store_idx %arg9[%parallel_loop3A_312, %parallel_loop3A_315], %parallel_loop3A_307 masked %eq3A_133 {add = true} : memref<80x128xf32, #tpu.memory_space<vmem>>[vector<16xi32>, vector<16xi32>], vector<16xf32>, vector<16xi1>
          tpu.vector_store_idx %arg9[%parallel_loop3A_312, %parallel_loop3A_315], %parallel_loop3A_307 masked %eq3A_136 {add = true} : memref<80x128xf32, #tpu.memory_space<vmem>>[vector<16xi32>, vector<16xi32>], vector<16xf32>, vector<16xi1>
          tpu.vector_store_idx %arg9[%parallel_loop3A_312, %parallel_loop3A_315], %parallel_loop3A_307 masked %eq3A_139 {add = true} : memref<80x128xf32, #tpu.memory_space<vmem>>[vector<16xi32>, vector<16xi32>], vector<16xf32>, vector<16xi1>
          tpu.vector_store_idx %arg9[%parallel_loop3A_312, %parallel_loop3A_315], %parallel_loop3A_307 masked %eq3A_142 {add = true} : memref<80x128xf32, #tpu.memory_space<vmem>>[vector<16xi32>, vector<16xi32>], vector<16xf32>, vector<16xi1>
          tpu.vector_store_idx %arg9[%parallel_loop3A_312, %parallel_loop3A_315], %parallel_loop3A_307 masked %eq3A_145 {add = true} : memref<80x128xf32, #tpu.memory_space<vmem>>[vector<16xi32>, vector<16xi32>], vector<16xf32>, vector<16xi1>
          tpu.vector_store_idx %arg9[%parallel_loop3A_312, %parallel_loop3A_315], %parallel_loop3A_307 masked %eq3A_148 {add = true} : memref<80x128xf32, #tpu.memory_space<vmem>>[vector<16xi32>, vector<16xi32>], vector<16xf32>, vector<16xi1>
          tpu.vector_store_idx %arg9[%parallel_loop3A_312, %parallel_loop3A_315], %parallel_loop3A_307 masked %eq3A_151 {add = true} : memref<80x128xf32, #tpu.memory_space<vmem>>[vector<16xi32>, vector<16xi32>], vector<16xf32>, vector<16xi1>
          tpu.vector_store_idx %arg9[%parallel_loop3A_312, %parallel_loop3A_315], %parallel_loop3A_307 masked %eq3A_154 {add = true} : memref<80x128xf32, #tpu.memory_space<vmem>>[vector<16xi32>, vector<16xi32>], vector<16xf32>, vector<16xi1>
          tpu.vector_store_idx %arg9[%parallel_loop3A_312, %parallel_loop3A_315], %parallel_loop3A_307 masked %eq3A_157 {add = true} : memref<80x128xf32, #tpu.memory_space<vmem>>[vector<16xi32>, vector<16xi32>], vector<16xf32>, vector<16xi1>
          tpu.vector_store_idx %arg9[%parallel_loop3A_312, %parallel_loop3A_315], %parallel_loop3A_307 masked %eq3A_160 {add = true} : memref<80x128xf32, #tpu.memory_space<vmem>>[vector<16xi32>, vector<16xi32>], vector<16xf32>, vector<16xi1>
          tpu.vector_store_idx %arg9[%parallel_loop3A_312, %parallel_loop3A_315], %parallel_loop3A_307 masked %eq3A_163 {add = true} : memref<80x128xf32, #tpu.memory_space<vmem>>[vector<16xi32>, vector<16xi32>], vector<16xf32>, vector<16xi1>
          tpu.vector_store_idx %arg9[%parallel_loop3A_312, %parallel_loop3A_315], %parallel_loop3A_307 masked %eq3A_166 {add = true} : memref<80x128xf32, #tpu.memory_space<vmem>>[vector<16xi32>, vector<16xi32>], vector<16xf32>, vector<16xi1>
          tpu.vector_store_idx %arg9[%parallel_loop3A_312, %parallel_loop3A_315], %parallel_loop3A_307 masked %eq3A_169 {add = true} : memref<80x128xf32, #tpu.memory_space<vmem>>[vector<16xi32>, vector<16xi32>], vector<16xf32>, vector<16xi1>
          tpu.vector_store_idx %arg9[%parallel_loop3A_312, %parallel_loop3A_315], %parallel_loop3A_307 masked %eq3A_172 {add = true} : memref<80x128xf32, #tpu.memory_space<vmem>>[vector<16xi32>, vector<16xi32>], vector<16xf32>, vector<16xi1>
          tpu.vector_store_idx %arg9[%parallel_loop3A_312, %parallel_loop3A_315], %parallel_loop3A_307 masked %eq3A_175 {add = true} : memref<80x128xf32, #tpu.memory_space<vmem>>[vector<16xi32>, vector<16xi32>], vector<16xf32>, vector<16xi1>
          tpu.vector_store_idx %arg9[%parallel_loop3A_312, %parallel_loop3A_315], %parallel_loop3A_307 masked %eq3A_178 {add = true} : memref<80x128xf32, #tpu.memory_space<vmem>>[vector<16xi32>, vector<16xi32>], vector<16xf32>, vector<16xi1>
        } {sc.loop_unroll_factor = 5 : i64, sc.parallel_access}
        %parallel_loop3A_268 = arith.constant 0 : i32
        %parallel_loop3A_269 = arith.constant 80 : i32
        %parallel_loop3A_270 = arith.constant 1 : i32
        scf.for %parallel_loop3A_278 = %parallel_loop3A_268 to %parallel_loop3A_269 step %parallel_loop3A_270  : i32 {
          %parallel_loop3A_279 = vector.broadcast %parallel_loop3A_278 : i32 to vector<16xi32>
          %parallel_loop3A_280 = tpu.vector_load_idx %arg12[%parallel_loop3A_279] : memref<80xf32, #tpu.memory_space<vmem>>[vector<16xi32>], vector<16xf32>,
          %parallel_loop3A_281 = arith.index_cast %parallel_loop3A_278 : i32 to index
          %parallel_loop3A_282 = arith.constant 0 : index
          %parallel_loop3A_283 = tpu.vector_load %arg15[%parallel_loop3A_281, %parallel_loop3A_282] {strides = array<i32>} : memref<80x128xf32, #tpu.memory_space<vmem>>, vector<16xf32>,
          %parallel_loop3A_284 = arith.mulf %parallel_loop3A_283, %parallel_loop3A_280 : vector<16xf32>
          %parallel_loop3A_285 = arith.index_cast %parallel_loop3A_278 : i32 to index
          %parallel_loop3A_286 = arith.constant 0 : index
          %parallel_loop3A_287 = tpu.vector_load %arg15[%parallel_loop3A_285, %parallel_loop3A_286] {strides = array<i32>} : memref<80x128xf32, #tpu.memory_space<vmem>>, vector<16xf32>,
          tpu.vector_store %arg15[%parallel_loop3A_285, %parallel_loop3A_286], %parallel_loop3A_284 {strides = array<i32>} : memref<80x128xf32, #tpu.memory_space<vmem>>, vector<16xf32>,
          %parallel_loop3A_288 = arith.index_cast %parallel_loop3A_278 : i32 to index
          %parallel_loop3A_289 = arith.constant 16 : index
          %parallel_loop3A_290 = tpu.vector_load %arg15[%parallel_loop3A_288, %parallel_loop3A_289] {strides = array<i32>} : memref<80x128xf32, #tpu.memory_space<vmem>>, vector<16xf32>,
          %parallel_loop3A_291 = arith.mulf %parallel_loop3A_290, %parallel_loop3A_280 : vector<16xf32>
          %parallel_loop3A_292 = arith.index_cast %parallel_loop3A_278 : i32 to index
          %parallel_loop3A_293 = arith.constant 16 : index
          %parallel_loop3A_294 = tpu.vector_load %arg15[%parallel_loop3A_292, %parallel_loop3A_293] {strides = array<i32>} : memref<80x128xf32, #tpu.memory_space<vmem>>, vector<16xf32>,
          tpu.vector_store %arg15[%parallel_loop3A_292, %parallel_loop3A_293], %parallel_loop3A_291 {strides = array<i32>} : memref<80x128xf32, #tpu.memory_space<vmem>>, vector<16xf32>,
          %parallel_loop3A_295 = arith.index_cast %parallel_loop3A_278 : i32 to index
          %parallel_loop3A_296 = arith.constant 32 : index
          %parallel_loop3A_297 = tpu.vector_load %arg15[%parallel_loop3A_295, %parallel_loop3A_296] {strides = array<i32>} : memref<80x128xf32, #tpu.memory_space<vmem>>, vector<16xf32>,
          %parallel_loop3A_298 = arith.mulf %parallel_loop3A_297, %parallel_loop3A_280 : vector<16xf32>
          %parallel_loop3A_299 = arith.index_cast %parallel_loop3A_278 : i32 to index
          %parallel_loop3A_300 = arith.constant 32 : index
          %parallel_loop3A_301 = tpu.vector_load %arg15[%parallel_loop3A_299, %parallel_loop3A_300] {strides = array<i32>} : memref<80x128xf32, #tpu.memory_space<vmem>>, vector<16xf32>,
          tpu.vector_store %arg15[%parallel_loop3A_299, %parallel_loop3A_300], %parallel_loop3A_298 {strides = array<i32>} : memref<80x128xf32, #tpu.memory_space<vmem>>, vector<16xf32>,
          %parallel_loop3A_302 = arith.index_cast %parallel_loop3A_278 : i32 to index
          %parallel_loop3A_303 = arith.constant 48 : index
          %parallel_loop3A_304 = tpu.vector_load %arg15[%parallel_loop3A_302, %parallel_loop3A_303] {strides = array<i32>} : memref<80x128xf32, #tpu.memory_space<vmem>>, vector<16xf32>,
          %parallel_loop3A_305 = arith.mulf %parallel_loop3A_304, %parallel_loop3A_280 : vector<16xf32>
          %parallel_loop3A_306 = arith.index_cast %parallel_loop3A_278 : i32 to index
          %parallel_loop3A_307 = arith.constant 48 : index
          %parallel_loop3A_308 = tpu.vector_load %arg15[%parallel_loop3A_306, %parallel_loop3A_307] {strides = array<i32>} : memref<80x128xf32, #tpu.memory_space<vmem>>, vector<16xf32>,
          tpu.vector_store %arg15[%parallel_loop3A_306, %parallel_loop3A_307], %parallel_loop3A_305 {strides = array<i32>} : memref<80x128xf32, #tpu.memory_space<vmem>>, vector<16xf32>,
          %parallel_loop3A_309 = arith.index_cast %parallel_loop3A_278 : i32 to index
          %parallel_loop3A_310 = arith.constant 64 : index
          %parallel_loop3A_311 = tpu.vector_load %arg15[%parallel_loop3A_309, %parallel_loop3A_310] {strides = array<i32>} : memref<80x128xf32, #tpu.memory_space<vmem>>, vector<16xf32>,
          %parallel_loop3A_312 = arith.mulf %parallel_loop3A_311, %parallel_loop3A_280 : vector<16xf32>
          %parallel_loop3A_313 = arith.index_cast %parallel_loop3A_278 : i32 to index
          %parallel_loop3A_314 = arith.constant 64 : index
          %parallel_loop3A_315 = tpu.vector_load %arg15[%parallel_loop3A_313, %parallel_loop3A_314] {strides = array<i32>} : memref<80x128xf32, #tpu.memory_space<vmem>>, vector<16xf32>,
          tpu.vector_store %arg15[%parallel_loop3A_313, %parallel_loop3A_314], %parallel_loop3A_312 {strides = array<i32>} : memref<80x128xf32, #tpu.memory_space<vmem>>, vector<16xf32>,
          %parallel_loop3A_316 = arith.index_cast %parallel_loop3A_278 : i32 to index
          %parallel_loop3A_317 = arith.constant 80 : index
          %parallel_loop3A_318 = tpu.vector_load %arg15[%parallel_loop3A_316, %parallel_loop3A_317] {strides = array<i32>} : memref<80x128xf32, #tpu.memory_space<vmem>>, vector<16xf32>,
          %parallel_loop3A_319 = arith.mulf %parallel_loop3A_318, %parallel_loop3A_280 : vector<16xf32>
          %parallel_loop3A_320 = arith.index_cast %parallel_loop3A_278 : i32 to index
          %parallel_loop3A_321 = arith.constant 80 : index
          %parallel_loop3A_322 = tpu.vector_load %arg15[%parallel_loop3A_320, %parallel_loop3A_321] {strides = array<i32>} : memref<80x128xf32, #tpu.memory_space<vmem>>, vector<16xf32>,
          tpu.vector_store %arg15[%parallel_loop3A_320, %parallel_loop3A_321], %parallel_loop3A_319 {strides = array<i32>} : memref<80x128xf32, #tpu.memory_space<vmem>>, vector<16xf32>,
          %parallel_loop3A_323 = arith.index_cast %parallel_loop3A_278 : i32 to index
          %parallel_loop3A_324 = arith.constant 96 : index
          %parallel_loop3A_325 = tpu.vector_load %arg15[%parallel_loop3A_323, %parallel_loop3A_324] {strides = array<i32>} : memref<80x128xf32, #tpu.memory_space<vmem>>, vector<16xf32>,
          %parallel_loop3A_326 = arith.mulf %parallel_loop3A_325, %parallel_loop3A_280 : vector<16xf32>
          %parallel_loop3A_327 = arith.index_cast %parallel_loop3A_278 : i32 to index
          %parallel_loop3A_328 = arith.constant 96 : index
          %parallel_loop3A_329 = tpu.vector_load %arg15[%parallel_loop3A_327, %parallel_loop3A_328] {strides = array<i32>} : memref<80x128xf32, #tpu.memory_space<vmem>>, vector<16xf32>,
          tpu.vector_store %arg15[%parallel_loop3A_327, %parallel_loop3A_328], %parallel_loop3A_326 {strides = array<i32>} : memref<80x128xf32, #tpu.memory_space<vmem>>, vector<16xf32>,
          %parallel_loop3A_330 = arith.index_cast %parallel_loop3A_278 : i32 to index
          %parallel_loop3A_331 = arith.constant 112 : index
          %parallel_loop3A_332 = tpu.vector_load %arg15[%parallel_loop3A_330, %parallel_loop3A_331] {strides = array<i32>} : memref<80x128xf32, #tpu.memory_space<vmem>>, vector<16xf32>,
          %parallel_loop3A_333 = arith.mulf %parallel_loop3A_332, %parallel_loop3A_280 : vector<16xf32>
          %parallel_loop3A_334 = arith.index_cast %parallel_loop3A_278 : i32 to index
          %parallel_loop3A_335 = arith.constant 112 : index
          %parallel_loop3A_336 = tpu.vector_load %arg15[%parallel_loop3A_334, %parallel_loop3A_335] {strides = array<i32>} : memref<80x128xf32, #tpu.memory_space<vmem>>, vector<16xf32>,
          tpu.vector_store %arg15[%parallel_loop3A_334, %parallel_loop3A_335], %parallel_loop3A_333 {strides = array<i32>} : memref<80x128xf32, #tpu.memory_space<vmem>>, vector<16xf32>,
        } {sc.loop_unroll_factor = 8 : i64, sc.parallel_access}
        %dma_start3A_271 = arith.constant 3 : i32
        %dma_start3A_272 = arith.constant 0 : i32
        %dma_start3A_273 = tpu.memref_slice %arg10[%dma_start3A_271, %dma_start3A_272] : memref<4x80xi32, #tpu.memory_space<vmem>> -> memref<1x80xi32, #tpu.memory_space<vmem>>
        %dma_start3A_274 = tpu.memref_squeeze %dma_start3A_273 : memref<1x80xi32, #tpu.memory_space<vmem>> -> memref<80xi32, #tpu.memory_space<vmem>>
        %dma_start3A_275 = arith.constant 0 : i32
        %dma_start3A_276 = arith.constant 0 : i32
        %dma_start3A_277 = tpu.memref_slice %arg7[%dma_start3A_275, %dma_start3A_276] : memref<10240x128xf32, #tpu.memory_space<vmem_shared>> -> memref<10240x128xf32, #tpu.memory_space<vmem_shared>>
        tpu.enqueue_indirect_dma source(%arg15 : memref<80x128xf32, #tpu.memory_space<vmem>>) target(%dma_start3A_277 : memref<10240x128xf32, #tpu.memory_space<vmem_shared>>) offsets(%dma_start3A_274 : memref<80xi32, #tpu.memory_space<vmem>>) semaphore(%arg23 : memref<!tpu.dma_semaphore, #tpu.memory_space<semaphore_mem>>) {add = true}
      } else {
      }
    }
    %scan3A_183 = arith.constant 32 : i32
    %dma_wait3A_184 = arith.constant 0 : i32
    %dma_wait3A_185 = arith.constant 0 : i32
    %dma_wait3A_186 = tpu.memref_slice %arg7[%dma_wait3A_184, %dma_wait3A_185] : memref<10240x128xf32, #tpu.memory_space<vmem_shared>> -> memref<80x128xf32, #tpu.memory_space<vmem_shared>>
    %dma_wait3A_187 = arith.constant 0 : i32
    %dma_wait3A_188 = arith.constant 0 : i32
    %dma_wait3A_189 = tpu.memref_slice %arg7[%dma_wait3A_187, %dma_wait3A_188] : memref<10240x128xf32, #tpu.memory_space<vmem_shared>> -> memref<80x128xf32, #tpu.memory_space<vmem_shared>>
    tpu.wait_dma2 semaphore(%arg23 : memref<!tpu.dma_semaphore, #tpu.memory_space<semaphore_mem>>) src(%arg15 : memref<80x128xf32, #tpu.memory_space<vmem>>) dst(%dma_wait3A_189 : memref<80x128xf32, #tpu.memory_space<vmem_shared>>)
    %dma_wait3A_190 = arith.constant 0 : i32
    %dma_wait3A_191 = arith.constant 0 : i32
    %dma_wait3A_192 = tpu.memref_slice %arg7[%dma_wait3A_190, %dma_wait3A_191] : memref<10240x128xf32, #tpu.memory_space<vmem_shared>> -> memref<80x128xf32, #tpu.memory_space<vmem_shared>>
    %dma_wait3A_193 = arith.constant 0 : i32
    %dma_wait3A_194 = arith.constant 0 : i32
    %dma_wait3A_195 = tpu.memref_slice %arg7[%dma_wait3A_193, %dma_wait3A_194] : memref<10240x128xf32, #tpu.memory_space<vmem_shared>> -> memref<80x128xf32, #tpu.memory_space<vmem_shared>>
    tpu.wait_dma2 semaphore(%arg22 : memref<!tpu.dma_semaphore, #tpu.memory_space<semaphore_mem>>) src(%arg14 : memref<80x128xf32, #tpu.memory_space<vmem>>) dst(%dma_wait3A_195 : memref<80x128xf32, #tpu.memory_space<vmem_shared>>)
    "tpu.region"() ({
      %run_scoped3A = tpu.sem_alloc : memref<!tpu.dma_semaphore, #tpu.memory_space<semaphore_mem>>
      %dma_start3A_200 = arith.constant 0 : i32
      %dma_start3A_201 = arith.constant 0 : i32
      %dma_start3A_202 = tpu.memref_slice %arg7[%dma_start3A_200, %dma_start3A_201] : memref<10240x128xf32, #tpu.memory_space<vmem_shared>> -> memref<10240x128xf32, #tpu.memory_space<vmem_shared>>
      tpu.enqueue_indirect_dma source(%arg9 : memref<80x128xf32, #tpu.memory_space<vmem>>) target(%dma_start3A_202 : memref<10240x128xf32, #tpu.memory_space<vmem_shared>>) offsets(%arg13 : memref<80xi32, #tpu.memory_space<vmem>>) semaphore(%run_scoped3A : memref<!tpu.dma_semaphore, #tpu.memory_space<semaphore_mem>>) {add = true}
      %dma_wait3A_203 = arith.constant 0 : i32
      %dma_wait3A_204 = arith.constant 0 : i32
      %dma_wait3A_205 = tpu.memref_slice %arg7[%dma_wait3A_203, %dma_wait3A_204] : memref<10240x128xf32, #tpu.memory_space<vmem_shared>> -> memref<10240x128xf32, #tpu.memory_space<vmem_shared>>
      tpu.wait_indirect_dma semaphore(%run_scoped3A : memref<!tpu.dma_semaphore, #tpu.memory_space<semaphore_mem>>) src(%arg9 : memref<80x128xf32, #tpu.memory_space<vmem>>) dst(%dma_wait3A_205 : memref<10240x128xf32, #tpu.memory_space<vmem_shared>>)
      tpu.yield
    }) : () -> ()
    %barrier3A_196 = arith.constant 0 : index
    tpu.barrier barrier_id(%barrier3A_196)
    %mul3A_197 = arith.constant 10240 : i32
    %mul3A_198 = arith.muli %arg0, %mul3A_197 : i32
    %add3A_199 = arith.addi %mul3A_198, %mul3A_0 : i32
    "tpu.region"() ({
      %run_scoped3A = tpu.sem_alloc : memref<!tpu.dma_semaphore, #tpu.memory_space<semaphore_mem>>
      %dma_start3A_200 = arith.constant 0 : i32
      %dma_start3A_201 = tpu.memref_slice %arg6[%add3A_199, %dma_start3A_200] : memref<20480x128xf32, #tpu.memory_space<hbm>> -> memref<640x128xf32, #tpu.memory_space<hbm>>
      %dma_start3A_202 = arith.constant 0 : i32
      %dma_start3A_203 = tpu.memref_slice %arg7[%mul3A_0, %dma_start3A_202] : memref<10240x128xf32, #tpu.memory_space<vmem_shared>> -> memref<640x128xf32, #tpu.memory_space<vmem_shared>>
      tpu.enqueue_dma source(%dma_start3A_203 : memref<640x128xf32, #tpu.memory_space<vmem_shared>>) target(%dma_start3A_201 : memref<640x128xf32, #tpu.memory_space<hbm>>) target_semaphore(%run_scoped3A : memref<!tpu.dma_semaphore, #tpu.memory_space<semaphore_mem>>)
      %dma_wait3A_204 = arith.constant 0 : i32
      %dma_wait3A_205 = tpu.memref_slice %arg6[%add3A_199, %dma_wait3A_204] : memref<20480x128xf32, #tpu.memory_space<hbm>> -> memref<640x128xf32, #tpu.memory_space<hbm>>
      %dma_wait3A_206 = arith.constant 0 : i32
      %dma_wait3A_207 = tpu.memref_slice %arg7[%mul3A_0, %dma_wait3A_206] : memref<10240x128xf32, #tpu.memory_space<vmem_shared>> -> memref<640x128xf32, #tpu.memory_space<vmem_shared>>
      tpu.wait_dma2 semaphore(%run_scoped3A : memref<!tpu.dma_semaphore, #tpu.memory_space<semaphore_mem>>) src(%dma_wait3A_207 : memref<640x128xf32, #tpu.memory_space<vmem_shared>>) dst(%dma_wait3A_205 : memref<640x128xf32, #tpu.memory_space<hbm>>)
      tpu.yield
    }) : () -> ()
    return
  }
}

module attributes {stable_mosaic.version = 14 : i64} {
  func.func @prep_body(%arg0: i32, %arg1: memref<1000x128xf32, #tpu.memory_space<vmem>>, %arg2: memref<128x128xf32, #tpu.memory_space<vmem>>, %arg3: memref<128x2xf32, #tpu.memory_space<vmem>>, %arg4: memref<1000x128xf32, #tpu.memory_space<vmem>>, %arg5: memref<1000x1xi32, #tpu.memory_space<vmem>>) attributes {dimension_semantics = [#tpu.dimension_semantics<arbitrary>], iteration_bounds = array<i64: 10>, scalar_prefetch = 0 : i64, scratch_operands = 0 : i64, tpu.core_type = #tpu.core_type<tc>, window_params = [{transform_indices = @transform_0, window_bounds = array<i64: 1000, 128>}, {pipeline_mode = #tpu.pipeline_mode<synchronous>, transform_indices = @transform_1, window_bounds = array<i64: 128, 128>}, {pipeline_mode = #tpu.pipeline_mode<synchronous>, transform_indices = @transform_2, window_bounds = array<i64: 128, 2>}, {transform_indices = @transform_3, window_bounds = array<i64: 1000, 128>}, {transform_indices = @transform_4, window_bounds = array<i64: 1000, 1>}]} {
    %get3A = arith.constant 0 : index
    %get3A_0 = arith.constant 0 : index
    %get3A_1 = vector.load %arg1[%get3A, %get3A_0] : memref<1000x128xf32, #tpu.memory_space<vmem>>, vector<1000x128xf32>
    %get3A_2 = arith.constant 0 : index
    %get3A_3 = arith.constant 0 : index
    %get3A_4 = vector.load %arg2[%get3A_2, %get3A_3] : memref<128x128xf32, #tpu.memory_space<vmem>>, vector<128x128xf32>
    %dot_general3A = arith.constant dense<0.000000e+00> : vector<1000x128xf32>
    %dot_general3A_5 = tpu.matmul %get3A_1, %get3A_4, %dot_general3A {dimension_numbers = #tpu.dot_dimension_numbers<[1], [0], [0], [1], [0, 0, 1, 1], [], []>, transpose_lhs_hint = false} : vector<1000x128xf32>, vector<128x128xf32>, vector<1000x128xf32> -> vector<1000x128xf32>
    %get3A_6 = arith.constant 0 : index
    %get3A_7 = arith.constant 0 : index
    %get3A_8 = vector.load %arg3[%get3A_6, %get3A_7] : memref<128x2xf32, #tpu.memory_space<vmem>>, vector<128x2xf32>
    %dot_general3A_9 = arith.constant dense<0.000000e+00> : vector<1000x2xf32>
    %dot_general3A_10 = tpu.matmul %dot_general3A_5, %get3A_8, %dot_general3A_9 {dimension_numbers = #tpu.dot_dimension_numbers<[1], [0], [0], [1], [0, 0, 1, 1], [], []>, transpose_lhs_hint = false} : vector<1000x128xf32>, vector<128x2xf32>, vector<1000x2xf32> -> vector<1000x2xf32>
    %bitcast_convert_type3A = tpu.bitcast %dot_general3A_10 : vector<1000x2xf32> -> vector<1000x2xi32>
    %add3A = arith.constant 32768 : i32
    %add3A_11 = vector.broadcast %add3A : i32 to vector<1000x2xi32>
    %add3A_12 = arith.addi %bitcast_convert_type3A, %add3A_11 : vector<1000x2xi32>
    %slice3A = vector.extract_strided_slice %add3A_12 {offsets = [0, 0], sizes = [1000, 1], strides = [1, 1]} : vector<1000x2xi32> to vector<1000x1xi32>
    %and3A = arith.constant -65536 : i32
    %and3A_13 = vector.broadcast %and3A : i32 to vector<1000x1xi32>
    %and3A_14 = arith.andi %slice3A, %and3A_13 : vector<1000x1xi32>
    %slice3A_15 = vector.extract_strided_slice %add3A_12 {offsets = [0, 1], sizes = [1000, 1], strides = [1, 1]} : vector<1000x2xi32> to vector<1000x1xi32>
    %shift_right_logical3A = arith.constant 16 : i32
    %shift_right_logical3A_16 = vector.broadcast %shift_right_logical3A : i32 to vector<1000x1xi32>
    %shift_right_logical3A_17 = arith.shrui %slice3A_15, %shift_right_logical3A_16 : vector<1000x1xi32>
    %or3A = arith.ori %and3A_14, %shift_right_logical3A_17 : vector<1000x1xi32>
    %bitcast_convert_type3A_18 = tpu.bitcast %or3A : vector<1000x1xi32> -> vector<1000x1xi32>
    %swap3A = arith.constant 0 : index
    %swap3A_19 = arith.constant 0 : index
    %swap3A_20 = vector.load %arg5[%swap3A, %swap3A_19] : memref<1000x1xi32, #tpu.memory_space<vmem>>, vector<1000x1xi32>
    tpu.vector_store %arg5[%swap3A, %swap3A_19], %bitcast_convert_type3A_18 {strides = array<i32>} : memref<1000x1xi32, #tpu.memory_space<vmem>>, vector<1000x1xi32>,
    %swap3A_21 = arith.constant 0 : index
    %swap3A_22 = arith.constant 0 : index
    %swap3A_23 = vector.load %arg4[%swap3A_21, %swap3A_22] : memref<1000x128xf32, #tpu.memory_space<vmem>>, vector<1000x128xf32>
    tpu.vector_store %arg4[%swap3A_21, %swap3A_22], %dot_general3A_5 {strides = array<i32>} : memref<1000x128xf32, #tpu.memory_space<vmem>>, vector<1000x128xf32>,
    return
  }
  func.func @transform_0(%arg0: i32) -> (i32, i32) {
    %c0_i32 = arith.constant 0 : i32
    %c0_i32_0 = arith.constant 0 : i32
    return %arg0, %c0_i32 : i32, i32
  }
  func.func @transform_1(%arg0: i32) -> (i32, i32) {
    %c0_i32 = arith.constant 0 : i32
    %c0_i32_0 = arith.constant 0 : i32
    %c0_i32_1 = arith.constant 0 : i32
    return %c0_i32, %c0_i32_0 : i32, i32
  }
  func.func @transform_2(%arg0: i32) -> (i32, i32) {
    %c0_i32 = arith.constant 0 : i32
    %c0_i32_0 = arith.constant 0 : i32
    %c0_i32_1 = arith.constant 0 : i32
    return %c0_i32, %c0_i32_0 : i32, i32
  }
  func.func @transform_3(%arg0: i32) -> (i32, i32) {
    %c0_i32 = arith.constant 0 : i32
    %c0_i32_0 = arith.constant 0 : i32
    return %arg0, %c0_i32 : i32, i32
  }
  func.func @transform_4(%arg0: i32) -> (i32, i32) {
    %c0_i32 = arith.constant 0 : i32
    %c0_i32_0 = arith.constant 0 : i32
    return %arg0, %c0_i32 : i32, i32
  }
}

module attributes {stable_mosaic.version = 14 : i64} {
  func.func @fin_body(%arg0: i32, %arg1: memref<2x1000x128xf32, #tpu.memory_space<vmem>>, %arg2: memref<1000x2xf32, #tpu.memory_space<vmem>>, %arg3: memref<1000x128xf32, #tpu.memory_space<vmem>>) attributes {dimension_semantics = [#tpu.dimension_semantics<arbitrary>], iteration_bounds = array<i64: 10>, scalar_prefetch = 0 : i64, scratch_operands = 0 : i64, tpu.core_type = #tpu.core_type<tc>, window_params = [{transform_indices = @transform_0, window_bounds = array<i64: 2, 1000, 128>}, {transform_indices = @transform_1, window_bounds = array<i64: 1000, 2>}, {transform_indices = @transform_2, window_bounds = array<i64: 1000, 128>}]} {
    %get3A = arith.constant 0 : index
    %get3A_0 = arith.constant 0 : index
    %get3A_1 = arith.constant 0 : index
    %get3A_2 = vector.load %arg1[%get3A, %get3A_0, %get3A_1] : memref<2x1000x128xf32, #tpu.memory_space<vmem>>, vector<1x1000x128xf32>
    %get3A_3 = vector.shape_cast %get3A_2 : vector<1x1000x128xf32> to vector<1000x128xf32>
    %get3A_4 = arith.constant 1 : index
    %get3A_5 = arith.constant 0 : index
    %get3A_6 = arith.constant 0 : index
    %get3A_7 = vector.load %arg1[%get3A_4, %get3A_5, %get3A_6] : memref<2x1000x128xf32, #tpu.memory_space<vmem>>, vector<1x1000x128xf32>
    %get3A_8 = vector.shape_cast %get3A_7 : vector<1x1000x128xf32> to vector<1000x128xf32>
    %add3A = arith.addf %get3A_3, %get3A_8 : vector<1000x128xf32>
    %get3A_9 = arith.constant 0 : index
    %get3A_10 = arith.constant 0 : index
    %get3A_11 = vector.load %arg2[%get3A_9, %get3A_10] : memref<1000x2xf32, #tpu.memory_space<vmem>>, vector<1000x1xf32>
    %get3A_12 = arith.constant 0 : index
    %get3A_13 = arith.constant 1 : index
    %get3A_14 = vector.load %arg2[%get3A_12, %get3A_13] : memref<1000x2xf32, #tpu.memory_space<vmem>>, vector<1000x1xf32>
    %add3A_15 = arith.addf %get3A_11, %get3A_14 : vector<1000x1xf32>
    %add3A_16 = arith.constant 1.000000e-16 : f32
    %add3A_17 = vector.broadcast %add3A_16 : f32 to vector<1000x1xf32>
    %add3A_18 = arith.addf %add3A_15, %add3A_17 : vector<1000x1xf32>
    %div3A = vector.broadcast %add3A_18 : vector<1000x1xf32> to vector<1000x128xf32>
    %div3A_19 = arith.divf %add3A, %div3A : vector<1000x128xf32>
    %gt3A = arith.constant 0.000000e+00 : f32
    %gt3A_20 = vector.broadcast %gt3A : f32 to vector<1000x128xf32>
    %gt3A_21 = arith.cmpf ogt, %div3A_19, %gt3A_20 : vector<1000x128xf32>
    %exp3A = math.exp %div3A_19 : vector<1000x128xf32>
    %sub3A = arith.constant 1.000000e+00 : f32
    %sub3A_22 = vector.broadcast %sub3A : f32 to vector<1000x128xf32>
    %sub3A_23 = arith.subf %exp3A, %sub3A_22 : vector<1000x128xf32>
    %select_n3A = arith.select %gt3A_21, %div3A_19, %sub3A_23 : vector<1000x128xi1>, vector<1000x128xf32>
    %swap3A = arith.constant 0 : index
    %swap3A_24 = arith.constant 0 : index
    %swap3A_25 = vector.load %arg3[%swap3A, %swap3A_24] : memref<1000x128xf32, #tpu.memory_space<vmem>>, vector<1000x128xf32>
    tpu.vector_store %arg3[%swap3A, %swap3A_24], %select_n3A {strides = array<i32>} : memref<1000x128xf32, #tpu.memory_space<vmem>>, vector<1000x128xf32>,
    return
  }
  func.func @transform_0(%arg0: i32) -> (i32, i32, i32) {
    %c0_i32 = arith.constant 0 : i32
    %c0_i32_0 = arith.constant 0 : i32
    %c0_i32_1 = arith.constant 0 : i32
    return %c0_i32, %arg0, %c0_i32_0 : i32, i32, i32
  }
  func.func @transform_1(%arg0: i32) -> (i32, i32) {
    %c0_i32 = arith.constant 0 : i32
    %c0_i32_0 = arith.constant 0 : i32
    return %arg0, %c0_i32 : i32, i32
  }
  func.func @transform_2(%arg0: i32) -> (i32, i32) {
    %c0_i32 = arith.constant 0 : i32
    %c0_i32_0 = arith.constant 0 : i32
    return %arg0, %c0_i32 : i32, i32
  }
}

</mosaic_0001>

<sc_bundles>
// kernel: kernel.5.cloned.1.call-start
scs
__scs_entry_jumppad:
0x0: {  	(pc) =	sbr.rel $0x88, $3  }
0x1: {  	(tag) =	ssettag $0x0;
	lr =	simm.s32 $0x1  }
0x2: {  	[smem:$0x3F9D] =	sst lr;
	_ =	strace $0xD0000000  }
0x3: {  	_ = 	snop  }
0x4: {  	_ = 	snop  }
0x5: {  	_ = 	snop  }
0x6: {  	_ = 	snop  }
0x7: {  	_ = 	snop  }
__scs_overlays_trampoline_lowered:
0x8: {  	[smem:$0x3FAC] =	sst s0  }
0x9: {  	[smem:$0x3FAD] =	sst s1  }
0xa: {  	[smem:$0x3FAE] =	sst s2  }
0xb: {  	[smem:$0x3FAF] =	sst s3  }
0xc: {  	[smem:$0x3FB0] =	sst s4  }
0xd: {  	[smem:$0x3FB1] =	sst s5  }
0xe: {  	[smem:$0x3FB2] =	sst s6  }
0xf: {  	[smem:$0x3FB3] =	sst s7  }
0x10: {  	[smem:$0x3FB4] =	sst s8  }
0x11: {  	[smem:$0x3FB5] =	sst s9;
	s0 =	simm.s32 @!p0 $0x0  }
0x12: {  	s1 =	sld [smem:$0x3F9B];
	s0 =	simm.s32 @p0 $0x1  }
0x13: {  	[smem:$0x3FB6] =	sst s0;
	s0 =	simm.s32 @!p1 $0x0  }
0x14: {  	s2 =	sld [smem:$0x3F9A];
	s0 =	simm.s32 @p1 $0x1  }
0x15: {  	[smem:$0x3FB7] =	sst s0;
	s0 =	simm.s32 @!p2 $0x0  }
0x16: {  	s3 =	sld [smem:$0x3FDB];
	s0 =	simm.s32 @p2 $0x1  }
0x17: {  	s4 =	simm.s32 $0x1BF5;
	[smem:$0x3FB9] =	sst s0  }
0x18: {  	s0 =	sld [smem:$0x3F9C];
	_ =	swait.ge [sflag:s4], $0x0  }
0x19: {  	s7 =	sld [smem:$0x3F9D]  }
0x1a: {  	s8 =	sadd.s32 $0xFFFFE003, lr  }
0x1b: {  	s9 =	sadd.s32 $0xFFFFFEF7, lr;
	s5 =	simm.s32 $0xFFFFFFFF;
	p2 =	slt.u32 s8, $0xFFFFF086  }
0x1c: {  	p1 =	slt.u32 s9, $0xF7A;
	s5 =	simm.s32 @!p2 $0x0  }
0x1d: {  	s5 =	simm.s32 @p1 $0x1;
	p0 =	seq.s32 s7, s2  }
0x1e: {  	s7 =	smul.u32 @!p0 $0xF7A, s2;
	p2 =	seq.s32 @!p0 s5, $0x0  }
0x1f: {  	s9 =	smul.u32 $0xF7A, s1;
	s8 =	simm.s32 @!p0 $0x1BF5;
	p2 =	por !p2, p0  }
0x20: {  	[sflag:s8] =	ssyncset.s32 @!p0 $0xFFFFF086;
	s6 =	sadd.s32 @!p0 s3, s7;
	s7 =	simm.s32 @!p0 $0x108  }
0x21: {  	s3 =	sadd.s32 s3, s9;
	s6 =	sadd.s32 @!p0 $0x88, s6;
	s7 =	simm.s32 @p2 $0x1082  }
0x22: {  	[simem:s7], [sflag:s8] =	dma.local @!p0 [hbm:s6], $0xF7A  }
0x23: {  	s9 =	sor.u32 $0xD0000000, s2;
	s6 =	simm.s32 $0x108;
	_ =	swait.ge @!p0 [sflag:s8], $0x0  }
0x24: {  	s3 =	sadd.s32 $0x88, s3;
	s6 =	simm.s32 @!p1 $0x1082;
	[sflag:s4] =	ssyncset.s32 $0xFFFFF086  }
0x25: {  	[simem:s6], [sflag:s4] =	dma.local [hbm:s3], $0xF7A  }
0x26: {  	[smem:$0x3F9D] =	sst s1;
	(tag) =	ssettag s2;
	_ =	strace s9  }
0x27: {  	s1 =	sld [smem:$0x3FAD]  }
0x28: {  	s2 =	sld [smem:$0x3FAE]  }
0x29: {  	s4 =	sld [smem:$0x3FB0]  }
0x2a: {  	p0 =	seq.s32 s5, $0x0;
	s5 =	sld [smem:$0x3FB1]  }
0x2b: {  	s6 =	sld [smem:$0x3FB2]  }
0x2c: {  	s7 =	sld [smem:$0x3FB3]  }
0x2d: {  	s3 =	simm.s32 $0x108;
	s8 =	sld [smem:$0x3FB4]  }
0x2e: {  	s3 =	simm.s32 @!p0 $0x1082;
	s9 =	sld [smem:$0x3FB5]  }
0x2f: {  	lr =	sadd.s32 s0, s3;
	s0 =	sld [smem:$0x3FAC]  }
0x30: {  	s3 =	sld [smem:$0x3FAF]  }
0x31: {  	[smem:$0x3FB8] =	sst s10  }
0x32: {  	s10 =	sld [smem:$0x3FB6];
	_ =	sdelay $0x3  }
0x33: {  	p0 =	seq.s32 s10, $0x1;
	s10 =	sld [smem:$0x3FB8];
	_ =	sdelay $0x3  }
0x34: {  	[smem:$0x3FB8] =	sst s10  }
0x35: {  	s10 =	sld [smem:$0x3FB7];
	_ =	sdelay $0x3  }
0x36: {  	p1 =	seq.s32 s10, $0x1;
	s10 =	sld [smem:$0x3FB8];
	_ =	sdelay $0x3  }
0x37: {  	[smem:$0x3FB8] =	sst s10  }
0x38: {  	s10 =	sld [smem:$0x3FB9]  }
0x39: {  	_ = 	snop;
	(pc) =	sbr.ind lr, $3  }
0x3a: {  	_ = 	snop  }
0x3b: {  	_ = 	snop  }
0x3c: {  	p2 =	seq.s32 s10, $0x1;
	s10 =	sld [smem:$0x3FB8]  }
0x3d: {  	_ =	shalt  }
0x3e: {  	_ =	shalt  }
0x3f: {  	_ =	shalt  }
0x40: {  	_ =	shalt  }
0x41: {  	_ =	shalt  }
0x42: {  	_ =	shalt  }
0x43: {  	_ =	shalt  }
0x44: {  	_ =	shalt  }
0x45: {  	_ =	shalt  }
0x46: {  	_ =	shalt  }
0x47: {  	_ =	shalt  }
0x48: {  	_ =	shalt  }
0x49: {  	_ =	shalt  }
0x4a: {  	_ =	shalt  }
0x4b: {  	_ =	shalt  }
0x4c: {  	_ =	shalt  }
0x4d: {  	_ =	shalt  }
0x4e: {  	_ =	shalt  }
0x4f: {  	_ =	shalt  }
0x50: {  	_ =	shalt  }
0x51: {  	_ =	shalt  }
0x52: {  	_ =	shalt  }
0x53: {  	_ =	shalt  }
0x54: {  	_ =	shalt  }
0x55: {  	_ =	shalt  }
0x56: {  	_ =	shalt  }
0x57: {  	_ =	shalt  }
0x58: {  	_ =	shalt  }
0x59: {  	_ =	shalt  }
0x5a: {  	_ =	shalt  }
0x5b: {  	_ =	shalt  }
0x5c: {  	_ =	shalt  }
0x5d: {  	_ =	shalt  }
0x5e: {  	_ =	shalt  }
0x5f: {  	_ =	shalt  }
0x60: {  	_ =	shalt  }
0x61: {  	_ =	shalt  }
0x62: {  	_ =	shalt  }
0x63: {  	_ =	shalt  }
0x64: {  	_ =	shalt  }
0x65: {  	_ =	shalt  }
0x66: {  	_ =	shalt  }
0x67: {  	_ =	shalt  }
0x68: {  	_ =	shalt  }
0x69: {  	_ =	shalt  }
0x6a: {  	_ =	shalt  }
0x6b: {  	_ =	shalt  }
0x6c: {  	_ =	shalt  }
0x6d: {  	_ =	shalt  }
0x6e: {  	_ =	shalt  }
0x6f: {  	_ =	shalt  }
0x70: {  	_ =	shalt  }
0x71: {  	_ =	shalt  }
0x72: {  	_ =	shalt  }
0x73: {  	_ =	shalt  }
0x74: {  	_ =	shalt  }
0x75: {  	_ =	shalt  }
0x76: {  	_ =	shalt  }
0x77: {  	_ =	shalt  }
0x78: {  	_ =	shalt  }
0x79: {  	_ =	shalt  }
0x7a: {  	_ =	shalt  }
0x7b: {  	_ =	shalt  }
0x7c: {  	_ =	shalt  }
0x7d: {  	_ =	shalt  }
0x7e: {  	_ =	shalt  }
0x7f: {  	_ =	shalt  }
0x80: {  	_ =	shalt  }
0x81: {  	_ =	shalt  }
0x82: {  	_ =	shalt  }
0x83: {  	_ =	shalt  }
0x84: {  	_ =	shalt  }
0x85: {  	_ =	shalt  }
0x86: {  	_ =	shalt  }
0x87: {  	_ =	shalt  }
.Lfunc_end0:
.L_simem_size_0:
called_computation_lowered:
.L_overlay_start_0:
0x88: {  	s2 =	sld [smem:$0x3FD9]  }
0x89: {  	s3 =	sld [smem:$0x3FFE];
	_ =	sdelay $0x1  }
0x8a: {  	s1 =	srdreg.scid  }
0x8b: {  	s0 =	sand.u32 $0x1, s1  }
0x8c: {  	s17 =	sshll.u32 s0, $0xA;
	s2 =	sadd.s32 s3, s2  }
0x8d: {  	s2 =	sadd.s32 s2, s17  }
0x8e: {  	[smem:$0x3FC4] =	sst s2  }
0x8f: {  	_ = 	snop  }
0x90: {  	s2 =	sld [smem:$0x3FD0];
	(tm) =	ssettm $0x1  }
0x91: {  	s18 =	sld [smem:$0x3FFB];
	_ =	sdelay $0x3  }
0x92: {  	_ =	strace s18  }
0x93: {  	s3 =	sld [smem:$0x3FFC];
	_ =	sdelay $0x3  }
0x94: {  	_ =	strace s3  }
0x95: {  	s3 =	sld [smem:$0x3FFD];
	_ =	sdelay $0x3  }
0x96: {  	_ =	strace s3  }
0x97: {  	_ =	strace $0x8FFFFFFF  }
0x98: {  	s19 =	sld [smem:$0x3FDB];
	_ =	sdelay $0x1  }
0x99: {  	s4 =	simm.s32 $_scs_section_size  }
0x9a: {  	s5 =	simm.s32 $_size__tile_overlayer_lowered;
	s6 =	simm.s32 $_tile_overlayer_lowered  }
0x9b: {  	s22 =	simm.s32 $0x1BFF;
	s21 =	sshll.u32 s6, $0x1;
	s3 =	sadd.s32 s4, s19  }
0x9c: {  	s7 =	simm.s32 $0x0;
	s20 =	sshll.u32 s5, $0x1;
	s5 =	sadd.s32 s21, s3  }
0x9d: {  	[timem:s7], [sflag:s22] =	dma.local [hbm:s5], s20  }
0x9e: {  	_ =	swait.ge [sflag:s22], s20  }
0x9f: {  	s4 =	ssub.s32 $0x0, s20;
	[sflag:s22] =	ssyncset.done $0x0  }
0xa0: {  	[sflag:s22] =	ssyncadd.s32 s4;
	_ =	sdelay $0x1  }
0xa1: {  	s23 =	simm.s32 $0x1B8B  }
0xa2: {  	_ =	swait.ge [sflag:s23], $0x1  }
0xa3: {  	[sflag:s23] =	ssyncset.done $0x0  }
0xa4: {  	s25 =	simm.s32 $0x1B8E;
	s24 =	sld [smem:$0x3FFE];
	[sflag:s23] =	ssyncadd.s32 $0xFFFFFFFF  }
0xa5: {  	s26 =	simm.s32 $execute0_lowered;
	[smem:$0x3FD2] =	sst s25  }
0xa6: {  	s5 =	sshll.u32 s26, $0x1;
	_ =	strace $0x80000046;
	[dreg:$0x1] =	wrdreg $0xFFFFFFFF  }
0xa7: {  	s28 =	simm.s32 $_size_execute0_lowered;
	s3 =	sadd.s32 s3, s5;
	[dreg:$0x0] =	wrdreg $0x0  }
0xa8: {  	s5 =	sshll.u32 s28, $0x1;
	[dreg:$0x2] =	wrdreg s3  }
0xa9: {  	[dreg:$0x3] =	wrdreg s5  }
0xaa: {  	[dreg:$0x4] =	wrdreg $0xC0  }
0xab: {  	_ =	task [dreg:s7], $0x5FFFF  }
0xac: {  	[dreg:$0x1] =	wrdreg $0xFFFFFFFF  }
0xad: {  	[dreg:$0x0] =	wrdreg $0x60  }
0xae: {  	[dreg:$0x2] =	wrdreg s2  }
0xaf: {  	[dreg:$0x3] =	wrdreg s24  }
0xb0: {  	[dreg:$0x4] =	wrdreg $0x0  }
0xb1: {  	[dreg:$0x5] =	wrdreg $0x9  }
0xb2: {  	_ =	task.clear_ibuf [dreg:s7], $0x6FFFF;
	_ =	strace $0x90000046  }
0xb3: {  	s29 =	simm.s32 $0x9;
	_ =	strace $0x80000048  }
0xb4: {  	_ =	swait.ge [sflag:s29], $0x1  }
0xb5: {  	[sflag:s29] =	ssyncadd.s32 $0xFFFFFFFF  }
0xb6: {  	_ =	strace $0x90000048  }
0xb7: {  	_ =	sfence  }
0xb8: {  	s30 =	sld [smem:$0x0];
	_ =	sdelay $0x2  }
0xb9: {  	s31 =	sshll.u32 s1, $0xD;
	s1 =	sshrl.u32 s1, $0x2  }
0xba: {  	s3 =	sand.u32 $0x4000, s31;
	s1 =	sadd.s32 s1, s30  }
0xbb: {  	s0 =	sor.u32 s3, s0;
	s1 =	sshll.u32 s1, $0x11  }
0xbc: {  	s0 =	sor.u32 s1, s0  }
0xbd: {  	s0 =	sadd.s32 $0x8F2B, s0  }
0xbe: {  	[sflag:s0] =	ssyncadd.remote.s32 $0x1  }
0xbf: {  	_ =	sfence.sel $0xFFFF  }
0xc0: {  	[dreg:$0x0] =	wrdreg $0xFFFFFFFF;
	(pc) =	sbr.abs _section_cstart, $3  }
0xc1: {  	[dreg:$0x1] =	wrdreg $0xFFFFFFFF  }
0xc2: {  	_ =	task.clear_ibuf [dreg:s7], $0x2FFFF;
	_ =	strace $0x9FFFFFFF  }
0xc3: {  	(tm) =	ssettm $0x7FFFFFFF  }
tec
execute0_lowered:
.L_overlay_start_1:
0x0: {  	(tag) =	ssettag $0x1  }
0x1: {  	s1 =	rddreg [dreg:$0x0]  }
0x2: {  	s3 =	rddreg [dreg:$0x1]  }
0x3: {  	s4 =	rddreg [dreg:$0x2]  }
0x4: {  	s0 =	srdreg.scid;
	s11 =	stileid.u32  }
0x5: {  	s5 =	simm.s32 $0x0;
	s29 =	simm.s32 $0x18F80;
	s2 =	smul.u32 $0x280, s11  }
0x6: {  	s30 =	simm.s32 $0x19180;
	s0 =	sand.u32 $0x1, s0;
	s17 =	smul.u32 $0x50000, s11  }
0x7: {  	[smem:$0x7FF] =	sst s5;
	s7 =	sadd.s32 $0x13C00, s3;
	s6 =	smul.u32 $0x2800, s0  }
0x8: {  	_ =	strace $0x80000047;
	[dreg:$0x4] =	wrdreg s7;
	s8 =	sshll.u32 s0, $0x4  }
0x9: {  	s7 =	sadd.s32 $0x9E00, s3;
	s0 =	ssub.s32 $0x2, s0;
	s12 =	sor.u32 s11, s8  }
0xa: {  	s9 =	sshrl.u32 s0, $0x1;
	s20 =	sshrl.u32 s17, $0x2;
	s8 =	smul.u32 $0x2710, s12  }
0xb: {  	s11 =	simm.s32 $0x50;
	s10 =	smul.u32 $0x4E2, s12;
	s0 =	ssub.s32 s0, s9  }
0xc: {  	s2 =	sadd.s32 s2, s6;
	s6 =	smul.u32 $0x7D, s12;
	s0 =	smax.u32 s0, $0x1  }
0xd: {  	s12 =	simm.s32 $0x19480;
	s13 =	sadd.s32 s7, s10;
	[dreg:$0x10] =	wrdreg s0  }
0xe: {  	s2 =	sshll.u32 s2, $0x4;
	s14 =	sadd.s32 s3, s10;
	[dreg:$0x5] =	wrdreg s13  }
0xf: {  	s2 =	sadd.s32 s2, s3;
	s19 =	sadd.s32 $0x4, s6;
	[dreg:$0x6] =	wrdreg s14  }
0x10: {  	s8 =	sshrl.u32 s8, $0x3;
	s21 =	sadd.s32 $0x5, s6;
	[dreg:$0xb] =	wrdreg s19  }
0x11: {  	s14 =	sadd.s32 $0x3, s6;
	[dreg:$0xc] =	wrdreg s21;
	s6 =	sadd.s32 $0x6, s6  }
0x12: {  	s15 =	sadd.s32 $0xA, s8;
	s2 =	sadd.s32 $0x14200, s2;
	[dreg:$0xd] =	wrdreg s6  }
0x13: {  	s10 =	simm.s32 $0x1;
	s16 =	sadd.s32 s7, s15;
	[dreg:$0xf] =	wrdreg s2  }
0x14: {  	s8 =	sadd.s32 $0x14, s8;
	s9 =	sadd.s32 s3, s15;
	[dreg:$0x7] =	wrdreg s16  }
0x15: {  	s13 =	simm.s32 $0x5;
	s18 =	sadd.s32 s7, s8;
	[dreg:$0x8] =	wrdreg s9  }
0x16: {  	s19 =	simm.s32 $0x19380;
	s8 =	sadd.s32 s3, s8;
	[dreg:$0x9] =	wrdreg s18  }
0x17: {  	s21 =	simm.s32 $0x3;
	[dreg:$0xa] =	wrdreg s8;
	s16 =	sadd.s32 s20, s4  }
0x18: {  	s2 =	simm.s32 $0x19280;
	s22 =	sadd.s32 $0x2800, s16;
	[dreg:$0xe] =	wrdreg s16  }
0x19: {  	v5 =	vlaneseq.u32;
	s6 =	simm.s32 $0x16780;
	s23 =	sadd.s32 $0x5000, s16;
	[dreg:$0x11] =	wrdreg s22  }
0x1a: {  	v0 =	vimm.f32 $0.0e+00;
	vm0 =	vcmask $0x704;
	vm1 =	vcmask $0xB08;
	s15 =	simm.s32 $0x0;
	s24 =	sadd.s32 $0x7800, s16;
	[dreg:$0x12] =	wrdreg s23  }
0x1b: {  	vm2 =	vcmask $0xF0C;
	vm3 =	vcmask $0x1310;
	vm4 =	vcmask $0x1714;
	s8 =	simm.s32 $0x9;
	s25 =	sadd.s32 $0xA000, s16;
	[dreg:$0x13] =	wrdreg s24  }
.Ltmp0:
0x1c: {  	vm5 =	vcmask $0x1B18;
	vm6 =	vcmask $0x1F1C;
	vm7 =	vcmask $0x2320;
	s26 =	sadd.s32 $0xC800, s16;
	[dreg:$0x14] =	wrdreg s25;
	(pc) =	sbr.rel .LBB2_1-.Ltmp0, $4  }
0x1d: {  	vm8 =	vcmask $0x2724;
	vm9 =	vcmask $0x2B28;
	vm10 =	vcmask $0x2F2C;
	s9 =	simm.s32 $0x14000;
	s28 =	sadd.s32 $0xF000, s16;
	[dreg:$0x15] =	wrdreg s26  }
0x1e: {  	vm11 =	vcmask $0x3330;
	vm12 =	vcmask $0x3734;
	vm13 =	vcmask $0x3B38;
	s20 =	simm.s32 $0x7;
	s31 =	sadd.s32 $0x11800, s16;
	[dreg:$0x16] =	wrdreg s28  }
0x1f: {  	vm14 =	vcmask $0x3F3C;
	v1 =	vor.u32 $0x2780, v5;
	v2 =	vor.u32 $0x2790, v5;
	[dreg:$0x17] =	wrdreg s31;
	s22 =	simm.s32 $0x6;
	s23 =	simm.s32 $0x1BC80  }
0x20: {  	v3 =	vor.u32 $0x27A0, v5;
	v4 =	vor.u32 $0x27B0, v5;
	v5 =	vor.u32 $0x27C0, v5;
	s24 =	simm.s32 $0x8;
	s25 =	simm.s32 $0x4;
	s26 =	simm.s32 $0x0  }
.LBB2_20:
0x21: {  	_ =	swait.ge [sflag:s24], $0x2800  }
0x22: {  	[sflag:s24] =	ssyncset.done $0x0  }
0x23: {  	[sflag:s24] =	ssyncadd.s32 $0xFFFFD800  }
0x24: {  	_ =	swait.ge [sflag:s20], $0x2800  }
0x25: {  	[sflag:s20] =	ssyncset.done $0x0  }
0x26: {  	s0 =	simm.s32 $0x19400;
	[sflag:s20] =	ssyncadd.s32 $0xFFFFD800  }
0x27: {  	[spmem:s4] =	stream.indirect.scatter.add.f32 [tilespmem:s6], [sflag:$0x9], $0x80, s0, s11, $0xb8;
	[tilespmem:$0x1E480] =	vst v63  }
0x28: {  	_ =	swait.ge [sflag:s8], $0x2800  }
0x29: {  	[sflag:s8] =	ssyncset.done $0x0  }
0x2a: {  	[sflag:s8] =	ssyncadd.s32 $0xFFFFD800  }
0x2b: {  	s18 =	stileid.u32;
	[bflag:$0x0] =	sbarrier.arrive $0xFFFF  }
0x2c: {  	s0 =	sshll.u32 s18, $0x6;
	s16 =	rddreg [dreg:$0xe]  }
0x2d: {  	s0 =	sor.u32 $0x1C09, s0;
	s17 =	rddreg [dreg:$0xf];
	s15 =	sshrl.u32 s16, $0x3  }
0x2e: {  	[hbm:s17], [sflag:s0] =	dma.local [spmem:s15], $0x2800  }
0x2f: {  	_ =	swait.ge [sflag:s8], $0x2800  }
0x30: {  	s28 =	rddreg [dreg:$0x18]  }
0x31: {  	s31 =	rddreg [dreg:$0x10];
	s15 =	sadd.s32 $0x1, s28  }
0x32: {  	p0 =	sne.s32 s15, s31  }
.Ltmp1:
0x33: {  	_ = 	snop;
	(pc) =	sbr.rel @!p0 .LBB2_21-.Ltmp1, $3  }
0x34: {  	_ =	sdelay $0x1  }
0x35: {  	[sflag:s8] =	ssyncset.done $0x0  }
0x36: {  	[sflag:s8] =	ssyncadd.s32 $0xFFFFD800  }
.LBB2_1:
0x37: {  	[dreg:$0x18] =	wrdreg s15  }
0x38: {  	s0 =	rddreg [dreg:$0x5]  }
0x39: {  	[tilespmem:s29], [sflag:$0x1] =	stream.linear.gather [hbm4b:s0+s5], $0x50, $0x38;
	[tilespmem:$0x1E480] =	vst v63  }
0x3a: {  	s18 =	rddreg [dreg:$0x6]  }
0x3b: {  	[tilespmem:s30], [sflag:$0x1] =	stream.linear.gather [hbm4b:s18+s5], $0x50, $0x38;
	[tilespmem:$0x1E480] =	vst v63  }
0x3c: {  	s28 =	rddreg [dreg:$0x7];
	s31 =	simm.s32 $0x19000  }
0x3d: {  	[tilespmem:s31], [sflag:$0x2] =	stream.linear.gather [hbm4b:s28+s5], $0x50, $0x38;
	[tilespmem:$0x1E480] =	vst v63  }
0x3e: {  	s15 =	rddreg [dreg:$0x8];
	s17 =	simm.s32 $0x19200  }
0x3f: {  	[tilespmem:s17], [sflag:$0x2] =	stream.linear.gather [hbm4b:s15+s5], $0x50, $0x38;
	[tilespmem:$0x1E480] =	vst v63  }
0x40: {  	s18 =	rddreg [dreg:$0x9];
	s28 =	simm.s32 $0x19080  }
0x41: {  	[tilespmem:s28], [sflag:$0x3] =	stream.linear.gather [hbm4b:s18+s5], $0x50, $0x38;
	[tilespmem:$0x1E480] =	vst v63  }
0x42: {  	s31 =	rddreg [dreg:$0xa];
	s17 =	simm.s32 $0x0;
	s18 =	simm.s32 $0x200  }
0x43: {  	[tilespmem:s2], [sflag:$0x3] =	stream.linear.gather [hbm4b:s31+s5], $0x50, $0x38;
	[tilespmem:$0x1E480] =	vst v63  }
.LBB2_2:
0x44: {  	p0 =	sne.s32 s18, $0x9E00;
	[tilespmem:s17+$0x167F0] =	vst v0  }
0x45: {  	[tilespmem:s17+$0x16780] =	vst v0  }
0x46: {  	[tilespmem:s17+$0x16790] =	vst v0  }
.Ltmp2:
0x47: {  	[tilespmem:s17+$0x167A0] =	vst v0;
	(pc) =	sbr.rel @p0 .LBB2_2-.Ltmp2, $4  }
0x48: {  	[tilespmem:s17+$0x167B0] =	vst v0  }
0x49: {  	[tilespmem:s17+$0x167C0] =	vst v0  }
0x4a: {  	[tilespmem:s17+$0x167D0] =	vst v0  }
0x4b: {  	[tilespmem:s17+$0x167E0] =	vst v0;
	s17 =	sshra.s32 s18, $0x2;
	s18 =	sadd.s32 $0x200, s18  }
0x4c: {  	[tilespmem:s17+$0x167F0] =	vst v0  }
0x4d: {  	[tilespmem:s17+$0x16780] =	vst v0  }
0x4e: {  	[tilespmem:s17+$0x16790] =	vst v0  }
0x4f: {  	[tilespmem:s17+$0x167A0] =	vst v0  }
0x50: {  	[tilespmem:s17+$0x167B0] =	vst v0  }
0x51: {  	[tilespmem:s17+$0x167C0] =	vst v0  }
0x52: {  	[tilespmem:s17+$0x167D0] =	vst v0  }
0x53: {  	[tilespmem:s17+$0x167E0] =	vst v0  }
0x54: {  	[tilespmem:$0x19400] =	vst v1  }
0x55: {  	[tilespmem:$0x19410] =	vst v2  }
0x56: {  	[tilespmem:$0x19420] =	vst v3  }
0x57: {  	[tilespmem:$0x19430] =	vst v4  }
0x58: {  	[tilespmem:$0x19440] =	vst v5  }
0x59: {  	[spmem:s16] =	stream.linear.scatter [tilespmem:s6], [sflag:$0x9], $0x2800, $0x38;
	[tilespmem:$0x1E480] =	vst v63  }
0x5a: {  	_ =	swait.ge [sflag:s8], $0x2800  }
0x5b: {  	[sflag:s8] =	ssyncset.done $0x0  }
0x5c: {  	s0 =	rddreg [dreg:$0x11];
	[sflag:s8] =	ssyncadd.s32 $0xFFFFD800  }
0x5d: {  	[spmem:s0] =	stream.linear.scatter [tilespmem:s6], [sflag:$0x9], $0x2800, $0x38;
	[tilespmem:$0x1E480] =	vst v63  }
0x5e: {  	_ =	swait.ge [sflag:s8], $0x2800  }
0x5f: {  	[sflag:s8] =	ssyncset.done $0x0  }
0x60: {  	s18 =	rddreg [dreg:$0x12];
	[sflag:s8] =	ssyncadd.s32 $0xFFFFD800  }
0x61: {  	[spmem:s18] =	stream.linear.scatter [tilespmem:s6], [sflag:$0x9], $0x2800, $0x38;
	[tilespmem:$0x1E480] =	vst v63  }
0x62: {  	_ =	swait.ge [sflag:s8], $0x2800  }
0x63: {  	[sflag:s8] =	ssyncset.done $0x0  }
0x64: {  	s28 =	rddreg [dreg:$0x13];
	[sflag:s8] =	ssyncadd.s32 $0xFFFFD800  }
0x65: {  	[spmem:s28] =	stream.linear.scatter [tilespmem:s6], [sflag:$0x9], $0x2800, $0x38;
	[tilespmem:$0x1E480] =	vst v63  }
0x66: {  	_ =	swait.ge [sflag:s8], $0x2800  }
0x67: {  	[sflag:s8] =	ssyncset.done $0x0  }
0x68: {  	s15 =	rddreg [dreg:$0x14];
	[sflag:s8] =	ssyncadd.s32 $0xFFFFD800  }
0x69: {  	[spmem:s15] =	stream.linear.scatter [tilespmem:s6], [sflag:$0x9], $0x2800, $0x38;
	[tilespmem:$0x1E480] =	vst v63  }
0x6a: {  	_ =	swait.ge [sflag:s8], $0x2800  }
0x6b: {  	[sflag:s8] =	ssyncset.done $0x0  }
0x6c: {  	s16 =	rddreg [dreg:$0x15];
	[sflag:s8] =	ssyncadd.s32 $0xFFFFD800  }
0x6d: {  	[spmem:s16] =	stream.linear.scatter [tilespmem:s6], [sflag:$0x9], $0x2800, $0x38;
	[tilespmem:$0x1E480] =	vst v63  }
0x6e: {  	_ =	swait.ge [sflag:s8], $0x2800  }
0x6f: {  	[sflag:s8] =	ssyncset.done $0x0  }
0x70: {  	s17 =	rddreg [dreg:$0x16];
	[sflag:s8] =	ssyncadd.s32 $0xFFFFD800  }
0x71: {  	[spmem:s17] =	stream.linear.scatter [tilespmem:s6], [sflag:$0x9], $0x2800, $0x38;
	[tilespmem:$0x1E480] =	vst v63  }
0x72: {  	_ =	swait.ge [sflag:s8], $0x2800  }
0x73: {  	[sflag:s8] =	ssyncset.done $0x0  }
0x74: {  	s18 =	rddreg [dreg:$0x17];
	[sflag:s8] =	ssyncadd.s32 $0xFFFFD800  }
0x75: {  	[spmem:s18] =	stream.linear.scatter [tilespmem:s6], [sflag:$0x9], $0x2800, $0x38;
	[tilespmem:$0x1E480] =	vst v63  }
0x76: {  	_ =	swait.ge [sflag:s8], $0x2800  }
0x77: {  	[sflag:s8] =	ssyncset.done $0x0  }
0x78: {  	s28 =	rddreg [dreg:$0x4];
	[sflag:s8] =	ssyncadd.s32 $0xFFFFD800  }
0x79: {  	[tilespmem:s9], [sflag:$0x9] =	stream.linear.gather [hbm4b:s28+s26], $0x2780, $0x38;
	[tilespmem:$0x1E480] =	vst v63  }
0x7a: {  	_ =	swait.ge [sflag:s8], $0x2780  }
0x7b: {  	[sflag:s8] =	ssyncset.done $0x0  }
0x7c: {  	[sflag:s8] =	ssyncadd.s32 $0xFFFFD880  }
0x7d: {  	_ =	swait.ge [sflag:s10], $0x50  }
0x7e: {  	[sflag:s10] =	ssyncset.done $0x0  }
0x7f: {  	[sflag:s10] =	ssyncadd.s32 $0xFFFFFFB0  }
0x80: {  	_ =	swait.ge [sflag:s10], $0x50  }
.Ltmp3:
0x81: {  	[sflag:s10] =	ssyncset.done $0x0;
	(pc) =	sbr.rel .LBB2_4-.Ltmp3, $4  }
0x82: {  	[sflag:s10] =	ssyncadd.s32 $0xFFFFFFB0  }
0x83: {  	[tilespmem:s12], [sflag:$0x5] =	stream.indirect.gather [hbm4b:s1+s11], $0x80, s30, s11, $0xb8;
	[tilespmem:$0x1E480] =	vst v63  }
0x84: {  	[bflag:$0x0] =	sbarrier.arrive $0xFFFF  }
0x85: {  	s31 =	simm.s32 $0x0  }
.LBB2_19:
0x86: {  	s31 =	sadd.s32 $0x1, s31  }
0x87: {  	p0 =	sne.s32 s31, $0x20  }
.Ltmp4:
0x88: {  	_ = 	snop;
	(pc) =	sbr.rel @!p0 .LBB2_20-.Ltmp4, $1  }
0x89: {  	_ =	sdelay $0x3  }
.LBB2_4:
0x8a: {  	p0 =	sgt.u32 s31, $0x1E  }
0x8b: {  	p1 =	seq.s32 @!p0 s31, $0x0  }
0x8c: {  	p1 =	por p1, p0  }
0x8d: {  	s15 =	simm.s32 @!p1 $0x8  }
0x8e: {  	_ =	swait.ge @!p1 [sflag:s15], $0x2800  }
0x8f: {  	[sflag:s15] =	ssyncset.done @!p1 $0x0  }
0x90: {  	[sflag:s15] =	ssyncadd.s32 @!p1 $0xFFFFD800;
	s15 =	simm.s32 @!p0 $0x2  }
0x91: {  	_ =	swait.ge @!p0 [sflag:s15], $0x50  }
0x92: {  	[sflag:s15] =	ssyncset.done @!p0 $0x0  }
0x93: {  	s18 =	sshll.u32 s31, $0x2;
	[sflag:s15] =	ssyncadd.s32 @!p0 $0xFFFFFFB0  }
0x94: {  	s17 =	sadd.s32 @!p0 s18, s14;
	_ =	swait.ge @!p0 [sflag:s15], $0x50  }
0x95: {  	s28 =	simm.s32 @!p0 $0x19200;
	s16 =	simm.s32 @!p0 $0x1BC80;
	[sflag:s15] =	ssyncset.done @!p0 $0x0  }
0x96: {  	s17 =	smul.u32 @!p0 $0xA, s17;
	[sflag:s15] =	ssyncadd.s32 @!p0 $0xFFFFFFB0;
	s15 =	simm.s32 @!p0 $0x50  }
0x97: {  	[tilespmem:s16], [sflag:$0x6] =	stream.indirect.gather @!p0 [hbm4b:s1+s15], $0x80, s28, s15, $0xb8;
	[tilespmem:$0x1E480] =	vst v63  }
0x98: {  	s15 =	sadd.s32 @!p0 s7, s17;
	s16 =	simm.s32 @!p0 $0x0;
	s28 =	simm.s32 @!p0 $0x19100  }
0x99: {  	[tilespmem:s28], [sflag:$0x4] =	stream.linear.gather @!p0 [hbm4b:s15+s16], $0x50, $0x38;
	[tilespmem:$0x1E480] =	vst v63  }
0x9a: {  	s15 =	sadd.s32 @!p0 s3, s17;
	s17 =	simm.s32 @!p0 $0x19300  }
0x9b: {  	[tilespmem:s17], [sflag:$0x4] =	stream.linear.gather @!p0 [hbm4b:s15+s16], $0x50, $0x38;
	[tilespmem:$0x1E480] =	vst v63  }
0x9c: {  	_ =	swait.ge [sflag:s13], $0x2800  }
0x9d: {  	[sflag:s13] =	ssyncset.done $0x0  }
0x9e: {  	[sflag:s13] =	ssyncadd.s32 $0xFFFFD800  }
0x9f: {  	v6 =	vld [tilespmem:$0x18F80]  }
0xa0: {  	v7 =	vld [tilespmem:$0x19180];
	_ =	sdelay $0x6  }
0xa1: {  	v8 =	vld.idx.msk [tilespmem:v6+s9+$0x0], $0xffff  }
0xa2: {  	v7 =	vld.idx.msk [tilespmem:v7+s9+$0x0], $0xffff;
	_ =	sdelay $0x4  }
0xa3: {  	v8 =	vand.u32 $0xFFFF0000, v8;
	v7 =	vshll.u32 v7, $0x10  }
0xa4: {  	v7 =	vadd.f32 v7, v8;
	_ =	sdelay $0x1  }
0xa5: {  	v8 =	vmul.f32 $2.000000030e-01, v7;
	_ =	sdelay $0x1  }
0xa6: {  	v9 =	vld [tilespmem:$0x19190];
	v7 =	vmax.f32 v7, v8  }
0xa7: {  	v8 =	vld [tilespmem:$0x18F90];
	v7 =	vsub.f32 $0.0e+00, v7;
	_ =	sdelay $0x1  }
0xa8: {  	v7 =	vmul.f32 $1.442695020e+00, v7;
	_ =	sdelay $0x1  }
0xa9: {  	(erf) = vpow2.f32 v7;
	_ =	sdelay $0x1  }
0xaa: {  	v11 =	vld [tilespmem:$0x191A0]  }
0xab: {  	v9 =	vld.idx.msk [tilespmem:v9+s9+$0x0], $0xffff  }
0xac: {  	v7 =	vld.idx.msk [tilespmem:v8+s9+$0x0], $0xffff;
	_ =	sdelay $0x4  }
0xad: {  	v12 =	vld [tilespmem:$0x191C0];
	v9 =	vshll.u32 v9, $0x10;
	v7 =	vand.u32 $0xFFFF0000, v7;
	v10 =	vpop (erf)  }
0xae: {  	v11 =	vld.idx.msk [tilespmem:v11+s9+$0x0], $0xffff;
	v7 =	vadd.f32 v9, v7;
	[tilespmem:$0x19380] =	vst v10  }
0xaf: {  	[tilespmem:v6+s6+$0x0] =	vst.idx.add.f32.msk $0x1, v10  }
0xb0: {  	v9 =	vmul.f32 $2.000000030e-01, v7;
	[tilespmem:v6+s6+$0x0] =	vst.idx.add.f32.msk vm0, v10  }
0xb1: {  	[tilespmem:v6+s6+$0x0] =	vst.idx.add.f32.msk vm1, v10  }
0xb2: {  	v7 =	vmax.f32 v7, v9;
	v9 =	vld [tilespmem:$0x18FA0]  }
0xb3: {  	[tilespmem:v6+s6+$0x0] =	vst.idx.add.f32.msk vm2, v10;
	v7 =	vsub.f32 $0.0e+00, v7  }
0xb4: {  	[tilespmem:v6+s6+$0x0] =	vst.idx.add.f32.msk vm3, v10  }
0xb5: {  	[tilespmem:v6+s6+$0x0] =	vst.idx.add.f32.msk vm4, v10;
	v7 =	vmul.f32 $1.442695020e+00, v7  }
0xb6: {  	[tilespmem:v6+s6+$0x0] =	vst.idx.add.f32.msk vm5, v10  }
0xb7: {  	[tilespmem:v6+s6+$0x0] =	vst.idx.add.f32.msk vm6, v10;
	(erf) = vpow2.f32 v7  }
0xb8: {  	[tilespmem:v6+s6+$0x0] =	vst.idx.add.f32.msk vm7, v10  }
0xb9: {  	[tilespmem:v6+s6+$0x0] =	vst.idx.add.f32.msk vm8, v10  }
0xba: {  	[tilespmem:v6+s6+$0x0] =	vst.idx.add.f32.msk vm9, v10  }
0xbb: {  	v7 =	vld.idx.msk [tilespmem:v9+s9+$0x0], $0xffff  }
0xbc: {  	[tilespmem:v6+s6+$0x0] =	vst.idx.add.f32.msk vm10, v10  }
0xbd: {  	[tilespmem:v6+s6+$0x0] =	vst.idx.add.f32.msk vm11, v10  }
0xbe: {  	[tilespmem:v6+s6+$0x0] =	vst.idx.add.f32.msk vm12, v10  }
0xbf: {  	[tilespmem:v6+s6+$0x0] =	vst.idx.add.f32.msk vm13, v10  }
0xc0: {  	[tilespmem:v6+s6+$0x0] =	vst.idx.add.f32.msk vm14, v10;
	v7 =	vand.u32 $0xFFFF0000, v7;
	v10 =	vshll.u32 v11, $0x10;
	v6 =	vpop (erf)  }
0xc1: {  	v11 =	vld [tilespmem:$0x191B0];
	v7 =	vadd.f32 v10, v7;
	[tilespmem:$0x19390] =	vst v6  }
0xc2: {  	[tilespmem:v8+s6+$0x0] =	vst.idx.add.f32.msk $0x1, v6  }
0xc3: {  	v10 =	vmul.f32 $2.000000030e-01, v7;
	[tilespmem:v8+s6+$0x0] =	vst.idx.add.f32.msk vm0, v6  }
0xc4: {  	[tilespmem:v8+s6+$0x0] =	vst.idx.add.f32.msk vm1, v6  }
0xc5: {  	v7 =	vmax.f32 v7, v10;
	v10 =	vld [tilespmem:$0x18FB0]  }
0xc6: {  	[tilespmem:v8+s6+$0x0] =	vst.idx.add.f32.msk vm2, v6  }
0xc7: {  	v7 =	vsub.f32 $0.0e+00, v7;
	[tilespmem:v8+s6+$0x0] =	vst.idx.add.f32.msk vm3, v6  }
0xc8: {  	[tilespmem:v8+s6+$0x0] =	vst.idx.add.f32.msk vm4, v6  }
0xc9: {  	v7 =	vmul.f32 $1.442695020e+00, v7;
	v11 =	vld.idx.msk [tilespmem:v11+s9+$0x0], $0xffff  }
0xca: {  	[tilespmem:v8+s6+$0x0] =	vst.idx.add.f32.msk vm5, v6  }
0xcb: {  	[tilespmem:v8+s6+$0x0] =	vst.idx.add.f32.msk vm6, v6;
	(erf) = vpow2.f32 v7  }
0xcc: {  	[tilespmem:v8+s6+$0x0] =	vst.idx.add.f32.msk vm7, v6  }
0xcd: {  	[tilespmem:v8+s6+$0x0] =	vst.idx.add.f32.msk vm8, v6  }
0xce: {  	[tilespmem:v8+s6+$0x0] =	vst.idx.add.f32.msk vm9, v6  }
0xcf: {  	v7 =	vld.idx.msk [tilespmem:v10+s9+$0x0], $0xffff  }
0xd0: {  	[tilespmem:v8+s6+$0x0] =	vst.idx.add.f32.msk vm10, v6  }
0xd1: {  	[tilespmem:v8+s6+$0x0] =	vst.idx.add.f32.msk vm11, v6  }
0xd2: {  	[tilespmem:v8+s6+$0x0] =	vst.idx.add.f32.msk vm12, v6  }
0xd3: {  	[tilespmem:v8+s6+$0x0] =	vst.idx.add.f32.msk vm13, v6  }
0xd4: {  	[tilespmem:v8+s6+$0x0] =	vst.idx.add.f32.msk vm14, v6;
	v7 =	vand.u32 $0xFFFF0000, v7;
	v8 =	vshll.u32 v11, $0x10;
	v6 =	vpop (erf)  }
0xd5: {  	v11 =	vld [tilespmem:$0x18FC0];
	v7 =	vadd.f32 v8, v7;
	[tilespmem:$0x193A0] =	vst v6  }
0xd6: {  	[tilespmem:v9+s6+$0x0] =	vst.idx.add.f32.msk $0x1, v6  }
0xd7: {  	v8 =	vmul.f32 $2.000000030e-01, v7;
	[tilespmem:v9+s6+$0x0] =	vst.idx.add.f32.msk vm0, v6  }
0xd8: {  	[tilespmem:v9+s6+$0x0] =	vst.idx.add.f32.msk vm1, v6  }
0xd9: {  	v7 =	vmax.f32 v7, v8;
	v8 =	vld.idx.msk [tilespmem:v12+s9+$0x0], $0xffff  }
0xda: {  	[tilespmem:v9+s6+$0x0] =	vst.idx.add.f32.msk vm2, v6;
	v7 =	vsub.f32 $0.0e+00, v7  }
0xdb: {  	[tilespmem:v9+s6+$0x0] =	vst.idx.add.f32.msk vm3, v6  }
0xdc: {  	[tilespmem:v9+s6+$0x0] =	vst.idx.add.f32.msk vm4, v6;
	v7 =	vmul.f32 $1.442695020e+00, v7  }
0xdd: {  	[tilespmem:v9+s6+$0x0] =	vst.idx.add.f32.msk vm5, v6  }
0xde: {  	[tilespmem:v9+s6+$0x0] =	vst.idx.add.f32.msk vm6, v6;
	(erf) = vpow2.f32 v7  }
0xdf: {  	v7 =	vld.idx.msk [tilespmem:v11+s9+$0x0], $0xffff  }
0xe0: {  	[tilespmem:v9+s6+$0x0] =	vst.idx.add.f32.msk vm7, v6  }
0xe1: {  	[tilespmem:v9+s6+$0x0] =	vst.idx.add.f32.msk vm8, v6  }
0xe2: {  	[tilespmem:v9+s6+$0x0] =	vst.idx.add.f32.msk vm9, v6  }
0xe3: {  	[tilespmem:v9+s6+$0x0] =	vst.idx.add.f32.msk vm10, v6  }
0xe4: {  	[tilespmem:v9+s6+$0x0] =	vst.idx.add.f32.msk vm11, v6  }
0xe5: {  	v8 =	vshll.u32 v8, $0x10;
	v7 =	vand.u32 $0xFFFF0000, v7;
	[tilespmem:v9+s6+$0x0] =	vst.idx.add.f32.msk vm12, v6  }
0xe6: {  	v7 =	vadd.f32 v8, v7;
	[tilespmem:v9+s6+$0x0] =	vst.idx.add.f32.msk vm13, v6  }
0xe7: {  	[tilespmem:v9+s6+$0x0] =	vst.idx.add.f32.msk vm14, v6;
	v6 =	vpop (erf)  }
0xe8: {  	v8 =	vmul.f32 $2.000000030e-01, v7;
	[tilespmem:$0x193B0] =	vst v6  }
0xe9: {  	[tilespmem:v10+s6+$0x0] =	vst.idx.add.f32.msk $0x1, v6  }
0xea: {  	v7 =	vmax.f32 v7, v8;
	[tilespmem:v10+s6+$0x0] =	vst.idx.add.f32.msk vm0, v6  }
0xeb: {  	v7 =	vsub.f32 $0.0e+00, v7;
	[tilespmem:v10+s6+$0x0] =	vst.idx.add.f32.msk vm1, v6  }
0xec: {  	[tilespmem:v10+s6+$0x0] =	vst.idx.add.f32.msk vm2, v6  }
0xed: {  	v7 =	vmul.f32 $1.442695020e+00, v7;
	[tilespmem:v10+s6+$0x0] =	vst.idx.add.f32.msk vm3, v6  }
0xee: {  	[tilespmem:v10+s6+$0x0] =	vst.idx.add.f32.msk vm4, v6  }
0xef: {  	(erf) = vpow2.f32 v7;
	[tilespmem:v10+s6+$0x0] =	vst.idx.add.f32.msk vm5, v6  }
0xf0: {  	[tilespmem:v10+s6+$0x0] =	vst.idx.add.f32.msk vm6, v6  }
0xf1: {  	[tilespmem:v10+s6+$0x0] =	vst.idx.add.f32.msk vm7, v6  }
0xf2: {  	[tilespmem:v10+s6+$0x0] =	vst.idx.add.f32.msk vm8, v6  }
0xf3: {  	[tilespmem:v10+s6+$0x0] =	vst.idx.add.f32.msk vm9, v6  }
0xf4: {  	[tilespmem:v10+s6+$0x0] =	vst.idx.add.f32.msk vm10, v6  }
0xf5: {  	[tilespmem:v10+s6+$0x0] =	vst.idx.add.f32.msk vm11, v6  }
0xf6: {  	[tilespmem:v10+s6+$0x0] =	vst.idx.add.f32.msk vm12, v6  }
0xf7: {  	[tilespmem:v10+s6+$0x0] =	vst.idx.add.f32.msk vm13, v6  }
0xf8: {  	[tilespmem:v10+s6+$0x0] =	vst.idx.add.f32.msk vm14, v6;
	v6 =	vpop (erf)  }
0xf9: {  	[tilespmem:$0x193C0] =	vst v6  }
0xfa: {  	[tilespmem:v11+s6+$0x0] =	vst.idx.add.f32.msk $0x1, v6  }
0xfb: {  	[tilespmem:v11+s6+$0x0] =	vst.idx.add.f32.msk vm0, v6  }
0xfc: {  	[tilespmem:v11+s6+$0x0] =	vst.idx.add.f32.msk vm1, v6  }
0xfd: {  	[tilespmem:v11+s6+$0x0] =	vst.idx.add.f32.msk vm2, v6  }
0xfe: {  	[tilespmem:v11+s6+$0x0] =	vst.idx.add.f32.msk vm3, v6  }
0xff: {  	[tilespmem:v11+s6+$0x0] =	vst.idx.add.f32.msk vm4, v6  }
0x100: {  	[tilespmem:v11+s6+$0x0] =	vst.idx.add.f32.msk vm5, v6  }
0x101: {  	[tilespmem:v11+s6+$0x0] =	vst.idx.add.f32.msk vm6, v6  }
0x102: {  	s17 =	simm.s32 $0x6;
	v7 =	vmov s26;
	[tilespmem:v11+s6+$0x0] =	vst.idx.add.f32.msk vm7, v6  }
0x103: {  	v8 =	vmov s17;
	v7 =	vand.u32 $0xFFFFFFF8, v7;
	[tilespmem:v11+s6+$0x0] =	vst.idx.add.f32.msk vm8, v6  }
0x104: {  	v8 =	vand.u32 $0xFFFFFFFE, v8;
	v7 =	vbroadcast v7, $0x0;
	[tilespmem:v11+s6+$0x0] =	vst.idx.add.f32.msk vm9, v6  }
0x105: {  	v8 =	vbroadcast v8, $0x0;
	[tilespmem:v11+s6+$0x0] =	vst.idx.add.f32.msk vm10, v6  }
0x106: {  	[tilespmem:v11+s6+$0x0] =	vst.idx.add.f32.msk vm11, v6  }
0x107: {  	[tilespmem:v11+s6+$0x0] =	vst.idx.add.f32.msk vm12, v6  }
0x108: {  	[tilespmem:v11+s6+$0x0] =	vst.idx.add.f32.msk vm13, v6  }
0x109: {  	[tilespmem:v11+s6+$0x0] =	vst.idx.add.f32.msk vm14, v6  }
0x10a: {  	v6 =	vld.idx.msk [tilespmem:v7+s19+$0x0], $0xffff  }
0x10b: {  	s28 =	simm.s32 $0x19680;
	v7 =	vld.idx.msk [tilespmem:v8+s19+$0x0], $0xffff  }
0x10c: {  	v9 =	vld [tilespmem:s28+$0x170]  }
0x10d: {  	v10 =	vld [tilespmem:s28+$0xFFFFFE00]  }
0x10e: {  	v11 =	vld [tilespmem:s28+$0xFFFFFE10]  }
0x10f: {  	v12 =	vld [tilespmem:s28+$0xFFFFFE20]  }
0x110: {  	v13 =	vld [tilespmem:s28+$0xFFFFFE30]  }
0x111: {  	s0 =	simm.s32 $0x1;
	v14 =	vld [tilespmem:s28+$0xFFFFFE40]  }
0x112: {  	v8 =	vmov s0;
	v15 =	vld [tilespmem:s28+$0xFFFFFE50]  }
0x113: {  	v16 =	vld [tilespmem:s28+$0xFFFFFE60];
	v8 =	vand.u32 $0xFFFFFFF9, v8  }
0x114: {  	v17 =	vld [tilespmem:s28+$0xFFFFFE70];
	v8 =	vbroadcast v8, $0x0  }
0x115: {  	v18 =	vld [tilespmem:s28+$0xFFFFFE80]  }
0x116: {  	v19 =	vld [tilespmem:s28+$0xFFFFFE90];
	v10 =	vmul.f32 v10, v6  }
0x117: {  	v20 =	vld [tilespmem:s28+$0xFFFFFEA0];
	v9 =	vmul.f32 v9, v7  }
0x118: {  	v21 =	vld [tilespmem:s28+$0xFFFFFEB0];
	v11 =	vmul.f32 v11, v6;
	[tilespmem:s28+$0xFFFFFE00] =	vst v10  }
0x119: {  	s16 =	simm.s32 $0x2;
	v13 =	vmul.f32 v13, v6;
	[tilespmem:s28+$0x170] =	vst v9;
	v9 =	vmul.f32 v12, v6;
	v12 =	vld [tilespmem:s28+$0xFFFFFEC0]  }
0x11a: {  	v14 =	vmul.f32 v14, v6;
	v10 =	vmov s16;
	[tilespmem:s28+$0xFFFFFE10] =	vst v11;
	v8 =	vld.idx.msk [tilespmem:v8+s19+$0x0], $0xffff  }
0x11b: {  	[tilespmem:s28+$0xFFFFFE30] =	vst v13;
	v13 =	vmul.f32 v15, v6;
	v15 =	vld [tilespmem:s28+$0xFFFFFEF0];
	v10 =	vand.u32 $0xFFFFFFFA, v10  }
0x11c: {  	[tilespmem:s28+$0xFFFFFE40] =	vst v14;
	v14 =	vmul.f32 v16, v6;
	v16 =	vld [tilespmem:s28+$0xFFFFFF00];
	v10 =	vbroadcast v10, $0x0  }
0x11d: {  	v6 =	vmul.f32 v17, v6;
	v17 =	vld [tilespmem:s28+$0xFFFFFF20];
	[tilespmem:s28+$0xFFFFFE20] =	vst v9  }
0x11e: {  	v9 =	vld [tilespmem:s28+$0xFFFFFEE0];
	[tilespmem:s28+$0xFFFFFE50] =	vst v13  }
0x11f: {  	v13 =	vld [tilespmem:s28+$0xFFFFFF10];
	[tilespmem:s28+$0xFFFFFE60] =	vst v14;
	v11 =	vmul.f32 v18, v8  }
0x120: {  	[tilespmem:s28+$0xFFFFFE70] =	vst v6;
	v18 =	vld [tilespmem:s28+$0xFFFFFED0];
	v14 =	vmul.f32 v19, v8  }
0x121: {  	s17 =	simm.s32 $0x3;
	v6 =	vmul.f32 v20, v8;
	v19 =	vld [tilespmem:s28+$0xFFFFFF30];
	[tilespmem:s28+$0xFFFFFE80] =	vst v11  }
0x122: {  	v12 =	vmul.f32 v12, v8;
	v10 =	vld.idx.msk [tilespmem:v10+s19+$0x0], $0xffff;
	v11 =	vmov s17;
	[tilespmem:s28+$0xFFFFFE90] =	vst v14  }
0x123: {  	v20 =	vld [tilespmem:s28+$0xFFFFFF40];
	v14 =	vmul.f32 v21, v8;
	[tilespmem:s28+$0xFFFFFEA0] =	vst v6;
	v11 =	vand.u32 $0xFFFFFFFB, v11  }
0x124: {  	v9 =	vmul.f32 v9, v8;
	[tilespmem:s28+$0xFFFFFEC0] =	vst v12;
	v12 =	vld [tilespmem:s28+$0xFFFFFF70];
	v11 =	vbroadcast v11, $0x0  }
0x125: {  	[tilespmem:s28+$0xFFFFFEB0] =	vst v14;
	v14 =	vld [tilespmem:s28+$0xFFFFFF60];
	v18 =	vmul.f32 v18, v8  }
0x126: {  	[tilespmem:s28+$0xFFFFFEE0] =	vst v9;
	v8 =	vmul.f32 v15, v8;
	v15 =	vld [tilespmem:s28+$0xFFFFFF80]  }
0x127: {  	v6 =	vmul.f32 v16, v10;
	v16 =	vld [tilespmem:s28+$0xFFFFFF50];
	[tilespmem:s28+$0xFFFFFED0] =	vst v18  }
0x128: {  	v9 =	vmul.f32 v13, v10;
	v13 =	vld [tilespmem:s28+$0xFFFFFF90];
	[tilespmem:s28+$0xFFFFFEF0] =	vst v8  }
0x129: {  	s0 =	simm.s32 $0x4;
	v8 =	vmul.f32 v17, v10;
	v17 =	vld [tilespmem:s28+$0xFFFFFFA0];
	[tilespmem:s28+$0xFFFFFF00] =	vst v6  }
0x12a: {  	v6 =	vmov s0;
	[tilespmem:s28+$0xFFFFFF10] =	vst v9;
	v9 =	vmul.f32 v19, v10;
	v11 =	vld.idx.msk [tilespmem:v11+s19+$0x0], $0xffff  }
0x12b: {  	v18 =	vld [tilespmem:s28+$0xFFFFFFB0];
	[tilespmem:s28+$0xFFFFFF20] =	vst v8;
	v8 =	vmul.f32 v20, v10;
	v6 =	vand.u32 $0xFFFFFFFC, v6  }
0x12c: {  	v19 =	vld [tilespmem:s28+$0xFFFFFFC0];
	v14 =	vmul.f32 v14, v10;
	v6 =	vbroadcast v6, $0x0;
	[tilespmem:s28+$0xFFFFFF30] =	vst v9  }
0x12d: {  	[tilespmem:s28+$0xFFFFFF40] =	vst v8;
	v8 =	vld [tilespmem:s28+$0xFFFFFFE0];
	v16 =	vmul.f32 v16, v10  }
0x12e: {  	[tilespmem:s28+$0xFFFFFF60] =	vst v14;
	v14 =	vld [tilespmem:s28+$0x0];
	v10 =	vmul.f32 v12, v10  }
0x12f: {  	v12 =	vld [tilespmem:s28+$0xFFFFFFF0];
	[tilespmem:s28+$0xFFFFFF50] =	vst v16;
	v9 =	vmul.f32 v15, v11  }
0x130: {  	[tilespmem:s28+$0xFFFFFF70] =	vst v10;
	v15 =	vld [tilespmem:s28+$0xFFFFFFD0];
	v13 =	vmul.f32 v13, v11  }
0x131: {  	v16 =	vld [tilespmem:s28+$0x10];
	v10 =	vmul.f32 v17, v11;
	[tilespmem:s28+$0xFFFFFF80] =	vst v9  }
0x132: {  	s16 =	simm.s32 $0x5;
	v8 =	vmul.f32 v8, v11;
	v6 =	vld.idx.msk [tilespmem:v6+s19+$0x0], $0xffff;
	[tilespmem:s28+$0xFFFFFF90] =	vst v13  }
0x133: {  	v17 =	vld [tilespmem:s28+$0x20];
	v9 =	vmov s16;
	v13 =	vmul.f32 v18, v11;
	[tilespmem:s28+$0xFFFFFFA0] =	vst v10  }
0x134: {  	v10 =	vmul.f32 v19, v11;
	v18 =	vld [tilespmem:s28+$0x30];
	v9 =	vand.u32 $0xFFFFFFFD, v9;
	[tilespmem:s28+$0xFFFFFFE0] =	vst v8  }
0x135: {  	v9 =	vbroadcast v9, $0x0;
	[tilespmem:s28+$0xFFFFFFB0] =	vst v13;
	v13 =	vmul.f32 v15, v11;
	v15 =	vld [tilespmem:s28+$0x40]  }
0x136: {  	[tilespmem:s28+$0xFFFFFFC0] =	vst v10;
	v11 =	vmul.f32 v12, v11;
	v12 =	vld [tilespmem:s28+$0x80]  }
0x137: {  	v10 =	vmul.f32 v14, v6;
	v14 =	vld [tilespmem:s28+$0x50];
	[tilespmem:s28+$0xFFFFFFD0] =	vst v13  }
0x138: {  	v13 =	vld [tilespmem:s28+$0x60];
	v8 =	vmul.f32 v16, v6;
	[tilespmem:s28+$0xFFFFFFF0] =	vst v11  }
0x139: {  	v11 =	vmul.f32 v17, v6;
	v16 =	vld [tilespmem:s28+$0x90];
	[tilespmem:s28+$0x0] =	vst v10  }
0x13a: {  	v10 =	vld [tilespmem:s28+$0x70];
	[tilespmem:s28+$0x10] =	vst v8;
	v8 =	vmul.f32 v18, v6  }
0x13b: {  	[tilespmem:s28+$0x20] =	vst v11;
	v9 =	vld.idx.msk [tilespmem:v9+s19+$0x0], $0xffff;
	v11 =	vmul.f32 v15, v6  }
0x13c: {  	v15 =	vld [tilespmem:s28+$0xA0];
	[tilespmem:s28+$0x30] =	vst v8  }
0x13d: {  	v8 =	vmul.f32 v14, v6;
	v14 =	vld [tilespmem:s28+$0xB0];
	[tilespmem:s28+$0x40] =	vst v11;
	v11 =	vmul.f32 v13, v6  }
0x13e: {  	v13 =	vld [tilespmem:s28+$0xC0]  }
0x13f: {  	s17 =	simm.s32 $0x7;
	v10 =	vmul.f32 v10, v6;
	[tilespmem:s28+$0x60] =	vst v11;
	v11 =	vld [tilespmem:s28+$0xE0]  }
0x140: {  	v17 =	vmov s17;
	[tilespmem:s28+$0x50] =	vst v8;
	v8 =	vmul.f32 v12, v9;
	v12 =	vld [tilespmem:s28+$0xD0]  }
0x141: {  	v16 =	vmul.f32 v16, v9;
	[tilespmem:s28+$0x70] =	vst v10;
	v10 =	vld [tilespmem:s28+$0xF0]  }
0x142: {  	[tilespmem:s28+$0x80] =	vst v8;
	v8 =	vmul.f32 v15, v9;
	v15 =	vld [tilespmem:s28+$0x100]  }
0x143: {  	[tilespmem:s28+$0x90] =	vst v16;
	v14 =	vmul.f32 v14, v9;
	v16 =	vld [tilespmem:s28+$0x150]  }
0x144: {  	[tilespmem:s28+$0xA0] =	vst v8;
	v8 =	vmul.f32 v13, v9;
	v13 =	vld [tilespmem:s28+$0x110]  }
0x145: {  	v6 =	vld.idx.msk [tilespmem:v17+s19+$0x0], $0xffff;
	[tilespmem:s28+$0xB0] =	vst v14;
	v12 =	vmul.f32 v12, v9  }
0x146: {  	v14 =	vld [tilespmem:s28+$0x120];
	[tilespmem:s28+$0xC0] =	vst v8;
	v8 =	vmul.f32 v11, v9  }
0x147: {  	s17 =	simm.s32 $0x9;
	v11 =	vld [tilespmem:s28+$0x130];
	v9 =	vmul.f32 v10, v9;
	[tilespmem:s28+$0xD0] =	vst v12  }
0x148: {  	s0 =	simm.s32 $0x8;
	v17 =	vmov s17;
	v10 =	vld [tilespmem:s28+$0x140];
	v15 =	vmul.f32 v15, v7;
	[tilespmem:s28+$0xE0] =	vst v8  }
0x149: {  	s16 =	simm.s32 $0xF;
	v12 =	vmov s0;
	s0 =	simm.s32 $0xA;
	v16 =	vmul.f32 v16, v7;
	[tilespmem:s28+$0xF0] =	vst v9;
	v9 =	vmul.f32 v13, v7;
	v13 =	vld [tilespmem:s28+$0x160]  }
0x14a: {  	v19 =	vld [tilespmem:s28+$0x180];
	s17 =	simm.s32 $0xB;
	v12 =	vand.u32 $0xFFFFFFF8, v12;
	v8 =	vmov s16;
	v18 =	vmov s0;
	s0 =	simm.s32 $0xC;
	[tilespmem:s28+$0x100] =	vst v15  }
0x14b: {  	v22 =	vld [tilespmem:s28+$0x190];
	v14 =	vmul.f32 v14, v7;
	v15 =	vmov s17;
	v20 =	vmov s0;
	s17 =	simm.s32 $0xD;
	[tilespmem:s28+$0x150] =	vst v16  }
0x14c: {  	v23 =	vmov s17;
	[tilespmem:s28+$0x110] =	vst v9;
	v21 =	vmul.f32 v11, v7;
	v9 =	vbroadcast v12, $0x0;
	v11 =	vld [tilespmem:s28+$0x1A0]  }
0x14d: {  	[tilespmem:s28+$0x120] =	vst v14;
	v14 =	vmul.f32 v10, v7;
	v10 =	vand.u32 $0xFFFFFFF9, v17;
	v17 =	vand.u32 $0xFFFFFFFA, v18;
	v12 =	vld [tilespmem:s28+$0x1B0]  }
0x14e: {  	v18 =	vand.u32 $0xFFFFFFFB, v15;
	v10 =	vbroadcast v10, $0x0;
	[tilespmem:s28+$0x130] =	vst v21;
	v21 =	vmul.f32 v13, v7;
	v13 =	vld [tilespmem:s28+$0x1C0]  }
0x14f: {  	v15 =	vbroadcast v17, $0x0;
	[tilespmem:s28+$0x140] =	vst v14;
	v14 =	vld [tilespmem:s28+$0x1D0];
	v7 =	vand.u32 $0xFFFFFFFC, v20;
	v20 =	vmul.f32 v19, v6  }
0x150: {  	s15 =	simm.s32 $0xE;
	v16 =	vld [tilespmem:s28+$0x1E0];
	s17 =	simm.s32 $0x10;
	v17 =	vbroadcast v18, $0x0;
	v18 =	vmul.f32 v22, v6;
	v19 =	vand.u32 $0xFFFFFFFD, v23;
	[tilespmem:s28+$0x160] =	vst v21  }
.LBB2_5:
0x151: {  	p1 =	slt.u32 s17, $0x48;
	v7 =	vbroadcast v7, $0x0;
	v21 =	vmov s15;
	[tilespmem:s28+$0x180] =	vst v20;
	v11 =	vmul.f32 v11, v6;
	v20 =	vld [tilespmem:s28+$0x1F0]  }
0x152: {  	v19 =	vbroadcast v19, $0x0;
	v21 =	vand.u32 $0xFFFFFFFE, v21;
	v22 =	vld.idx.msk [tilespmem:v8+s19+$0x0], $0xffff;
	[tilespmem:s28+$0x190] =	vst v18;
	v8 =	vmul.f32 v12, v6  }
0x153: {  	v12 =	vld.idx.msk [tilespmem:v9+s19+$0x0], $0xffff;
	v18 =	vbroadcast v21, $0x0;
	[tilespmem:s28+$0x1A0] =	vst v11;
	v9 =	vmul.f32 v13, v6  }
0x154: {  	v11 =	vld.idx.msk [tilespmem:v10+s19+$0x0], $0xffff;
	[tilespmem:s28+$0x1B0] =	vst v8;
	v8 =	vmul.f32 v14, v6  }
0x155: {  	v13 =	vld.idx.msk [tilespmem:v15+s19+$0x0], $0xffff;
	[tilespmem:s28+$0x1C0] =	vst v9;
	v14 =	vmul.f32 v16, v6  }
0x156: {  	v10 =	vld.idx.msk [tilespmem:v17+s19+$0x0], $0xffff;
	[tilespmem:s28+$0x1D0] =	vst v8;
	v15 =	vmul.f32 v20, v6  }
0x157: {  	v9 =	vld.idx.msk [tilespmem:v7+s19+$0x0], $0xffff;
	[tilespmem:s28+$0x1E0] =	vst v14  }
0x158: {  	v6 =	vmov v22;
	v8 =	vld.idx.msk [tilespmem:v19+s19+$0x0], $0xffff;
	[tilespmem:s28+$0x1F0] =	vst v15  }
0x159: {  	s28 =	sadd.s32 $0x400, s28;
	v7 =	vld.idx.msk [tilespmem:v18+s19+$0x0], $0xffff  }
0x15a: {  	v14 =	vld [tilespmem:s28+$0x170]  }
0x15b: {  	v15 =	vld [tilespmem:s28+$0xFFFFFE00]  }
0x15c: {  	v16 =	vld [tilespmem:s28+$0xFFFFFE10]  }
0x15d: {  	v17 =	vld [tilespmem:s28+$0xFFFFFE20]  }
0x15e: {  	v18 =	vld [tilespmem:s28+$0xFFFFFE30]  }
0x15f: {  	v19 =	vld [tilespmem:s28+$0xFFFFFE40];
	v14 =	vmul.f32 v14, v7  }
0x160: {  	v15 =	vmul.f32 v15, v12;
	v20 =	vld [tilespmem:s28+$0xFFFFFE50]  }
0x161: {  	v16 =	vmul.f32 v16, v12;
	v21 =	vld [tilespmem:s28+$0xFFFFFE60];
	[tilespmem:s28+$0x170] =	vst v14  }
0x162: {  	[tilespmem:s28+$0xFFFFFE00] =	vst v15;
	v14 =	vmul.f32 v17, v12;
	v15 =	vld [tilespmem:s28+$0xFFFFFE70]  }
0x163: {  	[tilespmem:s28+$0xFFFFFE10] =	vst v16;
	v16 =	vmul.f32 v18, v12;
	v17 =	vld [tilespmem:s28+$0xFFFFFE80]  }
0x164: {  	[tilespmem:s28+$0xFFFFFE20] =	vst v14;
	v14 =	vmul.f32 v19, v12;
	v18 =	vld [tilespmem:s28+$0xFFFFFE90]  }
0x165: {  	[tilespmem:s28+$0xFFFFFE30] =	vst v16;
	v16 =	vmul.f32 v20, v12;
	v19 =	vld [tilespmem:s28+$0xFFFFFEA0]  }
0x166: {  	[tilespmem:s28+$0xFFFFFE40] =	vst v14;
	v14 =	vmul.f32 v21, v12;
	v20 =	vld [tilespmem:s28+$0xFFFFFEB0]  }
0x167: {  	[tilespmem:s28+$0xFFFFFE50] =	vst v16;
	v12 =	vmul.f32 v15, v12;
	v15 =	vld [tilespmem:s28+$0xFFFFFEC0]  }
0x168: {  	[tilespmem:s28+$0xFFFFFE60] =	vst v14;
	v14 =	vmul.f32 v17, v11;
	v16 =	vld [tilespmem:s28+$0xFFFFFED0]  }
0x169: {  	[tilespmem:s28+$0xFFFFFE70] =	vst v12;
	v12 =	vmul.f32 v18, v11;
	v17 =	vld [tilespmem:s28+$0xFFFFFEE0]  }
0x16a: {  	[tilespmem:s28+$0xFFFFFE80] =	vst v14;
	v14 =	vmul.f32 v19, v11;
	v18 =	vld [tilespmem:s28+$0xFFFFFEF0]  }
0x16b: {  	[tilespmem:s28+$0xFFFFFE90] =	vst v12;
	v12 =	vmul.f32 v20, v11;
	v19 =	vld [tilespmem:s28+$0xFFFFFF00]  }
0x16c: {  	[tilespmem:s28+$0xFFFFFEA0] =	vst v14;
	v14 =	vmul.f32 v15, v11;
	v15 =	vld [tilespmem:s28+$0xFFFFFF10]  }
0x16d: {  	[tilespmem:s28+$0xFFFFFEB0] =	vst v12;
	v12 =	vmul.f32 v16, v11;
	v16 =	vld [tilespmem:s28+$0xFFFFFF20]  }
0x16e: {  	[tilespmem:s28+$0xFFFFFEC0] =	vst v14;
	v14 =	vmul.f32 v17, v11;
	v17 =	vld [tilespmem:s28+$0xFFFFFF30]  }
0x16f: {  	[tilespmem:s28+$0xFFFFFED0] =	vst v12;
	v11 =	vmul.f32 v18, v11;
	v12 =	vld [tilespmem:s28+$0xFFFFFF40]  }
0x170: {  	[tilespmem:s28+$0xFFFFFEE0] =	vst v14;
	v14 =	vmul.f32 v19, v13;
	v18 =	vld [tilespmem:s28+$0xFFFFFF50]  }
0x171: {  	[tilespmem:s28+$0xFFFFFEF0] =	vst v11;
	v11 =	vmul.f32 v15, v13;
	v15 =	vld [tilespmem:s28+$0xFFFFFF60]  }
0x172: {  	[tilespmem:s28+$0xFFFFFF00] =	vst v14;
	v14 =	vmul.f32 v16, v13;
	v16 =	vld [tilespmem:s28+$0xFFFFFF70]  }
0x173: {  	[tilespmem:s28+$0xFFFFFF10] =	vst v11;
	v11 =	vmul.f32 v17, v13;
	v17 =	vld [tilespmem:s28+$0xFFFFFF80]  }
0x174: {  	[tilespmem:s28+$0xFFFFFF20] =	vst v14;
	v12 =	vmul.f32 v12, v13;
	v14 =	vld [tilespmem:s28+$0xFFFFFF90]  }
0x175: {  	[tilespmem:s28+$0xFFFFFF30] =	vst v11;
	v11 =	vmul.f32 v18, v13;
	v18 =	vld [tilespmem:s28+$0xFFFFFFA0]  }
0x176: {  	[tilespmem:s28+$0xFFFFFF40] =	vst v12;
	v12 =	vmul.f32 v15, v13;
	v15 =	vld [tilespmem:s28+$0xFFFFFFB0]  }
0x177: {  	[tilespmem:s28+$0xFFFFFF50] =	vst v11;
	v11 =	vmul.f32 v16, v13;
	v13 =	vld [tilespmem:s28+$0xFFFFFFC0]  }
0x178: {  	[tilespmem:s28+$0xFFFFFF60] =	vst v12;
	v12 =	vmul.f32 v17, v10;
	v16 =	vld [tilespmem:s28+$0xFFFFFFD0]  }
0x179: {  	[tilespmem:s28+$0xFFFFFF70] =	vst v11;
	v11 =	vmul.f32 v14, v10;
	v14 =	vld [tilespmem:s28+$0xFFFFFFE0]  }
0x17a: {  	[tilespmem:s28+$0xFFFFFF80] =	vst v12;
	v12 =	vmul.f32 v18, v10;
	v17 =	vld [tilespmem:s28+$0xFFFFFFF0]  }
0x17b: {  	[tilespmem:s28+$0xFFFFFF90] =	vst v11;
	v11 =	vmul.f32 v15, v10;
	v15 =	vld [tilespmem:s28+$0x0]  }
0x17c: {  	[tilespmem:s28+$0xFFFFFFA0] =	vst v12;
	v12 =	vmul.f32 v13, v10;
	v13 =	vld [tilespmem:s28+$0x10]  }
0x17d: {  	[tilespmem:s28+$0xFFFFFFB0] =	vst v11;
	v11 =	vmul.f32 v16, v10;
	v16 =	vld [tilespmem:s28+$0x20]  }
0x17e: {  	[tilespmem:s28+$0xFFFFFFC0] =	vst v12;
	v12 =	vmul.f32 v14, v10;
	v14 =	vld [tilespmem:s28+$0x30]  }
0x17f: {  	[tilespmem:s28+$0xFFFFFFD0] =	vst v11;
	v10 =	vmul.f32 v17, v10;
	v11 =	vld [tilespmem:s28+$0x40]  }
0x180: {  	[tilespmem:s28+$0xFFFFFFE0] =	vst v12;
	v12 =	vmul.f32 v15, v9;
	v15 =	vld [tilespmem:s28+$0x50]  }
0x181: {  	[tilespmem:s28+$0xFFFFFFF0] =	vst v10;
	v10 =	vmul.f32 v13, v9;
	v13 =	vld [tilespmem:s28+$0x60]  }
0x182: {  	[tilespmem:s28+$0x0] =	vst v12;
	v12 =	vmul.f32 v16, v9;
	v16 =	vld [tilespmem:s28+$0x70]  }
0x183: {  	[tilespmem:s28+$0x10] =	vst v10;
	v10 =	vmul.f32 v14, v9;
	v14 =	vld [tilespmem:s28+$0x80]  }
0x184: {  	[tilespmem:s28+$0x20] =	vst v12;
	v11 =	vmul.f32 v11, v9;
	v12 =	vld [tilespmem:s28+$0x90]  }
0x185: {  	[tilespmem:s28+$0x30] =	vst v10;
	v10 =	vmul.f32 v15, v9;
	v15 =	vld [tilespmem:s28+$0xA0]  }
0x186: {  	[tilespmem:s28+$0x40] =	vst v11;
	v11 =	vmul.f32 v13, v9;
	v13 =	vld [tilespmem:s28+$0xB0]  }
0x187: {  	[tilespmem:s28+$0x50] =	vst v10;
	v9 =	vmul.f32 v16, v9;
	v10 =	vld [tilespmem:s28+$0xC0]  }
0x188: {  	[tilespmem:s28+$0x60] =	vst v11;
	v11 =	vmul.f32 v14, v8;
	v14 =	vld [tilespmem:s28+$0xD0]  }
0x189: {  	[tilespmem:s28+$0x70] =	vst v9;
	v9 =	vmul.f32 v12, v8;
	v12 =	vld [tilespmem:s28+$0xE0]  }
0x18a: {  	[tilespmem:s28+$0x80] =	vst v11;
	v11 =	vmul.f32 v15, v8;
	v15 =	vld [tilespmem:s28+$0xF0]  }
0x18b: {  	[tilespmem:s28+$0x90] =	vst v9;
	v9 =	vmul.f32 v13, v8;
	v13 =	vld [tilespmem:s28+$0x100]  }
0x18c: {  	[tilespmem:s28+$0xA0] =	vst v11;
	v10 =	vmul.f32 v10, v8;
	v11 =	vld [tilespmem:s28+$0x110]  }
0x18d: {  	[tilespmem:s28+$0xB0] =	vst v9;
	v9 =	vmul.f32 v14, v8;
	v14 =	vld [tilespmem:s28+$0x120]  }
0x18e: {  	[tilespmem:s28+$0xC0] =	vst v10;
	v10 =	vmul.f32 v12, v8;
	v12 =	vld [tilespmem:s28+$0x130]  }
0x18f: {  	[tilespmem:s28+$0xD0] =	vst v9;
	v9 =	vmul.f32 v15, v8;
	v15 =	vld [tilespmem:s28+$0x140]  }
0x190: {  	s15 =	sadd.s32 $0x7, s17;
	v8 =	vmov s17;
	[tilespmem:s28+$0xE0] =	vst v10;
	v10 =	vmul.f32 v13, v7;
	v13 =	vld [tilespmem:s28+$0x150]  }
0x191: {  	s16 =	sadd.s32 $0x1, s17;
	s0 =	sadd.s32 $0x2, s17;
	v16 =	vand.u32 $0xFFFFFFF8, v8;
	v8 =	vmov s15;
	[tilespmem:s28+$0xF0] =	vst v9;
	v9 =	vmul.f32 v11, v7;
	v17 =	vld [tilespmem:s28+$0x160]  }
0x192: {  	v19 =	vmov s0;
	s0 =	sadd.s32 $0x3, s17;
	v18 =	vmov s16;
	s15 =	sadd.s32 $0x4, s17;
	[tilespmem:s28+$0x100] =	vst v10;
	v10 =	vmul.f32 v14, v7;
	v14 =	vld [tilespmem:s28+$0x180]  }
0x193: {  	v20 =	vmov s0;
	s0 =	sadd.s32 $0x5, s17;
	v21 =	vmov s15;
	[tilespmem:s28+$0x110] =	vst v9;
	v12 =	vmul.f32 v12, v7;
	v22 =	vld [tilespmem:s28+$0x190]  }
.Ltmp5:
0x194: {  	v9 =	vbroadcast v16, $0x0;
	v16 =	vmov s0;
	[tilespmem:s28+$0x120] =	vst v10;
	v15 =	vmul.f32 v15, v7;
	v11 =	vld [tilespmem:s28+$0x1A0];
	(pc) =	sbr.rel @p1 .LBB2_5-.Ltmp5, $4  }
0x195: {  	v10 =	vand.u32 $0xFFFFFFF9, v18;
	v18 =	vand.u32 $0xFFFFFFFA, v19;
	[tilespmem:s28+$0x130] =	vst v12;
	v19 =	vmul.f32 v13, v7;
	v12 =	vld [tilespmem:s28+$0x1B0]  }
0x196: {  	v23 =	vand.u32 $0xFFFFFFFB, v20;
	v10 =	vbroadcast v10, $0x0;
	[tilespmem:s28+$0x140] =	vst v15;
	v24 =	vmul.f32 v17, v7;
	v13 =	vld [tilespmem:s28+$0x1C0]  }
0x197: {  	v15 =	vbroadcast v18, $0x0;
	v7 =	vand.u32 $0xFFFFFFFC, v21;
	[tilespmem:s28+$0x150] =	vst v19;
	v20 =	vmul.f32 v14, v6;
	v14 =	vld [tilespmem:s28+$0x1D0]  }
0x198: {  	s15 =	sadd.s32 $0x6, s17;
	s17 =	sadd.s32 $0x8, s17;
	v17 =	vbroadcast v23, $0x0;
	v19 =	vand.u32 $0xFFFFFFFD, v16;
	[tilespmem:s28+$0x160] =	vst v24;
	v18 =	vmul.f32 v22, v6;
	v16 =	vld [tilespmem:s28+$0x1E0]  }
0x199: {  	_ =	sdelay $0x2  }
0x19a: {  	v21 =	vld [tilespmem:s28+$0x1F0]  }
0x19b: {  	v23 =	vld.idx.msk [tilespmem:v9+s19+$0x0], $0xffff  }
0x19c: {  	v56 =	vld.idx.msk [tilespmem:v10+s19+$0x0], $0xffff  }
0x19d: {  	v54 =	vbroadcast v7, $0x0;
	v7 =	vmov s15;
	v15 =	vld.idx.msk [tilespmem:v15+s19+$0x0], $0xffff  }
0x19e: {  	v22 =	vand.u32 $0xFFFFFFFE, v7;
	v7 =	vld.idx.msk [tilespmem:v8+s19+$0x0], $0xffff  }
0x19f: {  	s17 =	sadd.s32 $0x400, s28;
	v17 =	vld.idx.msk [tilespmem:v17+s19+$0x0], $0xffff  }
0x1a0: {  	v57 =	vld [tilespmem:s17+$0x170]  }
0x1a1: {  	v59 =	vld [tilespmem:s17+$0xFFFFFE00]  }
0x1a2: {  	v61 =	vld [tilespmem:s17+$0xFFFFFE10]  }
0x1a3: {  	[tilespmem:s28+$0x180] =	vst v20;
	v11 =	vmul.f32 v11, v6;
	v63 =	vld [tilespmem:s17+$0xFFFFFE20]  }
0x1a4: {  	[tilespmem:s28+$0x190] =	vst v18;
	v12 =	vmul.f32 v12, v6;
	v24 =	vld [tilespmem:s17+$0xFFFFFE40]  }
0x1a5: {  	v25 =	vld [tilespmem:s17+$0xFFFFFE50];
	[tilespmem:s28+$0x1A0] =	vst v11;
	v58 =	vmul.f32 v13, v6  }
0x1a6: {  	v26 =	vld [tilespmem:s17+$0xFFFFFE60];
	[tilespmem:s28+$0x1B0] =	vst v12;
	v60 =	vmul.f32 v14, v6  }
0x1a7: {  	v27 =	vld [tilespmem:s17+$0xFFFFFE70];
	[tilespmem:s28+$0x1C0] =	vst v58;
	v62 =	vmul.f32 v16, v6  }
0x1a8: {  	v28 =	vld [tilespmem:s17+$0xFFFFFE80];
	[tilespmem:s28+$0x1D0] =	vst v60;
	v6 =	vmul.f32 v21, v6  }
0x1a9: {  	v29 =	vld [tilespmem:s17+$0xFFFFFE90];
	[tilespmem:s28+$0x1E0] =	vst v62;
	v14 =	vmul.f32 v61, v23  }
0x1aa: {  	v31 =	vld [tilespmem:s17+$0xFFFFFEA0];
	[tilespmem:s28+$0x1F0] =	vst v6;
	v6 =	vmul.f32 v59, v23  }
0x1ab: {  	v32 =	vld [tilespmem:s17+$0xFFFFFEB0];
	v30 =	vmul.f32 v25, v23;
	[tilespmem:s17+$0xFFFFFE10] =	vst v14  }
0x1ac: {  	v34 =	vld [tilespmem:s17+$0xFFFFFEC0];
	[tilespmem:s17+$0xFFFFFE00] =	vst v6;
	v6 =	vmul.f32 v63, v23  }
0x1ad: {  	v35 =	vld [tilespmem:s17+$0xFFFFFED0];
	v33 =	vmul.f32 v27, v23;
	[tilespmem:s17+$0xFFFFFE50] =	vst v30  }
0x1ae: {  	v36 =	vld [tilespmem:s17+$0xFFFFFEE0];
	[tilespmem:s17+$0xFFFFFE20] =	vst v6;
	v6 =	vmul.f32 v24, v23  }
0x1af: {  	v37 =	vld [tilespmem:s17+$0xFFFFFEF0];
	v11 =	vmul.f32 v29, v56;
	[tilespmem:s17+$0xFFFFFE70] =	vst v33  }
0x1b0: {  	v39 =	vld [tilespmem:s17+$0xFFFFFF00];
	[tilespmem:s17+$0xFFFFFE40] =	vst v6;
	v6 =	vmul.f32 v26, v23  }
0x1b1: {  	v40 =	vld [tilespmem:s17+$0xFFFFFF10];
	v38 =	vmul.f32 v32, v56;
	[tilespmem:s17+$0xFFFFFE90] =	vst v11  }
0x1b2: {  	v42 =	vld [tilespmem:s17+$0xFFFFFF20];
	[tilespmem:s17+$0xFFFFFE60] =	vst v6;
	v6 =	vmul.f32 v28, v56  }
0x1b3: {  	v43 =	vld [tilespmem:s17+$0xFFFFFF30];
	v41 =	vmul.f32 v35, v56;
	[tilespmem:s17+$0xFFFFFEB0] =	vst v38  }
0x1b4: {  	v45 =	vld [tilespmem:s17+$0xFFFFFF40];
	[tilespmem:s17+$0xFFFFFE80] =	vst v6;
	v6 =	vmul.f32 v31, v56  }
0x1b5: {  	v46 =	vld [tilespmem:s17+$0xFFFFFF50];
	v44 =	vmul.f32 v37, v56;
	[tilespmem:s17+$0xFFFFFED0] =	vst v41  }
0x1b6: {  	v48 =	vld [tilespmem:s17+$0xFFFFFF60];
	v55 =	vbroadcast v22, $0x0;
	[tilespmem:s17+$0xFFFFFEA0] =	vst v6;
	v6 =	vmul.f32 v34, v56  }
0x1b7: {  	v51 =	vld [tilespmem:s17+$0xFFFFFF80];
	v47 =	vmul.f32 v40, v15;
	[tilespmem:s17+$0xFFFFFEF0] =	vst v44  }
0x1b8: {  	v52 =	vld [tilespmem:s17+$0xFFFFFF90];
	[tilespmem:s17+$0xFFFFFEC0] =	vst v6;
	v6 =	vmul.f32 v36, v56  }
0x1b9: {  	v20 =	vld [tilespmem:s17+$0x10];
	v50 =	vmul.f32 v43, v15;
	[tilespmem:s17+$0xFFFFFF10] =	vst v47  }
0x1ba: {  	v19 =	vbroadcast v19, $0x0;
	v21 =	vld [tilespmem:s17+$0xFFFFFE30];
	[tilespmem:s17+$0xFFFFFEE0] =	vst v6;
	v6 =	vmul.f32 v39, v15  }
0x1bb: {  	v58 =	vld [tilespmem:s17+$0xFFFFFFD0];
	v53 =	vmul.f32 v46, v15;
	[tilespmem:s17+$0xFFFFFF30] =	vst v50  }
0x1bc: {  	v8 =	vld.idx.msk [tilespmem:v55+s19+$0x0], $0xffff;
	[tilespmem:s17+$0xFFFFFF00] =	vst v6;
	v6 =	vmul.f32 v42, v15  }
0x1bd: {  	v10 =	vld.idx.msk [tilespmem:v54+s19+$0x0], $0xffff;
	v59 =	vmul.f32 v52, v17;
	[tilespmem:s17+$0xFFFFFF50] =	vst v53  }
0x1be: {  	v61 =	vld [tilespmem:s17+$0xFFFFFFF0];
	[tilespmem:s17+$0xFFFFFF20] =	vst v6;
	v6 =	vmul.f32 v45, v15  }
0x1bf: {  	v54 =	vld [tilespmem:s17+$0xFFFFFFA0];
	[tilespmem:s17+$0xFFFFFF90] =	vst v59;
	v12 =	vmul.f32 v21, v23  }
0x1c0: {  	v9 =	vld.idx.msk [tilespmem:v19+s19+$0x0], $0xffff;
	[tilespmem:s17+$0xFFFFFF40] =	vst v6;
	v6 =	vmul.f32 v48, v15  }
0x1c1: {  	v21 =	vmul.f32 v58, v17;
	[tilespmem:s17+$0xFFFFFE30] =	vst v12;
	v18 =	vmul.f32 v57, v8;
	v57 =	vld [tilespmem:s17+$0xFFFFFFC0]  }
0x1c2: {  	v32 =	vld [tilespmem:s17+$0x90];
	[tilespmem:s17+$0xFFFFFF60] =	vst v6;
	v6 =	vmul.f32 v51, v17  }
0x1c3: {  	v60 =	vld [tilespmem:s17+$0xFFFFFFE0];
	v24 =	vmul.f32 v61, v17;
	[tilespmem:s17+$0xFFFFFFD0] =	vst v21  }
0x1c4: {  	v35 =	vld [tilespmem:s17+$0xB0];
	[tilespmem:s17+$0xFFFFFF80] =	vst v6;
	v6 =	vmul.f32 v54, v17  }
0x1c5: {  	v63 =	vld [tilespmem:s17+$0x0];
	v27 =	vmul.f32 v20, v10;
	[tilespmem:s17+$0xFFFFFFF0] =	vst v24  }
0x1c6: {  	v37 =	vld [tilespmem:s17+$0xD0];
	[tilespmem:s17+$0xFFFFFFA0] =	vst v6;
	v6 =	vmul.f32 v57, v17  }
0x1c7: {  	v22 =	vld [tilespmem:s17+$0x20];
	v38 =	vmul.f32 v32, v9;
	[tilespmem:s17+$0x10] =	vst v27  }
0x1c8: {  	[tilespmem:s17+$0xFFFFFFC0] =	vst v6;
	v6 =	vmul.f32 v60, v17  }
0x1c9: {  	v25 =	vld [tilespmem:s17+$0x40];
	v41 =	vmul.f32 v35, v9;
	[tilespmem:s17+$0x90] =	vst v38  }
0x1ca: {  	v55 =	vld [tilespmem:s17+$0xFFFFFFB0];
	[tilespmem:s17+$0xFFFFFFE0] =	vst v6;
	v6 =	vmul.f32 v63, v10  }
0x1cb: {  	v44 =	vmul.f32 v37, v9;
	[tilespmem:s17+$0xB0] =	vst v41;
	v28 =	vld [tilespmem:s17+$0x60]  }
0x1cc: {  	v46 =	vld [tilespmem:s17+$0x130];
	[tilespmem:s17+$0x0] =	vst v6;
	v6 =	vmul.f32 v22, v10  }
0x1cd: {  	[tilespmem:s17+$0xD0] =	vst v44;
	v31 =	vld [tilespmem:s17+$0x80]  }
0x1ce: {  	v23 =	vld [tilespmem:s17+$0x30];
	[tilespmem:s17+$0x20] =	vst v6;
	v6 =	vmul.f32 v25, v10  }
0x1cf: {  	v62 =	vmul.f32 v55, v17;
	[tilespmem:s17+$0x170] =	vst v18;
	v34 =	vld [tilespmem:s17+$0xA0]  }
0x1d0: {  	v26 =	vld [tilespmem:s17+$0x50];
	[tilespmem:s17+$0x40] =	vst v6;
	v6 =	vmul.f32 v28, v10  }
0x1d1: {  	v52 =	vmul.f32 v46, v8;
	[tilespmem:s17+$0xFFFFFFB0] =	vst v62;
	v36 =	vld [tilespmem:s17+$0xC0]  }
0x1d2: {  	v49 =	vld [tilespmem:s17+$0xFFFFFF70];
	[tilespmem:s17+$0x60] =	vst v6;
	v6 =	vmul.f32 v31, v9  }
0x1d3: {  	[tilespmem:s17+$0x130] =	vst v52;
	v30 =	vmul.f32 v23, v10;
	v39 =	vld [tilespmem:s17+$0xE0]  }
0x1d4: {  	v43 =	vld [tilespmem:s17+$0x110];
	[tilespmem:s17+$0x80] =	vst v6;
	v6 =	vmul.f32 v34, v9  }
0x1d5: {  	v33 =	vmul.f32 v26, v10;
	[tilespmem:s17+$0x30] =	vst v30;
	v42 =	vld [tilespmem:s17+$0x100]  }
0x1d6: {  	v48 =	vld [tilespmem:s17+$0x150];
	[tilespmem:s17+$0xA0] =	vst v6;
	v6 =	vmul.f32 v36, v9  }
0x1d7: {  	[tilespmem:s17+$0x50] =	vst v33;
	v56 =	vmul.f32 v49, v15;
	v45 =	vld [tilespmem:s17+$0x120]  }
0x1d8: {  	v51 =	vld [tilespmem:s17+$0x180];
	[tilespmem:s17+$0xC0] =	vst v6;
	v6 =	vmul.f32 v39, v9  }
0x1d9: {  	v47 =	vld [tilespmem:s17+$0x140];
	v49 =	vmul.f32 v43, v8;
	[tilespmem:s17+$0xFFFFFF70] =	vst v56  }
0x1da: {  	v54 =	vld [tilespmem:s17+$0x1A0];
	[tilespmem:s17+$0xE0] =	vst v6;
	v6 =	vmul.f32 v42, v8  }
0x1db: {  	v50 =	vld [tilespmem:s17+$0x160];
	[tilespmem:s17+$0x110] =	vst v49;
	v55 =	vmul.f32 v48, v8  }
0x1dc: {  	v60 =	vld [tilespmem:s17+$0x1E0];
	[tilespmem:s17+$0x100] =	vst v6;
	v6 =	vmul.f32 v45, v8  }
0x1dd: {  	v53 =	vld [tilespmem:s17+$0x190];
	[tilespmem:s17+$0x150] =	vst v55;
	v58 =	vmul.f32 v51, v7  }
0x1de: {  	v29 =	vld [tilespmem:s17+$0x70];
	[tilespmem:s17+$0x120] =	vst v6;
	v6 =	vmul.f32 v47, v8  }
0x1df: {  	v56 =	vld [tilespmem:s17+$0x1B0];
	[tilespmem:s17+$0x180] =	vst v58;
	v61 =	vmul.f32 v54, v7  }
0x1e0: {  	v40 =	vld [tilespmem:s17+$0xF0];
	[tilespmem:s17+$0x140] =	vst v6;
	v6 =	vmul.f32 v50, v8  }
0x1e1: {  	v59 =	vld [tilespmem:s17+$0x1D0];
	[tilespmem:s17+$0x1A0] =	vst v61;
	v63 =	vmul.f32 v60, v7  }
0x1e2: {  	v57 =	vld [tilespmem:s17+$0x1C0];
	[tilespmem:s17+$0x160] =	vst v6;
	v6 =	vmul.f32 v53, v7  }
0x1e3: {  	v62 =	vld [tilespmem:s17+$0x1F0];
	[tilespmem:s17+$0x1E0] =	vst v63;
	v10 =	vmul.f32 v29, v10  }
0x1e4: {  	[tilespmem:s17+$0x190] =	vst v6;
	v6 =	vmul.f32 v56, v7  }
0x1e5: {  	[tilespmem:s17+$0x70] =	vst v10;
	v9 =	vmul.f32 v40, v9  }
0x1e6: {  	[tilespmem:s17+$0x1B0] =	vst v6;
	v6 =	vmul.f32 v59, v7  }
.Ltmp6:
0x1e7: {  	[tilespmem:s17+$0xF0] =	vst v9;
	v8 =	vmul.f32 v57, v7;
	(pc) =	sbr.rel @p0 .LBB2_12-.Ltmp6, $4  }
0x1e8: {  	[tilespmem:s17+$0x1D0] =	vst v6;
	v6 =	vmul.f32 v62, v7  }
0x1e9: {  	[tilespmem:s17+$0x1C0] =	vst v8  }
0x1ea: {  	[tilespmem:s17+$0x1F0] =	vst v6  }
0x1eb: {  	[spmem:s4] =	stream.indirect.scatter.add.f32 [tilespmem:s12], [sflag:$0x7], $0x80, s29, s11, $0xb8;
	[tilespmem:$0x1E480] =	vst v63  }
0x1ec: {  	_ =	swait.ge [sflag:s20], $0x2800  }
0x1ed: {  	[sflag:s20] =	ssyncset.done $0x0  }
0x1ee: {  	[sflag:s20] =	ssyncadd.s32 $0xFFFFD800  }
0x1ef: {  	_ =	swait.ge [sflag:s21], $0x50  }
0x1f0: {  	[sflag:s21] =	ssyncset.done $0x0  }
0x1f1: {  	[sflag:s21] =	ssyncadd.s32 $0xFFFFFFB0  }
0x1f2: {  	_ =	swait.ge [sflag:s21], $0x50  }
0x1f3: {  	s0 =	rddreg [dreg:$0xb]  }
0x1f4: {  	[sflag:s21] =	ssyncset.done $0x0;
	s0 =	sadd.s32 s18, s0  }
0x1f5: {  	[sflag:s21] =	ssyncadd.s32 $0xFFFFFFB0;
	s0 =	smul.u32 $0xA, s0  }
0x1f6: {  	[tilespmem:s12], [sflag:$0x5] =	stream.indirect.gather [hbm4b:s1+s11], $0x80, s2, s11, $0xb8;
	[tilespmem:$0x1E480] =	vst v63  }
0x1f7: {  	s17 =	simm.s32 $0x0;
	s15 =	sadd.s32 s7, s0  }
0x1f8: {  	[tilespmem:s29], [sflag:$0x1] =	stream.linear.gather [hbm4b:s15+s17], $0x50, $0x38;
	[tilespmem:$0x1E480] =	vst v63  }
0x1f9: {  	s0 =	sadd.s32 s3, s0  }
0x1fa: {  	[tilespmem:s30], [sflag:$0x1] =	stream.linear.gather [hbm4b:s0+s17], $0x50, $0x38;
	[tilespmem:$0x1E480] =	vst v63  }
0x1fb: {  	_ =	swait.ge [sflag:s22], $0x2800  }
0x1fc: {  	[sflag:s22] =	ssyncset.done $0x0  }
0x1fd: {  	[sflag:s22] =	ssyncadd.s32 $0xFFFFD800  }
0x1fe: {  	v6 =	vld [tilespmem:$0x19000]  }
0x1ff: {  	v7 =	vld [tilespmem:$0x19200];
	_ =	sdelay $0x6  }
0x200: {  	v8 =	vld.idx.msk [tilespmem:v6+s9+$0x0], $0xffff  }
0x201: {  	v7 =	vld.idx.msk [tilespmem:v7+s9+$0x0], $0xffff;
	_ =	sdelay $0x4  }
0x202: {  	v8 =	vand.u32 $0xFFFF0000, v8;
	v7 =	vshll.u32 v7, $0x10  }
0x203: {  	v7 =	vadd.f32 v7, v8;
	_ =	sdelay $0x1  }
0x204: {  	v8 =	vmul.f32 $2.000000030e-01, v7;
	_ =	sdelay $0x1  }
0x205: {  	v9 =	vld [tilespmem:$0x19210];
	v7 =	vmax.f32 v7, v8  }
0x206: {  	v8 =	vld [tilespmem:$0x19010];
	v7 =	vsub.f32 $0.0e+00, v7;
	_ =	sdelay $0x1  }
0x207: {  	v7 =	vmul.f32 $1.442695020e+00, v7;
	_ =	sdelay $0x1  }
0x208: {  	(erf) = vpow2.f32 v7;
	_ =	sdelay $0x1  }
0x209: {  	v11 =	vld [tilespmem:$0x19220]  }
0x20a: {  	v9 =	vld.idx.msk [tilespmem:v9+s9+$0x0], $0xffff  }
0x20b: {  	v7 =	vld.idx.msk [tilespmem:v8+s9+$0x0], $0xffff;
	_ =	sdelay $0x4  }
0x20c: {  	v12 =	vld [tilespmem:$0x19240];
	v9 =	vshll.u32 v9, $0x10;
	v7 =	vand.u32 $0xFFFF0000, v7;
	v10 =	vpop (erf)  }
0x20d: {  	v11 =	vld.idx.msk [tilespmem:v11+s9+$0x0], $0xffff;
	v7 =	vadd.f32 v9, v7;
	[tilespmem:$0x19380] =	vst v10  }
0x20e: {  	[tilespmem:v6+s6+$0x0] =	vst.idx.add.f32.msk $0x1, v10  }
0x20f: {  	v9 =	vmul.f32 $2.000000030e-01, v7;
	[tilespmem:v6+s6+$0x0] =	vst.idx.add.f32.msk vm0, v10  }
0x210: {  	[tilespmem:v6+s6+$0x0] =	vst.idx.add.f32.msk vm1, v10  }
0x211: {  	v7 =	vmax.f32 v7, v9;
	v9 =	vld [tilespmem:$0x19020]  }
0x212: {  	[tilespmem:v6+s6+$0x0] =	vst.idx.add.f32.msk vm2, v10;
	v7 =	vsub.f32 $0.0e+00, v7  }
0x213: {  	[tilespmem:v6+s6+$0x0] =	vst.idx.add.f32.msk vm3, v10  }
0x214: {  	[tilespmem:v6+s6+$0x0] =	vst.idx.add.f32.msk vm4, v10;
	v7 =	vmul.f32 $1.442695020e+00, v7  }
0x215: {  	[tilespmem:v6+s6+$0x0] =	vst.idx.add.f32.msk vm5, v10  }
0x216: {  	[tilespmem:v6+s6+$0x0] =	vst.idx.add.f32.msk vm6, v10;
	(erf) = vpow2.f32 v7  }
0x217: {  	[tilespmem:v6+s6+$0x0] =	vst.idx.add.f32.msk vm7, v10  }
0x218: {  	[tilespmem:v6+s6+$0x0] =	vst.idx.add.f32.msk vm8, v10  }
0x219: {  	[tilespmem:v6+s6+$0x0] =	vst.idx.add.f32.msk vm9, v10  }
0x21a: {  	v7 =	vld.idx.msk [tilespmem:v9+s9+$0x0], $0xffff  }
0x21b: {  	[tilespmem:v6+s6+$0x0] =	vst.idx.add.f32.msk vm10, v10  }
0x21c: {  	[tilespmem:v6+s6+$0x0] =	vst.idx.add.f32.msk vm11, v10  }
0x21d: {  	[tilespmem:v6+s6+$0x0] =	vst.idx.add.f32.msk vm12, v10  }
0x21e: {  	[tilespmem:v6+s6+$0x0] =	vst.idx.add.f32.msk vm13, v10  }
0x21f: {  	[tilespmem:v6+s6+$0x0] =	vst.idx.add.f32.msk vm14, v10;
	v7 =	vand.u32 $0xFFFF0000, v7;
	v10 =	vshll.u32 v11, $0x10;
	v6 =	vpop (erf)  }
0x220: {  	v11 =	vld [tilespmem:$0x19230];
	v7 =	vadd.f32 v10, v7;
	[tilespmem:$0x19390] =	vst v6  }
0x221: {  	[tilespmem:v8+s6+$0x0] =	vst.idx.add.f32.msk $0x1, v6  }
0x222: {  	v10 =	vmul.f32 $2.000000030e-01, v7;
	[tilespmem:v8+s6+$0x0] =	vst.idx.add.f32.msk vm0, v6  }
0x223: {  	[tilespmem:v8+s6+$0x0] =	vst.idx.add.f32.msk vm1, v6  }
0x224: {  	v7 =	vmax.f32 v7, v10;
	v10 =	vld [tilespmem:$0x19030]  }
0x225: {  	[tilespmem:v8+s6+$0x0] =	vst.idx.add.f32.msk vm2, v6  }
0x226: {  	v7 =	vsub.f32 $0.0e+00, v7;
	[tilespmem:v8+s6+$0x0] =	vst.idx.add.f32.msk vm3, v6  }
0x227: {  	[tilespmem:v8+s6+$0x0] =	vst.idx.add.f32.msk vm4, v6  }
0x228: {  	v7 =	vmul.f32 $1.442695020e+00, v7;
	v11 =	vld.idx.msk [tilespmem:v11+s9+$0x0], $0xffff  }
0x229: {  	[tilespmem:v8+s6+$0x0] =	vst.idx.add.f32.msk vm5, v6  }
0x22a: {  	[tilespmem:v8+s6+$0x0] =	vst.idx.add.f32.msk vm6, v6;
	(erf) = vpow2.f32 v7  }
0x22b: {  	[tilespmem:v8+s6+$0x0] =	vst.idx.add.f32.msk vm7, v6  }
0x22c: {  	[tilespmem:v8+s6+$0x0] =	vst.idx.add.f32.msk vm8, v6  }
0x22d: {  	[tilespmem:v8+s6+$0x0] =	vst.idx.add.f32.msk vm9, v6  }
0x22e: {  	v7 =	vld.idx.msk [tilespmem:v10+s9+$0x0], $0xffff  }
0x22f: {  	[tilespmem:v8+s6+$0x0] =	vst.idx.add.f32.msk vm10, v6  }
0x230: {  	[tilespmem:v8+s6+$0x0] =	vst.idx.add.f32.msk vm11, v6  }
0x231: {  	[tilespmem:v8+s6+$0x0] =	vst.idx.add.f32.msk vm12, v6  }
0x232: {  	[tilespmem:v8+s6+$0x0] =	vst.idx.add.f32.msk vm13, v6  }
0x233: {  	[tilespmem:v8+s6+$0x0] =	vst.idx.add.f32.msk vm14, v6;
	v7 =	vand.u32 $0xFFFF0000, v7;
	v8 =	vshll.u32 v11, $0x10;
	v6 =	vpop (erf)  }
0x234: {  	v11 =	vld [tilespmem:$0x19040];
	v7 =	vadd.f32 v8, v7;
	[tilespmem:$0x193A0] =	vst v6  }
0x235: {  	[tilespmem:v9+s6+$0x0] =	vst.idx.add.f32.msk $0x1, v6  }
0x236: {  	v8 =	vmul.f32 $2.000000030e-01, v7;
	[tilespmem:v9+s6+$0x0] =	vst.idx.add.f32.msk vm0, v6  }
0x237: {  	[tilespmem:v9+s6+$0x0] =	vst.idx.add.f32.msk vm1, v6  }
0x238: {  	v7 =	vmax.f32 v7, v8;
	v8 =	vld.idx.msk [tilespmem:v12+s9+$0x0], $0xffff  }
0x239: {  	[tilespmem:v9+s6+$0x0] =	vst.idx.add.f32.msk vm2, v6;
	v7 =	vsub.f32 $0.0e+00, v7  }
0x23a: {  	[tilespmem:v9+s6+$0x0] =	vst.idx.add.f32.msk vm3, v6  }
0x23b: {  	[tilespmem:v9+s6+$0x0] =	vst.idx.add.f32.msk vm4, v6;
	v7 =	vmul.f32 $1.442695020e+00, v7  }
0x23c: {  	[tilespmem:v9+s6+$0x0] =	vst.idx.add.f32.msk vm5, v6  }
0x23d: {  	[tilespmem:v9+s6+$0x0] =	vst.idx.add.f32.msk vm6, v6;
	(erf) = vpow2.f32 v7  }
0x23e: {  	v7 =	vld.idx.msk [tilespmem:v11+s9+$0x0], $0xffff  }
0x23f: {  	[tilespmem:v9+s6+$0x0] =	vst.idx.add.f32.msk vm7, v6  }
0x240: {  	[tilespmem:v9+s6+$0x0] =	vst.idx.add.f32.msk vm8, v6  }
0x241: {  	[tilespmem:v9+s6+$0x0] =	vst.idx.add.f32.msk vm9, v6  }
0x242: {  	[tilespmem:v9+s6+$0x0] =	vst.idx.add.f32.msk vm10, v6  }
0x243: {  	[tilespmem:v9+s6+$0x0] =	vst.idx.add.f32.msk vm11, v6  }
0x244: {  	v8 =	vshll.u32 v8, $0x10;
	v7 =	vand.u32 $0xFFFF0000, v7;
	[tilespmem:v9+s6+$0x0] =	vst.idx.add.f32.msk vm12, v6  }
0x245: {  	v7 =	vadd.f32 v8, v7;
	[tilespmem:v9+s6+$0x0] =	vst.idx.add.f32.msk vm13, v6  }
0x246: {  	[tilespmem:v9+s6+$0x0] =	vst.idx.add.f32.msk vm14, v6;
	v6 =	vpop (erf)  }
0x247: {  	v8 =	vmul.f32 $2.000000030e-01, v7;
	[tilespmem:$0x193B0] =	vst v6  }
0x248: {  	[tilespmem:v10+s6+$0x0] =	vst.idx.add.f32.msk $0x1, v6  }
0x249: {  	v7 =	vmax.f32 v7, v8;
	[tilespmem:v10+s6+$0x0] =	vst.idx.add.f32.msk vm0, v6  }
0x24a: {  	v7 =	vsub.f32 $0.0e+00, v7;
	[tilespmem:v10+s6+$0x0] =	vst.idx.add.f32.msk vm1, v6  }
0x24b: {  	[tilespmem:v10+s6+$0x0] =	vst.idx.add.f32.msk vm2, v6  }
0x24c: {  	v7 =	vmul.f32 $1.442695020e+00, v7;
	[tilespmem:v10+s6+$0x0] =	vst.idx.add.f32.msk vm3, v6  }
0x24d: {  	[tilespmem:v10+s6+$0x0] =	vst.idx.add.f32.msk vm4, v6  }
0x24e: {  	(erf) = vpow2.f32 v7;
	[tilespmem:v10+s6+$0x0] =	vst.idx.add.f32.msk vm5, v6  }
0x24f: {  	[tilespmem:v10+s6+$0x0] =	vst.idx.add.f32.msk vm6, v6  }
0x250: {  	[tilespmem:v10+s6+$0x0] =	vst.idx.add.f32.msk vm7, v6  }
0x251: {  	[tilespmem:v10+s6+$0x0] =	vst.idx.add.f32.msk vm8, v6  }
0x252: {  	[tilespmem:v10+s6+$0x0] =	vst.idx.add.f32.msk vm9, v6  }
0x253: {  	[tilespmem:v10+s6+$0x0] =	vst.idx.add.f32.msk vm10, v6  }
0x254: {  	[tilespmem:v10+s6+$0x0] =	vst.idx.add.f32.msk vm11, v6  }
0x255: {  	[tilespmem:v10+s6+$0x0] =	vst.idx.add.f32.msk vm12, v6  }
0x256: {  	[tilespmem:v10+s6+$0x0] =	vst.idx.add.f32.msk vm13, v6  }
0x257: {  	[tilespmem:v10+s6+$0x0] =	vst.idx.add.f32.msk vm14, v6;
	v6 =	vpop (erf)  }
0x258: {  	[tilespmem:$0x193C0] =	vst v6  }
0x259: {  	[tilespmem:v11+s6+$0x0] =	vst.idx.add.f32.msk $0x1, v6  }
0x25a: {  	[tilespmem:v11+s6+$0x0] =	vst.idx.add.f32.msk vm0, v6  }
0x25b: {  	[tilespmem:v11+s6+$0x0] =	vst.idx.add.f32.msk vm1, v6  }
0x25c: {  	[tilespmem:v11+s6+$0x0] =	vst.idx.add.f32.msk vm2, v6  }
0x25d: {  	[tilespmem:v11+s6+$0x0] =	vst.idx.add.f32.msk vm3, v6  }
0x25e: {  	[tilespmem:v11+s6+$0x0] =	vst.idx.add.f32.msk vm4, v6  }
0x25f: {  	[tilespmem:v11+s6+$0x0] =	vst.idx.add.f32.msk vm5, v6  }
0x260: {  	[tilespmem:v11+s6+$0x0] =	vst.idx.add.f32.msk vm6, v6  }
0x261: {  	s16 =	simm.s32 $0x6;
	v7 =	vmov s17;
	[tilespmem:v11+s6+$0x0] =	vst.idx.add.f32.msk vm7, v6  }
0x262: {  	v8 =	vmov s16;
	v7 =	vand.u32 $0xFFFFFFF8, v7;
	[tilespmem:v11+s6+$0x0] =	vst.idx.add.f32.msk vm8, v6  }
0x263: {  	v8 =	vand.u32 $0xFFFFFFFE, v8;
	v7 =	vbroadcast v7, $0x0;
	[tilespmem:v11+s6+$0x0] =	vst.idx.add.f32.msk vm9, v6  }
0x264: {  	v8 =	vbroadcast v8, $0x0;
	[tilespmem:v11+s6+$0x0] =	vst.idx.add.f32.msk vm10, v6  }
0x265: {  	[tilespmem:v11+s6+$0x0] =	vst.idx.add.f32.msk vm11, v6  }
0x266: {  	[tilespmem:v11+s6+$0x0] =	vst.idx.add.f32.msk vm12, v6  }
0x267: {  	[tilespmem:v11+s6+$0x0] =	vst.idx.add.f32.msk vm13, v6  }
0x268: {  	[tilespmem:v11+s6+$0x0] =	vst.idx.add.f32.msk vm14, v6  }
0x269: {  	v6 =	vld.idx.msk [tilespmem:v7+s19+$0x0], $0xffff  }
0x26a: {  	s28 =	simm.s32 $0x1BE80;
	v7 =	vld.idx.msk [tilespmem:v8+s19+$0x0], $0xffff  }
0x26b: {  	v9 =	vld [tilespmem:s28+$0x170]  }
0x26c: {  	v10 =	vld [tilespmem:s28+$0xFFFFFE00]  }
0x26d: {  	v11 =	vld [tilespmem:s28+$0xFFFFFE10]  }
0x26e: {  	v12 =	vld [tilespmem:s28+$0xFFFFFE20]  }
0x26f: {  	v13 =	vld [tilespmem:s28+$0xFFFFFE30]  }
0x270: {  	s17 =	simm.s32 $0x1;
	v14 =	vld [tilespmem:s28+$0xFFFFFE40]  }
0x271: {  	v8 =	vmov s17;
	v15 =	vld [tilespmem:s28+$0xFFFFFE50]  }
0x272: {  	v16 =	vld [tilespmem:s28+$0xFFFFFE60];
	v8 =	vand.u32 $0xFFFFFFF9, v8  }
0x273: {  	v17 =	vld [tilespmem:s28+$0xFFFFFE70];
	v8 =	vbroadcast v8, $0x0  }
0x274: {  	v18 =	vld [tilespmem:s28+$0xFFFFFE80]  }
0x275: {  	v19 =	vld [tilespmem:s28+$0xFFFFFE90];
	v10 =	vmul.f32 v10, v6  }
0x276: {  	v20 =	vld [tilespmem:s28+$0xFFFFFEA0];
	v9 =	vmul.f32 v9, v7  }
0x277: {  	v21 =	vld [tilespmem:s28+$0xFFFFFEB0];
	v11 =	vmul.f32 v11, v6;
	[tilespmem:s28+$0xFFFFFE00] =	vst v10  }
0x278: {  	s15 =	simm.s32 $0x2;
	v13 =	vmul.f32 v13, v6;
	[tilespmem:s28+$0x170] =	vst v9;
	v9 =	vmul.f32 v12, v6;
	v12 =	vld [tilespmem:s28+$0xFFFFFEC0]  }
0x279: {  	v14 =	vmul.f32 v14, v6;
	v10 =	vmov s15;
	[tilespmem:s28+$0xFFFFFE10] =	vst v11;
	v8 =	vld.idx.msk [tilespmem:v8+s19+$0x0], $0xffff  }
0x27a: {  	[tilespmem:s28+$0xFFFFFE30] =	vst v13;
	v13 =	vmul.f32 v15, v6;
	v15 =	vld [tilespmem:s28+$0xFFFFFEF0];
	v10 =	vand.u32 $0xFFFFFFFA, v10  }
0x27b: {  	[tilespmem:s28+$0xFFFFFE40] =	vst v14;
	v14 =	vmul.f32 v16, v6;
	v16 =	vld [tilespmem:s28+$0xFFFFFF00];
	v10 =	vbroadcast v10, $0x0  }
0x27c: {  	v6 =	vmul.f32 v17, v6;
	v17 =	vld [tilespmem:s28+$0xFFFFFF20];
	[tilespmem:s28+$0xFFFFFE20] =	vst v9  }
0x27d: {  	v9 =	vld [tilespmem:s28+$0xFFFFFEE0];
	[tilespmem:s28+$0xFFFFFE50] =	vst v13  }
0x27e: {  	v13 =	vld [tilespmem:s28+$0xFFFFFF10];
	[tilespmem:s28+$0xFFFFFE60] =	vst v14;
	v11 =	vmul.f32 v18, v8  }
0x27f: {  	[tilespmem:s28+$0xFFFFFE70] =	vst v6;
	v18 =	vld [tilespmem:s28+$0xFFFFFED0];
	v14 =	vmul.f32 v19, v8  }
0x280: {  	s16 =	simm.s32 $0x3;
	v6 =	vmul.f32 v20, v8;
	v19 =	vld [tilespmem:s28+$0xFFFFFF30];
	[tilespmem:s28+$0xFFFFFE80] =	vst v11  }
0x281: {  	v12 =	vmul.f32 v12, v8;
	v10 =	vld.idx.msk [tilespmem:v10+s19+$0x0], $0xffff;
	v11 =	vmov s16;
	[tilespmem:s28+$0xFFFFFE90] =	vst v14  }
0x282: {  	v20 =	vld [tilespmem:s28+$0xFFFFFF40];
	v14 =	vmul.f32 v21, v8;
	[tilespmem:s28+$0xFFFFFEA0] =	vst v6;
	v11 =	vand.u32 $0xFFFFFFFB, v11  }
0x283: {  	v9 =	vmul.f32 v9, v8;
	[tilespmem:s28+$0xFFFFFEC0] =	vst v12;
	v12 =	vld [tilespmem:s28+$0xFFFFFF70];
	v11 =	vbroadcast v11, $0x0  }
0x284: {  	[tilespmem:s28+$0xFFFFFEB0] =	vst v14;
	v14 =	vld [tilespmem:s28+$0xFFFFFF60];
	v18 =	vmul.f32 v18, v8  }
0x285: {  	[tilespmem:s28+$0xFFFFFEE0] =	vst v9;
	v8 =	vmul.f32 v15, v8;
	v15 =	vld [tilespmem:s28+$0xFFFFFF80]  }
0x286: {  	v6 =	vmul.f32 v16, v10;
	v16 =	vld [tilespmem:s28+$0xFFFFFF50];
	[tilespmem:s28+$0xFFFFFED0] =	vst v18  }
0x287: {  	v9 =	vmul.f32 v13, v10;
	v13 =	vld [tilespmem:s28+$0xFFFFFF90];
	[tilespmem:s28+$0xFFFFFEF0] =	vst v8  }
0x288: {  	s17 =	simm.s32 $0x4;
	v8 =	vmul.f32 v17, v10;
	v17 =	vld [tilespmem:s28+$0xFFFFFFA0];
	[tilespmem:s28+$0xFFFFFF00] =	vst v6  }
0x289: {  	v6 =	vmov s17;
	[tilespmem:s28+$0xFFFFFF10] =	vst v9;
	v9 =	vmul.f32 v19, v10;
	v11 =	vld.idx.msk [tilespmem:v11+s19+$0x0], $0xffff  }
0x28a: {  	v18 =	vld [tilespmem:s28+$0xFFFFFFB0];
	[tilespmem:s28+$0xFFFFFF20] =	vst v8;
	v8 =	vmul.f32 v20, v10;
	v6 =	vand.u32 $0xFFFFFFFC, v6  }
0x28b: {  	v19 =	vld [tilespmem:s28+$0xFFFFFFC0];
	v14 =	vmul.f32 v14, v10;
	v6 =	vbroadcast v6, $0x0;
	[tilespmem:s28+$0xFFFFFF30] =	vst v9  }
0x28c: {  	[tilespmem:s28+$0xFFFFFF40] =	vst v8;
	v8 =	vld [tilespmem:s28+$0xFFFFFFE0];
	v16 =	vmul.f32 v16, v10  }
0x28d: {  	[tilespmem:s28+$0xFFFFFF60] =	vst v14;
	v14 =	vld [tilespmem:s28+$0x0];
	v10 =	vmul.f32 v12, v10  }
0x28e: {  	v12 =	vld [tilespmem:s28+$0xFFFFFFF0];
	[tilespmem:s28+$0xFFFFFF50] =	vst v16;
	v9 =	vmul.f32 v15, v11  }
0x28f: {  	[tilespmem:s28+$0xFFFFFF70] =	vst v10;
	v15 =	vld [tilespmem:s28+$0xFFFFFFD0];
	v13 =	vmul.f32 v13, v11  }
0x290: {  	v16 =	vld [tilespmem:s28+$0x10];
	v10 =	vmul.f32 v17, v11;
	[tilespmem:s28+$0xFFFFFF80] =	vst v9  }
0x291: {  	s15 =	simm.s32 $0x5;
	v8 =	vmul.f32 v8, v11;
	v6 =	vld.idx.msk [tilespmem:v6+s19+$0x0], $0xffff;
	[tilespmem:s28+$0xFFFFFF90] =	vst v13  }
0x292: {  	v17 =	vld [tilespmem:s28+$0x20];
	v9 =	vmov s15;
	v13 =	vmul.f32 v18, v11;
	[tilespmem:s28+$0xFFFFFFA0] =	vst v10  }
0x293: {  	v10 =	vmul.f32 v19, v11;
	v18 =	vld [tilespmem:s28+$0x30];
	v9 =	vand.u32 $0xFFFFFFFD, v9;
	[tilespmem:s28+$0xFFFFFFE0] =	vst v8  }
0x294: {  	v9 =	vbroadcast v9, $0x0;
	[tilespmem:s28+$0xFFFFFFB0] =	vst v13;
	v13 =	vmul.f32 v15, v11;
	v15 =	vld [tilespmem:s28+$0x40]  }
0x295: {  	[tilespmem:s28+$0xFFFFFFC0] =	vst v10;
	v11 =	vmul.f32 v12, v11;
	v12 =	vld [tilespmem:s28+$0x80]  }
0x296: {  	v10 =	vmul.f32 v14, v6;
	v14 =	vld [tilespmem:s28+$0x50];
	[tilespmem:s28+$0xFFFFFFD0] =	vst v13  }
0x297: {  	v13 =	vld [tilespmem:s28+$0x60];
	v8 =	vmul.f32 v16, v6;
	[tilespmem:s28+$0xFFFFFFF0] =	vst v11  }
0x298: {  	v11 =	vmul.f32 v17, v6;
	v16 =	vld [tilespmem:s28+$0x90];
	[tilespmem:s28+$0x0] =	vst v10  }
0x299: {  	v10 =	vld [tilespmem:s28+$0x70];
	[tilespmem:s28+$0x10] =	vst v8;
	v8 =	vmul.f32 v18, v6  }
0x29a: {  	[tilespmem:s28+$0x20] =	vst v11;
	v9 =	vld.idx.msk [tilespmem:v9+s19+$0x0], $0xffff;
	v11 =	vmul.f32 v15, v6  }
0x29b: {  	v15 =	vld [tilespmem:s28+$0xA0];
	[tilespmem:s28+$0x30] =	vst v8  }
0x29c: {  	v8 =	vmul.f32 v14, v6;
	v14 =	vld [tilespmem:s28+$0xB0];
	[tilespmem:s28+$0x40] =	vst v11;
	v11 =	vmul.f32 v13, v6  }
0x29d: {  	v13 =	vld [tilespmem:s28+$0xC0]  }
0x29e: {  	v10 =	vmul.f32 v10, v6;
	[tilespmem:s28+$0x60] =	vst v11;
	v11 =	vld [tilespmem:s28+$0xE0]  }
0x29f: {  	[tilespmem:s28+$0x50] =	vst v8;
	v8 =	vmul.f32 v12, v9;
	v12 =	vld [tilespmem:s28+$0xD0]  }
0x2a0: {  	v16 =	vmul.f32 v16, v9;
	[tilespmem:s28+$0x70] =	vst v10;
	v10 =	vld [tilespmem:s28+$0xF0]  }
0x2a1: {  	[tilespmem:s28+$0x80] =	vst v8;
	v8 =	vmul.f32 v15, v9;
	v15 =	vld [tilespmem:s28+$0x100]  }
0x2a2: {  	[tilespmem:s28+$0x90] =	vst v16;
	v14 =	vmul.f32 v14, v9;
	v16 =	vld [tilespmem:s28+$0x150]  }
0x2a3: {  	s16 =	simm.s32 $0x7;
	[tilespmem:s28+$0xA0] =	vst v8;
	v8 =	vmul.f32 v13, v9;
	v13 =	vld [tilespmem:s28+$0x110]  }
0x2a4: {  	v19 =	vld [tilespmem:s28+$0x180];
	v17 =	vmov s16;
	[tilespmem:s28+$0xB0] =	vst v14;
	v12 =	vmul.f32 v12, v9  }
0x2a5: {  	v14 =	vld [tilespmem:s28+$0x120];
	[tilespmem:s28+$0xC0] =	vst v8;
	v8 =	vmul.f32 v11, v9  }
0x2a6: {  	s16 =	simm.s32 $0xA;
	v11 =	vld [tilespmem:s28+$0x130];
	v9 =	vmul.f32 v10, v9;
	[tilespmem:s28+$0xD0] =	vst v12  }
0x2a7: {  	s17 =	simm.s32 $0x8;
	v18 =	vmov s16;
	v10 =	vld [tilespmem:s28+$0x140];
	v15 =	vmul.f32 v15, v7;
	[tilespmem:s28+$0xE0] =	vst v8  }
0x2a8: {  	s15 =	simm.s32 $0xF;
	s16 =	simm.s32 $0xC;
	v12 =	vmov s17;
	v16 =	vmul.f32 v16, v7;
	[tilespmem:s28+$0xF0] =	vst v9;
	v9 =	vmul.f32 v13, v7;
	v13 =	vld [tilespmem:s28+$0x160]  }
0x2a9: {  	v20 =	vmov s16;
	v6 =	vld.idx.msk [tilespmem:v17+s19+$0x0], $0xffff;
	s17 =	simm.s32 $0x9;
	v12 =	vand.u32 $0xFFFFFFF8, v12;
	v8 =	vmov s15;
	s15 =	simm.s32 $0xB;
	[tilespmem:s28+$0x100] =	vst v15  }
0x2aa: {  	v22 =	vld [tilespmem:s28+$0x190];
	v17 =	vmov s17;
	s17 =	simm.s32 $0xD;
	v14 =	vmul.f32 v14, v7;
	v15 =	vmov s15;
	[tilespmem:s28+$0x150] =	vst v16  }
0x2ab: {  	v23 =	vmov s17;
	[tilespmem:s28+$0x110] =	vst v9;
	v21 =	vmul.f32 v11, v7;
	v9 =	vbroadcast v12, $0x0;
	v11 =	vld [tilespmem:s28+$0x1A0]  }
0x2ac: {  	[tilespmem:s28+$0x120] =	vst v14;
	v14 =	vmul.f32 v10, v7;
	v10 =	vand.u32 $0xFFFFFFF9, v17;
	v17 =	vand.u32 $0xFFFFFFFA, v18;
	v12 =	vld [tilespmem:s28+$0x1B0]  }
0x2ad: {  	v18 =	vand.u32 $0xFFFFFFFB, v15;
	v10 =	vbroadcast v10, $0x0;
	[tilespmem:s28+$0x130] =	vst v21;
	v21 =	vmul.f32 v13, v7;
	v13 =	vld [tilespmem:s28+$0x1C0]  }
0x2ae: {  	v15 =	vbroadcast v17, $0x0;
	[tilespmem:s28+$0x140] =	vst v14;
	v14 =	vld [tilespmem:s28+$0x1D0];
	v7 =	vand.u32 $0xFFFFFFFC, v20;
	v20 =	vmul.f32 v19, v6  }
0x2af: {  	s15 =	simm.s32 $0xE;
	s17 =	simm.s32 $0x10;
	v16 =	vld [tilespmem:s28+$0x1E0];
	v17 =	vbroadcast v18, $0x0;
	v18 =	vmul.f32 v22, v6;
	v19 =	vand.u32 $0xFFFFFFFD, v23;
	[tilespmem:s28+$0x160] =	vst v21  }
.LBB2_8:
0x2b0: {  	p1 =	slt.u32 s17, $0x48;
	v7 =	vbroadcast v7, $0x0;
	v21 =	vmov s15;
	[tilespmem:s28+$0x180] =	vst v20;
	v11 =	vmul.f32 v11, v6;
	v20 =	vld [tilespmem:s28+$0x1F0]  }
0x2b1: {  	v19 =	vbroadcast v19, $0x0;
	v21 =	vand.u32 $0xFFFFFFFE, v21;
	v22 =	vld.idx.msk [tilespmem:v8+s19+$0x0], $0xffff;
	[tilespmem:s28+$0x190] =	vst v18;
	v8 =	vmul.f32 v12, v6  }
0x2b2: {  	v12 =	vld.idx.msk [tilespmem:v9+s19+$0x0], $0xffff;
	v18 =	vbroadcast v21, $0x0;
	[tilespmem:s28+$0x1A0] =	vst v11;
	v9 =	vmul.f32 v13, v6  }
0x2b3: {  	v11 =	vld.idx.msk [tilespmem:v10+s19+$0x0], $0xffff;
	[tilespmem:s28+$0x1B0] =	vst v8;
	v8 =	vmul.f32 v14, v6  }
0x2b4: {  	v13 =	vld.idx.msk [tilespmem:v15+s19+$0x0], $0xffff;
	[tilespmem:s28+$0x1C0] =	vst v9;
	v14 =	vmul.f32 v16, v6  }
0x2b5: {  	v10 =	vld.idx.msk [tilespmem:v17+s19+$0x0], $0xffff;
	[tilespmem:s28+$0x1D0] =	vst v8;
	v15 =	vmul.f32 v20, v6  }
0x2b6: {  	v9 =	vld.idx.msk [tilespmem:v7+s19+$0x0], $0xffff;
	[tilespmem:s28+$0x1E0] =	vst v14  }
0x2b7: {  	v6 =	vmov v22;
	v8 =	vld.idx.msk [tilespmem:v19+s19+$0x0], $0xffff;
	[tilespmem:s28+$0x1F0] =	vst v15  }
0x2b8: {  	s28 =	sadd.s32 $0x400, s28;
	v7 =	vld.idx.msk [tilespmem:v18+s19+$0x0], $0xffff  }
0x2b9: {  	v14 =	vld [tilespmem:s28+$0x170]  }
0x2ba: {  	v15 =	vld [tilespmem:s28+$0xFFFFFE00]  }
0x2bb: {  	v16 =	vld [tilespmem:s28+$0xFFFFFE10]  }
0x2bc: {  	v17 =	vld [tilespmem:s28+$0xFFFFFE20]  }
0x2bd: {  	v18 =	vld [tilespmem:s28+$0xFFFFFE30]  }
0x2be: {  	v19 =	vld [tilespmem:s28+$0xFFFFFE40];
	v14 =	vmul.f32 v14, v7  }
0x2bf: {  	v15 =	vmul.f32 v15, v12;
	v20 =	vld [tilespmem:s28+$0xFFFFFE50]  }
0x2c0: {  	v16 =	vmul.f32 v16, v12;
	v21 =	vld [tilespmem:s28+$0xFFFFFE60];
	[tilespmem:s28+$0x170] =	vst v14  }
0x2c1: {  	[tilespmem:s28+$0xFFFFFE00] =	vst v15;
	v14 =	vmul.f32 v17, v12;
	v15 =	vld [tilespmem:s28+$0xFFFFFE70]  }
0x2c2: {  	[tilespmem:s28+$0xFFFFFE10] =	vst v16;
	v16 =	vmul.f32 v18, v12;
	v17 =	vld [tilespmem:s28+$0xFFFFFE80]  }
0x2c3: {  	[tilespmem:s28+$0xFFFFFE20] =	vst v14;
	v14 =	vmul.f32 v19, v12;
	v18 =	vld [tilespmem:s28+$0xFFFFFE90]  }
0x2c4: {  	[tilespmem:s28+$0xFFFFFE30] =	vst v16;
	v16 =	vmul.f32 v20, v12;
	v19 =	vld [tilespmem:s28+$0xFFFFFEA0]  }
0x2c5: {  	[tilespmem:s28+$0xFFFFFE40] =	vst v14;
	v14 =	vmul.f32 v21, v12;
	v20 =	vld [tilespmem:s28+$0xFFFFFEB0]  }
0x2c6: {  	[tilespmem:s28+$0xFFFFFE50] =	vst v16;
	v12 =	vmul.f32 v15, v12;
	v15 =	vld [tilespmem:s28+$0xFFFFFEC0]  }
0x2c7: {  	[tilespmem:s28+$0xFFFFFE60] =	vst v14;
	v14 =	vmul.f32 v17, v11;
	v16 =	vld [tilespmem:s28+$0xFFFFFED0]  }
0x2c8: {  	[tilespmem:s28+$0xFFFFFE70] =	vst v12;
	v12 =	vmul.f32 v18, v11;
	v17 =	vld [tilespmem:s28+$0xFFFFFEE0]  }
0x2c9: {  	[tilespmem:s28+$0xFFFFFE80] =	vst v14;
	v14 =	vmul.f32 v19, v11;
	v18 =	vld [tilespmem:s28+$0xFFFFFEF0]  }
0x2ca: {  	[tilespmem:s28+$0xFFFFFE90] =	vst v12;
	v12 =	vmul.f32 v20, v11;
	v19 =	vld [tilespmem:s28+$0xFFFFFF00]  }
0x2cb: {  	[tilespmem:s28+$0xFFFFFEA0] =	vst v14;
	v14 =	vmul.f32 v15, v11;
	v15 =	vld [tilespmem:s28+$0xFFFFFF10]  }
0x2cc: {  	[tilespmem:s28+$0xFFFFFEB0] =	vst v12;
	v12 =	vmul.f32 v16, v11;
	v16 =	vld [tilespmem:s28+$0xFFFFFF20]  }
0x2cd: {  	[tilespmem:s28+$0xFFFFFEC0] =	vst v14;
	v14 =	vmul.f32 v17, v11;
	v17 =	vld [tilespmem:s28+$0xFFFFFF30]  }
0x2ce: {  	[tilespmem:s28+$0xFFFFFED0] =	vst v12;
	v11 =	vmul.f32 v18, v11;
	v12 =	vld [tilespmem:s28+$0xFFFFFF40]  }
0x2cf: {  	[tilespmem:s28+$0xFFFFFEE0] =	vst v14;
	v14 =	vmul.f32 v19, v13;
	v18 =	vld [tilespmem:s28+$0xFFFFFF50]  }
0x2d0: {  	[tilespmem:s28+$0xFFFFFEF0] =	vst v11;
	v11 =	vmul.f32 v15, v13;
	v15 =	vld [tilespmem:s28+$0xFFFFFF60]  }
0x2d1: {  	[tilespmem:s28+$0xFFFFFF00] =	vst v14;
	v14 =	vmul.f32 v16, v13;
	v16 =	vld [tilespmem:s28+$0xFFFFFF70]  }
0x2d2: {  	[tilespmem:s28+$0xFFFFFF10] =	vst v11;
	v11 =	vmul.f32 v17, v13;
	v17 =	vld [tilespmem:s28+$0xFFFFFF80]  }
0x2d3: {  	[tilespmem:s28+$0xFFFFFF20] =	vst v14;
	v12 =	vmul.f32 v12, v13;
	v14 =	vld [tilespmem:s28+$0xFFFFFF90]  }
0x2d4: {  	[tilespmem:s28+$0xFFFFFF30] =	vst v11;
	v11 =	vmul.f32 v18, v13;
	v18 =	vld [tilespmem:s28+$0xFFFFFFA0]  }
0x2d5: {  	[tilespmem:s28+$0xFFFFFF40] =	vst v12;
	v12 =	vmul.f32 v15, v13;
	v15 =	vld [tilespmem:s28+$0xFFFFFFB0]  }
0x2d6: {  	[tilespmem:s28+$0xFFFFFF50] =	vst v11;
	v11 =	vmul.f32 v16, v13;
	v13 =	vld [tilespmem:s28+$0xFFFFFFC0]  }
0x2d7: {  	[tilespmem:s28+$0xFFFFFF60] =	vst v12;
	v12 =	vmul.f32 v17, v10;
	v16 =	vld [tilespmem:s28+$0xFFFFFFD0]  }
0x2d8: {  	[tilespmem:s28+$0xFFFFFF70] =	vst v11;
	v11 =	vmul.f32 v14, v10;
	v14 =	vld [tilespmem:s28+$0xFFFFFFE0]  }
0x2d9: {  	[tilespmem:s28+$0xFFFFFF80] =	vst v12;
	v12 =	vmul.f32 v18, v10;
	v17 =	vld [tilespmem:s28+$0xFFFFFFF0]  }
0x2da: {  	[tilespmem:s28+$0xFFFFFF90] =	vst v11;
	v11 =	vmul.f32 v15, v10;
	v15 =	vld [tilespmem:s28+$0x0]  }
0x2db: {  	[tilespmem:s28+$0xFFFFFFA0] =	vst v12;
	v12 =	vmul.f32 v13, v10;
	v13 =	vld [tilespmem:s28+$0x10]  }
0x2dc: {  	[tilespmem:s28+$0xFFFFFFB0] =	vst v11;
	v11 =	vmul.f32 v16, v10;
	v16 =	vld [tilespmem:s28+$0x20]  }
0x2dd: {  	[tilespmem:s28+$0xFFFFFFC0] =	vst v12;
	v12 =	vmul.f32 v14, v10;
	v14 =	vld [tilespmem:s28+$0x30]  }
0x2de: {  	[tilespmem:s28+$0xFFFFFFD0] =	vst v11;
	v10 =	vmul.f32 v17, v10;
	v11 =	vld [tilespmem:s28+$0x40]  }
0x2df: {  	[tilespmem:s28+$0xFFFFFFE0] =	vst v12;
	v12 =	vmul.f32 v15, v9;
	v15 =	vld [tilespmem:s28+$0x50]  }
0x2e0: {  	[tilespmem:s28+$0xFFFFFFF0] =	vst v10;
	v10 =	vmul.f32 v13, v9;
	v13 =	vld [tilespmem:s28+$0x60]  }
0x2e1: {  	[tilespmem:s28+$0x0] =	vst v12;
	v12 =	vmul.f32 v16, v9;
	v16 =	vld [tilespmem:s28+$0x70]  }
0x2e2: {  	[tilespmem:s28+$0x10] =	vst v10;
	v10 =	vmul.f32 v14, v9;
	v14 =	vld [tilespmem:s28+$0x80]  }
0x2e3: {  	[tilespmem:s28+$0x20] =	vst v12;
	v11 =	vmul.f32 v11, v9;
	v12 =	vld [tilespmem:s28+$0x90]  }
0x2e4: {  	[tilespmem:s28+$0x30] =	vst v10;
	v10 =	vmul.f32 v15, v9;
	v15 =	vld [tilespmem:s28+$0xA0]  }
0x2e5: {  	[tilespmem:s28+$0x40] =	vst v11;
	v11 =	vmul.f32 v13, v9;
	v13 =	vld [tilespmem:s28+$0xB0]  }
0x2e6: {  	[tilespmem:s28+$0x50] =	vst v10;
	v9 =	vmul.f32 v16, v9;
	v10 =	vld [tilespmem:s28+$0xC0]  }
0x2e7: {  	[tilespmem:s28+$0x60] =	vst v11;
	v11 =	vmul.f32 v14, v8;
	v14 =	vld [tilespmem:s28+$0xD0]  }
0x2e8: {  	[tilespmem:s28+$0x70] =	vst v9;
	v9 =	vmul.f32 v12, v8;
	v12 =	vld [tilespmem:s28+$0xE0]  }
0x2e9: {  	[tilespmem:s28+$0x80] =	vst v11;
	v11 =	vmul.f32 v15, v8;
	v15 =	vld [tilespmem:s28+$0xF0]  }
0x2ea: {  	[tilespmem:s28+$0x90] =	vst v9;
	v9 =	vmul.f32 v13, v8;
	v13 =	vld [tilespmem:s28+$0x100]  }
0x2eb: {  	[tilespmem:s28+$0xA0] =	vst v11;
	v10 =	vmul.f32 v10, v8;
	v11 =	vld [tilespmem:s28+$0x110]  }
0x2ec: {  	[tilespmem:s28+$0xB0] =	vst v9;
	v9 =	vmul.f32 v14, v8;
	v14 =	vld [tilespmem:s28+$0x120]  }
0x2ed: {  	[tilespmem:s28+$0xC0] =	vst v10;
	v10 =	vmul.f32 v12, v8;
	v12 =	vld [tilespmem:s28+$0x130]  }
0x2ee: {  	[tilespmem:s28+$0xD0] =	vst v9;
	v9 =	vmul.f32 v15, v8;
	v15 =	vld [tilespmem:s28+$0x140]  }
0x2ef: {  	s0 =	sadd.s32 $0x7, s17;
	v8 =	vmov s17;
	[tilespmem:s28+$0xE0] =	vst v10;
	v10 =	vmul.f32 v13, v7;
	v13 =	vld [tilespmem:s28+$0x150]  }
0x2f0: {  	s15 =	sadd.s32 $0x1, s17;
	s16 =	sadd.s32 $0x2, s17;
	v16 =	vand.u32 $0xFFFFFFF8, v8;
	v8 =	vmov s0;
	[tilespmem:s28+$0xF0] =	vst v9;
	v9 =	vmul.f32 v11, v7;
	v17 =	vld [tilespmem:s28+$0x160]  }
0x2f1: {  	v19 =	vmov s16;
	v18 =	vmov s15;
	s15 =	sadd.s32 $0x4, s17;
	s0 =	sadd.s32 $0x3, s17;
	[tilespmem:s28+$0x100] =	vst v10;
	v10 =	vmul.f32 v14, v7;
	v14 =	vld [tilespmem:s28+$0x180]  }
0x2f2: {  	v21 =	vmov s15;
	v20 =	vmov s0;
	s0 =	sadd.s32 $0x5, s17;
	[tilespmem:s28+$0x110] =	vst v9;
	v12 =	vmul.f32 v12, v7;
	v22 =	vld [tilespmem:s28+$0x190]  }
.Ltmp7:
0x2f3: {  	v9 =	vbroadcast v16, $0x0;
	v16 =	vmov s0;
	[tilespmem:s28+$0x120] =	vst v10;
	v15 =	vmul.f32 v15, v7;
	v11 =	vld [tilespmem:s28+$0x1A0];
	(pc) =	sbr.rel @p1 .LBB2_8-.Ltmp7, $4  }
0x2f4: {  	v10 =	vand.u32 $0xFFFFFFF9, v18;
	v18 =	vand.u32 $0xFFFFFFFA, v19;
	[tilespmem:s28+$0x130] =	vst v12;
	v19 =	vmul.f32 v13, v7;
	v12 =	vld [tilespmem:s28+$0x1B0]  }
0x2f5: {  	v23 =	vand.u32 $0xFFFFFFFB, v20;
	v10 =	vbroadcast v10, $0x0;
	[tilespmem:s28+$0x140] =	vst v15;
	v24 =	vmul.f32 v17, v7;
	v13 =	vld [tilespmem:s28+$0x1C0]  }
0x2f6: {  	v15 =	vbroadcast v18, $0x0;
	v7 =	vand.u32 $0xFFFFFFFC, v21;
	[tilespmem:s28+$0x150] =	vst v19;
	v20 =	vmul.f32 v14, v6;
	v14 =	vld [tilespmem:s28+$0x1D0]  }
0x2f7: {  	s15 =	sadd.s32 $0x6, s17;
	s17 =	sadd.s32 $0x8, s17;
	v17 =	vbroadcast v23, $0x0;
	v19 =	vand.u32 $0xFFFFFFFD, v16;
	[tilespmem:s28+$0x160] =	vst v24;
	v18 =	vmul.f32 v22, v6;
	v16 =	vld [tilespmem:s28+$0x1E0]  }
0x2f8: {  	_ =	sdelay $0x2  }
0x2f9: {  	v21 =	vld [tilespmem:s28+$0x1F0]  }
0x2fa: {  	v23 =	vld.idx.msk [tilespmem:v9+s19+$0x0], $0xffff  }
0x2fb: {  	[tilespmem:s28+$0x180] =	vst v20;
	v20 =	vbroadcast v7, $0x0;
	v7 =	vmov s15;
	v15 =	vld.idx.msk [tilespmem:v15+s19+$0x0], $0xffff  }
0x2fc: {  	v22 =	vand.u32 $0xFFFFFFFE, v7;
	v7 =	vld.idx.msk [tilespmem:v8+s19+$0x0], $0xffff  }
0x2fd: {  	s17 =	sadd.s32 $0x400, s28;
	v17 =	vld.idx.msk [tilespmem:v17+s19+$0x0], $0xffff  }
0x2fe: {  	v19 =	vbroadcast v19, $0x0;
	v11 =	vmul.f32 v11, v6;
	[tilespmem:s28+$0x190] =	vst v18;
	v18 =	vld [tilespmem:s17+$0x170]  }
0x2ff: {  	v12 =	vmul.f32 v12, v6;
	v8 =	vbroadcast v22, $0x0;
	v22 =	vld.idx.msk [tilespmem:v10+s19+$0x0], $0xffff  }
0x300: {  	[tilespmem:s28+$0x1A0] =	vst v11;
	v11 =	vmul.f32 v13, v6;
	v13 =	vld [tilespmem:s17+$0xFFFFFE00]  }
0x301: {  	[tilespmem:s28+$0x1B0] =	vst v12;
	v12 =	vmul.f32 v14, v6;
	v14 =	vld [tilespmem:s17+$0xFFFFFE10]  }
0x302: {  	[tilespmem:s28+$0x1C0] =	vst v11;
	v11 =	vmul.f32 v16, v6;
	v16 =	vld [tilespmem:s17+$0xFFFFFE20]  }
0x303: {  	[tilespmem:s28+$0x1D0] =	vst v12;
	v12 =	vld [tilespmem:s17+$0xFFFFFE30]  }
0x304: {  	v10 =	vld.idx.msk [tilespmem:v20+s19+$0x0], $0xffff  }
0x305: {  	v6 =	vmul.f32 v21, v6;
	v9 =	vld.idx.msk [tilespmem:v19+s19+$0x0], $0xffff  }
0x306: {  	[tilespmem:s28+$0x1E0] =	vst v11;
	v11 =	vld [tilespmem:s17+$0xFFFFFE40]  }
0x307: {  	[tilespmem:s28+$0x1F0] =	vst v6;
	v6 =	vmul.f32 v13, v23;
	v8 =	vld.idx.msk [tilespmem:v8+s19+$0x0], $0xffff  }
0x308: {  	v13 =	vld [tilespmem:s17+$0xFFFFFE50];
	v14 =	vmul.f32 v14, v23  }
0x309: {  	v19 =	vld [tilespmem:s17+$0xFFFFFE60];
	[tilespmem:s17+$0xFFFFFE00] =	vst v6;
	v6 =	vmul.f32 v16, v23  }
0x30a: {  	v16 =	vld [tilespmem:s17+$0xFFFFFE70];
	[tilespmem:s17+$0xFFFFFE10] =	vst v14;
	v12 =	vmul.f32 v12, v23  }
0x30b: {  	v14 =	vld [tilespmem:s17+$0xFFFFFE80];
	[tilespmem:s17+$0xFFFFFE20] =	vst v6;
	v6 =	vmul.f32 v11, v23  }
0x30c: {  	v11 =	vld [tilespmem:s17+$0xFFFFFE90];
	[tilespmem:s17+$0xFFFFFE30] =	vst v12;
	v18 =	vmul.f32 v18, v8  }
0x30d: {  	v12 =	vmul.f32 v13, v23;
	v13 =	vld [tilespmem:s17+$0xFFFFFEA0];
	[tilespmem:s17+$0xFFFFFE40] =	vst v6  }
0x30e: {  	v6 =	vmul.f32 v19, v23;
	[tilespmem:s17+$0x170] =	vst v18;
	v18 =	vld [tilespmem:s17+$0xFFFFFEB0]  }
0x30f: {  	[tilespmem:s17+$0xFFFFFE50] =	vst v12;
	v12 =	vmul.f32 v16, v23;
	v16 =	vld [tilespmem:s17+$0xFFFFFEC0]  }
0x310: {  	[tilespmem:s17+$0xFFFFFE60] =	vst v6;
	v6 =	vmul.f32 v14, v22;
	v14 =	vld [tilespmem:s17+$0xFFFFFED0]  }
0x311: {  	[tilespmem:s17+$0xFFFFFE70] =	vst v12;
	v11 =	vmul.f32 v11, v22;
	v12 =	vld [tilespmem:s17+$0xFFFFFEE0]  }
0x312: {  	[tilespmem:s17+$0xFFFFFE80] =	vst v6;
	v6 =	vmul.f32 v13, v22;
	v13 =	vld [tilespmem:s17+$0xFFFFFEF0]  }
0x313: {  	[tilespmem:s17+$0xFFFFFE90] =	vst v11;
	v11 =	vmul.f32 v18, v22;
	v18 =	vld [tilespmem:s17+$0xFFFFFF00]  }
0x314: {  	[tilespmem:s17+$0xFFFFFEA0] =	vst v6;
	v6 =	vmul.f32 v16, v22;
	v16 =	vld [tilespmem:s17+$0xFFFFFF10]  }
0x315: {  	[tilespmem:s17+$0xFFFFFEB0] =	vst v11;
	v11 =	vmul.f32 v14, v22;
	v14 =	vld [tilespmem:s17+$0xFFFFFF20]  }
0x316: {  	[tilespmem:s17+$0xFFFFFEC0] =	vst v6;
	v6 =	vmul.f32 v12, v22;
	v12 =	vld [tilespmem:s17+$0xFFFFFF30]  }
0x317: {  	[tilespmem:s17+$0xFFFFFED0] =	vst v11;
	v11 =	vmul.f32 v13, v22;
	v13 =	vld [tilespmem:s17+$0xFFFFFF40]  }
0x318: {  	[tilespmem:s17+$0xFFFFFEE0] =	vst v6;
	v6 =	vmul.f32 v18, v15;
	v18 =	vld [tilespmem:s17+$0xFFFFFF50]  }
0x319: {  	[tilespmem:s17+$0xFFFFFEF0] =	vst v11;
	v11 =	vmul.f32 v16, v15;
	v16 =	vld [tilespmem:s17+$0xFFFFFF60]  }
0x31a: {  	[tilespmem:s17+$0xFFFFFF00] =	vst v6;
	v6 =	vmul.f32 v14, v15;
	v14 =	vld [tilespmem:s17+$0xFFFFFF70]  }
0x31b: {  	[tilespmem:s17+$0xFFFFFF10] =	vst v11;
	v11 =	vmul.f32 v12, v15;
	v12 =	vld [tilespmem:s17+$0xFFFFFF80]  }
0x31c: {  	[tilespmem:s17+$0xFFFFFF20] =	vst v6;
	v6 =	vmul.f32 v13, v15;
	v13 =	vld [tilespmem:s17+$0xFFFFFF90]  }
0x31d: {  	[tilespmem:s17+$0xFFFFFF30] =	vst v11;
	v11 =	vmul.f32 v18, v15;
	v18 =	vld [tilespmem:s17+$0xFFFFFFA0]  }
0x31e: {  	[tilespmem:s17+$0xFFFFFF40] =	vst v6;
	v6 =	vmul.f32 v16, v15;
	v16 =	vld [tilespmem:s17+$0xFFFFFFB0]  }
0x31f: {  	[tilespmem:s17+$0xFFFFFF50] =	vst v11;
	v11 =	vmul.f32 v14, v15;
	v14 =	vld [tilespmem:s17+$0xFFFFFFC0]  }
0x320: {  	[tilespmem:s17+$0xFFFFFF60] =	vst v6;
	v6 =	vmul.f32 v12, v17;
	v12 =	vld [tilespmem:s17+$0xFFFFFFD0]  }
0x321: {  	[tilespmem:s17+$0xFFFFFF70] =	vst v11;
	v11 =	vmul.f32 v13, v17;
	v13 =	vld [tilespmem:s17+$0xFFFFFFE0]  }
0x322: {  	v15 =	vld [tilespmem:s17+$0xFFFFFFF0];
	[tilespmem:s17+$0xFFFFFF80] =	vst v6;
	v6 =	vmul.f32 v18, v17  }
0x323: {  	[tilespmem:s17+$0xFFFFFF90] =	vst v11;
	v11 =	vmul.f32 v16, v17;
	v16 =	vld [tilespmem:s17+$0x0]  }
0x324: {  	[tilespmem:s17+$0xFFFFFFA0] =	vst v6;
	v6 =	vmul.f32 v14, v17;
	v14 =	vld [tilespmem:s17+$0x10]  }
0x325: {  	[tilespmem:s17+$0xFFFFFFB0] =	vst v11;
	v11 =	vmul.f32 v12, v17;
	v12 =	vld [tilespmem:s17+$0x20]  }
0x326: {  	[tilespmem:s17+$0xFFFFFFC0] =	vst v6;
	v6 =	vmul.f32 v13, v17;
	v13 =	vld [tilespmem:s17+$0x30]  }
0x327: {  	[tilespmem:s17+$0xFFFFFFD0] =	vst v11;
	v11 =	vmul.f32 v15, v17;
	v15 =	vld [tilespmem:s17+$0x40]  }
0x328: {  	[tilespmem:s17+$0xFFFFFFE0] =	vst v6;
	v6 =	vmul.f32 v16, v10;
	v16 =	vld [tilespmem:s17+$0x50]  }
0x329: {  	[tilespmem:s17+$0xFFFFFFF0] =	vst v11;
	v11 =	vmul.f32 v14, v10;
	v14 =	vld [tilespmem:s17+$0x60]  }
0x32a: {  	[tilespmem:s17+$0x0] =	vst v6;
	v6 =	vmul.f32 v12, v10;
	v12 =	vld [tilespmem:s17+$0x70]  }
0x32b: {  	[tilespmem:s17+$0x10] =	vst v11;
	v11 =	vmul.f32 v13, v10;
	v13 =	vld [tilespmem:s17+$0x80]  }
0x32c: {  	[tilespmem:s17+$0x20] =	vst v6;
	v6 =	vmul.f32 v15, v10;
	v15 =	vld [tilespmem:s17+$0x90]  }
0x32d: {  	[tilespmem:s17+$0x30] =	vst v11;
	v11 =	vmul.f32 v16, v10;
	v16 =	vld [tilespmem:s17+$0xA0]  }
0x32e: {  	[tilespmem:s17+$0x40] =	vst v6;
	v6 =	vmul.f32 v14, v10;
	v14 =	vld [tilespmem:s17+$0xB0]  }
0x32f: {  	[tilespmem:s17+$0x50] =	vst v11;
	v10 =	vmul.f32 v12, v10;
	v11 =	vld [tilespmem:s17+$0xC0]  }
0x330: {  	v12 =	vld [tilespmem:s17+$0xD0];
	[tilespmem:s17+$0x60] =	vst v6;
	v6 =	vmul.f32 v13, v9  }
0x331: {  	v13 =	vld [tilespmem:s17+$0xE0];
	[tilespmem:s17+$0x70] =	vst v10;
	v10 =	vmul.f32 v15, v9  }
0x332: {  	v15 =	vld [tilespmem:s17+$0xF0];
	[tilespmem:s17+$0x80] =	vst v6;
	v6 =	vmul.f32 v16, v9  }
0x333: {  	[tilespmem:s17+$0x90] =	vst v10;
	v10 =	vmul.f32 v14, v9;
	v14 =	vld [tilespmem:s17+$0x100]  }
0x334: {  	[tilespmem:s17+$0xA0] =	vst v6;
	v6 =	vmul.f32 v11, v9;
	v11 =	vld [tilespmem:s17+$0x110]  }
0x335: {  	[tilespmem:s17+$0xB0] =	vst v10;
	v10 =	vmul.f32 v12, v9;
	v12 =	vld [tilespmem:s17+$0x120]  }
0x336: {  	[tilespmem:s17+$0xC0] =	vst v6;
	v6 =	vmul.f32 v13, v9;
	v13 =	vld [tilespmem:s17+$0x130]  }
0x337: {  	v9 =	vmul.f32 v15, v9;
	[tilespmem:s17+$0xD0] =	vst v10;
	v10 =	vld [tilespmem:s17+$0x140]  }
0x338: {  	[tilespmem:s17+$0xE0] =	vst v6;
	v6 =	vmul.f32 v14, v8;
	v14 =	vld [tilespmem:s17+$0x150]  }
0x339: {  	[tilespmem:s17+$0xF0] =	vst v9;
	v9 =	vmul.f32 v11, v8;
	v11 =	vld [tilespmem:s17+$0x160]  }
0x33a: {  	[tilespmem:s17+$0x100] =	vst v6;
	v6 =	vmul.f32 v12, v8;
	v12 =	vld [tilespmem:s17+$0x180]  }
0x33b: {  	[tilespmem:s17+$0x110] =	vst v9;
	v9 =	vmul.f32 v13, v8;
	v13 =	vld [tilespmem:s17+$0x190]  }
0x33c: {  	[tilespmem:s17+$0x120] =	vst v6;
	v6 =	vmul.f32 v10, v8;
	v10 =	vld [tilespmem:s17+$0x1A0]  }
0x33d: {  	[tilespmem:s17+$0x130] =	vst v9;
	v9 =	vmul.f32 v14, v8;
	v14 =	vld [tilespmem:s17+$0x1B0]  }
0x33e: {  	[tilespmem:s17+$0x140] =	vst v6;
	v6 =	vmul.f32 v11, v8;
	v8 =	vld [tilespmem:s17+$0x1C0]  }
0x33f: {  	v11 =	vld [tilespmem:s17+$0x1D0];
	[tilespmem:s17+$0x150] =	vst v9;
	v9 =	vmul.f32 v12, v7  }
0x340: {  	v12 =	vld [tilespmem:s17+$0x1E0];
	[tilespmem:s17+$0x160] =	vst v6;
	v6 =	vmul.f32 v13, v7  }
0x341: {  	[tilespmem:s17+$0x180] =	vst v9;
	v9 =	vmul.f32 v10, v7;
	v10 =	vld [tilespmem:s17+$0x1F0]  }
0x342: {  	[tilespmem:s17+$0x190] =	vst v6;
	v6 =	vmul.f32 v14, v7  }
0x343: {  	[tilespmem:s17+$0x1A0] =	vst v9;
	v8 =	vmul.f32 v8, v7  }
0x344: {  	[tilespmem:s17+$0x1B0] =	vst v6;
	v6 =	vmul.f32 v11, v7  }
0x345: {  	[tilespmem:s17+$0x1C0] =	vst v8;
	v8 =	vmul.f32 v12, v7  }
0x346: {  	[tilespmem:s17+$0x1D0] =	vst v6;
	v6 =	vmul.f32 v10, v7  }
0x347: {  	[tilespmem:s17+$0x1E0] =	vst v8  }
0x348: {  	s0 =	simm.s32 $0x19000;
	[tilespmem:s17+$0x1F0] =	vst v6  }
0x349: {  	[spmem:s4] =	stream.indirect.scatter.add.f32 [tilespmem:s23], [sflag:$0x8], $0x80, s0, s11, $0xb8;
	[tilespmem:$0x1E480] =	vst v63  }
0x34a: {  	_ =	swait.ge [sflag:s24], $0x2800  }
0x34b: {  	[sflag:s24] =	ssyncset.done $0x0  }
0x34c: {  	[sflag:s24] =	ssyncadd.s32 $0xFFFFD800  }
0x34d: {  	_ =	swait.ge [sflag:s25], $0x50  }
0x34e: {  	[sflag:s25] =	ssyncset.done $0x0  }
0x34f: {  	[sflag:s25] =	ssyncadd.s32 $0xFFFFFFB0  }
0x350: {  	_ =	swait.ge [sflag:s25], $0x50  }
0x351: {  	p1 =	seq.s32 s31, $0x1E;
	s0 =	rddreg [dreg:$0xc]  }
0x352: {  	[sflag:s25] =	ssyncset.done $0x0;
	s0 =	sadd.s32 @!p1 s18, s0  }
0x353: {  	s17 =	simm.s32 $0x19300;
	[sflag:s25] =	ssyncadd.s32 $0xFFFFFFB0;
	s0 =	smul.u32 @!p1 $0xA, s0  }
0x354: {  	[tilespmem:s23], [sflag:$0x6] =	stream.indirect.gather [hbm4b:s1+s11], $0x80, s17, s11, $0xb8;
	[tilespmem:$0x1E480] =	vst v63  }
0x355: {  	s16 =	simm.s32 @!p1 $0x0;
	s17 =	simm.s32 @!p1 $0x19000;
	s15 =	sadd.s32 @!p1 s7, s0  }
0x356: {  	[tilespmem:s17], [sflag:$0x2] =	stream.linear.gather @!p1 [hbm4b:s15+s16], $0x50, $0x38;
	[tilespmem:$0x1E480] =	vst v63  }
0x357: {  	s0 =	sadd.s32 @!p1 s3, s0;
	s15 =	simm.s32 @!p1 $0x19200  }
0x358: {  	[tilespmem:s15], [sflag:$0x2] =	stream.linear.gather @!p1 [hbm4b:s0+s16], $0x50, $0x38;
	[tilespmem:$0x1E480] =	vst v63  }
0x359: {  	_ =	swait.ge [sflag:s13], $0x2800  }
0x35a: {  	[sflag:s13] =	ssyncset.done $0x0  }
0x35b: {  	[sflag:s13] =	ssyncadd.s32 $0xFFFFD800  }
0x35c: {  	v6 =	vld [tilespmem:$0x19080]  }
0x35d: {  	v7 =	vld [tilespmem:$0x19280];
	_ =	sdelay $0x6  }
0x35e: {  	v8 =	vld.idx.msk [tilespmem:v6+s9+$0x0], $0xffff  }
0x35f: {  	v7 =	vld.idx.msk [tilespmem:v7+s9+$0x0], $0xffff;
	_ =	sdelay $0x4  }
0x360: {  	v8 =	vand.u32 $0xFFFF0000, v8;
	v7 =	vshll.u32 v7, $0x10  }
0x361: {  	v7 =	vadd.f32 v7, v8;
	_ =	sdelay $0x1  }
0x362: {  	v8 =	vmul.f32 $2.000000030e-01, v7;
	_ =	sdelay $0x1  }
0x363: {  	v9 =	vld [tilespmem:$0x19290];
	v7 =	vmax.f32 v7, v8  }
0x364: {  	v8 =	vld [tilespmem:$0x19090];
	v7 =	vsub.f32 $0.0e+00, v7;
	_ =	sdelay $0x1  }
0x365: {  	v7 =	vmul.f32 $1.442695020e+00, v7;
	_ =	sdelay $0x1  }
0x366: {  	(erf) = vpow2.f32 v7;
	_ =	sdelay $0x1  }
0x367: {  	v11 =	vld [tilespmem:$0x192A0]  }
0x368: {  	v9 =	vld.idx.msk [tilespmem:v9+s9+$0x0], $0xffff  }
0x369: {  	v7 =	vld.idx.msk [tilespmem:v8+s9+$0x0], $0xffff;
	_ =	sdelay $0x4  }
0x36a: {  	v12 =	vld [tilespmem:$0x192C0];
	v9 =	vshll.u32 v9, $0x10;
	v7 =	vand.u32 $0xFFFF0000, v7;
	v10 =	vpop (erf)  }
0x36b: {  	v11 =	vld.idx.msk [tilespmem:v11+s9+$0x0], $0xffff;
	v7 =	vadd.f32 v9, v7;
	[tilespmem:$0x19380] =	vst v10  }
0x36c: {  	[tilespmem:v6+s6+$0x0] =	vst.idx.add.f32.msk $0x1, v10  }
0x36d: {  	v9 =	vmul.f32 $2.000000030e-01, v7;
	[tilespmem:v6+s6+$0x0] =	vst.idx.add.f32.msk vm0, v10  }
0x36e: {  	[tilespmem:v6+s6+$0x0] =	vst.idx.add.f32.msk vm1, v10  }
0x36f: {  	v7 =	vmax.f32 v7, v9;
	v9 =	vld [tilespmem:$0x190A0]  }
0x370: {  	[tilespmem:v6+s6+$0x0] =	vst.idx.add.f32.msk vm2, v10;
	v7 =	vsub.f32 $0.0e+00, v7  }
0x371: {  	[tilespmem:v6+s6+$0x0] =	vst.idx.add.f32.msk vm3, v10  }
0x372: {  	[tilespmem:v6+s6+$0x0] =	vst.idx.add.f32.msk vm4, v10;
	v7 =	vmul.f32 $1.442695020e+00, v7  }
0x373: {  	[tilespmem:v6+s6+$0x0] =	vst.idx.add.f32.msk vm5, v10  }
0x374: {  	[tilespmem:v6+s6+$0x0] =	vst.idx.add.f32.msk vm6, v10;
	(erf) = vpow2.f32 v7  }
0x375: {  	[tilespmem:v6+s6+$0x0] =	vst.idx.add.f32.msk vm7, v10  }
0x376: {  	[tilespmem:v6+s6+$0x0] =	vst.idx.add.f32.msk vm8, v10  }
0x377: {  	[tilespmem:v6+s6+$0x0] =	vst.idx.add.f32.msk vm9, v10  }
0x378: {  	v7 =	vld.idx.msk [tilespmem:v9+s9+$0x0], $0xffff  }
0x379: {  	[tilespmem:v6+s6+$0x0] =	vst.idx.add.f32.msk vm10, v10  }
0x37a: {  	[tilespmem:v6+s6+$0x0] =	vst.idx.add.f32.msk vm11, v10  }
0x37b: {  	[tilespmem:v6+s6+$0x0] =	vst.idx.add.f32.msk vm12, v10  }
0x37c: {  	[tilespmem:v6+s6+$0x0] =	vst.idx.add.f32.msk vm13, v10  }
0x37d: {  	[tilespmem:v6+s6+$0x0] =	vst.idx.add.f32.msk vm14, v10;
	v7 =	vand.u32 $0xFFFF0000, v7;
	v10 =	vshll.u32 v11, $0x10;
	v6 =	vpop (erf)  }
0x37e: {  	v11 =	vld [tilespmem:$0x192B0];
	v7 =	vadd.f32 v10, v7;
	[tilespmem:$0x19390] =	vst v6  }
0x37f: {  	[tilespmem:v8+s6+$0x0] =	vst.idx.add.f32.msk $0x1, v6  }
0x380: {  	v10 =	vmul.f32 $2.000000030e-01, v7;
	[tilespmem:v8+s6+$0x0] =	vst.idx.add.f32.msk vm0, v6  }
0x381: {  	[tilespmem:v8+s6+$0x0] =	vst.idx.add.f32.msk vm1, v6  }
0x382: {  	v7 =	vmax.f32 v7, v10;
	v10 =	vld [tilespmem:$0x190B0]  }
0x383: {  	[tilespmem:v8+s6+$0x0] =	vst.idx.add.f32.msk vm2, v6  }
0x384: {  	v7 =	vsub.f32 $0.0e+00, v7;
	[tilespmem:v8+s6+$0x0] =	vst.idx.add.f32.msk vm3, v6  }
0x385: {  	[tilespmem:v8+s6+$0x0] =	vst.idx.add.f32.msk vm4, v6  }
0x386: {  	v7 =	vmul.f32 $1.442695020e+00, v7;
	v11 =	vld.idx.msk [tilespmem:v11+s9+$0x0], $0xffff  }
0x387: {  	[tilespmem:v8+s6+$0x0] =	vst.idx.add.f32.msk vm5, v6  }
0x388: {  	[tilespmem:v8+s6+$0x0] =	vst.idx.add.f32.msk vm6, v6;
	(erf) = vpow2.f32 v7  }
0x389: {  	[tilespmem:v8+s6+$0x0] =	vst.idx.add.f32.msk vm7, v6  }
0x38a: {  	[tilespmem:v8+s6+$0x0] =	vst.idx.add.f32.msk vm8, v6  }
0x38b: {  	[tilespmem:v8+s6+$0x0] =	vst.idx.add.f32.msk vm9, v6  }
0x38c: {  	v7 =	vld.idx.msk [tilespmem:v10+s9+$0x0], $0xffff  }
0x38d: {  	[tilespmem:v8+s6+$0x0] =	vst.idx.add.f32.msk vm10, v6  }
0x38e: {  	[tilespmem:v8+s6+$0x0] =	vst.idx.add.f32.msk vm11, v6  }
0x38f: {  	[tilespmem:v8+s6+$0x0] =	vst.idx.add.f32.msk vm12, v6  }
0x390: {  	[tilespmem:v8+s6+$0x0] =	vst.idx.add.f32.msk vm13, v6  }
0x391: {  	[tilespmem:v8+s6+$0x0] =	vst.idx.add.f32.msk vm14, v6;
	v7 =	vand.u32 $0xFFFF0000, v7;
	v8 =	vshll.u32 v11, $0x10;
	v6 =	vpop (erf)  }
0x392: {  	v11 =	vld [tilespmem:$0x190C0];
	v7 =	vadd.f32 v8, v7;
	[tilespmem:$0x193A0] =	vst v6  }
0x393: {  	[tilespmem:v9+s6+$0x0] =	vst.idx.add.f32.msk $0x1, v6  }
0x394: {  	v8 =	vmul.f32 $2.000000030e-01, v7;
	[tilespmem:v9+s6+$0x0] =	vst.idx.add.f32.msk vm0, v6  }
0x395: {  	[tilespmem:v9+s6+$0x0] =	vst.idx.add.f32.msk vm1, v6  }
0x396: {  	v7 =	vmax.f32 v7, v8;
	v8 =	vld.idx.msk [tilespmem:v12+s9+$0x0], $0xffff  }
0x397: {  	[tilespmem:v9+s6+$0x0] =	vst.idx.add.f32.msk vm2, v6;
	v7 =	vsub.f32 $0.0e+00, v7  }
0x398: {  	[tilespmem:v9+s6+$0x0] =	vst.idx.add.f32.msk vm3, v6  }
0x399: {  	[tilespmem:v9+s6+$0x0] =	vst.idx.add.f32.msk vm4, v6;
	v7 =	vmul.f32 $1.442695020e+00, v7  }
0x39a: {  	[tilespmem:v9+s6+$0x0] =	vst.idx.add.f32.msk vm5, v6  }
0x39b: {  	[tilespmem:v9+s6+$0x0] =	vst.idx.add.f32.msk vm6, v6;
	(erf) = vpow2.f32 v7  }
0x39c: {  	v7 =	vld.idx.msk [tilespmem:v11+s9+$0x0], $0xffff  }
0x39d: {  	[tilespmem:v9+s6+$0x0] =	vst.idx.add.f32.msk vm7, v6  }
0x39e: {  	[tilespmem:v9+s6+$0x0] =	vst.idx.add.f32.msk vm8, v6  }
0x39f: {  	[tilespmem:v9+s6+$0x0] =	vst.idx.add.f32.msk vm9, v6  }
0x3a0: {  	[tilespmem:v9+s6+$0x0] =	vst.idx.add.f32.msk vm10, v6  }
0x3a1: {  	[tilespmem:v9+s6+$0x0] =	vst.idx.add.f32.msk vm11, v6  }
0x3a2: {  	v8 =	vshll.u32 v8, $0x10;
	v7 =	vand.u32 $0xFFFF0000, v7;
	[tilespmem:v9+s6+$0x0] =	vst.idx.add.f32.msk vm12, v6  }
0x3a3: {  	v7 =	vadd.f32 v8, v7;
	[tilespmem:v9+s6+$0x0] =	vst.idx.add.f32.msk vm13, v6  }
0x3a4: {  	[tilespmem:v9+s6+$0x0] =	vst.idx.add.f32.msk vm14, v6;
	v6 =	vpop (erf)  }
0x3a5: {  	v8 =	vmul.f32 $2.000000030e-01, v7;
	[tilespmem:$0x193B0] =	vst v6  }
0x3a6: {  	[tilespmem:v10+s6+$0x0] =	vst.idx.add.f32.msk $0x1, v6  }
0x3a7: {  	v7 =	vmax.f32 v7, v8;
	[tilespmem:v10+s6+$0x0] =	vst.idx.add.f32.msk vm0, v6  }
0x3a8: {  	v7 =	vsub.f32 $0.0e+00, v7;
	[tilespmem:v10+s6+$0x0] =	vst.idx.add.f32.msk vm1, v6  }
0x3a9: {  	[tilespmem:v10+s6+$0x0] =	vst.idx.add.f32.msk vm2, v6  }
0x3aa: {  	v7 =	vmul.f32 $1.442695020e+00, v7;
	[tilespmem:v10+s6+$0x0] =	vst.idx.add.f32.msk vm3, v6  }
0x3ab: {  	[tilespmem:v10+s6+$0x0] =	vst.idx.add.f32.msk vm4, v6  }
0x3ac: {  	(erf) = vpow2.f32 v7;
	[tilespmem:v10+s6+$0x0] =	vst.idx.add.f32.msk vm5, v6  }
0x3ad: {  	[tilespmem:v10+s6+$0x0] =	vst.idx.add.f32.msk vm6, v6  }
0x3ae: {  	[tilespmem:v10+s6+$0x0] =	vst.idx.add.f32.msk vm7, v6  }
0x3af: {  	[tilespmem:v10+s6+$0x0] =	vst.idx.add.f32.msk vm8, v6  }
0x3b0: {  	[tilespmem:v10+s6+$0x0] =	vst.idx.add.f32.msk vm9, v6  }
0x3b1: {  	[tilespmem:v10+s6+$0x0] =	vst.idx.add.f32.msk vm10, v6  }
0x3b2: {  	[tilespmem:v10+s6+$0x0] =	vst.idx.add.f32.msk vm11, v6  }
0x3b3: {  	[tilespmem:v10+s6+$0x0] =	vst.idx.add.f32.msk vm12, v6  }
0x3b4: {  	[tilespmem:v10+s6+$0x0] =	vst.idx.add.f32.msk vm13, v6  }
0x3b5: {  	[tilespmem:v10+s6+$0x0] =	vst.idx.add.f32.msk vm14, v6;
	v6 =	vpop (erf)  }
0x3b6: {  	[tilespmem:$0x193C0] =	vst v6  }
0x3b7: {  	[tilespmem:v11+s6+$0x0] =	vst.idx.add.f32.msk $0x1, v6  }
0x3b8: {  	[tilespmem:v11+s6+$0x0] =	vst.idx.add.f32.msk vm0, v6  }
0x3b9: {  	[tilespmem:v11+s6+$0x0] =	vst.idx.add.f32.msk vm1, v6  }
0x3ba: {  	[tilespmem:v11+s6+$0x0] =	vst.idx.add.f32.msk vm2, v6  }
0x3bb: {  	[tilespmem:v11+s6+$0x0] =	vst.idx.add.f32.msk vm3, v6  }
0x3bc: {  	[tilespmem:v11+s6+$0x0] =	vst.idx.add.f32.msk vm4, v6  }
0x3bd: {  	[tilespmem:v11+s6+$0x0] =	vst.idx.add.f32.msk vm5, v6  }
0x3be: {  	s15 =	simm.s32 $0x0;
	[tilespmem:v11+s6+$0x0] =	vst.idx.add.f32.msk vm6, v6  }
0x3bf: {  	s16 =	simm.s32 $0x6;
	v7 =	vmov s15;
	[tilespmem:v11+s6+$0x0] =	vst.idx.add.f32.msk vm7, v6  }
0x3c0: {  	v8 =	vmov s16;
	v7 =	vand.u32 $0xFFFFFFF8, v7;
	[tilespmem:v11+s6+$0x0] =	vst.idx.add.f32.msk vm8, v6  }
0x3c1: {  	v8 =	vand.u32 $0xFFFFFFFE, v8;
	v7 =	vbroadcast v7, $0x0;
	[tilespmem:v11+s6+$0x0] =	vst.idx.add.f32.msk vm9, v6  }
0x3c2: {  	v8 =	vbroadcast v8, $0x0;
	[tilespmem:v11+s6+$0x0] =	vst.idx.add.f32.msk vm10, v6  }
0x3c3: {  	[tilespmem:v11+s6+$0x0] =	vst.idx.add.f32.msk vm11, v6  }
0x3c4: {  	[tilespmem:v11+s6+$0x0] =	vst.idx.add.f32.msk vm12, v6  }
0x3c5: {  	[tilespmem:v11+s6+$0x0] =	vst.idx.add.f32.msk vm13, v6  }
0x3c6: {  	[tilespmem:v11+s6+$0x0] =	vst.idx.add.f32.msk vm14, v6  }
0x3c7: {  	v6 =	vld.idx.msk [tilespmem:v7+s19+$0x0], $0xffff  }
0x3c8: {  	s28 =	simm.s32 $0x19680;
	v7 =	vld.idx.msk [tilespmem:v8+s19+$0x0], $0xffff  }
0x3c9: {  	v9 =	vld [tilespmem:s28+$0x170]  }
0x3ca: {  	v10 =	vld [tilespmem:s28+$0xFFFFFE00]  }
0x3cb: {  	v11 =	vld [tilespmem:s28+$0xFFFFFE10]  }
0x3cc: {  	v12 =	vld [tilespmem:s28+$0xFFFFFE20]  }
0x3cd: {  	v13 =	vld [tilespmem:s28+$0xFFFFFE30]  }
0x3ce: {  	s17 =	simm.s32 $0x1;
	v14 =	vld [tilespmem:s28+$0xFFFFFE40]  }
0x3cf: {  	v8 =	vmov s17;
	v15 =	vld [tilespmem:s28+$0xFFFFFE50]  }
0x3d0: {  	v16 =	vld [tilespmem:s28+$0xFFFFFE60];
	v8 =	vand.u32 $0xFFFFFFF9, v8  }
0x3d1: {  	v17 =	vld [tilespmem:s28+$0xFFFFFE70];
	v8 =	vbroadcast v8, $0x0  }
0x3d2: {  	v18 =	vld [tilespmem:s28+$0xFFFFFE80]  }
0x3d3: {  	v19 =	vld [tilespmem:s28+$0xFFFFFE90];
	v10 =	vmul.f32 v10, v6  }
0x3d4: {  	v20 =	vld [tilespmem:s28+$0xFFFFFEA0];
	v9 =	vmul.f32 v9, v7  }
0x3d5: {  	v21 =	vld [tilespmem:s28+$0xFFFFFEB0];
	v11 =	vmul.f32 v11, v6;
	[tilespmem:s28+$0xFFFFFE00] =	vst v10  }
0x3d6: {  	s15 =	simm.s32 $0x2;
	v13 =	vmul.f32 v13, v6;
	[tilespmem:s28+$0x170] =	vst v9;
	v9 =	vmul.f32 v12, v6;
	v12 =	vld [tilespmem:s28+$0xFFFFFEC0]  }
0x3d7: {  	v14 =	vmul.f32 v14, v6;
	v10 =	vmov s15;
	[tilespmem:s28+$0xFFFFFE10] =	vst v11;
	v8 =	vld.idx.msk [tilespmem:v8+s19+$0x0], $0xffff  }
0x3d8: {  	[tilespmem:s28+$0xFFFFFE30] =	vst v13;
	v13 =	vmul.f32 v15, v6;
	v15 =	vld [tilespmem:s28+$0xFFFFFEF0];
	v10 =	vand.u32 $0xFFFFFFFA, v10  }
0x3d9: {  	[tilespmem:s28+$0xFFFFFE40] =	vst v14;
	v14 =	vmul.f32 v16, v6;
	v16 =	vld [tilespmem:s28+$0xFFFFFF00];
	v10 =	vbroadcast v10, $0x0  }
0x3da: {  	v6 =	vmul.f32 v17, v6;
	v17 =	vld [tilespmem:s28+$0xFFFFFF20];
	[tilespmem:s28+$0xFFFFFE20] =	vst v9  }
0x3db: {  	v9 =	vld [tilespmem:s28+$0xFFFFFEE0];
	[tilespmem:s28+$0xFFFFFE50] =	vst v13  }
0x3dc: {  	v13 =	vld [tilespmem:s28+$0xFFFFFF10];
	[tilespmem:s28+$0xFFFFFE60] =	vst v14;
	v11 =	vmul.f32 v18, v8  }
0x3dd: {  	[tilespmem:s28+$0xFFFFFE70] =	vst v6;
	v18 =	vld [tilespmem:s28+$0xFFFFFED0];
	v14 =	vmul.f32 v19, v8  }
0x3de: {  	s16 =	simm.s32 $0x3;
	v6 =	vmul.f32 v20, v8;
	v19 =	vld [tilespmem:s28+$0xFFFFFF30];
	[tilespmem:s28+$0xFFFFFE80] =	vst v11  }
0x3df: {  	v12 =	vmul.f32 v12, v8;
	v10 =	vld.idx.msk [tilespmem:v10+s19+$0x0], $0xffff;
	v11 =	vmov s16;
	[tilespmem:s28+$0xFFFFFE90] =	vst v14  }
0x3e0: {  	v20 =	vld [tilespmem:s28+$0xFFFFFF40];
	v14 =	vmul.f32 v21, v8;
	[tilespmem:s28+$0xFFFFFEA0] =	vst v6;
	v11 =	vand.u32 $0xFFFFFFFB, v11  }
0x3e1: {  	v9 =	vmul.f32 v9, v8;
	[tilespmem:s28+$0xFFFFFEC0] =	vst v12;
	v12 =	vld [tilespmem:s28+$0xFFFFFF70];
	v11 =	vbroadcast v11, $0x0  }
0x3e2: {  	[tilespmem:s28+$0xFFFFFEB0] =	vst v14;
	v14 =	vld [tilespmem:s28+$0xFFFFFF60];
	v18 =	vmul.f32 v18, v8  }
0x3e3: {  	[tilespmem:s28+$0xFFFFFEE0] =	vst v9;
	v8 =	vmul.f32 v15, v8;
	v15 =	vld [tilespmem:s28+$0xFFFFFF80]  }
0x3e4: {  	v6 =	vmul.f32 v16, v10;
	v16 =	vld [tilespmem:s28+$0xFFFFFF50];
	[tilespmem:s28+$0xFFFFFED0] =	vst v18  }
0x3e5: {  	v9 =	vmul.f32 v13, v10;
	v13 =	vld [tilespmem:s28+$0xFFFFFF90];
	[tilespmem:s28+$0xFFFFFEF0] =	vst v8  }
0x3e6: {  	s17 =	simm.s32 $0x4;
	v8 =	vmul.f32 v17, v10;
	v17 =	vld [tilespmem:s28+$0xFFFFFFA0];
	[tilespmem:s28+$0xFFFFFF00] =	vst v6  }
0x3e7: {  	v6 =	vmov s17;
	[tilespmem:s28+$0xFFFFFF10] =	vst v9;
	v9 =	vmul.f32 v19, v10;
	v11 =	vld.idx.msk [tilespmem:v11+s19+$0x0], $0xffff  }
0x3e8: {  	v18 =	vld [tilespmem:s28+$0xFFFFFFB0];
	[tilespmem:s28+$0xFFFFFF20] =	vst v8;
	v8 =	vmul.f32 v20, v10;
	v6 =	vand.u32 $0xFFFFFFFC, v6  }
0x3e9: {  	v19 =	vld [tilespmem:s28+$0xFFFFFFC0];
	v14 =	vmul.f32 v14, v10;
	v6 =	vbroadcast v6, $0x0;
	[tilespmem:s28+$0xFFFFFF30] =	vst v9  }
0x3ea: {  	[tilespmem:s28+$0xFFFFFF40] =	vst v8;
	v8 =	vld [tilespmem:s28+$0xFFFFFFE0];
	v16 =	vmul.f32 v16, v10  }
0x3eb: {  	[tilespmem:s28+$0xFFFFFF60] =	vst v14;
	v14 =	vld [tilespmem:s28+$0x0];
	v10 =	vmul.f32 v12, v10  }
0x3ec: {  	v12 =	vld [tilespmem:s28+$0xFFFFFFF0];
	[tilespmem:s28+$0xFFFFFF50] =	vst v16;
	v9 =	vmul.f32 v15, v11  }
0x3ed: {  	[tilespmem:s28+$0xFFFFFF70] =	vst v10;
	v15 =	vld [tilespmem:s28+$0xFFFFFFD0];
	v13 =	vmul.f32 v13, v11  }
0x3ee: {  	v16 =	vld [tilespmem:s28+$0x10];
	v10 =	vmul.f32 v17, v11;
	[tilespmem:s28+$0xFFFFFF80] =	vst v9  }
0x3ef: {  	s15 =	simm.s32 $0x5;
	v8 =	vmul.f32 v8, v11;
	v6 =	vld.idx.msk [tilespmem:v6+s19+$0x0], $0xffff;
	[tilespmem:s28+$0xFFFFFF90] =	vst v13  }
0x3f0: {  	v17 =	vld [tilespmem:s28+$0x20];
	v9 =	vmov s15;
	v13 =	vmul.f32 v18, v11;
	[tilespmem:s28+$0xFFFFFFA0] =	vst v10  }
0x3f1: {  	v10 =	vmul.f32 v19, v11;
	v18 =	vld [tilespmem:s28+$0x30];
	v9 =	vand.u32 $0xFFFFFFFD, v9;
	[tilespmem:s28+$0xFFFFFFE0] =	vst v8  }
0x3f2: {  	v9 =	vbroadcast v9, $0x0;
	[tilespmem:s28+$0xFFFFFFB0] =	vst v13;
	v13 =	vmul.f32 v15, v11;
	v15 =	vld [tilespmem:s28+$0x40]  }
0x3f3: {  	[tilespmem:s28+$0xFFFFFFC0] =	vst v10;
	v11 =	vmul.f32 v12, v11;
	v12 =	vld [tilespmem:s28+$0x80]  }
0x3f4: {  	v10 =	vmul.f32 v14, v6;
	v14 =	vld [tilespmem:s28+$0x50];
	[tilespmem:s28+$0xFFFFFFD0] =	vst v13  }
0x3f5: {  	v13 =	vld [tilespmem:s28+$0x60];
	v8 =	vmul.f32 v16, v6;
	[tilespmem:s28+$0xFFFFFFF0] =	vst v11  }
0x3f6: {  	v11 =	vmul.f32 v17, v6;
	v16 =	vld [tilespmem:s28+$0x90];
	[tilespmem:s28+$0x0] =	vst v10  }
0x3f7: {  	v10 =	vld [tilespmem:s28+$0x70];
	[tilespmem:s28+$0x10] =	vst v8;
	v8 =	vmul.f32 v18, v6  }
0x3f8: {  	[tilespmem:s28+$0x20] =	vst v11;
	v9 =	vld.idx.msk [tilespmem:v9+s19+$0x0], $0xffff;
	v11 =	vmul.f32 v15, v6  }
0x3f9: {  	v15 =	vld [tilespmem:s28+$0xA0];
	[tilespmem:s28+$0x30] =	vst v8  }
0x3fa: {  	v8 =	vmul.f32 v14, v6;
	v14 =	vld [tilespmem:s28+$0xB0];
	[tilespmem:s28+$0x40] =	vst v11;
	v11 =	vmul.f32 v13, v6  }
0x3fb: {  	v13 =	vld [tilespmem:s28+$0xC0]  }
0x3fc: {  	s16 =	simm.s32 $0x7;
	v10 =	vmul.f32 v10, v6;
	[tilespmem:s28+$0x60] =	vst v11;
	v11 =	vld [tilespmem:s28+$0xE0]  }
0x3fd: {  	v17 =	vmov s16;
	[tilespmem:s28+$0x50] =	vst v8;
	v8 =	vmul.f32 v12, v9;
	v12 =	vld [tilespmem:s28+$0xD0]  }
0x3fe: {  	v16 =	vmul.f32 v16, v9;
	[tilespmem:s28+$0x70] =	vst v10;
	v10 =	vld [tilespmem:s28+$0xF0]  }
0x3ff: {  	[tilespmem:s28+$0x80] =	vst v8;
	v8 =	vmul.f32 v15, v9;
	v15 =	vld [tilespmem:s28+$0x100]  }
0x400: {  	[tilespmem:s28+$0x90] =	vst v16;
	v14 =	vmul.f32 v14, v9;
	v16 =	vld [tilespmem:s28+$0x150]  }
0x401: {  	[tilespmem:s28+$0xA0] =	vst v8;
	v8 =	vmul.f32 v13, v9;
	v13 =	vld [tilespmem:s28+$0x110]  }
0x402: {  	v6 =	vld.idx.msk [tilespmem:v17+s19+$0x0], $0xffff;
	[tilespmem:s28+$0xB0] =	vst v14;
	v12 =	vmul.f32 v12, v9  }
0x403: {  	v14 =	vld [tilespmem:s28+$0x120];
	[tilespmem:s28+$0xC0] =	vst v8;
	v8 =	vmul.f32 v11, v9  }
0x404: {  	s16 =	simm.s32 $0x9;
	v11 =	vld [tilespmem:s28+$0x130];
	v9 =	vmul.f32 v10, v9;
	[tilespmem:s28+$0xD0] =	vst v12  }
0x405: {  	s17 =	simm.s32 $0x8;
	v17 =	vmov s16;
	v10 =	vld [tilespmem:s28+$0x140];
	v15 =	vmul.f32 v15, v7;
	[tilespmem:s28+$0xE0] =	vst v8  }
0x406: {  	s15 =	simm.s32 $0xF;
	s16 =	simm.s32 $0xC;
	v12 =	vmov s17;
	v16 =	vmul.f32 v16, v7;
	[tilespmem:s28+$0xF0] =	vst v9;
	v9 =	vmul.f32 v13, v7;
	v13 =	vld [tilespmem:s28+$0x160]  }
0x407: {  	v19 =	vld [tilespmem:s28+$0x180];
	v20 =	vmov s16;
	s17 =	simm.s32 $0xA;
	v12 =	vand.u32 $0xFFFFFFF8, v12;
	v8 =	vmov s15;
	s15 =	simm.s32 $0xB;
	[tilespmem:s28+$0x100] =	vst v15  }
0x408: {  	v22 =	vld [tilespmem:s28+$0x190];
	v18 =	vmov s17;
	s17 =	simm.s32 $0xD;
	v14 =	vmul.f32 v14, v7;
	v15 =	vmov s15;
	[tilespmem:s28+$0x150] =	vst v16  }
0x409: {  	v23 =	vmov s17;
	[tilespmem:s28+$0x110] =	vst v9;
	v21 =	vmul.f32 v11, v7;
	v9 =	vbroadcast v12, $0x0;
	v11 =	vld [tilespmem:s28+$0x1A0]  }
0x40a: {  	[tilespmem:s28+$0x120] =	vst v14;
	v14 =	vmul.f32 v10, v7;
	v10 =	vand.u32 $0xFFFFFFF9, v17;
	v17 =	vand.u32 $0xFFFFFFFA, v18;
	v12 =	vld [tilespmem:s28+$0x1B0]  }
0x40b: {  	v18 =	vand.u32 $0xFFFFFFFB, v15;
	v10 =	vbroadcast v10, $0x0;
	[tilespmem:s28+$0x130] =	vst v21;
	v21 =	vmul.f32 v13, v7;
	v13 =	vld [tilespmem:s28+$0x1C0]  }
0x40c: {  	v15 =	vbroadcast v17, $0x0;
	[tilespmem:s28+$0x140] =	vst v14;
	v14 =	vld [tilespmem:s28+$0x1D0];
	v7 =	vand.u32 $0xFFFFFFFC, v20;
	v20 =	vmul.f32 v19, v6  }
0x40d: {  	s15 =	simm.s32 $0xE;
	s17 =	simm.s32 $0x10;
	v16 =	vld [tilespmem:s28+$0x1E0];
	v17 =	vbroadcast v18, $0x0;
	v18 =	vmul.f32 v22, v6;
	v19 =	vand.u32 $0xFFFFFFFD, v23;
	[tilespmem:s28+$0x160] =	vst v21  }
.LBB2_10:
0x40e: {  	p1 =	slt.u32 s17, $0x48;
	v7 =	vbroadcast v7, $0x0;
	v21 =	vmov s15;
	[tilespmem:s28+$0x180] =	vst v20;
	v11 =	vmul.f32 v11, v6;
	v20 =	vld [tilespmem:s28+$0x1F0]  }
0x40f: {  	v19 =	vbroadcast v19, $0x0;
	v21 =	vand.u32 $0xFFFFFFFE, v21;
	v22 =	vld.idx.msk [tilespmem:v8+s19+$0x0], $0xffff;
	[tilespmem:s28+$0x190] =	vst v18;
	v8 =	vmul.f32 v12, v6  }
0x410: {  	v12 =	vld.idx.msk [tilespmem:v9+s19+$0x0], $0xffff;
	v18 =	vbroadcast v21, $0x0;
	[tilespmem:s28+$0x1A0] =	vst v11;
	v9 =	vmul.f32 v13, v6  }
0x411: {  	v11 =	vld.idx.msk [tilespmem:v10+s19+$0x0], $0xffff;
	[tilespmem:s28+$0x1B0] =	vst v8;
	v8 =	vmul.f32 v14, v6  }
0x412: {  	v13 =	vld.idx.msk [tilespmem:v15+s19+$0x0], $0xffff;
	[tilespmem:s28+$0x1C0] =	vst v9;
	v14 =	vmul.f32 v16, v6  }
0x413: {  	v10 =	vld.idx.msk [tilespmem:v17+s19+$0x0], $0xffff;
	[tilespmem:s28+$0x1D0] =	vst v8;
	v15 =	vmul.f32 v20, v6  }
0x414: {  	v9 =	vld.idx.msk [tilespmem:v7+s19+$0x0], $0xffff;
	[tilespmem:s28+$0x1E0] =	vst v14  }
0x415: {  	v6 =	vmov v22;
	v8 =	vld.idx.msk [tilespmem:v19+s19+$0x0], $0xffff;
	[tilespmem:s28+$0x1F0] =	vst v15  }
0x416: {  	s28 =	sadd.s32 $0x400, s28;
	v7 =	vld.idx.msk [tilespmem:v18+s19+$0x0], $0xffff  }
0x417: {  	v14 =	vld [tilespmem:s28+$0x170]  }
0x418: {  	v15 =	vld [tilespmem:s28+$0xFFFFFE00]  }
0x419: {  	v16 =	vld [tilespmem:s28+$0xFFFFFE10]  }
0x41a: {  	v17 =	vld [tilespmem:s28+$0xFFFFFE20]  }
0x41b: {  	v18 =	vld [tilespmem:s28+$0xFFFFFE30]  }
0x41c: {  	v19 =	vld [tilespmem:s28+$0xFFFFFE40];
	v14 =	vmul.f32 v14, v7  }
0x41d: {  	v15 =	vmul.f32 v15, v12;
	v20 =	vld [tilespmem:s28+$0xFFFFFE50]  }
0x41e: {  	v16 =	vmul.f32 v16, v12;
	v21 =	vld [tilespmem:s28+$0xFFFFFE60];
	[tilespmem:s28+$0x170] =	vst v14  }
0x41f: {  	[tilespmem:s28+$0xFFFFFE00] =	vst v15;
	v14 =	vmul.f32 v17, v12;
	v15 =	vld [tilespmem:s28+$0xFFFFFE70]  }
0x420: {  	[tilespmem:s28+$0xFFFFFE10] =	vst v16;
	v16 =	vmul.f32 v18, v12;
	v17 =	vld [tilespmem:s28+$0xFFFFFE80]  }
0x421: {  	[tilespmem:s28+$0xFFFFFE20] =	vst v14;
	v14 =	vmul.f32 v19, v12;
	v18 =	vld [tilespmem:s28+$0xFFFFFE90]  }
0x422: {  	[tilespmem:s28+$0xFFFFFE30] =	vst v16;
	v16 =	vmul.f32 v20, v12;
	v19 =	vld [tilespmem:s28+$0xFFFFFEA0]  }
0x423: {  	[tilespmem:s28+$0xFFFFFE40] =	vst v14;
	v14 =	vmul.f32 v21, v12;
	v20 =	vld [tilespmem:s28+$0xFFFFFEB0]  }
0x424: {  	[tilespmem:s28+$0xFFFFFE50] =	vst v16;
	v12 =	vmul.f32 v15, v12;
	v15 =	vld [tilespmem:s28+$0xFFFFFEC0]  }
0x425: {  	[tilespmem:s28+$0xFFFFFE60] =	vst v14;
	v14 =	vmul.f32 v17, v11;
	v16 =	vld [tilespmem:s28+$0xFFFFFED0]  }
0x426: {  	[tilespmem:s28+$0xFFFFFE70] =	vst v12;
	v12 =	vmul.f32 v18, v11;
	v17 =	vld [tilespmem:s28+$0xFFFFFEE0]  }
0x427: {  	[tilespmem:s28+$0xFFFFFE80] =	vst v14;
	v14 =	vmul.f32 v19, v11;
	v18 =	vld [tilespmem:s28+$0xFFFFFEF0]  }
0x428: {  	[tilespmem:s28+$0xFFFFFE90] =	vst v12;
	v12 =	vmul.f32 v20, v11;
	v19 =	vld [tilespmem:s28+$0xFFFFFF00]  }
0x429: {  	[tilespmem:s28+$0xFFFFFEA0] =	vst v14;
	v14 =	vmul.f32 v15, v11;
	v15 =	vld [tilespmem:s28+$0xFFFFFF10]  }
0x42a: {  	[tilespmem:s28+$0xFFFFFEB0] =	vst v12;
	v12 =	vmul.f32 v16, v11;
	v16 =	vld [tilespmem:s28+$0xFFFFFF20]  }
0x42b: {  	[tilespmem:s28+$0xFFFFFEC0] =	vst v14;
	v14 =	vmul.f32 v17, v11;
	v17 =	vld [tilespmem:s28+$0xFFFFFF30]  }
0x42c: {  	[tilespmem:s28+$0xFFFFFED0] =	vst v12;
	v11 =	vmul.f32 v18, v11;
	v12 =	vld [tilespmem:s28+$0xFFFFFF40]  }
0x42d: {  	[tilespmem:s28+$0xFFFFFEE0] =	vst v14;
	v14 =	vmul.f32 v19, v13;
	v18 =	vld [tilespmem:s28+$0xFFFFFF50]  }
0x42e: {  	[tilespmem:s28+$0xFFFFFEF0] =	vst v11;
	v11 =	vmul.f32 v15, v13;
	v15 =	vld [tilespmem:s28+$0xFFFFFF60]  }
0x42f: {  	[tilespmem:s28+$0xFFFFFF00] =	vst v14;
	v14 =	vmul.f32 v16, v13;
	v16 =	vld [tilespmem:s28+$0xFFFFFF70]  }
0x430: {  	[tilespmem:s28+$0xFFFFFF10] =	vst v11;
	v11 =	vmul.f32 v17, v13;
	v17 =	vld [tilespmem:s28+$0xFFFFFF80]  }
0x431: {  	[tilespmem:s28+$0xFFFFFF20] =	vst v14;
	v12 =	vmul.f32 v12, v13;
	v14 =	vld [tilespmem:s28+$0xFFFFFF90]  }
0x432: {  	[tilespmem:s28+$0xFFFFFF30] =	vst v11;
	v11 =	vmul.f32 v18, v13;
	v18 =	vld [tilespmem:s28+$0xFFFFFFA0]  }
0x433: {  	[tilespmem:s28+$0xFFFFFF40] =	vst v12;
	v12 =	vmul.f32 v15, v13;
	v15 =	vld [tilespmem:s28+$0xFFFFFFB0]  }
0x434: {  	[tilespmem:s28+$0xFFFFFF50] =	vst v11;
	v11 =	vmul.f32 v16, v13;
	v13 =	vld [tilespmem:s28+$0xFFFFFFC0]  }
0x435: {  	[tilespmem:s28+$0xFFFFFF60] =	vst v12;
	v12 =	vmul.f32 v17, v10;
	v16 =	vld [tilespmem:s28+$0xFFFFFFD0]  }
0x436: {  	[tilespmem:s28+$0xFFFFFF70] =	vst v11;
	v11 =	vmul.f32 v14, v10;
	v14 =	vld [tilespmem:s28+$0xFFFFFFE0]  }
0x437: {  	[tilespmem:s28+$0xFFFFFF80] =	vst v12;
	v12 =	vmul.f32 v18, v10;
	v17 =	vld [tilespmem:s28+$0xFFFFFFF0]  }
0x438: {  	[tilespmem:s28+$0xFFFFFF90] =	vst v11;
	v11 =	vmul.f32 v15, v10;
	v15 =	vld [tilespmem:s28+$0x0]  }
0x439: {  	[tilespmem:s28+$0xFFFFFFA0] =	vst v12;
	v12 =	vmul.f32 v13, v10;
	v13 =	vld [tilespmem:s28+$0x10]  }
0x43a: {  	[tilespmem:s28+$0xFFFFFFB0] =	vst v11;
	v11 =	vmul.f32 v16, v10;
	v16 =	vld [tilespmem:s28+$0x20]  }
0x43b: {  	[tilespmem:s28+$0xFFFFFFC0] =	vst v12;
	v12 =	vmul.f32 v14, v10;
	v14 =	vld [tilespmem:s28+$0x30]  }
0x43c: {  	[tilespmem:s28+$0xFFFFFFD0] =	vst v11;
	v10 =	vmul.f32 v17, v10;
	v11 =	vld [tilespmem:s28+$0x40]  }
0x43d: {  	[tilespmem:s28+$0xFFFFFFE0] =	vst v12;
	v12 =	vmul.f32 v15, v9;
	v15 =	vld [tilespmem:s28+$0x50]  }
0x43e: {  	[tilespmem:s28+$0xFFFFFFF0] =	vst v10;
	v10 =	vmul.f32 v13, v9;
	v13 =	vld [tilespmem:s28+$0x60]  }
0x43f: {  	[tilespmem:s28+$0x0] =	vst v12;
	v12 =	vmul.f32 v16, v9;
	v16 =	vld [tilespmem:s28+$0x70]  }
0x440: {  	[tilespmem:s28+$0x10] =	vst v10;
	v10 =	vmul.f32 v14, v9;
	v14 =	vld [tilespmem:s28+$0x80]  }
0x441: {  	[tilespmem:s28+$0x20] =	vst v12;
	v11 =	vmul.f32 v11, v9;
	v12 =	vld [tilespmem:s28+$0x90]  }
0x442: {  	[tilespmem:s28+$0x30] =	vst v10;
	v10 =	vmul.f32 v15, v9;
	v15 =	vld [tilespmem:s28+$0xA0]  }
0x443: {  	[tilespmem:s28+$0x40] =	vst v11;
	v11 =	vmul.f32 v13, v9;
	v13 =	vld [tilespmem:s28+$0xB0]  }
0x444: {  	[tilespmem:s28+$0x50] =	vst v10;
	v9 =	vmul.f32 v16, v9;
	v10 =	vld [tilespmem:s28+$0xC0]  }
0x445: {  	[tilespmem:s28+$0x60] =	vst v11;
	v11 =	vmul.f32 v14, v8;
	v14 =	vld [tilespmem:s28+$0xD0]  }
0x446: {  	[tilespmem:s28+$0x70] =	vst v9;
	v9 =	vmul.f32 v12, v8;
	v12 =	vld [tilespmem:s28+$0xE0]  }
0x447: {  	[tilespmem:s28+$0x80] =	vst v11;
	v11 =	vmul.f32 v15, v8;
	v15 =	vld [tilespmem:s28+$0xF0]  }
0x448: {  	[tilespmem:s28+$0x90] =	vst v9;
	v9 =	vmul.f32 v13, v8;
	v13 =	vld [tilespmem:s28+$0x100]  }
0x449: {  	[tilespmem:s28+$0xA0] =	vst v11;
	v10 =	vmul.f32 v10, v8;
	v11 =	vld [tilespmem:s28+$0x110]  }
0x44a: {  	[tilespmem:s28+$0xB0] =	vst v9;
	v9 =	vmul.f32 v14, v8;
	v14 =	vld [tilespmem:s28+$0x120]  }
0x44b: {  	[tilespmem:s28+$0xC0] =	vst v10;
	v10 =	vmul.f32 v12, v8;
	v12 =	vld [tilespmem:s28+$0x130]  }
0x44c: {  	[tilespmem:s28+$0xD0] =	vst v9;
	v9 =	vmul.f32 v15, v8;
	v15 =	vld [tilespmem:s28+$0x140]  }
0x44d: {  	s0 =	sadd.s32 $0x7, s17;
	v8 =	vmov s17;
	[tilespmem:s28+$0xE0] =	vst v10;
	v10 =	vmul.f32 v13, v7;
	v13 =	vld [tilespmem:s28+$0x150]  }
0x44e: {  	s15 =	sadd.s32 $0x1, s17;
	s16 =	sadd.s32 $0x2, s17;
	v16 =	vand.u32 $0xFFFFFFF8, v8;
	v8 =	vmov s0;
	[tilespmem:s28+$0xF0] =	vst v9;
	v9 =	vmul.f32 v11, v7;
	v17 =	vld [tilespmem:s28+$0x160]  }
0x44f: {  	v19 =	vmov s16;
	v18 =	vmov s15;
	s15 =	sadd.s32 $0x4, s17;
	s0 =	sadd.s32 $0x3, s17;
	[tilespmem:s28+$0x100] =	vst v10;
	v10 =	vmul.f32 v14, v7;
	v14 =	vld [tilespmem:s28+$0x180]  }
0x450: {  	v21 =	vmov s15;
	v20 =	vmov s0;
	s0 =	sadd.s32 $0x5, s17;
	[tilespmem:s28+$0x110] =	vst v9;
	v12 =	vmul.f32 v12, v7;
	v22 =	vld [tilespmem:s28+$0x190]  }
.Ltmp8:
0x451: {  	v9 =	vbroadcast v16, $0x0;
	v16 =	vmov s0;
	[tilespmem:s28+$0x120] =	vst v10;
	v15 =	vmul.f32 v15, v7;
	v11 =	vld [tilespmem:s28+$0x1A0];
	(pc) =	sbr.rel @p1 .LBB2_10-.Ltmp8, $4  }
0x452: {  	v10 =	vand.u32 $0xFFFFFFF9, v18;
	v18 =	vand.u32 $0xFFFFFFFA, v19;
	[tilespmem:s28+$0x130] =	vst v12;
	v19 =	vmul.f32 v13, v7;
	v12 =	vld [tilespmem:s28+$0x1B0]  }
0x453: {  	v23 =	vand.u32 $0xFFFFFFFB, v20;
	v10 =	vbroadcast v10, $0x0;
	[tilespmem:s28+$0x140] =	vst v15;
	v24 =	vmul.f32 v17, v7;
	v13 =	vld [tilespmem:s28+$0x1C0]  }
0x454: {  	v15 =	vbroadcast v18, $0x0;
	v7 =	vand.u32 $0xFFFFFFFC, v21;
	[tilespmem:s28+$0x150] =	vst v19;
	v20 =	vmul.f32 v14, v6;
	v14 =	vld [tilespmem:s28+$0x1D0]  }
0x455: {  	s15 =	sadd.s32 $0x6, s17;
	s17 =	sadd.s32 $0x8, s17;
	v17 =	vbroadcast v23, $0x0;
	v19 =	vand.u32 $0xFFFFFFFD, v16;
	[tilespmem:s28+$0x160] =	vst v24;
	v18 =	vmul.f32 v22, v6;
	v16 =	vld [tilespmem:s28+$0x1E0]  }
0x456: {  	_ =	sdelay $0x2  }
0x457: {  	v21 =	vld [tilespmem:s28+$0x1F0]  }
0x458: {  	v23 =	vld.idx.msk [tilespmem:v9+s19+$0x0], $0xffff  }
0x459: {  	v56 =	vld.idx.msk [tilespmem:v10+s19+$0x0], $0xffff  }
0x45a: {  	v54 =	vbroadcast v7, $0x0;
	v7 =	vmov s15;
	v15 =	vld.idx.msk [tilespmem:v15+s19+$0x0], $0xffff  }
0x45b: {  	v22 =	vand.u32 $0xFFFFFFFE, v7;
	v7 =	vld.idx.msk [tilespmem:v8+s19+$0x0], $0xffff  }
0x45c: {  	s17 =	sadd.s32 $0x400, s28;
	v17 =	vld.idx.msk [tilespmem:v17+s19+$0x0], $0xffff  }
0x45d: {  	v57 =	vld [tilespmem:s17+$0x170]  }
0x45e: {  	v59 =	vld [tilespmem:s17+$0xFFFFFE00]  }
0x45f: {  	v61 =	vld [tilespmem:s17+$0xFFFFFE10]  }
0x460: {  	[tilespmem:s28+$0x180] =	vst v20;
	v11 =	vmul.f32 v11, v6;
	v63 =	vld [tilespmem:s17+$0xFFFFFE20]  }
0x461: {  	[tilespmem:s28+$0x190] =	vst v18;
	v12 =	vmul.f32 v12, v6;
	v24 =	vld [tilespmem:s17+$0xFFFFFE40]  }
0x462: {  	v25 =	vld [tilespmem:s17+$0xFFFFFE50];
	[tilespmem:s28+$0x1A0] =	vst v11;
	v58 =	vmul.f32 v13, v6  }
0x463: {  	v26 =	vld [tilespmem:s17+$0xFFFFFE60];
	[tilespmem:s28+$0x1B0] =	vst v12;
	v60 =	vmul.f32 v14, v6  }
0x464: {  	v27 =	vld [tilespmem:s17+$0xFFFFFE70];
	[tilespmem:s28+$0x1C0] =	vst v58;
	v62 =	vmul.f32 v16, v6  }
0x465: {  	v28 =	vld [tilespmem:s17+$0xFFFFFE80];
	[tilespmem:s28+$0x1D0] =	vst v60;
	v6 =	vmul.f32 v21, v6  }
0x466: {  	v29 =	vld [tilespmem:s17+$0xFFFFFE90];
	[tilespmem:s28+$0x1E0] =	vst v62;
	v14 =	vmul.f32 v61, v23  }
0x467: {  	v31 =	vld [tilespmem:s17+$0xFFFFFEA0];
	[tilespmem:s28+$0x1F0] =	vst v6;
	v6 =	vmul.f32 v59, v23  }
0x468: {  	v32 =	vld [tilespmem:s17+$0xFFFFFEB0];
	v30 =	vmul.f32 v25, v23;
	[tilespmem:s17+$0xFFFFFE10] =	vst v14  }
0x469: {  	v34 =	vld [tilespmem:s17+$0xFFFFFEC0];
	[tilespmem:s17+$0xFFFFFE00] =	vst v6;
	v6 =	vmul.f32 v63, v23  }
0x46a: {  	v35 =	vld [tilespmem:s17+$0xFFFFFED0];
	v33 =	vmul.f32 v27, v23;
	[tilespmem:s17+$0xFFFFFE50] =	vst v30  }
0x46b: {  	v36 =	vld [tilespmem:s17+$0xFFFFFEE0];
	[tilespmem:s17+$0xFFFFFE20] =	vst v6;
	v6 =	vmul.f32 v24, v23  }
0x46c: {  	v37 =	vld [tilespmem:s17+$0xFFFFFEF0];
	v11 =	vmul.f32 v29, v56;
	[tilespmem:s17+$0xFFFFFE70] =	vst v33  }
0x46d: {  	v39 =	vld [tilespmem:s17+$0xFFFFFF00];
	[tilespmem:s17+$0xFFFFFE40] =	vst v6;
	v6 =	vmul.f32 v26, v23  }
0x46e: {  	v40 =	vld [tilespmem:s17+$0xFFFFFF10];
	v38 =	vmul.f32 v32, v56;
	[tilespmem:s17+$0xFFFFFE90] =	vst v11  }
0x46f: {  	v42 =	vld [tilespmem:s17+$0xFFFFFF20];
	[tilespmem:s17+$0xFFFFFE60] =	vst v6;
	v6 =	vmul.f32 v28, v56  }
0x470: {  	v43 =	vld [tilespmem:s17+$0xFFFFFF30];
	v41 =	vmul.f32 v35, v56;
	[tilespmem:s17+$0xFFFFFEB0] =	vst v38  }
0x471: {  	v45 =	vld [tilespmem:s17+$0xFFFFFF40];
	[tilespmem:s17+$0xFFFFFE80] =	vst v6;
	v6 =	vmul.f32 v31, v56  }
0x472: {  	v46 =	vld [tilespmem:s17+$0xFFFFFF50];
	v44 =	vmul.f32 v37, v56;
	[tilespmem:s17+$0xFFFFFED0] =	vst v41  }
0x473: {  	v48 =	vld [tilespmem:s17+$0xFFFFFF60];
	v55 =	vbroadcast v22, $0x0;
	[tilespmem:s17+$0xFFFFFEA0] =	vst v6;
	v6 =	vmul.f32 v34, v56  }
0x474: {  	v51 =	vld [tilespmem:s17+$0xFFFFFF80];
	v47 =	vmul.f32 v40, v15;
	[tilespmem:s17+$0xFFFFFEF0] =	vst v44  }
0x475: {  	v52 =	vld [tilespmem:s17+$0xFFFFFF90];
	[tilespmem:s17+$0xFFFFFEC0] =	vst v6;
	v6 =	vmul.f32 v36, v56  }
0x476: {  	v20 =	vld [tilespmem:s17+$0x10];
	v50 =	vmul.f32 v43, v15;
	[tilespmem:s17+$0xFFFFFF10] =	vst v47  }
0x477: {  	v19 =	vbroadcast v19, $0x0;
	v21 =	vld [tilespmem:s17+$0xFFFFFE30];
	[tilespmem:s17+$0xFFFFFEE0] =	vst v6;
	v6 =	vmul.f32 v39, v15  }
0x478: {  	v58 =	vld [tilespmem:s17+$0xFFFFFFD0];
	v53 =	vmul.f32 v46, v15;
	[tilespmem:s17+$0xFFFFFF30] =	vst v50  }
0x479: {  	v8 =	vld.idx.msk [tilespmem:v55+s19+$0x0], $0xffff;
	[tilespmem:s17+$0xFFFFFF00] =	vst v6;
	v6 =	vmul.f32 v42, v15  }
0x47a: {  	v10 =	vld.idx.msk [tilespmem:v54+s19+$0x0], $0xffff;
	v59 =	vmul.f32 v52, v17;
	[tilespmem:s17+$0xFFFFFF50] =	vst v53  }
0x47b: {  	v61 =	vld [tilespmem:s17+$0xFFFFFFF0];
	[tilespmem:s17+$0xFFFFFF20] =	vst v6;
	v6 =	vmul.f32 v45, v15  }
0x47c: {  	v54 =	vld [tilespmem:s17+$0xFFFFFFA0];
	[tilespmem:s17+$0xFFFFFF90] =	vst v59;
	v12 =	vmul.f32 v21, v23  }
0x47d: {  	v9 =	vld.idx.msk [tilespmem:v19+s19+$0x0], $0xffff;
	[tilespmem:s17+$0xFFFFFF40] =	vst v6;
	v6 =	vmul.f32 v48, v15  }
0x47e: {  	v21 =	vmul.f32 v58, v17;
	[tilespmem:s17+$0xFFFFFE30] =	vst v12;
	v18 =	vmul.f32 v57, v8;
	v57 =	vld [tilespmem:s17+$0xFFFFFFC0]  }
0x47f: {  	v32 =	vld [tilespmem:s17+$0x90];
	[tilespmem:s17+$0xFFFFFF60] =	vst v6;
	v6 =	vmul.f32 v51, v17  }
0x480: {  	v60 =	vld [tilespmem:s17+$0xFFFFFFE0];
	v24 =	vmul.f32 v61, v17;
	[tilespmem:s17+$0xFFFFFFD0] =	vst v21  }
0x481: {  	v35 =	vld [tilespmem:s17+$0xB0];
	[tilespmem:s17+$0xFFFFFF80] =	vst v6;
	v6 =	vmul.f32 v54, v17  }
0x482: {  	v63 =	vld [tilespmem:s17+$0x0];
	v27 =	vmul.f32 v20, v10;
	[tilespmem:s17+$0xFFFFFFF0] =	vst v24  }
0x483: {  	v37 =	vld [tilespmem:s17+$0xD0];
	[tilespmem:s17+$0xFFFFFFA0] =	vst v6;
	v6 =	vmul.f32 v57, v17  }
0x484: {  	v22 =	vld [tilespmem:s17+$0x20];
	v38 =	vmul.f32 v32, v9;
	[tilespmem:s17+$0x10] =	vst v27  }
0x485: {  	[tilespmem:s17+$0xFFFFFFC0] =	vst v6;
	v6 =	vmul.f32 v60, v17  }
0x486: {  	v25 =	vld [tilespmem:s17+$0x40];
	v41 =	vmul.f32 v35, v9;
	[tilespmem:s17+$0x90] =	vst v38  }
0x487: {  	v55 =	vld [tilespmem:s17+$0xFFFFFFB0];
	[tilespmem:s17+$0xFFFFFFE0] =	vst v6;
	v6 =	vmul.f32 v63, v10  }
0x488: {  	v44 =	vmul.f32 v37, v9;
	[tilespmem:s17+$0xB0] =	vst v41;
	v28 =	vld [tilespmem:s17+$0x60]  }
0x489: {  	v46 =	vld [tilespmem:s17+$0x130];
	[tilespmem:s17+$0x0] =	vst v6;
	v6 =	vmul.f32 v22, v10  }
0x48a: {  	[tilespmem:s17+$0xD0] =	vst v44;
	v31 =	vld [tilespmem:s17+$0x80]  }
0x48b: {  	v23 =	vld [tilespmem:s17+$0x30];
	[tilespmem:s17+$0x20] =	vst v6;
	v6 =	vmul.f32 v25, v10  }
0x48c: {  	v62 =	vmul.f32 v55, v17;
	[tilespmem:s17+$0x170] =	vst v18;
	v34 =	vld [tilespmem:s17+$0xA0]  }
0x48d: {  	v26 =	vld [tilespmem:s17+$0x50];
	[tilespmem:s17+$0x40] =	vst v6;
	v6 =	vmul.f32 v28, v10  }
0x48e: {  	v52 =	vmul.f32 v46, v8;
	[tilespmem:s17+$0xFFFFFFB0] =	vst v62;
	v36 =	vld [tilespmem:s17+$0xC0]  }
0x48f: {  	v49 =	vld [tilespmem:s17+$0xFFFFFF70];
	[tilespmem:s17+$0x60] =	vst v6;
	v6 =	vmul.f32 v31, v9  }
0x490: {  	[tilespmem:s17+$0x130] =	vst v52;
	v30 =	vmul.f32 v23, v10;
	v39 =	vld [tilespmem:s17+$0xE0]  }
0x491: {  	v43 =	vld [tilespmem:s17+$0x110];
	[tilespmem:s17+$0x80] =	vst v6;
	v6 =	vmul.f32 v34, v9  }
0x492: {  	v33 =	vmul.f32 v26, v10;
	[tilespmem:s17+$0x30] =	vst v30;
	v42 =	vld [tilespmem:s17+$0x100]  }
0x493: {  	v48 =	vld [tilespmem:s17+$0x150];
	[tilespmem:s17+$0xA0] =	vst v6;
	v6 =	vmul.f32 v36, v9  }
0x494: {  	[tilespmem:s17+$0x50] =	vst v33;
	v56 =	vmul.f32 v49, v15;
	v45 =	vld [tilespmem:s17+$0x120]  }
0x495: {  	v51 =	vld [tilespmem:s17+$0x180];
	[tilespmem:s17+$0xC0] =	vst v6;
	v6 =	vmul.f32 v39, v9  }
0x496: {  	v47 =	vld [tilespmem:s17+$0x140];
	v49 =	vmul.f32 v43, v8;
	[tilespmem:s17+$0xFFFFFF70] =	vst v56  }
0x497: {  	v54 =	vld [tilespmem:s17+$0x1A0];
	[tilespmem:s17+$0xE0] =	vst v6;
	v6 =	vmul.f32 v42, v8  }
0x498: {  	v50 =	vld [tilespmem:s17+$0x160];
	[tilespmem:s17+$0x110] =	vst v49;
	v55 =	vmul.f32 v48, v8  }
0x499: {  	v60 =	vld [tilespmem:s17+$0x1E0];
	[tilespmem:s17+$0x100] =	vst v6;
	v6 =	vmul.f32 v45, v8  }
0x49a: {  	v53 =	vld [tilespmem:s17+$0x190];
	[tilespmem:s17+$0x150] =	vst v55;
	v58 =	vmul.f32 v51, v7  }
0x49b: {  	v29 =	vld [tilespmem:s17+$0x70];
	[tilespmem:s17+$0x120] =	vst v6;
	v6 =	vmul.f32 v47, v8  }
0x49c: {  	v56 =	vld [tilespmem:s17+$0x1B0];
	[tilespmem:s17+$0x180] =	vst v58;
	v61 =	vmul.f32 v54, v7  }
0x49d: {  	v40 =	vld [tilespmem:s17+$0xF0];
	[tilespmem:s17+$0x140] =	vst v6;
	v6 =	vmul.f32 v50, v8  }
0x49e: {  	v59 =	vld [tilespmem:s17+$0x1D0];
	[tilespmem:s17+$0x1A0] =	vst v61;
	v63 =	vmul.f32 v60, v7  }
0x49f: {  	v57 =	vld [tilespmem:s17+$0x1C0];
	[tilespmem:s17+$0x160] =	vst v6;
	v6 =	vmul.f32 v53, v7  }
0x4a0: {  	v62 =	vld [tilespmem:s17+$0x1F0];
	[tilespmem:s17+$0x1E0] =	vst v63;
	v10 =	vmul.f32 v29, v10  }
0x4a1: {  	[tilespmem:s17+$0x190] =	vst v6;
	v6 =	vmul.f32 v56, v7  }
0x4a2: {  	[tilespmem:s17+$0x70] =	vst v10;
	v9 =	vmul.f32 v40, v9  }
0x4a3: {  	[tilespmem:s17+$0x1B0] =	vst v6;
	v6 =	vmul.f32 v59, v7  }
.Ltmp9:
0x4a4: {  	[tilespmem:s17+$0xF0] =	vst v9;
	v8 =	vmul.f32 v57, v7;
	(pc) =	sbr.rel .LBB2_13-.Ltmp9, $4  }
0x4a5: {  	[tilespmem:s17+$0x1D0] =	vst v6;
	v6 =	vmul.f32 v62, v7  }
0x4a6: {  	[tilespmem:s17+$0x1C0] =	vst v8  }
0x4a7: {  	s0 =	simm.s32 $0x19080;
	[tilespmem:s17+$0x1F0] =	vst v6  }
0x4a8: {  	[spmem:s4] =	stream.indirect.scatter.add.f32 [tilespmem:s12], [sflag:$0x7], $0x80, s0, s11, $0xb8;
	[tilespmem:$0x1E480] =	vst v63  }
.LBB2_12:
0x4a9: {  	p1 =	seq.s32 s31, $0x1F  }
.Ltmp10:
0x4aa: {  	_ = 	snop;
	(pc) =	sbr.rel @p1 .LBB2_20-.Ltmp10, $1  }
0x4ab: {  	_ =	sdelay $0x3  }
.LBB2_13:
0x4ac: {  	_ =	swait.ge [sflag:s20], $0x2800  }
0x4ad: {  	[sflag:s20] =	ssyncset.done $0x0  }
0x4ae: {  	[sflag:s20] =	ssyncadd.s32 $0xFFFFD800  }
0x4af: {  	_ =	swait.ge [sflag:s10], $0x50  }
0x4b0: {  	p1 =	sgt.u32 s31, $0x1D;
	[sflag:s10] =	ssyncset.done $0x0  }
.Ltmp11:
0x4b1: {  	[sflag:s10] =	ssyncadd.s32 $0xFFFFFFB0;
	(pc) =	sbr.rel @p1 .LBB2_15-.Ltmp11, $4  }
0x4b2: {  	_ =	swait.ge [sflag:s10], $0x50  }
0x4b3: {  	[sflag:s10] =	ssyncset.done $0x0  }
0x4b4: {  	[sflag:s10] =	ssyncadd.s32 $0xFFFFFFB0  }
0x4b5: {  	[tilespmem:s12], [sflag:$0x5] =	stream.indirect.gather [hbm4b:s1+s11], $0x80, s30, s11, $0xb8;
	[tilespmem:$0x1E480] =	vst v63  }
0x4b6: {  	s0 =	rddreg [dreg:$0xd]  }
0x4b7: {  	s0 =	sadd.s32 s18, s0  }
0x4b8: {  	s0 =	smul.u32 $0xA, s0  }
.Ltmp12:
0x4b9: {  	_ = 	snop;
	(pc) =	sbr.rel .LBB2_16-.Ltmp12, $4  }
0x4ba: {  	s16 =	simm.s32 $0x19080;
	s15 =	sadd.s32 s7, s0  }
0x4bb: {  	[tilespmem:s16], [sflag:$0x3] =	stream.linear.gather [hbm4b:s15+s5], $0x50, $0x38;
	[tilespmem:$0x1E480] =	vst v63  }
0x4bc: {  	s0 =	sadd.s32 s3, s0  }
0x4bd: {  	[tilespmem:s2], [sflag:$0x3] =	stream.linear.gather [hbm4b:s0+s5], $0x50, $0x38;
	[tilespmem:$0x1E480] =	vst v63  }
.LBB2_15:
.Ltmp13:
0x4be: {  	(pc) =	sbr.rel @p0 .LBB2_19-.Ltmp13, $1  }
0x4bf: {  	_ =	sdelay $0x3  }
.LBB2_16:
0x4c0: {  	_ =	swait.ge [sflag:s22], $0x2800  }
0x4c1: {  	[sflag:s22] =	ssyncset.done $0x0  }
0x4c2: {  	[sflag:s22] =	ssyncadd.s32 $0xFFFFD800  }
0x4c3: {  	v6 =	vld [tilespmem:$0x19100]  }
0x4c4: {  	v7 =	vld [tilespmem:$0x19300];
	_ =	sdelay $0x6  }
0x4c5: {  	v8 =	vld.idx.msk [tilespmem:v6+s9+$0x0], $0xffff  }
0x4c6: {  	v7 =	vld.idx.msk [tilespmem:v7+s9+$0x0], $0xffff;
	_ =	sdelay $0x4  }
0x4c7: {  	v8 =	vand.u32 $0xFFFF0000, v8;
	v7 =	vshll.u32 v7, $0x10  }
0x4c8: {  	v7 =	vadd.f32 v7, v8;
	_ =	sdelay $0x1  }
0x4c9: {  	v8 =	vmul.f32 $2.000000030e-01, v7;
	_ =	sdelay $0x1  }
0x4ca: {  	v9 =	vld [tilespmem:$0x19310];
	v7 =	vmax.f32 v7, v8  }
0x4cb: {  	v8 =	vld [tilespmem:$0x19110];
	v7 =	vsub.f32 $0.0e+00, v7;
	_ =	sdelay $0x1  }
0x4cc: {  	v7 =	vmul.f32 $1.442695020e+00, v7;
	_ =	sdelay $0x1  }
0x4cd: {  	(erf) = vpow2.f32 v7;
	_ =	sdelay $0x1  }
0x4ce: {  	v11 =	vld [tilespmem:$0x19320]  }
0x4cf: {  	v9 =	vld.idx.msk [tilespmem:v9+s9+$0x0], $0xffff  }
0x4d0: {  	v7 =	vld.idx.msk [tilespmem:v8+s9+$0x0], $0xffff;
	_ =	sdelay $0x4  }
0x4d1: {  	v12 =	vld [tilespmem:$0x19340];
	v9 =	vshll.u32 v9, $0x10;
	v7 =	vand.u32 $0xFFFF0000, v7;
	v10 =	vpop (erf)  }
0x4d2: {  	v11 =	vld.idx.msk [tilespmem:v11+s9+$0x0], $0xffff;
	v7 =	vadd.f32 v9, v7;
	[tilespmem:$0x19380] =	vst v10  }
0x4d3: {  	[tilespmem:v6+s6+$0x0] =	vst.idx.add.f32.msk $0x1, v10  }
0x4d4: {  	v9 =	vmul.f32 $2.000000030e-01, v7;
	[tilespmem:v6+s6+$0x0] =	vst.idx.add.f32.msk vm0, v10  }
0x4d5: {  	[tilespmem:v6+s6+$0x0] =	vst.idx.add.f32.msk vm1, v10  }
0x4d6: {  	v7 =	vmax.f32 v7, v9;
	v9 =	vld [tilespmem:$0x19120]  }
0x4d7: {  	[tilespmem:v6+s6+$0x0] =	vst.idx.add.f32.msk vm2, v10;
	v7 =	vsub.f32 $0.0e+00, v7  }
0x4d8: {  	[tilespmem:v6+s6+$0x0] =	vst.idx.add.f32.msk vm3, v10  }
0x4d9: {  	[tilespmem:v6+s6+$0x0] =	vst.idx.add.f32.msk vm4, v10;
	v7 =	vmul.f32 $1.442695020e+00, v7  }
0x4da: {  	[tilespmem:v6+s6+$0x0] =	vst.idx.add.f32.msk vm5, v10  }
0x4db: {  	[tilespmem:v6+s6+$0x0] =	vst.idx.add.f32.msk vm6, v10;
	(erf) = vpow2.f32 v7  }
0x4dc: {  	[tilespmem:v6+s6+$0x0] =	vst.idx.add.f32.msk vm7, v10  }
0x4dd: {  	[tilespmem:v6+s6+$0x0] =	vst.idx.add.f32.msk vm8, v10  }
0x4de: {  	[tilespmem:v6+s6+$0x0] =	vst.idx.add.f32.msk vm9, v10  }
0x4df: {  	v7 =	vld.idx.msk [tilespmem:v9+s9+$0x0], $0xffff  }
0x4e0: {  	[tilespmem:v6+s6+$0x0] =	vst.idx.add.f32.msk vm10, v10  }
0x4e1: {  	[tilespmem:v6+s6+$0x0] =	vst.idx.add.f32.msk vm11, v10  }
0x4e2: {  	[tilespmem:v6+s6+$0x0] =	vst.idx.add.f32.msk vm12, v10  }
0x4e3: {  	[tilespmem:v6+s6+$0x0] =	vst.idx.add.f32.msk vm13, v10  }
0x4e4: {  	[tilespmem:v6+s6+$0x0] =	vst.idx.add.f32.msk vm14, v10;
	v7 =	vand.u32 $0xFFFF0000, v7;
	v10 =	vshll.u32 v11, $0x10;
	v6 =	vpop (erf)  }
0x4e5: {  	v11 =	vld [tilespmem:$0x19330];
	v7 =	vadd.f32 v10, v7;
	[tilespmem:$0x19390] =	vst v6  }
0x4e6: {  	[tilespmem:v8+s6+$0x0] =	vst.idx.add.f32.msk $0x1, v6  }
0x4e7: {  	v10 =	vmul.f32 $2.000000030e-01, v7;
	[tilespmem:v8+s6+$0x0] =	vst.idx.add.f32.msk vm0, v6  }
0x4e8: {  	[tilespmem:v8+s6+$0x0] =	vst.idx.add.f32.msk vm1, v6  }
0x4e9: {  	v7 =	vmax.f32 v7, v10;
	v10 =	vld [tilespmem:$0x19130]  }
0x4ea: {  	[tilespmem:v8+s6+$0x0] =	vst.idx.add.f32.msk vm2, v6  }
0x4eb: {  	v7 =	vsub.f32 $0.0e+00, v7;
	[tilespmem:v8+s6+$0x0] =	vst.idx.add.f32.msk vm3, v6  }
0x4ec: {  	[tilespmem:v8+s6+$0x0] =	vst.idx.add.f32.msk vm4, v6  }
0x4ed: {  	v7 =	vmul.f32 $1.442695020e+00, v7;
	v11 =	vld.idx.msk [tilespmem:v11+s9+$0x0], $0xffff  }
0x4ee: {  	[tilespmem:v8+s6+$0x0] =	vst.idx.add.f32.msk vm5, v6  }
0x4ef: {  	[tilespmem:v8+s6+$0x0] =	vst.idx.add.f32.msk vm6, v6;
	(erf) = vpow2.f32 v7  }
0x4f0: {  	[tilespmem:v8+s6+$0x0] =	vst.idx.add.f32.msk vm7, v6  }
0x4f1: {  	[tilespmem:v8+s6+$0x0] =	vst.idx.add.f32.msk vm8, v6  }
0x4f2: {  	[tilespmem:v8+s6+$0x0] =	vst.idx.add.f32.msk vm9, v6  }
0x4f3: {  	v7 =	vld.idx.msk [tilespmem:v10+s9+$0x0], $0xffff  }
0x4f4: {  	[tilespmem:v8+s6+$0x0] =	vst.idx.add.f32.msk vm10, v6  }
0x4f5: {  	[tilespmem:v8+s6+$0x0] =	vst.idx.add.f32.msk vm11, v6  }
0x4f6: {  	[tilespmem:v8+s6+$0x0] =	vst.idx.add.f32.msk vm12, v6  }
0x4f7: {  	[tilespmem:v8+s6+$0x0] =	vst.idx.add.f32.msk vm13, v6  }
0x4f8: {  	[tilespmem:v8+s6+$0x0] =	vst.idx.add.f32.msk vm14, v6;
	v7 =	vand.u32 $0xFFFF0000, v7;
	v8 =	vshll.u32 v11, $0x10;
	v6 =	vpop (erf)  }
0x4f9: {  	v11 =	vld [tilespmem:$0x19140];
	v7 =	vadd.f32 v8, v7;
	[tilespmem:$0x193A0] =	vst v6  }
0x4fa: {  	[tilespmem:v9+s6+$0x0] =	vst.idx.add.f32.msk $0x1, v6  }
0x4fb: {  	v8 =	vmul.f32 $2.000000030e-01, v7;
	[tilespmem:v9+s6+$0x0] =	vst.idx.add.f32.msk vm0, v6  }
0x4fc: {  	[tilespmem:v9+s6+$0x0] =	vst.idx.add.f32.msk vm1, v6  }
0x4fd: {  	v7 =	vmax.f32 v7, v8;
	v8 =	vld.idx.msk [tilespmem:v12+s9+$0x0], $0xffff  }
0x4fe: {  	[tilespmem:v9+s6+$0x0] =	vst.idx.add.f32.msk vm2, v6;
	v7 =	vsub.f32 $0.0e+00, v7  }
0x4ff: {  	[tilespmem:v9+s6+$0x0] =	vst.idx.add.f32.msk vm3, v6  }
0x500: {  	[tilespmem:v9+s6+$0x0] =	vst.idx.add.f32.msk vm4, v6;
	v7 =	vmul.f32 $1.442695020e+00, v7  }
0x501: {  	[tilespmem:v9+s6+$0x0] =	vst.idx.add.f32.msk vm5, v6  }
0x502: {  	[tilespmem:v9+s6+$0x0] =	vst.idx.add.f32.msk vm6, v6;
	(erf) = vpow2.f32 v7  }
0x503: {  	v7 =	vld.idx.msk [tilespmem:v11+s9+$0x0], $0xffff  }
0x504: {  	[tilespmem:v9+s6+$0x0] =	vst.idx.add.f32.msk vm7, v6  }
0x505: {  	[tilespmem:v9+s6+$0x0] =	vst.idx.add.f32.msk vm8, v6  }
0x506: {  	[tilespmem:v9+s6+$0x0] =	vst.idx.add.f32.msk vm9, v6  }
0x507: {  	[tilespmem:v9+s6+$0x0] =	vst.idx.add.f32.msk vm10, v6  }
0x508: {  	[tilespmem:v9+s6+$0x0] =	vst.idx.add.f32.msk vm11, v6  }
0x509: {  	v8 =	vshll.u32 v8, $0x10;
	v7 =	vand.u32 $0xFFFF0000, v7;
	[tilespmem:v9+s6+$0x0] =	vst.idx.add.f32.msk vm12, v6  }
0x50a: {  	v7 =	vadd.f32 v8, v7;
	[tilespmem:v9+s6+$0x0] =	vst.idx.add.f32.msk vm13, v6  }
0x50b: {  	[tilespmem:v9+s6+$0x0] =	vst.idx.add.f32.msk vm14, v6;
	v6 =	vpop (erf)  }
0x50c: {  	v8 =	vmul.f32 $2.000000030e-01, v7;
	[tilespmem:$0x193B0] =	vst v6  }
0x50d: {  	[tilespmem:v10+s6+$0x0] =	vst.idx.add.f32.msk $0x1, v6  }
0x50e: {  	v7 =	vmax.f32 v7, v8;
	[tilespmem:v10+s6+$0x0] =	vst.idx.add.f32.msk vm0, v6  }
0x50f: {  	v7 =	vsub.f32 $0.0e+00, v7;
	[tilespmem:v10+s6+$0x0] =	vst.idx.add.f32.msk vm1, v6  }
0x510: {  	[tilespmem:v10+s6+$0x0] =	vst.idx.add.f32.msk vm2, v6  }
0x511: {  	v7 =	vmul.f32 $1.442695020e+00, v7;
	[tilespmem:v10+s6+$0x0] =	vst.idx.add.f32.msk vm3, v6  }
0x512: {  	[tilespmem:v10+s6+$0x0] =	vst.idx.add.f32.msk vm4, v6  }
0x513: {  	(erf) = vpow2.f32 v7;
	[tilespmem:v10+s6+$0x0] =	vst.idx.add.f32.msk vm5, v6  }
0x514: {  	[tilespmem:v10+s6+$0x0] =	vst.idx.add.f32.msk vm6, v6  }
0x515: {  	[tilespmem:v10+s6+$0x0] =	vst.idx.add.f32.msk vm7, v6  }
0x516: {  	[tilespmem:v10+s6+$0x0] =	vst.idx.add.f32.msk vm8, v6  }
0x517: {  	[tilespmem:v10+s6+$0x0] =	vst.idx.add.f32.msk vm9, v6  }
0x518: {  	[tilespmem:v10+s6+$0x0] =	vst.idx.add.f32.msk vm10, v6  }
0x519: {  	[tilespmem:v10+s6+$0x0] =	vst.idx.add.f32.msk vm11, v6  }
0x51a: {  	[tilespmem:v10+s6+$0x0] =	vst.idx.add.f32.msk vm12, v6  }
0x51b: {  	[tilespmem:v10+s6+$0x0] =	vst.idx.add.f32.msk vm13, v6  }
0x51c: {  	[tilespmem:v10+s6+$0x0] =	vst.idx.add.f32.msk vm14, v6;
	v6 =	vpop (erf)  }
0x51d: {  	[tilespmem:$0x193C0] =	vst v6  }
0x51e: {  	[tilespmem:v11+s6+$0x0] =	vst.idx.add.f32.msk $0x1, v6  }
0x51f: {  	[tilespmem:v11+s6+$0x0] =	vst.idx.add.f32.msk vm0, v6  }
0x520: {  	[tilespmem:v11+s6+$0x0] =	vst.idx.add.f32.msk vm1, v6  }
0x521: {  	[tilespmem:v11+s6+$0x0] =	vst.idx.add.f32.msk vm2, v6  }
0x522: {  	[tilespmem:v11+s6+$0x0] =	vst.idx.add.f32.msk vm3, v6  }
0x523: {  	[tilespmem:v11+s6+$0x0] =	vst.idx.add.f32.msk vm4, v6  }
0x524: {  	[tilespmem:v11+s6+$0x0] =	vst.idx.add.f32.msk vm5, v6  }
0x525: {  	s0 =	simm.s32 $0x0;
	[tilespmem:v11+s6+$0x0] =	vst.idx.add.f32.msk vm6, v6  }
0x526: {  	s28 =	simm.s32 $0x6;
	v7 =	vmov s0;
	[tilespmem:v11+s6+$0x0] =	vst.idx.add.f32.msk vm7, v6  }
0x527: {  	v8 =	vmov s28;
	v7 =	vand.u32 $0xFFFFFFF8, v7;
	[tilespmem:v11+s6+$0x0] =	vst.idx.add.f32.msk vm8, v6  }
0x528: {  	v8 =	vand.u32 $0xFFFFFFFE, v8;
	v7 =	vbroadcast v7, $0x0;
	[tilespmem:v11+s6+$0x0] =	vst.idx.add.f32.msk vm9, v6  }
0x529: {  	v8 =	vbroadcast v8, $0x0;
	[tilespmem:v11+s6+$0x0] =	vst.idx.add.f32.msk vm10, v6  }
0x52a: {  	[tilespmem:v11+s6+$0x0] =	vst.idx.add.f32.msk vm11, v6  }
0x52b: {  	[tilespmem:v11+s6+$0x0] =	vst.idx.add.f32.msk vm12, v6  }
0x52c: {  	[tilespmem:v11+s6+$0x0] =	vst.idx.add.f32.msk vm13, v6  }
0x52d: {  	[tilespmem:v11+s6+$0x0] =	vst.idx.add.f32.msk vm14, v6  }
0x52e: {  	v6 =	vld.idx.msk [tilespmem:v7+s19+$0x0], $0xffff  }
0x52f: {  	s18 =	simm.s32 $0x1BE80;
	v7 =	vld.idx.msk [tilespmem:v8+s19+$0x0], $0xffff  }
0x530: {  	v9 =	vld [tilespmem:s18+$0x170]  }
0x531: {  	v10 =	vld [tilespmem:s18+$0xFFFFFE00]  }
0x532: {  	v11 =	vld [tilespmem:s18+$0xFFFFFE10]  }
0x533: {  	v12 =	vld [tilespmem:s18+$0xFFFFFE20]  }
0x534: {  	v13 =	vld [tilespmem:s18+$0xFFFFFE30]  }
0x535: {  	s15 =	simm.s32 $0x1;
	v14 =	vld [tilespmem:s18+$0xFFFFFE40]  }
0x536: {  	v8 =	vmov s15;
	v15 =	vld [tilespmem:s18+$0xFFFFFE50]  }
0x537: {  	v16 =	vld [tilespmem:s18+$0xFFFFFE60];
	v8 =	vand.u32 $0xFFFFFFF9, v8  }
0x538: {  	v17 =	vld [tilespmem:s18+$0xFFFFFE70];
	v8 =	vbroadcast v8, $0x0  }
0x539: {  	v18 =	vld [tilespmem:s18+$0xFFFFFE80]  }
0x53a: {  	v19 =	vld [tilespmem:s18+$0xFFFFFE90];
	v10 =	vmul.f32 v10, v6  }
0x53b: {  	v20 =	vld [tilespmem:s18+$0xFFFFFEA0];
	v9 =	vmul.f32 v9, v7  }
0x53c: {  	v21 =	vld [tilespmem:s18+$0xFFFFFEB0];
	v11 =	vmul.f32 v11, v6;
	[tilespmem:s18+$0xFFFFFE00] =	vst v10  }
0x53d: {  	s16 =	simm.s32 $0x2;
	v13 =	vmul.f32 v13, v6;
	[tilespmem:s18+$0x170] =	vst v9;
	v9 =	vmul.f32 v12, v6;
	v12 =	vld [tilespmem:s18+$0xFFFFFEC0]  }
0x53e: {  	v14 =	vmul.f32 v14, v6;
	v10 =	vmov s16;
	[tilespmem:s18+$0xFFFFFE10] =	vst v11;
	v8 =	vld.idx.msk [tilespmem:v8+s19+$0x0], $0xffff  }
0x53f: {  	[tilespmem:s18+$0xFFFFFE30] =	vst v13;
	v13 =	vmul.f32 v15, v6;
	v15 =	vld [tilespmem:s18+$0xFFFFFEF0];
	v10 =	vand.u32 $0xFFFFFFFA, v10  }
0x540: {  	[tilespmem:s18+$0xFFFFFE40] =	vst v14;
	v14 =	vmul.f32 v16, v6;
	v16 =	vld [tilespmem:s18+$0xFFFFFF00];
	v10 =	vbroadcast v10, $0x0  }
0x541: {  	v6 =	vmul.f32 v17, v6;
	v17 =	vld [tilespmem:s18+$0xFFFFFF20];
	[tilespmem:s18+$0xFFFFFE20] =	vst v9  }
0x542: {  	v9 =	vld [tilespmem:s18+$0xFFFFFEE0];
	[tilespmem:s18+$0xFFFFFE50] =	vst v13  }
0x543: {  	v13 =	vld [tilespmem:s18+$0xFFFFFF10];
	[tilespmem:s18+$0xFFFFFE60] =	vst v14;
	v11 =	vmul.f32 v18, v8  }
0x544: {  	[tilespmem:s18+$0xFFFFFE70] =	vst v6;
	v18 =	vld [tilespmem:s18+$0xFFFFFED0];
	v14 =	vmul.f32 v19, v8  }
0x545: {  	s17 =	simm.s32 $0x3;
	v6 =	vmul.f32 v20, v8;
	v19 =	vld [tilespmem:s18+$0xFFFFFF30];
	[tilespmem:s18+$0xFFFFFE80] =	vst v11  }
0x546: {  	v12 =	vmul.f32 v12, v8;
	v10 =	vld.idx.msk [tilespmem:v10+s19+$0x0], $0xffff;
	v11 =	vmov s17;
	[tilespmem:s18+$0xFFFFFE90] =	vst v14  }
0x547: {  	v20 =	vld [tilespmem:s18+$0xFFFFFF40];
	v14 =	vmul.f32 v21, v8;
	[tilespmem:s18+$0xFFFFFEA0] =	vst v6;
	v11 =	vand.u32 $0xFFFFFFFB, v11  }
0x548: {  	v9 =	vmul.f32 v9, v8;
	[tilespmem:s18+$0xFFFFFEC0] =	vst v12;
	v12 =	vld [tilespmem:s18+$0xFFFFFF70];
	v11 =	vbroadcast v11, $0x0  }
0x549: {  	[tilespmem:s18+$0xFFFFFEB0] =	vst v14;
	v14 =	vld [tilespmem:s18+$0xFFFFFF60];
	v18 =	vmul.f32 v18, v8  }
0x54a: {  	[tilespmem:s18+$0xFFFFFEE0] =	vst v9;
	v8 =	vmul.f32 v15, v8;
	v15 =	vld [tilespmem:s18+$0xFFFFFF80]  }
0x54b: {  	v6 =	vmul.f32 v16, v10;
	v16 =	vld [tilespmem:s18+$0xFFFFFF50];
	[tilespmem:s18+$0xFFFFFED0] =	vst v18  }
0x54c: {  	v9 =	vmul.f32 v13, v10;
	v13 =	vld [tilespmem:s18+$0xFFFFFF90];
	[tilespmem:s18+$0xFFFFFEF0] =	vst v8  }
0x54d: {  	s28 =	simm.s32 $0x4;
	v8 =	vmul.f32 v17, v10;
	v17 =	vld [tilespmem:s18+$0xFFFFFFA0];
	[tilespmem:s18+$0xFFFFFF00] =	vst v6  }
0x54e: {  	v6 =	vmov s28;
	[tilespmem:s18+$0xFFFFFF10] =	vst v9;
	v9 =	vmul.f32 v19, v10;
	v11 =	vld.idx.msk [tilespmem:v11+s19+$0x0], $0xffff  }
0x54f: {  	v18 =	vld [tilespmem:s18+$0xFFFFFFB0];
	[tilespmem:s18+$0xFFFFFF20] =	vst v8;
	v8 =	vmul.f32 v20, v10;
	v6 =	vand.u32 $0xFFFFFFFC, v6  }
0x550: {  	v19 =	vld [tilespmem:s18+$0xFFFFFFC0];
	v14 =	vmul.f32 v14, v10;
	v6 =	vbroadcast v6, $0x0;
	[tilespmem:s18+$0xFFFFFF30] =	vst v9  }
0x551: {  	[tilespmem:s18+$0xFFFFFF40] =	vst v8;
	v8 =	vld [tilespmem:s18+$0xFFFFFFE0];
	v16 =	vmul.f32 v16, v10  }
0x552: {  	[tilespmem:s18+$0xFFFFFF60] =	vst v14;
	v14 =	vld [tilespmem:s18+$0x0];
	v10 =	vmul.f32 v12, v10  }
0x553: {  	v12 =	vld [tilespmem:s18+$0xFFFFFFF0];
	[tilespmem:s18+$0xFFFFFF50] =	vst v16;
	v9 =	vmul.f32 v15, v11  }
0x554: {  	[tilespmem:s18+$0xFFFFFF70] =	vst v10;
	v15 =	vld [tilespmem:s18+$0xFFFFFFD0];
	v13 =	vmul.f32 v13, v11  }
0x555: {  	v16 =	vld [tilespmem:s18+$0x10];
	v10 =	vmul.f32 v17, v11;
	[tilespmem:s18+$0xFFFFFF80] =	vst v9  }
0x556: {  	s15 =	simm.s32 $0x5;
	v8 =	vmul.f32 v8, v11;
	v6 =	vld.idx.msk [tilespmem:v6+s19+$0x0], $0xffff;
	[tilespmem:s18+$0xFFFFFF90] =	vst v13  }
0x557: {  	v17 =	vld [tilespmem:s18+$0x20];
	v9 =	vmov s15;
	v13 =	vmul.f32 v18, v11;
	[tilespmem:s18+$0xFFFFFFA0] =	vst v10  }
0x558: {  	v10 =	vmul.f32 v19, v11;
	v18 =	vld [tilespmem:s18+$0x30];
	v9 =	vand.u32 $0xFFFFFFFD, v9;
	[tilespmem:s18+$0xFFFFFFE0] =	vst v8  }
0x559: {  	v9 =	vbroadcast v9, $0x0;
	[tilespmem:s18+$0xFFFFFFB0] =	vst v13;
	v13 =	vmul.f32 v15, v11;
	v15 =	vld [tilespmem:s18+$0x40]  }
0x55a: {  	[tilespmem:s18+$0xFFFFFFC0] =	vst v10;
	v11 =	vmul.f32 v12, v11;
	v12 =	vld [tilespmem:s18+$0x80]  }
0x55b: {  	v10 =	vmul.f32 v14, v6;
	v14 =	vld [tilespmem:s18+$0x50];
	[tilespmem:s18+$0xFFFFFFD0] =	vst v13  }
0x55c: {  	v13 =	vld [tilespmem:s18+$0x60];
	v8 =	vmul.f32 v16, v6;
	[tilespmem:s18+$0xFFFFFFF0] =	vst v11  }
0x55d: {  	v11 =	vmul.f32 v17, v6;
	v16 =	vld [tilespmem:s18+$0x90];
	[tilespmem:s18+$0x0] =	vst v10  }
0x55e: {  	v10 =	vld [tilespmem:s18+$0x70];
	[tilespmem:s18+$0x10] =	vst v8;
	v8 =	vmul.f32 v18, v6  }
0x55f: {  	[tilespmem:s18+$0x20] =	vst v11;
	v9 =	vld.idx.msk [tilespmem:v9+s19+$0x0], $0xffff;
	v11 =	vmul.f32 v15, v6  }
0x560: {  	v15 =	vld [tilespmem:s18+$0xA0];
	[tilespmem:s18+$0x30] =	vst v8  }
0x561: {  	v8 =	vmul.f32 v14, v6;
	v14 =	vld [tilespmem:s18+$0xB0];
	[tilespmem:s18+$0x40] =	vst v11;
	v11 =	vmul.f32 v13, v6  }
0x562: {  	v13 =	vld [tilespmem:s18+$0xC0]  }
0x563: {  	v10 =	vmul.f32 v10, v6;
	[tilespmem:s18+$0x60] =	vst v11;
	v11 =	vld [tilespmem:s18+$0xE0]  }
0x564: {  	[tilespmem:s18+$0x50] =	vst v8;
	v8 =	vmul.f32 v12, v9;
	v12 =	vld [tilespmem:s18+$0xD0]  }
0x565: {  	v16 =	vmul.f32 v16, v9;
	[tilespmem:s18+$0x70] =	vst v10;
	v10 =	vld [tilespmem:s18+$0xF0]  }
0x566: {  	[tilespmem:s18+$0x80] =	vst v8;
	v8 =	vmul.f32 v15, v9;
	v15 =	vld [tilespmem:s18+$0x100]  }
0x567: {  	[tilespmem:s18+$0x90] =	vst v16;
	v14 =	vmul.f32 v14, v9;
	v16 =	vld [tilespmem:s18+$0x150]  }
0x568: {  	s16 =	simm.s32 $0x7;
	[tilespmem:s18+$0xA0] =	vst v8;
	v8 =	vmul.f32 v13, v9;
	v13 =	vld [tilespmem:s18+$0x110]  }
0x569: {  	v19 =	vld [tilespmem:s18+$0x180];
	v17 =	vmov s16;
	[tilespmem:s18+$0xB0] =	vst v14;
	v12 =	vmul.f32 v12, v9  }
0x56a: {  	v14 =	vld [tilespmem:s18+$0x120];
	[tilespmem:s18+$0xC0] =	vst v8;
	v8 =	vmul.f32 v11, v9  }
0x56b: {  	s16 =	simm.s32 $0xA;
	v11 =	vld [tilespmem:s18+$0x130];
	v9 =	vmul.f32 v10, v9;
	[tilespmem:s18+$0xD0] =	vst v12  }
0x56c: {  	s17 =	simm.s32 $0x8;
	v18 =	vmov s16;
	v10 =	vld [tilespmem:s18+$0x140];
	v15 =	vmul.f32 v15, v7;
	[tilespmem:s18+$0xE0] =	vst v8  }
0x56d: {  	s28 =	simm.s32 $0xF;
	s15 =	simm.s32 $0x9;
	v12 =	vmov s17;
	v16 =	vmul.f32 v16, v7;
	[tilespmem:s18+$0xF0] =	vst v9;
	v9 =	vmul.f32 v13, v7;
	v13 =	vld [tilespmem:s18+$0x160]  }
0x56e: {  	s16 =	simm.s32 $0xB;
	v6 =	vld.idx.msk [tilespmem:v17+s19+$0x0], $0xffff;
	v17 =	vmov s15;
	s17 =	simm.s32 $0xC;
	v12 =	vand.u32 $0xFFFFFFF8, v12;
	v8 =	vmov s28;
	[tilespmem:s18+$0x100] =	vst v15  }
0x56f: {  	v22 =	vld [tilespmem:s18+$0x190];
	v20 =	vmov s17;
	s28 =	simm.s32 $0xD;
	v14 =	vmul.f32 v14, v7;
	v15 =	vmov s16;
	[tilespmem:s18+$0x150] =	vst v16  }
0x570: {  	v23 =	vmov s28;
	[tilespmem:s18+$0x110] =	vst v9;
	v21 =	vmul.f32 v11, v7;
	v9 =	vbroadcast v12, $0x0;
	v11 =	vld [tilespmem:s18+$0x1A0]  }
0x571: {  	[tilespmem:s18+$0x120] =	vst v14;
	v14 =	vmul.f32 v10, v7;
	v10 =	vand.u32 $0xFFFFFFF9, v17;
	v17 =	vand.u32 $0xFFFFFFFA, v18;
	v12 =	vld [tilespmem:s18+$0x1B0]  }
0x572: {  	v18 =	vand.u32 $0xFFFFFFFB, v15;
	v10 =	vbroadcast v10, $0x0;
	[tilespmem:s18+$0x130] =	vst v21;
	v21 =	vmul.f32 v13, v7;
	v13 =	vld [tilespmem:s18+$0x1C0]  }
0x573: {  	v15 =	vbroadcast v17, $0x0;
	[tilespmem:s18+$0x140] =	vst v14;
	v14 =	vld [tilespmem:s18+$0x1D0];
	v7 =	vand.u32 $0xFFFFFFFC, v20;
	v20 =	vmul.f32 v19, v6  }
0x574: {  	s15 =	simm.s32 $0xE;
	s17 =	simm.s32 $0x10;
	v16 =	vld [tilespmem:s18+$0x1E0];
	v17 =	vbroadcast v18, $0x0;
	v18 =	vmul.f32 v22, v6;
	v19 =	vand.u32 $0xFFFFFFFD, v23;
	[tilespmem:s18+$0x160] =	vst v21  }
.LBB2_17:
0x575: {  	p0 =	slt.u32 s17, $0x48;
	v7 =	vbroadcast v7, $0x0;
	v21 =	vmov s15;
	[tilespmem:s18+$0x180] =	vst v20;
	v11 =	vmul.f32 v11, v6;
	v20 =	vld [tilespmem:s18+$0x1F0]  }
0x576: {  	v19 =	vbroadcast v19, $0x0;
	v21 =	vand.u32 $0xFFFFFFFE, v21;
	v22 =	vld.idx.msk [tilespmem:v8+s19+$0x0], $0xffff;
	[tilespmem:s18+$0x190] =	vst v18;
	v8 =	vmul.f32 v12, v6  }
0x577: {  	v12 =	vld.idx.msk [tilespmem:v9+s19+$0x0], $0xffff;
	v18 =	vbroadcast v21, $0x0;
	[tilespmem:s18+$0x1A0] =	vst v11;
	v9 =	vmul.f32 v13, v6  }
0x578: {  	v11 =	vld.idx.msk [tilespmem:v10+s19+$0x0], $0xffff;
	[tilespmem:s18+$0x1B0] =	vst v8;
	v8 =	vmul.f32 v14, v6  }
0x579: {  	v13 =	vld.idx.msk [tilespmem:v15+s19+$0x0], $0xffff;
	[tilespmem:s18+$0x1C0] =	vst v9;
	v14 =	vmul.f32 v16, v6  }
0x57a: {  	v10 =	vld.idx.msk [tilespmem:v17+s19+$0x0], $0xffff;
	[tilespmem:s18+$0x1D0] =	vst v8;
	v15 =	vmul.f32 v20, v6  }
0x57b: {  	v9 =	vld.idx.msk [tilespmem:v7+s19+$0x0], $0xffff;
	[tilespmem:s18+$0x1E0] =	vst v14  }
0x57c: {  	v6 =	vmov v22;
	v8 =	vld.idx.msk [tilespmem:v19+s19+$0x0], $0xffff;
	[tilespmem:s18+$0x1F0] =	vst v15  }
0x57d: {  	s18 =	sadd.s32 $0x400, s18;
	v7 =	vld.idx.msk [tilespmem:v18+s19+$0x0], $0xffff  }
0x57e: {  	v14 =	vld [tilespmem:s18+$0x170]  }
0x57f: {  	v15 =	vld [tilespmem:s18+$0xFFFFFE00]  }
0x580: {  	v16 =	vld [tilespmem:s18+$0xFFFFFE10]  }
0x581: {  	v17 =	vld [tilespmem:s18+$0xFFFFFE20]  }
0x582: {  	v18 =	vld [tilespmem:s18+$0xFFFFFE30]  }
0x583: {  	v19 =	vld [tilespmem:s18+$0xFFFFFE40];
	v14 =	vmul.f32 v14, v7  }
0x584: {  	v15 =	vmul.f32 v15, v12;
	v20 =	vld [tilespmem:s18+$0xFFFFFE50]  }
0x585: {  	v16 =	vmul.f32 v16, v12;
	v21 =	vld [tilespmem:s18+$0xFFFFFE60];
	[tilespmem:s18+$0x170] =	vst v14  }
0x586: {  	[tilespmem:s18+$0xFFFFFE00] =	vst v15;
	v14 =	vmul.f32 v17, v12;
	v15 =	vld [tilespmem:s18+$0xFFFFFE70]  }
0x587: {  	[tilespmem:s18+$0xFFFFFE10] =	vst v16;
	v16 =	vmul.f32 v18, v12;
	v17 =	vld [tilespmem:s18+$0xFFFFFE80]  }
0x588: {  	[tilespmem:s18+$0xFFFFFE20] =	vst v14;
	v14 =	vmul.f32 v19, v12;
	v18 =	vld [tilespmem:s18+$0xFFFFFE90]  }
0x589: {  	[tilespmem:s18+$0xFFFFFE30] =	vst v16;
	v16 =	vmul.f32 v20, v12;
	v19 =	vld [tilespmem:s18+$0xFFFFFEA0]  }
0x58a: {  	[tilespmem:s18+$0xFFFFFE40] =	vst v14;
	v14 =	vmul.f32 v21, v12;
	v20 =	vld [tilespmem:s18+$0xFFFFFEB0]  }
0x58b: {  	[tilespmem:s18+$0xFFFFFE50] =	vst v16;
	v12 =	vmul.f32 v15, v12;
	v15 =	vld [tilespmem:s18+$0xFFFFFEC0]  }
0x58c: {  	[tilespmem:s18+$0xFFFFFE60] =	vst v14;
	v14 =	vmul.f32 v17, v11;
	v16 =	vld [tilespmem:s18+$0xFFFFFED0]  }
0x58d: {  	[tilespmem:s18+$0xFFFFFE70] =	vst v12;
	v12 =	vmul.f32 v18, v11;
	v17 =	vld [tilespmem:s18+$0xFFFFFEE0]  }
0x58e: {  	[tilespmem:s18+$0xFFFFFE80] =	vst v14;
	v14 =	vmul.f32 v19, v11;
	v18 =	vld [tilespmem:s18+$0xFFFFFEF0]  }
0x58f: {  	[tilespmem:s18+$0xFFFFFE90] =	vst v12;
	v12 =	vmul.f32 v20, v11;
	v19 =	vld [tilespmem:s18+$0xFFFFFF00]  }
0x590: {  	[tilespmem:s18+$0xFFFFFEA0] =	vst v14;
	v14 =	vmul.f32 v15, v11;
	v15 =	vld [tilespmem:s18+$0xFFFFFF10]  }
0x591: {  	[tilespmem:s18+$0xFFFFFEB0] =	vst v12;
	v12 =	vmul.f32 v16, v11;
	v16 =	vld [tilespmem:s18+$0xFFFFFF20]  }
0x592: {  	[tilespmem:s18+$0xFFFFFEC0] =	vst v14;
	v14 =	vmul.f32 v17, v11;
	v17 =	vld [tilespmem:s18+$0xFFFFFF30]  }
0x593: {  	[tilespmem:s18+$0xFFFFFED0] =	vst v12;
	v11 =	vmul.f32 v18, v11;
	v12 =	vld [tilespmem:s18+$0xFFFFFF40]  }
0x594: {  	[tilespmem:s18+$0xFFFFFEE0] =	vst v14;
	v14 =	vmul.f32 v19, v13;
	v18 =	vld [tilespmem:s18+$0xFFFFFF50]  }
0x595: {  	[tilespmem:s18+$0xFFFFFEF0] =	vst v11;
	v11 =	vmul.f32 v15, v13;
	v15 =	vld [tilespmem:s18+$0xFFFFFF60]  }
0x596: {  	[tilespmem:s18+$0xFFFFFF00] =	vst v14;
	v14 =	vmul.f32 v16, v13;
	v16 =	vld [tilespmem:s18+$0xFFFFFF70]  }
0x597: {  	[tilespmem:s18+$0xFFFFFF10] =	vst v11;
	v11 =	vmul.f32 v17, v13;
	v17 =	vld [tilespmem:s18+$0xFFFFFF80]  }
0x598: {  	[tilespmem:s18+$0xFFFFFF20] =	vst v14;
	v12 =	vmul.f32 v12, v13;
	v14 =	vld [tilespmem:s18+$0xFFFFFF90]  }
0x599: {  	[tilespmem:s18+$0xFFFFFF30] =	vst v11;
	v11 =	vmul.f32 v18, v13;
	v18 =	vld [tilespmem:s18+$0xFFFFFFA0]  }
0x59a: {  	[tilespmem:s18+$0xFFFFFF40] =	vst v12;
	v12 =	vmul.f32 v15, v13;
	v15 =	vld [tilespmem:s18+$0xFFFFFFB0]  }
0x59b: {  	[tilespmem:s18+$0xFFFFFF50] =	vst v11;
	v11 =	vmul.f32 v16, v13;
	v13 =	vld [tilespmem:s18+$0xFFFFFFC0]  }
0x59c: {  	[tilespmem:s18+$0xFFFFFF60] =	vst v12;
	v12 =	vmul.f32 v17, v10;
	v16 =	vld [tilespmem:s18+$0xFFFFFFD0]  }
0x59d: {  	[tilespmem:s18+$0xFFFFFF70] =	vst v11;
	v11 =	vmul.f32 v14, v10;
	v14 =	vld [tilespmem:s18+$0xFFFFFFE0]  }
0x59e: {  	[tilespmem:s18+$0xFFFFFF80] =	vst v12;
	v12 =	vmul.f32 v18, v10;
	v17 =	vld [tilespmem:s18+$0xFFFFFFF0]  }
0x59f: {  	[tilespmem:s18+$0xFFFFFF90] =	vst v11;
	v11 =	vmul.f32 v15, v10;
	v15 =	vld [tilespmem:s18+$0x0]  }
0x5a0: {  	[tilespmem:s18+$0xFFFFFFA0] =	vst v12;
	v12 =	vmul.f32 v13, v10;
	v13 =	vld [tilespmem:s18+$0x10]  }
0x5a1: {  	[tilespmem:s18+$0xFFFFFFB0] =	vst v11;
	v11 =	vmul.f32 v16, v10;
	v16 =	vld [tilespmem:s18+$0x20]  }
0x5a2: {  	[tilespmem:s18+$0xFFFFFFC0] =	vst v12;
	v12 =	vmul.f32 v14, v10;
	v14 =	vld [tilespmem:s18+$0x30]  }
0x5a3: {  	[tilespmem:s18+$0xFFFFFFD0] =	vst v11;
	v10 =	vmul.f32 v17, v10;
	v11 =	vld [tilespmem:s18+$0x40]  }
0x5a4: {  	[tilespmem:s18+$0xFFFFFFE0] =	vst v12;
	v12 =	vmul.f32 v15, v9;
	v15 =	vld [tilespmem:s18+$0x50]  }
0x5a5: {  	[tilespmem:s18+$0xFFFFFFF0] =	vst v10;
	v10 =	vmul.f32 v13, v9;
	v13 =	vld [tilespmem:s18+$0x60]  }
0x5a6: {  	[tilespmem:s18+$0x0] =	vst v12;
	v12 =	vmul.f32 v16, v9;
	v16 =	vld [tilespmem:s18+$0x70]  }
0x5a7: {  	[tilespmem:s18+$0x10] =	vst v10;
	v10 =	vmul.f32 v14, v9;
	v14 =	vld [tilespmem:s18+$0x80]  }
0x5a8: {  	[tilespmem:s18+$0x20] =	vst v12;
	v11 =	vmul.f32 v11, v9;
	v12 =	vld [tilespmem:s18+$0x90]  }
0x5a9: {  	[tilespmem:s18+$0x30] =	vst v10;
	v10 =	vmul.f32 v15, v9;
	v15 =	vld [tilespmem:s18+$0xA0]  }
0x5aa: {  	[tilespmem:s18+$0x40] =	vst v11;
	v11 =	vmul.f32 v13, v9;
	v13 =	vld [tilespmem:s18+$0xB0]  }
0x5ab: {  	[tilespmem:s18+$0x50] =	vst v10;
	v9 =	vmul.f32 v16, v9;
	v10 =	vld [tilespmem:s18+$0xC0]  }
0x5ac: {  	[tilespmem:s18+$0x60] =	vst v11;
	v11 =	vmul.f32 v14, v8;
	v14 =	vld [tilespmem:s18+$0xD0]  }
0x5ad: {  	[tilespmem:s18+$0x70] =	vst v9;
	v9 =	vmul.f32 v12, v8;
	v12 =	vld [tilespmem:s18+$0xE0]  }
0x5ae: {  	[tilespmem:s18+$0x80] =	vst v11;
	v11 =	vmul.f32 v15, v8;
	v15 =	vld [tilespmem:s18+$0xF0]  }
0x5af: {  	[tilespmem:s18+$0x90] =	vst v9;
	v9 =	vmul.f32 v13, v8;
	v13 =	vld [tilespmem:s18+$0x100]  }
0x5b0: {  	[tilespmem:s18+$0xA0] =	vst v11;
	v10 =	vmul.f32 v10, v8;
	v11 =	vld [tilespmem:s18+$0x110]  }
0x5b1: {  	[tilespmem:s18+$0xB0] =	vst v9;
	v9 =	vmul.f32 v14, v8;
	v14 =	vld [tilespmem:s18+$0x120]  }
0x5b2: {  	[tilespmem:s18+$0xC0] =	vst v10;
	v10 =	vmul.f32 v12, v8;
	v12 =	vld [tilespmem:s18+$0x130]  }
0x5b3: {  	[tilespmem:s18+$0xD0] =	vst v9;
	v9 =	vmul.f32 v15, v8;
	v15 =	vld [tilespmem:s18+$0x140]  }
0x5b4: {  	s0 =	sadd.s32 $0x7, s17;
	v8 =	vmov s17;
	[tilespmem:s18+$0xE0] =	vst v10;
	v10 =	vmul.f32 v13, v7;
	v13 =	vld [tilespmem:s18+$0x150]  }
0x5b5: {  	s15 =	sadd.s32 $0x1, s17;
	s16 =	sadd.s32 $0x2, s17;
	v16 =	vand.u32 $0xFFFFFFF8, v8;
	v8 =	vmov s0;
	[tilespmem:s18+$0xF0] =	vst v9;
	v9 =	vmul.f32 v11, v7;
	v17 =	vld [tilespmem:s18+$0x160]  }
0x5b6: {  	v19 =	vmov s16;
	v18 =	vmov s15;
	s15 =	sadd.s32 $0x4, s17;
	s0 =	sadd.s32 $0x3, s17;
	[tilespmem:s18+$0x100] =	vst v10;
	v10 =	vmul.f32 v14, v7;
	v14 =	vld [tilespmem:s18+$0x180]  }
0x5b7: {  	v21 =	vmov s15;
	v20 =	vmov s0;
	s0 =	sadd.s32 $0x5, s17;
	[tilespmem:s18+$0x110] =	vst v9;
	v12 =	vmul.f32 v12, v7;
	v22 =	vld [tilespmem:s18+$0x190]  }
.Ltmp14:
0x5b8: {  	v9 =	vbroadcast v16, $0x0;
	v16 =	vmov s0;
	[tilespmem:s18+$0x120] =	vst v10;
	v15 =	vmul.f32 v15, v7;
	v11 =	vld [tilespmem:s18+$0x1A0];
	(pc) =	sbr.rel @p0 .LBB2_17-.Ltmp14, $4  }
0x5b9: {  	v10 =	vand.u32 $0xFFFFFFF9, v18;
	v18 =	vand.u32 $0xFFFFFFFA, v19;
	[tilespmem:s18+$0x130] =	vst v12;
	v19 =	vmul.f32 v13, v7;
	v12 =	vld [tilespmem:s18+$0x1B0]  }
0x5ba: {  	v23 =	vand.u32 $0xFFFFFFFB, v20;
	v10 =	vbroadcast v10, $0x0;
	[tilespmem:s18+$0x140] =	vst v15;
	v24 =	vmul.f32 v17, v7;
	v13 =	vld [tilespmem:s18+$0x1C0]  }
0x5bb: {  	v15 =	vbroadcast v18, $0x0;
	v7 =	vand.u32 $0xFFFFFFFC, v21;
	[tilespmem:s18+$0x150] =	vst v19;
	v20 =	vmul.f32 v14, v6;
	v14 =	vld [tilespmem:s18+$0x1D0]  }
0x5bc: {  	s15 =	sadd.s32 $0x6, s17;
	s17 =	sadd.s32 $0x8, s17;
	v17 =	vbroadcast v23, $0x0;
	v19 =	vand.u32 $0xFFFFFFFD, v16;
	[tilespmem:s18+$0x160] =	vst v24;
	v18 =	vmul.f32 v22, v6;
	v16 =	vld [tilespmem:s18+$0x1E0]  }
0x5bd: {  	_ =	sdelay $0x2  }
0x5be: {  	v21 =	vld [tilespmem:s18+$0x1F0]  }
0x5bf: {  	v23 =	vld.idx.msk [tilespmem:v9+s19+$0x0], $0xffff  }
0x5c0: {  	v56 =	vld.idx.msk [tilespmem:v10+s19+$0x0], $0xffff  }
0x5c1: {  	v54 =	vbroadcast v7, $0x0;
	v7 =	vmov s15;
	v15 =	vld.idx.msk [tilespmem:v15+s19+$0x0], $0xffff  }
0x5c2: {  	v22 =	vand.u32 $0xFFFFFFFE, v7;
	v7 =	vld.idx.msk [tilespmem:v8+s19+$0x0], $0xffff  }
0x5c3: {  	s17 =	sadd.s32 $0x400, s18;
	v17 =	vld.idx.msk [tilespmem:v17+s19+$0x0], $0xffff  }
0x5c4: {  	v57 =	vld [tilespmem:s17+$0x170]  }
0x5c5: {  	v59 =	vld [tilespmem:s17+$0xFFFFFE00]  }
0x5c6: {  	v61 =	vld [tilespmem:s17+$0xFFFFFE10]  }
0x5c7: {  	[tilespmem:s18+$0x180] =	vst v20;
	v11 =	vmul.f32 v11, v6;
	v63 =	vld [tilespmem:s17+$0xFFFFFE20]  }
0x5c8: {  	[tilespmem:s18+$0x190] =	vst v18;
	v12 =	vmul.f32 v12, v6;
	v24 =	vld [tilespmem:s17+$0xFFFFFE40]  }
0x5c9: {  	v25 =	vld [tilespmem:s17+$0xFFFFFE50];
	[tilespmem:s18+$0x1A0] =	vst v11;
	v58 =	vmul.f32 v13, v6  }
0x5ca: {  	v26 =	vld [tilespmem:s17+$0xFFFFFE60];
	[tilespmem:s18+$0x1B0] =	vst v12;
	v60 =	vmul.f32 v14, v6  }
0x5cb: {  	v27 =	vld [tilespmem:s17+$0xFFFFFE70];
	[tilespmem:s18+$0x1C0] =	vst v58;
	v62 =	vmul.f32 v16, v6  }
0x5cc: {  	v28 =	vld [tilespmem:s17+$0xFFFFFE80];
	[tilespmem:s18+$0x1D0] =	vst v60;
	v6 =	vmul.f32 v21, v6  }
0x5cd: {  	v29 =	vld [tilespmem:s17+$0xFFFFFE90];
	[tilespmem:s18+$0x1E0] =	vst v62;
	v14 =	vmul.f32 v61, v23  }
0x5ce: {  	v31 =	vld [tilespmem:s17+$0xFFFFFEA0];
	[tilespmem:s18+$0x1F0] =	vst v6;
	v6 =	vmul.f32 v59, v23  }
0x5cf: {  	v32 =	vld [tilespmem:s17+$0xFFFFFEB0];
	v30 =	vmul.f32 v25, v23;
	[tilespmem:s17+$0xFFFFFE10] =	vst v14  }
0x5d0: {  	v34 =	vld [tilespmem:s17+$0xFFFFFEC0];
	[tilespmem:s17+$0xFFFFFE00] =	vst v6;
	v6 =	vmul.f32 v63, v23  }
0x5d1: {  	v35 =	vld [tilespmem:s17+$0xFFFFFED0];
	v33 =	vmul.f32 v27, v23;
	[tilespmem:s17+$0xFFFFFE50] =	vst v30  }
0x5d2: {  	v36 =	vld [tilespmem:s17+$0xFFFFFEE0];
	[tilespmem:s17+$0xFFFFFE20] =	vst v6;
	v6 =	vmul.f32 v24, v23  }
0x5d3: {  	v37 =	vld [tilespmem:s17+$0xFFFFFEF0];
	v11 =	vmul.f32 v29, v56;
	[tilespmem:s17+$0xFFFFFE70] =	vst v33  }
0x5d4: {  	v39 =	vld [tilespmem:s17+$0xFFFFFF00];
	[tilespmem:s17+$0xFFFFFE40] =	vst v6;
	v6 =	vmul.f32 v26, v23  }
0x5d5: {  	v40 =	vld [tilespmem:s17+$0xFFFFFF10];
	v38 =	vmul.f32 v32, v56;
	[tilespmem:s17+$0xFFFFFE90] =	vst v11  }
0x5d6: {  	v42 =	vld [tilespmem:s17+$0xFFFFFF20];
	[tilespmem:s17+$0xFFFFFE60] =	vst v6;
	v6 =	vmul.f32 v28, v56  }
0x5d7: {  	v43 =	vld [tilespmem:s17+$0xFFFFFF30];
	v41 =	vmul.f32 v35, v56;
	[tilespmem:s17+$0xFFFFFEB0] =	vst v38  }
0x5d8: {  	v45 =	vld [tilespmem:s17+$0xFFFFFF40];
	[tilespmem:s17+$0xFFFFFE80] =	vst v6;
	v6 =	vmul.f32 v31, v56  }
0x5d9: {  	v46 =	vld [tilespmem:s17+$0xFFFFFF50];
	v44 =	vmul.f32 v37, v56;
	[tilespmem:s17+$0xFFFFFED0] =	vst v41  }
0x5da: {  	v48 =	vld [tilespmem:s17+$0xFFFFFF60];
	v55 =	vbroadcast v22, $0x0;
	[tilespmem:s17+$0xFFFFFEA0] =	vst v6;
	v6 =	vmul.f32 v34, v56  }
0x5db: {  	v51 =	vld [tilespmem:s17+$0xFFFFFF80];
	v47 =	vmul.f32 v40, v15;
	[tilespmem:s17+$0xFFFFFEF0] =	vst v44  }
0x5dc: {  	v52 =	vld [tilespmem:s17+$0xFFFFFF90];
	[tilespmem:s17+$0xFFFFFEC0] =	vst v6;
	v6 =	vmul.f32 v36, v56  }
0x5dd: {  	v20 =	vld [tilespmem:s17+$0x10];
	v50 =	vmul.f32 v43, v15;
	[tilespmem:s17+$0xFFFFFF10] =	vst v47  }
0x5de: {  	v19 =	vbroadcast v19, $0x0;
	v21 =	vld [tilespmem:s17+$0xFFFFFE30];
	[tilespmem:s17+$0xFFFFFEE0] =	vst v6;
	v6 =	vmul.f32 v39, v15  }
0x5df: {  	v58 =	vld [tilespmem:s17+$0xFFFFFFD0];
	v53 =	vmul.f32 v46, v15;
	[tilespmem:s17+$0xFFFFFF30] =	vst v50  }
0x5e0: {  	v8 =	vld.idx.msk [tilespmem:v55+s19+$0x0], $0xffff;
	[tilespmem:s17+$0xFFFFFF00] =	vst v6;
	v6 =	vmul.f32 v42, v15  }
0x5e1: {  	v10 =	vld.idx.msk [tilespmem:v54+s19+$0x0], $0xffff;
	v59 =	vmul.f32 v52, v17;
	[tilespmem:s17+$0xFFFFFF50] =	vst v53  }
0x5e2: {  	v61 =	vld [tilespmem:s17+$0xFFFFFFF0];
	[tilespmem:s17+$0xFFFFFF20] =	vst v6;
	v6 =	vmul.f32 v45, v15  }
0x5e3: {  	v54 =	vld [tilespmem:s17+$0xFFFFFFA0];
	[tilespmem:s17+$0xFFFFFF90] =	vst v59;
	v12 =	vmul.f32 v21, v23  }
0x5e4: {  	v9 =	vld.idx.msk [tilespmem:v19+s19+$0x0], $0xffff;
	[tilespmem:s17+$0xFFFFFF40] =	vst v6;
	v6 =	vmul.f32 v48, v15  }
0x5e5: {  	v21 =	vmul.f32 v58, v17;
	[tilespmem:s17+$0xFFFFFE30] =	vst v12;
	v18 =	vmul.f32 v57, v8;
	v57 =	vld [tilespmem:s17+$0xFFFFFFC0]  }
0x5e6: {  	v32 =	vld [tilespmem:s17+$0x90];
	[tilespmem:s17+$0xFFFFFF60] =	vst v6;
	v6 =	vmul.f32 v51, v17  }
0x5e7: {  	v60 =	vld [tilespmem:s17+$0xFFFFFFE0];
	v24 =	vmul.f32 v61, v17;
	[tilespmem:s17+$0xFFFFFFD0] =	vst v21  }
0x5e8: {  	v35 =	vld [tilespmem:s17+$0xB0];
	[tilespmem:s17+$0xFFFFFF80] =	vst v6;
	v6 =	vmul.f32 v54, v17  }
0x5e9: {  	v63 =	vld [tilespmem:s17+$0x0];
	v27 =	vmul.f32 v20, v10;
	[tilespmem:s17+$0xFFFFFFF0] =	vst v24  }
0x5ea: {  	v37 =	vld [tilespmem:s17+$0xD0];
	[tilespmem:s17+$0xFFFFFFA0] =	vst v6;
	v6 =	vmul.f32 v57, v17  }
0x5eb: {  	v22 =	vld [tilespmem:s17+$0x20];
	v38 =	vmul.f32 v32, v9;
	[tilespmem:s17+$0x10] =	vst v27  }
0x5ec: {  	[tilespmem:s17+$0xFFFFFFC0] =	vst v6;
	v6 =	vmul.f32 v60, v17  }
0x5ed: {  	v25 =	vld [tilespmem:s17+$0x40];
	v41 =	vmul.f32 v35, v9;
	[tilespmem:s17+$0x90] =	vst v38  }
0x5ee: {  	v55 =	vld [tilespmem:s17+$0xFFFFFFB0];
	[tilespmem:s17+$0xFFFFFFE0] =	vst v6;
	v6 =	vmul.f32 v63, v10  }
0x5ef: {  	v44 =	vmul.f32 v37, v9;
	[tilespmem:s17+$0xB0] =	vst v41;
	v28 =	vld [tilespmem:s17+$0x60]  }
0x5f0: {  	v46 =	vld [tilespmem:s17+$0x130];
	[tilespmem:s17+$0x0] =	vst v6;
	v6 =	vmul.f32 v22, v10  }
0x5f1: {  	[tilespmem:s17+$0xD0] =	vst v44;
	v31 =	vld [tilespmem:s17+$0x80]  }
0x5f2: {  	v23 =	vld [tilespmem:s17+$0x30];
	[tilespmem:s17+$0x20] =	vst v6;
	v6 =	vmul.f32 v25, v10  }
0x5f3: {  	v62 =	vmul.f32 v55, v17;
	[tilespmem:s17+$0x170] =	vst v18;
	v34 =	vld [tilespmem:s17+$0xA0]  }
0x5f4: {  	v26 =	vld [tilespmem:s17+$0x50];
	[tilespmem:s17+$0x40] =	vst v6;
	v6 =	vmul.f32 v28, v10  }
0x5f5: {  	v52 =	vmul.f32 v46, v8;
	[tilespmem:s17+$0xFFFFFFB0] =	vst v62;
	v36 =	vld [tilespmem:s17+$0xC0]  }
0x5f6: {  	v49 =	vld [tilespmem:s17+$0xFFFFFF70];
	[tilespmem:s17+$0x60] =	vst v6;
	v6 =	vmul.f32 v31, v9  }
0x5f7: {  	[tilespmem:s17+$0x130] =	vst v52;
	v30 =	vmul.f32 v23, v10;
	v39 =	vld [tilespmem:s17+$0xE0]  }
0x5f8: {  	v43 =	vld [tilespmem:s17+$0x110];
	[tilespmem:s17+$0x80] =	vst v6;
	v6 =	vmul.f32 v34, v9  }
0x5f9: {  	v33 =	vmul.f32 v26, v10;
	[tilespmem:s17+$0x30] =	vst v30;
	v42 =	vld [tilespmem:s17+$0x100]  }
0x5fa: {  	v48 =	vld [tilespmem:s17+$0x150];
	[tilespmem:s17+$0xA0] =	vst v6;
	v6 =	vmul.f32 v36, v9  }
0x5fb: {  	[tilespmem:s17+$0x50] =	vst v33;
	v56 =	vmul.f32 v49, v15;
	v45 =	vld [tilespmem:s17+$0x120]  }
0x5fc: {  	v51 =	vld [tilespmem:s17+$0x180];
	[tilespmem:s17+$0xC0] =	vst v6;
	v6 =	vmul.f32 v39, v9  }
0x5fd: {  	v47 =	vld [tilespmem:s17+$0x140];
	v49 =	vmul.f32 v43, v8;
	[tilespmem:s17+$0xFFFFFF70] =	vst v56  }
0x5fe: {  	v54 =	vld [tilespmem:s17+$0x1A0];
	[tilespmem:s17+$0xE0] =	vst v6;
	v6 =	vmul.f32 v42, v8  }
0x5ff: {  	v50 =	vld [tilespmem:s17+$0x160];
	[tilespmem:s17+$0x110] =	vst v49;
	v55 =	vmul.f32 v48, v8  }
0x600: {  	v60 =	vld [tilespmem:s17+$0x1E0];
	[tilespmem:s17+$0x100] =	vst v6;
	v6 =	vmul.f32 v45, v8  }
0x601: {  	v53 =	vld [tilespmem:s17+$0x190];
	[tilespmem:s17+$0x150] =	vst v55;
	v58 =	vmul.f32 v51, v7  }
0x602: {  	v29 =	vld [tilespmem:s17+$0x70];
	[tilespmem:s17+$0x120] =	vst v6;
	v6 =	vmul.f32 v47, v8  }
0x603: {  	v56 =	vld [tilespmem:s17+$0x1B0];
	[tilespmem:s17+$0x180] =	vst v58;
	v61 =	vmul.f32 v54, v7  }
0x604: {  	v40 =	vld [tilespmem:s17+$0xF0];
	[tilespmem:s17+$0x140] =	vst v6;
	v6 =	vmul.f32 v50, v8  }
0x605: {  	v59 =	vld [tilespmem:s17+$0x1D0];
	[tilespmem:s17+$0x1A0] =	vst v61;
	v63 =	vmul.f32 v60, v7  }
0x606: {  	v57 =	vld [tilespmem:s17+$0x1C0];
	[tilespmem:s17+$0x160] =	vst v6;
	v6 =	vmul.f32 v53, v7  }
0x607: {  	v62 =	vld [tilespmem:s17+$0x1F0];
	[tilespmem:s17+$0x1E0] =	vst v63;
	v10 =	vmul.f32 v29, v10  }
0x608: {  	[tilespmem:s17+$0x190] =	vst v6;
	v6 =	vmul.f32 v56, v7  }
0x609: {  	[tilespmem:s17+$0x70] =	vst v10;
	v9 =	vmul.f32 v40, v9  }
0x60a: {  	[tilespmem:s17+$0x1B0] =	vst v6;
	v6 =	vmul.f32 v59, v7  }
.Ltmp15:
0x60b: {  	[tilespmem:s17+$0xF0] =	vst v9;
	v8 =	vmul.f32 v57, v7;
	(pc) =	sbr.rel .LBB2_19-.Ltmp15, $4  }
0x60c: {  	[tilespmem:s17+$0x1D0] =	vst v6;
	v6 =	vmul.f32 v62, v7  }
0x60d: {  	[tilespmem:s17+$0x1C0] =	vst v8  }
0x60e: {  	s0 =	simm.s32 $0x19100;
	[tilespmem:s17+$0x1F0] =	vst v6  }
0x60f: {  	[spmem:s4] =	stream.indirect.scatter.add.f32 [tilespmem:s23], [sflag:$0x8], $0x80, s0, s11, $0xb8;
	[tilespmem:$0x1E480] =	vst v63  }
.LBB2_21:
0x610: {  	_ =	sfence.sel $0x180000  }
0x611: {  	[bflag:$0x0] =	sbarrier.arrive $0xFFFF  }
0x612: {  	_ =	strace $0x90000047  }
0x613: {  	s0 =	stileid.u32;
	[bflag:$0x2] =	sbarrier.arrive $0xFFFF  }
0x614: {  	p0 =	sne.s32 s0, $0x0;
	s0 =	rddreg [dreg:$0x3]  }
0x615: {  	s0 =	sadd.s32 @!p0 $0x100000, s0  }
0x616: {  	[sflag:s0] =	ssyncadd.tile.s32 @!p0 $0x1;
	_ =	shalt  }
.Lfunc_end2:
_tile_overlayer_lowered:
.L_overlay_start_2:
0x617: {  	(tag) =	ssettag $0x2  }
0x618: {  	s0 =	rddreg [dreg:$0x0];
	s2 =	stileid.u32  }
0x619: {  	s1 =	rddreg [dreg:$0x1];
	p0 =	sne.s32 s2, $0x0  }
0x61a: {  	s3 =	rddreg [dreg:$0x2];
	[bflag:$0x3] =	sbarrier.arrive $0xFFFF;
	s2 =	simm.s32 @!p0 $0x1C09  }
0x61b: {  	[timem:s3], [sflag:s2] =	dma.local @!p0 [hbm:s0], s1  }
0x61c: {  	s0 =	simm.s32 @!p0 $0x9  }
0x61d: {  	_ =	swait.ge @!p0 [sflag:s0], s1  }
0x61e: {  	s1 =	ssub.s32 @!p0 $0x0, s1;
	[sflag:s0] =	ssyncset.done @!p0 $0x0  }
0x61f: {  	[sflag:s0] =	ssyncadd.s32 @!p0 s1  }
0x620: {  	[bflag:$0x3] =	sbarrier.arrive $0xFFFF  }
0x621: {  	_ =	shalt  }

</sc_bundles>
